<compile_context>
chip_gen: v7x
topology: tpu7x:2x2x1
jax: 0.10.2.dev20260603
libtpu: 0.0.44.dev20260713+nightly
codegen_flags: <defaults>
</compile_context>

<pallas_src>
import functools

import jax
import jax.numpy as jnp
from jax import lax
from jax.experimental import pallas as pl
from jax.experimental.pallas import tpu as pltpu
from jax.experimental.pallas import tpu_sc as plsc

VOCAB = 1000000
EMBED_DIM = 64
BATCH = 4096
HIST_LEN = 200
DROPOUT = 0.1

NUM_IDX = BATCH * HIST_LEN
NC = 2
NS = 16
NW = NC * NS
PER_W = NUM_IDX // NW
CHUNK = 128
NCHUNK = PER_W // CHUNK
LANES = 16

_BCAST_DNUMS = lax.GatherDimensionNumbers(
    offset_dims=(), collapsed_slice_dims=(0,), start_index_map=(0,)
)


def _bcast(vec, lane):
    idx = jnp.full((LANES, 1), lane, dtype=jnp.int32)
    return lax.gather(
        vec, idx, _BCAST_DNUMS, (1,),
        mode=lax.GatherScatterMode.PROMISE_IN_BOUNDS,
    )


def _emb_dropout_call(weight2, scale, idx_pair, idx_w):

    mesh = plsc.VectorSubcoreMesh(core_axis_name="c", subcore_axis_name="s")

    @functools.partial(
        pl.kernel,
        out_type=jax.ShapeDtypeStruct((NUM_IDX, EMBED_DIM), jnp.float32),
        mesh=mesh,
        scratch_types=[
            pltpu.VMEM((NCHUNK, CHUNK), jnp.int32),
            pltpu.VMEM((NCHUNK, CHUNK), jnp.int32),
            pltpu.VMEM((2, CHUNK, 128), jnp.float32),
            pltpu.VMEM((2, CHUNK), jnp.float32),
            pltpu.VMEM((2, CHUNK, EMBED_DIM), jnp.float32),
            pltpu.SemaphoreType.DMA,
            pltpu.SemaphoreType.DMA,
            pltpu.SemaphoreType.DMA,
            pltpu.SemaphoreType.DMA,
        ],
        compiler_params=pltpu.CompilerParams(
            needs_layout_passes=False, use_tc_tiling_on_sc=True
        ),
    )
    def kern(w2_hbm, scale_hbm, ip_hbm, iw_hbm, out_hbm,
             ip_v, iw_v, rows_v, scl_v, out_v, g0, g1, o0, o1):
        wid = lax.axis_index("s") * NC + lax.axis_index("c")
        pltpu.sync_copy(ip_hbm.at[wid], ip_v)
        pltpu.sync_copy(iw_hbm.at[wid], iw_v)
        out_base = wid * PER_W
        gsem = (g0, g1)
        osem = (o0, o1)

        def fire_gather(c, b):
            pltpu.async_copy(w2_hbm.at[ip_v.at[c]], rows_v.at[b], gsem[b])
            pltpu.async_copy(scale_hbm.at[iw_v.at[c]], scl_v.at[b], gsem[b])

        def wait_gather(b):
            pltpu.make_async_copy(
                w2_hbm.at[pl.ds(0, CHUNK)], rows_v.at[b], gsem[b]
            ).wait()
            pltpu.make_async_copy(
                scale_hbm.at[pl.ds(0, CHUNK)], scl_v.at[b], gsem[b]
            ).wait()

        def fire_out(c, b):
            pltpu.async_copy(
                out_v.at[b],
                out_hbm.at[pl.ds(out_base + c * CHUNK, CHUNK)],
                osem[b],
            )

        def wait_out(b):
            pltpu.make_async_copy(
                out_v.at[b], out_hbm.at[pl.ds(0, CHUNK)], osem[b]
            ).wait()

        def compute(c, b):
            rows = rows_v.at[b]

            @plsc.parallel_loop(0, CHUNK, step=LANES, unroll=2)
            def grp(base_r):
                sl16 = pl.ds(base_r, LANES)
                wvec = iw_v[c, sl16]
                offv = (wvec & 1) << 6
                svec = scl_v[b, sl16]
                for t in range(LANES):
                    r = base_r + t
                    off_s = offv[t]
                    bs = jnp.full((LANES,), svec[t])
                    for k in range(EMBED_DIM // LANES):
                        vals = rows[r, pl.ds(off_s + k * LANES, LANES)]
                        out_v[b, r, pl.ds(k * LANES, LANES)] = vals * bs

        fire_gather(0, 0)
        fire_gather(1, 1)

        def step(i2, carry):
            a = 2 * i2
            for b in range(2):
                c = a + b
                wait_gather(b)

                @pl.when(i2 > 0)
                def _():
                    wait_out(b)

                compute(c, b)
                fire_out(c, b)

                @pl.when(c + 2 < NCHUNK)
                def _():
                    fire_gather(c + 2, b)

            return carry

        lax.fori_loop(0, NCHUNK // 2, step, 0)
        wait_out(0)
        wait_out(1)

    return kern(weight2, scale, idx_pair, idx_w)


def kernel(weight, words):
    keep = jax.random.bernoulli(
        jax.random.key(42), 1.0 - DROPOUT, (weight.shape[0], 1)
    )
    scale = keep.astype(weight.dtype).reshape(VOCAB) / (1.0 - DROPOUT)
    weight2 = weight.reshape(VOCAB // 2, 2 * EMBED_DIM)
    idx_w = words.astype(jnp.int32).reshape(NW, NCHUNK, CHUNK)
    idx_pair = idx_w >> 1
    out = _emb_dropout_call(weight2, scale, idx_pair, idx_w)
    return out.reshape(BATCH, HIST_LEN, EMBED_DIM)

# --- scband reference (transcript-rebuilt; emitter-appended) ---
"""Pipeline reference for scband-embedding-dropout-73272142069833 (READ-ONLY COPY).

The authoritative reference and input builder live on the scoring server;
editing this copy changes nothing except your own understanding.
"""

import jax, jax.numpy as jnp
import numpy as np

VOCAB = 1000000
EMBED_DIM = 64
BATCH = 4096
HIST_LEN = 200
DROPOUT = 0.1


def setup_inputs(seed: int = 0) -> dict:
    key = jax.random.key(seed)
    kw, ki = jax.random.split(key)
    weight = jax.random.normal(kw, (VOCAB, EMBED_DIM), dtype=jnp.float32)
    words = jax.random.randint(ki, (BATCH, HIST_LEN), 0, VOCAB, dtype=jnp.int64 if jax.config.jax_enable_x64 else jnp.int32)
    return {"weight": weight, "words": words}


def reference(weight, words):
    # Training-mode embedding dropout: zero out entire rows (words) of the
    # embedding table with prob `dropout`, rescale survivors by 1/(1-dropout),
    # then perform the embedding gather. Mask is deterministic via a fixed key
    # (stands in for the bernoulli_ call in the torch module).
    mask_key = jax.random.key(42)
    keep = jax.random.bernoulli(mask_key, 1.0 - DROPOUT, (weight.shape[0], 1))
    mask = keep.astype(weight.dtype) / (1.0 - DROPOUT)
    masked_embed_weight = mask * weight
    # embed.padding_idx is None -> torch passes -1 sentinel; padding_idx only
    # affects gradients, forward is a plain gather.
    out = jnp.take(masked_embed_weight, words, axis=0)
    return out

if __name__ == "__main__":
    import jax
    _d = setup_inputs()
    print(jax.jit(kernel)(*tuple(_d.values())))

</pallas_src>

<mosaic_0001>
#map = affine_map<(d0, d1) -> (0, 0)>
#map1 = affine_map<(d0, d1) -> (0)>
#map2 = affine_map<(d0, d1) -> (0, 0, 0)>
module attributes {stable_mosaic.version = 14 : i64} {
  func.func @kern(%arg0: i32, %arg1: i32, %arg2: memref<500000x128xf32, #tpu.memory_space<hbm>>, %arg3: memref<1000000xf32, #tpu.memory_space<hbm>>, %arg4: memref<32x200x128xi32, #tpu.memory_space<hbm>>, %arg5: memref<32x200x128xi32, #tpu.memory_space<hbm>>, %arg6: memref<819200x64xf32, #tpu.memory_space<hbm>>, %arg7: memref<200x128xi32, #tpu.memory_space<vmem>>, %arg8: memref<200x128xi32, #tpu.memory_space<vmem>>, %arg9: memref<2x128x128xf32, #tpu.memory_space<vmem>>, %arg10: memref<2x128xf32, #tpu.memory_space<vmem>>, %arg11: memref<2x128x64xf32, #tpu.memory_space<vmem>>, %arg12: memref<!tpu.dma_semaphore, #tpu.memory_space<semaphore_mem>>, %arg13: memref<!tpu.dma_semaphore, #tpu.memory_space<semaphore_mem>>, %arg14: memref<!tpu.dma_semaphore, #tpu.memory_space<semaphore_mem>>, %arg15: memref<!tpu.dma_semaphore, #tpu.memory_space<semaphore_mem>>) attributes {dimension_semantics = [#tpu.dimension_semantics<core_parallel>, #tpu.dimension_semantics<subcore_parallel>], iteration_bounds = array<i64: 2, 16>, scalar_prefetch = 0 : i64, scratch_operands = 9 : i64, tpu.core_type = #tpu.core_type<sc_vector_subcore>, window_params = [{transform_indices = #map}, {transform_indices = #map1}, {transform_indices = #map2}, {transform_indices = #map2}, {transform_indices = #map}]} {
    %mul3A = arith.constant 2 : i32
    %mul3A_0 = arith.muli %arg1, %mul3A : i32
    %add3A = arith.addi %mul3A_0, %arg0 : i32
    "tpu.region"() ({
      %run_scoped3A = tpu.sem_alloc : memref<!tpu.dma_semaphore, #tpu.memory_space<semaphore_mem>>
      %dma_start3A_80 = arith.constant 0 : i32
      %dma_start3A_81 = arith.constant 0 : i32
      %dma_start3A_82 = tpu.memref_slice %arg4[%add3A, %dma_start3A_80, %dma_start3A_81] : memref<32x200x128xi32, #tpu.memory_space<hbm>> -> memref<1x200x128xi32, #tpu.memory_space<hbm>>
      %dma_start3A_83 = tpu.memref_squeeze %dma_start3A_82 : memref<1x200x128xi32, #tpu.memory_space<hbm>> -> memref<200x128xi32, #tpu.memory_space<hbm>>
      %dma_start3A_84 = arith.constant 0 : i32
      %dma_start3A_85 = arith.constant 0 : i32
      %dma_start3A_86 = tpu.memref_slice %arg4[%add3A, %dma_start3A_84, %dma_start3A_85] : memref<32x200x128xi32, #tpu.memory_space<hbm>> -> memref<1x200x128xi32, #tpu.memory_space<hbm>>
      %dma_start3A_87 = tpu.memref_squeeze %dma_start3A_86 : memref<1x200x128xi32, #tpu.memory_space<hbm>> -> memref<200x128xi32, #tpu.memory_space<hbm>>
      tpu.enqueue_dma source(%dma_start3A_87 : memref<200x128xi32, #tpu.memory_space<hbm>>) target(%arg7 : memref<200x128xi32, #tpu.memory_space<vmem>>) target_semaphore(%run_scoped3A : memref<!tpu.dma_semaphore, #tpu.memory_space<semaphore_mem>>)
      %dma_wait3A_88 = arith.constant 0 : i32
      %dma_wait3A_89 = arith.constant 0 : i32
      %dma_wait3A_90 = tpu.memref_slice %arg4[%add3A, %dma_wait3A_88, %dma_wait3A_89] : memref<32x200x128xi32, #tpu.memory_space<hbm>> -> memref<1x200x128xi32, #tpu.memory_space<hbm>>
      %dma_wait3A_91 = tpu.memref_squeeze %dma_wait3A_90 : memref<1x200x128xi32, #tpu.memory_space<hbm>> -> memref<200x128xi32, #tpu.memory_space<hbm>>
      %dma_wait3A_92 = arith.constant 0 : i32
      %dma_wait3A_93 = arith.constant 0 : i32
      %dma_wait3A_94 = tpu.memref_slice %arg4[%add3A, %dma_wait3A_92, %dma_wait3A_93] : memref<32x200x128xi32, #tpu.memory_space<hbm>> -> memref<1x200x128xi32, #tpu.memory_space<hbm>>
      %dma_wait3A_95 = tpu.memref_squeeze %dma_wait3A_94 : memref<1x200x128xi32, #tpu.memory_space<hbm>> -> memref<200x128xi32, #tpu.memory_space<hbm>>
      tpu.wait_dma2 semaphore(%run_scoped3A : memref<!tpu.dma_semaphore, #tpu.memory_space<semaphore_mem>>) src(%dma_wait3A_95 : memref<200x128xi32, #tpu.memory_space<hbm>>) dst(%arg7 : memref<200x128xi32, #tpu.memory_space<vmem>>)
      tpu.yield
    }) : () -> ()
    "tpu.region"() ({
      %run_scoped3A = tpu.sem_alloc : memref<!tpu.dma_semaphore, #tpu.memory_space<semaphore_mem>>
      %dma_start3A_80 = arith.constant 0 : i32
      %dma_start3A_81 = arith.constant 0 : i32
      %dma_start3A_82 = tpu.memref_slice %arg5[%add3A, %dma_start3A_80, %dma_start3A_81] : memref<32x200x128xi32, #tpu.memory_space<hbm>> -> memref<1x200x128xi32, #tpu.memory_space<hbm>>
      %dma_start3A_83 = tpu.memref_squeeze %dma_start3A_82 : memref<1x200x128xi32, #tpu.memory_space<hbm>> -> memref<200x128xi32, #tpu.memory_space<hbm>>
      %dma_start3A_84 = arith.constant 0 : i32
      %dma_start3A_85 = arith.constant 0 : i32
      %dma_start3A_86 = tpu.memref_slice %arg5[%add3A, %dma_start3A_84, %dma_start3A_85] : memref<32x200x128xi32, #tpu.memory_space<hbm>> -> memref<1x200x128xi32, #tpu.memory_space<hbm>>
      %dma_start3A_87 = tpu.memref_squeeze %dma_start3A_86 : memref<1x200x128xi32, #tpu.memory_space<hbm>> -> memref<200x128xi32, #tpu.memory_space<hbm>>
      tpu.enqueue_dma source(%dma_start3A_87 : memref<200x128xi32, #tpu.memory_space<hbm>>) target(%arg8 : memref<200x128xi32, #tpu.memory_space<vmem>>) target_semaphore(%run_scoped3A : memref<!tpu.dma_semaphore, #tpu.memory_space<semaphore_mem>>)
      %dma_wait3A_88 = arith.constant 0 : i32
      %dma_wait3A_89 = arith.constant 0 : i32
      %dma_wait3A_90 = tpu.memref_slice %arg5[%add3A, %dma_wait3A_88, %dma_wait3A_89] : memref<32x200x128xi32, #tpu.memory_space<hbm>> -> memref<1x200x128xi32, #tpu.memory_space<hbm>>
      %dma_wait3A_91 = tpu.memref_squeeze %dma_wait3A_90 : memref<1x200x128xi32, #tpu.memory_space<hbm>> -> memref<200x128xi32, #tpu.memory_space<hbm>>
      %dma_wait3A_92 = arith.constant 0 : i32
      %dma_wait3A_93 = arith.constant 0 : i32
      %dma_wait3A_94 = tpu.memref_slice %arg5[%add3A, %dma_wait3A_92, %dma_wait3A_93] : memref<32x200x128xi32, #tpu.memory_space<hbm>> -> memref<1x200x128xi32, #tpu.memory_space<hbm>>
      %dma_wait3A_95 = tpu.memref_squeeze %dma_wait3A_94 : memref<1x200x128xi32, #tpu.memory_space<hbm>> -> memref<200x128xi32, #tpu.memory_space<hbm>>
      tpu.wait_dma2 semaphore(%run_scoped3A : memref<!tpu.dma_semaphore, #tpu.memory_space<semaphore_mem>>) src(%dma_wait3A_95 : memref<200x128xi32, #tpu.memory_space<hbm>>) dst(%arg8 : memref<200x128xi32, #tpu.memory_space<vmem>>)
      tpu.yield
    }) : () -> ()
    %mul3A_1 = arith.constant 25600 : i32
    %mul3A_2 = arith.muli %add3A, %mul3A_1 : i32
    %dma_start3A = arith.constant 0 : i32
    %dma_start3A_3 = arith.constant 0 : i32
    %dma_start3A_4 = arith.constant 0 : i32
    %dma_start3A_5 = arith.constant 0 : i32
    %dma_start3A_6 = tpu.memref_slice %arg9[%dma_start3A_3, %dma_start3A_4, %dma_start3A_5] : memref<2x128x128xf32, #tpu.memory_space<vmem>> -> memref<1x128x128xf32, #tpu.memory_space<vmem>>
    %dma_start3A_7 = tpu.memref_squeeze %dma_start3A_6 : memref<1x128x128xf32, #tpu.memory_space<vmem>> -> memref<128x128xf32, #tpu.memory_space<vmem>>
    %dma_start3A_8 = arith.constant 0 : i32
    %dma_start3A_9 = tpu.memref_slice %arg7[%dma_start3A, %dma_start3A_8] : memref<200x128xi32, #tpu.memory_space<vmem>> -> memref<1x128xi32, #tpu.memory_space<vmem>>
    %dma_start3A_10 = tpu.memref_squeeze %dma_start3A_9 : memref<1x128xi32, #tpu.memory_space<vmem>> -> memref<128xi32, #tpu.memory_space<vmem>>
    %dma_start3A_11 = arith.constant 0 : i32
    %dma_start3A_12 = arith.constant 0 : i32
    %dma_start3A_13 = tpu.memref_slice %arg2[%dma_start3A_11, %dma_start3A_12] : memref<500000x128xf32, #tpu.memory_space<hbm>> -> memref<500000x128xf32, #tpu.memory_space<hbm>>
    tpu.enqueue_indirect_dma source(%dma_start3A_13 : memref<500000x128xf32, #tpu.memory_space<hbm>>) target(%dma_start3A_7 : memref<128x128xf32, #tpu.memory_space<vmem>>) offsets(%dma_start3A_10 : memref<128xi32, #tpu.memory_space<vmem>>) semaphore(%arg12 : memref<!tpu.dma_semaphore, #tpu.memory_space<semaphore_mem>>)
    %dma_start3A_14 = arith.constant 0 : i32
    %dma_start3A_15 = arith.constant 0 : i32
    %dma_start3A_16 = arith.constant 0 : i32
    %dma_start3A_17 = tpu.memref_slice %arg10[%dma_start3A_15, %dma_start3A_16] : memref<2x128xf32, #tpu.memory_space<vmem>> -> memref<1x128xf32, #tpu.memory_space<vmem>>
    %dma_start3A_18 = tpu.memref_squeeze %dma_start3A_17 : memref<1x128xf32, #tpu.memory_space<vmem>> -> memref<128xf32, #tpu.memory_space<vmem>>
    %dma_start3A_19 = arith.constant 0 : i32
    %dma_start3A_20 = tpu.memref_slice %arg8[%dma_start3A_14, %dma_start3A_19] : memref<200x128xi32, #tpu.memory_space<vmem>> -> memref<1x128xi32, #tpu.memory_space<vmem>>
    %dma_start3A_21 = tpu.memref_squeeze %dma_start3A_20 : memref<1x128xi32, #tpu.memory_space<vmem>> -> memref<128xi32, #tpu.memory_space<vmem>>
    %dma_start3A_22 = arith.constant 0 : i32
    %dma_start3A_23 = tpu.memref_slice %arg3[%dma_start3A_22] : memref<1000000xf32, #tpu.memory_space<hbm>> -> memref<1000000xf32, #tpu.memory_space<hbm>>
    tpu.enqueue_indirect_dma source(%dma_start3A_23 : memref<1000000xf32, #tpu.memory_space<hbm>>) target(%dma_start3A_18 : memref<128xf32, #tpu.memory_space<vmem>>) offsets(%dma_start3A_21 : memref<128xi32, #tpu.memory_space<vmem>>) semaphore(%arg12 : memref<!tpu.dma_semaphore, #tpu.memory_space<semaphore_mem>>)
    %dma_start3A_24 = arith.constant 1 : i32
    %dma_start3A_25 = arith.constant 1 : i32
    %dma_start3A_26 = arith.constant 0 : i32
    %dma_start3A_27 = arith.constant 0 : i32
    %dma_start3A_28 = tpu.memref_slice %arg9[%dma_start3A_25, %dma_start3A_26, %dma_start3A_27] : memref<2x128x128xf32, #tpu.memory_space<vmem>> -> memref<1x128x128xf32, #tpu.memory_space<vmem>>
    %dma_start3A_29 = tpu.memref_squeeze %dma_start3A_28 : memref<1x128x128xf32, #tpu.memory_space<vmem>> -> memref<128x128xf32, #tpu.memory_space<vmem>>
    %dma_start3A_30 = arith.constant 0 : i32
    %dma_start3A_31 = tpu.memref_slice %arg7[%dma_start3A_24, %dma_start3A_30] : memref<200x128xi32, #tpu.memory_space<vmem>> -> memref<1x128xi32, #tpu.memory_space<vmem>>
    %dma_start3A_32 = tpu.memref_squeeze %dma_start3A_31 : memref<1x128xi32, #tpu.memory_space<vmem>> -> memref<128xi32, #tpu.memory_space<vmem>>
    %dma_start3A_33 = arith.constant 0 : i32
    %dma_start3A_34 = arith.constant 0 : i32
    %dma_start3A_35 = tpu.memref_slice %arg2[%dma_start3A_33, %dma_start3A_34] : memref<500000x128xf32, #tpu.memory_space<hbm>> -> memref<500000x128xf32, #tpu.memory_space<hbm>>
    tpu.enqueue_indirect_dma source(%dma_start3A_35 : memref<500000x128xf32, #tpu.memory_space<hbm>>) target(%dma_start3A_29 : memref<128x128xf32, #tpu.memory_space<vmem>>) offsets(%dma_start3A_32 : memref<128xi32, #tpu.memory_space<vmem>>) semaphore(%arg13 : memref<!tpu.dma_semaphore, #tpu.memory_space<semaphore_mem>>)
    %dma_start3A_36 = arith.constant 1 : i32
    %dma_start3A_37 = arith.constant 1 : i32
    %dma_start3A_38 = arith.constant 0 : i32
    %dma_start3A_39 = tpu.memref_slice %arg10[%dma_start3A_37, %dma_start3A_38] : memref<2x128xf32, #tpu.memory_space<vmem>> -> memref<1x128xf32, #tpu.memory_space<vmem>>
    %dma_start3A_40 = tpu.memref_squeeze %dma_start3A_39 : memref<1x128xf32, #tpu.memory_space<vmem>> -> memref<128xf32, #tpu.memory_space<vmem>>
    %dma_start3A_41 = arith.constant 0 : i32
    %dma_start3A_42 = tpu.memref_slice %arg8[%dma_start3A_36, %dma_start3A_41] : memref<200x128xi32, #tpu.memory_space<vmem>> -> memref<1x128xi32, #tpu.memory_space<vmem>>
    %dma_start3A_43 = tpu.memref_squeeze %dma_start3A_42 : memref<1x128xi32, #tpu.memory_space<vmem>> -> memref<128xi32, #tpu.memory_space<vmem>>
    %dma_start3A_44 = arith.constant 0 : i32
    %dma_start3A_45 = tpu.memref_slice %arg3[%dma_start3A_44] : memref<1000000xf32, #tpu.memory_space<hbm>> -> memref<1000000xf32, #tpu.memory_space<hbm>>
    tpu.enqueue_indirect_dma source(%dma_start3A_45 : memref<1000000xf32, #tpu.memory_space<hbm>>) target(%dma_start3A_40 : memref<128xf32, #tpu.memory_space<vmem>>) offsets(%dma_start3A_43 : memref<128xi32, #tpu.memory_space<vmem>>) semaphore(%arg13 : memref<!tpu.dma_semaphore, #tpu.memory_space<semaphore_mem>>)
    %scan3A = arith.constant 0 : i32
    %scan3A_46 = arith.constant 0 : i32
    %scan3A_47 = arith.constant 100 : i32
    %scan3A_48 = arith.addi %scan3A_46, %scan3A_47 : i32
    %scan3A_49 = arith.constant 1 : i32
    scf.for %scan3A_80 = %scan3A_46 to %scan3A_48 step %scan3A_49  : i32 {
      %mul3A_81 = arith.constant 2 : i32
      %mul3A_82 = arith.muli %mul3A_81, %scan3A_80 : i32
      %add3A_83 = arith.constant 0 : i32
      %add3A_84 = arith.addi %mul3A_82, %add3A_83 : i32
      %dma_wait3A_85 = arith.constant 0 : i32
      %dma_wait3A_86 = arith.constant 0 : i32
      %dma_wait3A_87 = arith.constant 0 : i32
      %dma_wait3A_88 = tpu.memref_slice %arg9[%dma_wait3A_85, %dma_wait3A_86, %dma_wait3A_87] : memref<2x128x128xf32, #tpu.memory_space<vmem>> -> memref<1x128x128xf32, #tpu.memory_space<vmem>>
      %dma_wait3A_89 = tpu.memref_squeeze %dma_wait3A_88 : memref<1x128x128xf32, #tpu.memory_space<vmem>> -> memref<128x128xf32, #tpu.memory_space<vmem>>
      %dma_wait3A_90 = arith.constant 0 : i32
      %dma_wait3A_91 = arith.constant 0 : i32
      %dma_wait3A_92 = tpu.memref_slice %arg2[%dma_wait3A_90, %dma_wait3A_91] : memref<500000x128xf32, #tpu.memory_space<hbm>> -> memref<128x128xf32, #tpu.memory_space<hbm>>
      %dma_wait3A_93 = arith.constant 0 : i32
      %dma_wait3A_94 = arith.constant 0 : i32
      %dma_wait3A_95 = tpu.memref_slice %arg9[%dma_wait3A_85, %dma_wait3A_93, %dma_wait3A_94] : memref<2x128x128xf32, #tpu.memory_space<vmem>> -> memref<1x128x128xf32, #tpu.memory_space<vmem>>
      %dma_wait3A_96 = tpu.memref_squeeze %dma_wait3A_95 : memref<1x128x128xf32, #tpu.memory_space<vmem>> -> memref<128x128xf32, #tpu.memory_space<vmem>>
      %dma_wait3A_97 = arith.constant 0 : i32
      %dma_wait3A_98 = arith.constant 0 : i32
      %dma_wait3A_99 = tpu.memref_slice %arg2[%dma_wait3A_97, %dma_wait3A_98] : memref<500000x128xf32, #tpu.memory_space<hbm>> -> memref<128x128xf32, #tpu.memory_space<hbm>>
      tpu.wait_dma2 semaphore(%arg12 : memref<!tpu.dma_semaphore, #tpu.memory_space<semaphore_mem>>) src(%dma_wait3A_99 : memref<128x128xf32, #tpu.memory_space<hbm>>) dst(%dma_wait3A_96 : memref<128x128xf32, #tpu.memory_space<vmem>>)
      %dma_wait3A_100 = arith.constant 0 : i32
      %dma_wait3A_101 = arith.constant 0 : i32
      %dma_wait3A_102 = tpu.memref_slice %arg10[%dma_wait3A_100, %dma_wait3A_101] : memref<2x128xf32, #tpu.memory_space<vmem>> -> memref<1x128xf32, #tpu.memory_space<vmem>>
      %dma_wait3A_103 = tpu.memref_squeeze %dma_wait3A_102 : memref<1x128xf32, #tpu.memory_space<vmem>> -> memref<128xf32, #tpu.memory_space<vmem>>
      %dma_wait3A_104 = arith.constant 0 : i32
      %dma_wait3A_105 = tpu.memref_slice %arg3[%dma_wait3A_104] : memref<1000000xf32, #tpu.memory_space<hbm>> -> memref<128xf32, #tpu.memory_space<hbm>>
      %dma_wait3A_106 = arith.constant 0 : i32
      %dma_wait3A_107 = tpu.memref_slice %arg10[%dma_wait3A_100, %dma_wait3A_106] : memref<2x128xf32, #tpu.memory_space<vmem>> -> memref<1x128xf32, #tpu.memory_space<vmem>>
      %dma_wait3A_108 = tpu.memref_squeeze %dma_wait3A_107 : memref<1x128xf32, #tpu.memory_space<vmem>> -> memref<128xf32, #tpu.memory_space<vmem>>
      %dma_wait3A_109 = arith.constant 0 : i32
      %dma_wait3A_110 = tpu.memref_slice %arg3[%dma_wait3A_109] : memref<1000000xf32, #tpu.memory_space<hbm>> -> memref<128xf32, #tpu.memory_space<hbm>>
      tpu.wait_dma2 semaphore(%arg12 : memref<!tpu.dma_semaphore, #tpu.memory_space<semaphore_mem>>) src(%dma_wait3A_110 : memref<128xf32, #tpu.memory_space<hbm>>) dst(%dma_wait3A_108 : memref<128xf32, #tpu.memory_space<vmem>>)
      %gt3A = arith.constant 0 : i32
      %gt3A_111 = arith.cmpi sgt, %scan3A_80, %gt3A : i32
      %convert_element_type3A = arith.extui %gt3A_111 : i1 to i32
      %cond3A = arith.constant 0 : i32
      %cond3A_112 = arith.cmpi ne, %convert_element_type3A, %cond3A : i32
      scf.if %cond3A_112 {
        %dma_wait3A_198 = arith.constant 0 : i32
        %dma_wait3A_199 = arith.constant 0 : i32
        %dma_wait3A_200 = arith.constant 0 : i32
        %dma_wait3A_201 = tpu.memref_slice %arg11[%dma_wait3A_198, %dma_wait3A_199, %dma_wait3A_200] : memref<2x128x64xf32, #tpu.memory_space<vmem>> -> memref<1x128x64xf32, #tpu.memory_space<vmem>>
        %dma_wait3A_202 = tpu.memref_squeeze %dma_wait3A_201 : memref<1x128x64xf32, #tpu.memory_space<vmem>> -> memref<128x64xf32, #tpu.memory_space<vmem>>
        %dma_wait3A_203 = arith.constant 0 : i32
        %dma_wait3A_204 = arith.constant 0 : i32
        %dma_wait3A_205 = tpu.memref_slice %arg6[%dma_wait3A_203, %dma_wait3A_204] : memref<819200x64xf32, #tpu.memory_space<hbm>> -> memref<128x64xf32, #tpu.memory_space<hbm>>
        %dma_wait3A_206 = arith.constant 0 : i32
        %dma_wait3A_207 = arith.constant 0 : i32
        %dma_wait3A_208 = tpu.memref_slice %arg6[%dma_wait3A_206, %dma_wait3A_207] : memref<819200x64xf32, #tpu.memory_space<hbm>> -> memref<128x64xf32, #tpu.memory_space<hbm>>
        %dma_wait3A_209 = arith.constant 0 : i32
        %dma_wait3A_210 = arith.constant 0 : i32
        %dma_wait3A_211 = tpu.memref_slice %arg11[%dma_wait3A_198, %dma_wait3A_209, %dma_wait3A_210] : memref<2x128x64xf32, #tpu.memory_space<vmem>> -> memref<1x128x64xf32, #tpu.memory_space<vmem>>
        %dma_wait3A_212 = tpu.memref_squeeze %dma_wait3A_211 : memref<1x128x64xf32, #tpu.memory_space<vmem>> -> memref<128x64xf32, #tpu.memory_space<vmem>>
        tpu.wait_dma2 semaphore(%arg14 : memref<!tpu.dma_semaphore, #tpu.memory_space<semaphore_mem>>) src(%dma_wait3A_212 : memref<128x64xf32, #tpu.memory_space<vmem>>) dst(%dma_wait3A_208 : memref<128x64xf32, #tpu.memory_space<hbm>>)
      } else {
      }
      %parallel_loop3A = arith.constant 0 : i32
      %parallel_loop3A_113 = arith.constant 128 : i32
      %parallel_loop3A_114 = arith.constant 16 : i32
      %parallel_loop3A_115 = arith.constant 0 : i32
      scf.for %parallel_loop3A_198 = %parallel_loop3A to %parallel_loop3A_113 step %parallel_loop3A_114  : i32 {
        %parallel_loop3A_199 = arith.index_cast %add3A_84 : i32 to index
        %parallel_loop3A_200 = arith.index_cast %parallel_loop3A_198 : i32 to index
        %parallel_loop3A_201 = tpu.vector_load %arg8[%parallel_loop3A_199, %parallel_loop3A_200] {strides = array<i32>} : memref<200x128xi32, #tpu.memory_space<vmem>>, vector<16xi32>,
        %parallel_loop3A_202 = arith.constant 1 : i32
        %parallel_loop3A_203 = vector.broadcast %parallel_loop3A_202 : i32 to vector<16xi32>
        %parallel_loop3A_204 = arith.andi %parallel_loop3A_201, %parallel_loop3A_203 : vector<16xi32>
        %parallel_loop3A_205 = arith.constant 6 : i32
        %parallel_loop3A_206 = vector.broadcast %parallel_loop3A_205 : i32 to vector<16xi32>
        %parallel_loop3A_207 = arith.shli %parallel_loop3A_204, %parallel_loop3A_206 : vector<16xi32>
        %parallel_loop3A_208 = arith.constant 0 : i32
        %parallel_loop3A_209 = arith.index_cast %parallel_loop3A_208 : i32 to index
        %parallel_loop3A_210 = arith.index_cast %parallel_loop3A_198 : i32 to index
        %parallel_loop3A_211 = tpu.vector_load %arg10[%parallel_loop3A_209, %parallel_loop3A_210] {strides = array<i32>} : memref<2x128xf32, #tpu.memory_space<vmem>>, vector<16xf32>,
        %parallel_loop3A_212 = arith.constant 0 : i32
        %parallel_loop3A_213 = arith.addi %parallel_loop3A_198, %parallel_loop3A_212 : i32
        %parallel_loop3A_214 = vector.extract_strided_slice %parallel_loop3A_207 {offsets = [0], sizes = [1], strides = [1]} : vector<16xi32> to vector<1xi32>
        %parallel_loop3A_215 = vector.extract %parallel_loop3A_214[0] : i32 from vector<1xi32>
        %parallel_loop3A_216 = vector.extract_strided_slice %parallel_loop3A_211 {offsets = [0], sizes = [1], strides = [1]} : vector<16xf32> to vector<1xf32>
        %parallel_loop3A_217 = vector.extract %parallel_loop3A_216[0] : f32 from vector<1xf32>
        %parallel_loop3A_218 = vector.broadcast %parallel_loop3A_217 : f32 to vector<16xf32>
        %parallel_loop3A_219 = arith.constant 0 : i32
        %parallel_loop3A_220 = arith.addi %parallel_loop3A_215, %parallel_loop3A_219 : i32
        %parallel_loop3A_221 = arith.constant 0 : i32
        %parallel_loop3A_222 = arith.constant 0 : i32
        %parallel_loop3A_223 = tpu.memref_slice %arg9[%parallel_loop3A_115, %parallel_loop3A_221, %parallel_loop3A_222] : memref<2x128x128xf32, #tpu.memory_space<vmem>> -> memref<1x128x128xf32, #tpu.memory_space<vmem>>
        %parallel_loop3A_224 = tpu.memref_squeeze %parallel_loop3A_223 : memref<1x128x128xf32, #tpu.memory_space<vmem>> -> memref<128x128xf32, #tpu.memory_space<vmem>>
        %parallel_loop3A_225 = arith.index_cast %parallel_loop3A_213 : i32 to index
        %parallel_loop3A_226 = arith.index_cast %parallel_loop3A_220 : i32 to index
        %parallel_loop3A_227 = tpu.vector_load %parallel_loop3A_224[%parallel_loop3A_225, %parallel_loop3A_226] {strides = array<i32>} : memref<128x128xf32, #tpu.memory_space<vmem>>, vector<16xf32>,
        %parallel_loop3A_228 = arith.mulf %parallel_loop3A_227, %parallel_loop3A_218 : vector<16xf32>
        %parallel_loop3A_229 = arith.constant 0 : i32
        %parallel_loop3A_230 = arith.index_cast %parallel_loop3A_229 : i32 to index
        %parallel_loop3A_231 = arith.index_cast %parallel_loop3A_213 : i32 to index
        %parallel_loop3A_232 = arith.constant 0 : index
        %parallel_loop3A_233 = tpu.vector_load %arg11[%parallel_loop3A_230, %parallel_loop3A_231, %parallel_loop3A_232] {strides = array<i32>} : memref<2x128x64xf32, #tpu.memory_space<vmem>>, vector<16xf32>,
        tpu.vector_store %arg11[%parallel_loop3A_230, %parallel_loop3A_231, %parallel_loop3A_232], %parallel_loop3A_228 {strides = array<i32>} : memref<2x128x64xf32, #tpu.memory_space<vmem>>, vector<16xf32>,
        %parallel_loop3A_234 = arith.constant 16 : i32
        %parallel_loop3A_235 = arith.addi %parallel_loop3A_215, %parallel_loop3A_234 : i32
        %parallel_loop3A_236 = arith.constant 0 : i32
        %parallel_loop3A_237 = arith.constant 0 : i32
        %parallel_loop3A_238 = tpu.memref_slice %arg9[%parallel_loop3A_115, %parallel_loop3A_236, %parallel_loop3A_237] : memref<2x128x128xf32, #tpu.memory_space<vmem>> -> memref<1x128x128xf32, #tpu.memory_space<vmem>>
        %parallel_loop3A_239 = tpu.memref_squeeze %parallel_loop3A_238 : memref<1x128x128xf32, #tpu.memory_space<vmem>> -> memref<128x128xf32, #tpu.memory_space<vmem>>
        %parallel_loop3A_240 = arith.index_cast %parallel_loop3A_213 : i32 to index
        %parallel_loop3A_241 = arith.index_cast %parallel_loop3A_235 : i32 to index
        %parallel_loop3A_242 = tpu.vector_load %parallel_loop3A_239[%parallel_loop3A_240, %parallel_loop3A_241] {strides = array<i32>} : memref<128x128xf32, #tpu.memory_space<vmem>>, vector<16xf32>,
        %parallel_loop3A_243 = arith.mulf %parallel_loop3A_242, %parallel_loop3A_218 : vector<16xf32>
        %parallel_loop3A_244 = arith.constant 0 : i32
        %parallel_loop3A_245 = arith.index_cast %parallel_loop3A_244 : i32 to index
        %parallel_loop3A_246 = arith.index_cast %parallel_loop3A_213 : i32 to index
        %parallel_loop3A_247 = arith.constant 16 : index
        %parallel_loop3A_248 = tpu.vector_load %arg11[%parallel_loop3A_245, %parallel_loop3A_246, %parallel_loop3A_247] {strides = array<i32>} : memref<2x128x64xf32, #tpu.memory_space<vmem>>, vector<16xf32>,
        tpu.vector_store %arg11[%parallel_loop3A_245, %parallel_loop3A_246, %parallel_loop3A_247], %parallel_loop3A_243 {strides = array<i32>} : memref<2x128x64xf32, #tpu.memory_space<vmem>>, vector<16xf32>,
        %parallel_loop3A_249 = arith.constant 32 : i32
        %parallel_loop3A_250 = arith.addi %parallel_loop3A_215, %parallel_loop3A_249 : i32
        %parallel_loop3A_251 = arith.constant 0 : i32
        %parallel_loop3A_252 = arith.constant 0 : i32
        %parallel_loop3A_253 = tpu.memref_slice %arg9[%parallel_loop3A_115, %parallel_loop3A_251, %parallel_loop3A_252] : memref<2x128x128xf32, #tpu.memory_space<vmem>> -> memref<1x128x128xf32, #tpu.memory_space<vmem>>
        %parallel_loop3A_254 = tpu.memref_squeeze %parallel_loop3A_253 : memref<1x128x128xf32, #tpu.memory_space<vmem>> -> memref<128x128xf32, #tpu.memory_space<vmem>>
        %parallel_loop3A_255 = arith.index_cast %parallel_loop3A_213 : i32 to index
        %parallel_loop3A_256 = arith.index_cast %parallel_loop3A_250 : i32 to index
        %parallel_loop3A_257 = tpu.vector_load %parallel_loop3A_254[%parallel_loop3A_255, %parallel_loop3A_256] {strides = array<i32>} : memref<128x128xf32, #tpu.memory_space<vmem>>, vector<16xf32>,
        %parallel_loop3A_258 = arith.mulf %parallel_loop3A_257, %parallel_loop3A_218 : vector<16xf32>
        %parallel_loop3A_259 = arith.constant 0 : i32
        %parallel_loop3A_260 = arith.index_cast %parallel_loop3A_259 : i32 to index
        %parallel_loop3A_261 = arith.index_cast %parallel_loop3A_213 : i32 to index
        %parallel_loop3A_262 = arith.constant 32 : index
        %parallel_loop3A_263 = tpu.vector_load %arg11[%parallel_loop3A_260, %parallel_loop3A_261, %parallel_loop3A_262] {strides = array<i32>} : memref<2x128x64xf32, #tpu.memory_space<vmem>>, vector<16xf32>,
        tpu.vector_store %arg11[%parallel_loop3A_260, %parallel_loop3A_261, %parallel_loop3A_262], %parallel_loop3A_258 {strides = array<i32>} : memref<2x128x64xf32, #tpu.memory_space<vmem>>, vector<16xf32>,
        %parallel_loop3A_264 = arith.constant 48 : i32
        %parallel_loop3A_265 = arith.addi %parallel_loop3A_215, %parallel_loop3A_264 : i32
        %parallel_loop3A_266 = arith.constant 0 : i32
        %parallel_loop3A_267 = arith.constant 0 : i32
        %parallel_loop3A_268 = tpu.memref_slice %arg9[%parallel_loop3A_115, %parallel_loop3A_266, %parallel_loop3A_267] : memref<2x128x128xf32, #tpu.memory_space<vmem>> -> memref<1x128x128xf32, #tpu.memory_space<vmem>>
        %parallel_loop3A_269 = tpu.memref_squeeze %parallel_loop3A_268 : memref<1x128x128xf32, #tpu.memory_space<vmem>> -> memref<128x128xf32, #tpu.memory_space<vmem>>
        %parallel_loop3A_270 = arith.index_cast %parallel_loop3A_213 : i32 to index
        %parallel_loop3A_271 = arith.index_cast %parallel_loop3A_265 : i32 to index
        %parallel_loop3A_272 = tpu.vector_load %parallel_loop3A_269[%parallel_loop3A_270, %parallel_loop3A_271] {strides = array<i32>} : memref<128x128xf32, #tpu.memory_space<vmem>>, vector<16xf32>,
        %parallel_loop3A_273 = arith.mulf %parallel_loop3A_272, %parallel_loop3A_218 : vector<16xf32>
        %parallel_loop3A_274 = arith.constant 0 : i32
        %parallel_loop3A_275 = arith.index_cast %parallel_loop3A_274 : i32 to index
        %parallel_loop3A_276 = arith.index_cast %parallel_loop3A_213 : i32 to index
        %parallel_loop3A_277 = arith.constant 48 : index
        %parallel_loop3A_278 = tpu.vector_load %arg11[%parallel_loop3A_275, %parallel_loop3A_276, %parallel_loop3A_277] {strides = array<i32>} : memref<2x128x64xf32, #tpu.memory_space<vmem>>, vector<16xf32>,
        tpu.vector_store %arg11[%parallel_loop3A_275, %parallel_loop3A_276, %parallel_loop3A_277], %parallel_loop3A_273 {strides = array<i32>} : memref<2x128x64xf32, #tpu.memory_space<vmem>>, vector<16xf32>,
        %parallel_loop3A_279 = arith.constant 1 : i32
        %parallel_loop3A_280 = arith.addi %parallel_loop3A_198, %parallel_loop3A_279 : i32
        %parallel_loop3A_281 = vector.extract_strided_slice %parallel_loop3A_207 {offsets = [1], sizes = [1], strides = [1]} : vector<16xi32> to vector<1xi32>
        %parallel_loop3A_282 = vector.extract %parallel_loop3A_281[0] : i32 from vector<1xi32>
        %parallel_loop3A_283 = vector.extract_strided_slice %parallel_loop3A_211 {offsets = [1], sizes = [1], strides = [1]} : vector<16xf32> to vector<1xf32>
        %parallel_loop3A_284 = vector.extract %parallel_loop3A_283[0] : f32 from vector<1xf32>
        %parallel_loop3A_285 = vector.broadcast %parallel_loop3A_284 : f32 to vector<16xf32>
        %parallel_loop3A_286 = arith.constant 0 : i32
        %parallel_loop3A_287 = arith.addi %parallel_loop3A_282, %parallel_loop3A_286 : i32
        %parallel_loop3A_288 = arith.constant 0 : i32
        %parallel_loop3A_289 = arith.constant 0 : i32
        %parallel_loop3A_290 = tpu.memref_slice %arg9[%parallel_loop3A_115, %parallel_loop3A_288, %parallel_loop3A_289] : memref<2x128x128xf32, #tpu.memory_space<vmem>> -> memref<1x128x128xf32, #tpu.memory_space<vmem>>
        %parallel_loop3A_291 = tpu.memref_squeeze %parallel_loop3A_290 : memref<1x128x128xf32, #tpu.memory_space<vmem>> -> memref<128x128xf32, #tpu.memory_space<vmem>>
        %parallel_loop3A_292 = arith.index_cast %parallel_loop3A_280 : i32 to index
        %parallel_loop3A_293 = arith.index_cast %parallel_loop3A_287 : i32 to index
        %parallel_loop3A_294 = tpu.vector_load %parallel_loop3A_291[%parallel_loop3A_292, %parallel_loop3A_293] {strides = array<i32>} : memref<128x128xf32, #tpu.memory_space<vmem>>, vector<16xf32>,
        %parallel_loop3A_295 = arith.mulf %parallel_loop3A_294, %parallel_loop3A_285 : vector<16xf32>
        %parallel_loop3A_296 = arith.constant 0 : i32
        %parallel_loop3A_297 = arith.index_cast %parallel_loop3A_296 : i32 to index
        %parallel_loop3A_298 = arith.index_cast %parallel_loop3A_280 : i32 to index
        %parallel_loop3A_299 = arith.constant 0 : index
        %parallel_loop3A_300 = tpu.vector_load %arg11[%parallel_loop3A_297, %parallel_loop3A_298, %parallel_loop3A_299] {strides = array<i32>} : memref<2x128x64xf32, #tpu.memory_space<vmem>>, vector<16xf32>,
        tpu.vector_store %arg11[%parallel_loop3A_297, %parallel_loop3A_298, %parallel_loop3A_299], %parallel_loop3A_295 {strides = array<i32>} : memref<2x128x64xf32, #tpu.memory_space<vmem>>, vector<16xf32>,
        %parallel_loop3A_301 = arith.constant 16 : i32
        %parallel_loop3A_302 = arith.addi %parallel_loop3A_282, %parallel_loop3A_301 : i32
        %parallel_loop3A_303 = arith.constant 0 : i32
        %parallel_loop3A_304 = arith.constant 0 : i32
        %parallel_loop3A_305 = tpu.memref_slice %arg9[%parallel_loop3A_115, %parallel_loop3A_303, %parallel_loop3A_304] : memref<2x128x128xf32, #tpu.memory_space<vmem>> -> memref<1x128x128xf32, #tpu.memory_space<vmem>>
        %parallel_loop3A_306 = tpu.memref_squeeze %parallel_loop3A_305 : memref<1x128x128xf32, #tpu.memory_space<vmem>> -> memref<128x128xf32, #tpu.memory_space<vmem>>
        %parallel_loop3A_307 = arith.index_cast %parallel_loop3A_280 : i32 to index
        %parallel_loop3A_308 = arith.index_cast %parallel_loop3A_302 : i32 to index
        %parallel_loop3A_309 = tpu.vector_load %parallel_loop3A_306[%parallel_loop3A_307, %parallel_loop3A_308] {strides = array<i32>} : memref<128x128xf32, #tpu.memory_space<vmem>>, vector<16xf32>,
        %parallel_loop3A_310 = arith.mulf %parallel_loop3A_309, %parallel_loop3A_285 : vector<16xf32>
        %parallel_loop3A_311 = arith.constant 0 : i32
        %parallel_loop3A_312 = arith.index_cast %parallel_loop3A_311 : i32 to index
        %parallel_loop3A_313 = arith.index_cast %parallel_loop3A_280 : i32 to index
        %parallel_loop3A_314 = arith.constant 16 : index
        %parallel_loop3A_315 = tpu.vector_load %arg11[%parallel_loop3A_312, %parallel_loop3A_313, %parallel_loop3A_314] {strides = array<i32>} : memref<2x128x64xf32, #tpu.memory_space<vmem>>, vector<16xf32>,
        tpu.vector_store %arg11[%parallel_loop3A_312, %parallel_loop3A_313, %parallel_loop3A_314], %parallel_loop3A_310 {strides = array<i32>} : memref<2x128x64xf32, #tpu.memory_space<vmem>>, vector<16xf32>,
        %parallel_loop3A_316 = arith.constant 32 : i32
        %parallel_loop3A_317 = arith.addi %parallel_loop3A_282, %parallel_loop3A_316 : i32
        %parallel_loop3A_318 = arith.constant 0 : i32
        %parallel_loop3A_319 = arith.constant 0 : i32
        %parallel_loop3A_320 = tpu.memref_slice %arg9[%parallel_loop3A_115, %parallel_loop3A_318, %parallel_loop3A_319] : memref<2x128x128xf32, #tpu.memory_space<vmem>> -> memref<1x128x128xf32, #tpu.memory_space<vmem>>
        %parallel_loop3A_321 = tpu.memref_squeeze %parallel_loop3A_320 : memref<1x128x128xf32, #tpu.memory_space<vmem>> -> memref<128x128xf32, #tpu.memory_space<vmem>>
        %parallel_loop3A_322 = arith.index_cast %parallel_loop3A_280 : i32 to index
        %parallel_loop3A_323 = arith.index_cast %parallel_loop3A_317 : i32 to index
        %parallel_loop3A_324 = tpu.vector_load %parallel_loop3A_321[%parallel_loop3A_322, %parallel_loop3A_323] {strides = array<i32>} : memref<128x128xf32, #tpu.memory_space<vmem>>, vector<16xf32>,
        %parallel_loop3A_325 = arith.mulf %parallel_loop3A_324, %parallel_loop3A_285 : vector<16xf32>
        %parallel_loop3A_326 = arith.constant 0 : i32
        %parallel_loop3A_327 = arith.index_cast %parallel_loop3A_326 : i32 to index
        %parallel_loop3A_328 = arith.index_cast %parallel_loop3A_280 : i32 to index
        %parallel_loop3A_329 = arith.constant 32 : index
        %parallel_loop3A_330 = tpu.vector_load %arg11[%parallel_loop3A_327, %parallel_loop3A_328, %parallel_loop3A_329] {strides = array<i32>} : memref<2x128x64xf32, #tpu.memory_space<vmem>>, vector<16xf32>,
        tpu.vector_store %arg11[%parallel_loop3A_327, %parallel_loop3A_328, %parallel_loop3A_329], %parallel_loop3A_325 {strides = array<i32>} : memref<2x128x64xf32, #tpu.memory_space<vmem>>, vector<16xf32>,
        %parallel_loop3A_331 = arith.constant 48 : i32
        %parallel_loop3A_332 = arith.addi %parallel_loop3A_282, %parallel_loop3A_331 : i32
        %parallel_loop3A_333 = arith.constant 0 : i32
        %parallel_loop3A_334 = arith.constant 0 : i32
        %parallel_loop3A_335 = tpu.memref_slice %arg9[%parallel_loop3A_115, %parallel_loop3A_333, %parallel_loop3A_334] : memref<2x128x128xf32, #tpu.memory_space<vmem>> -> memref<1x128x128xf32, #tpu.memory_space<vmem>>
        %parallel_loop3A_336 = tpu.memref_squeeze %parallel_loop3A_335 : memref<1x128x128xf32, #tpu.memory_space<vmem>> -> memref<128x128xf32, #tpu.memory_space<vmem>>
        %parallel_loop3A_337 = arith.index_cast %parallel_loop3A_280 : i32 to index
        %parallel_loop3A_338 = arith.index_cast %parallel_loop3A_332 : i32 to index
        %parallel_loop3A_339 = tpu.vector_load %parallel_loop3A_336[%parallel_loop3A_337, %parallel_loop3A_338] {strides = array<i32>} : memref<128x128xf32, #tpu.memory_space<vmem>>, vector<16xf32>,
        %parallel_loop3A_340 = arith.mulf %parallel_loop3A_339, %parallel_loop3A_285 : vector<16xf32>
        %parallel_loop3A_341 = arith.constant 0 : i32
        %parallel_loop3A_342 = arith.index_cast %parallel_loop3A_341 : i32 to index
        %parallel_loop3A_343 = arith.index_cast %parallel_loop3A_280 : i32 to index
        %parallel_loop3A_344 = arith.constant 48 : index
        %parallel_loop3A_345 = tpu.vector_load %arg11[%parallel_loop3A_342, %parallel_loop3A_343, %parallel_loop3A_344] {strides = array<i32>} : memref<2x128x64xf32, #tpu.memory_space<vmem>>, vector<16xf32>,
        tpu.vector_store %arg11[%parallel_loop3A_342, %parallel_loop3A_343, %parallel_loop3A_344], %parallel_loop3A_340 {strides = array<i32>} : memref<2x128x64xf32, #tpu.memory_space<vmem>>, vector<16xf32>,
        %parallel_loop3A_346 = arith.constant 2 : i32
        %parallel_loop3A_347 = arith.addi %parallel_loop3A_198, %parallel_loop3A_346 : i32
        %parallel_loop3A_348 = vector.extract_strided_slice %parallel_loop3A_207 {offsets = [2], sizes = [1], strides = [1]} : vector<16xi32> to vector<1xi32>
        %parallel_loop3A_349 = vector.extract %parallel_loop3A_348[0] : i32 from vector<1xi32>
        %parallel_loop3A_350 = vector.extract_strided_slice %parallel_loop3A_211 {offsets = [2], sizes = [1], strides = [1]} : vector<16xf32> to vector<1xf32>
        %parallel_loop3A_351 = vector.extract %parallel_loop3A_350[0] : f32 from vector<1xf32>
        %parallel_loop3A_352 = vector.broadcast %parallel_loop3A_351 : f32 to vector<16xf32>
        %parallel_loop3A_353 = arith.constant 0 : i32
        %parallel_loop3A_354 = arith.addi %parallel_loop3A_349, %parallel_loop3A_353 : i32
        %parallel_loop3A_355 = arith.constant 0 : i32
        %parallel_loop3A_356 = arith.constant 0 : i32
        %parallel_loop3A_357 = tpu.memref_slice %arg9[%parallel_loop3A_115, %parallel_loop3A_355, %parallel_loop3A_356] : memref<2x128x128xf32, #tpu.memory_space<vmem>> -> memref<1x128x128xf32, #tpu.memory_space<vmem>>
        %parallel_loop3A_358 = tpu.memref_squeeze %parallel_loop3A_357 : memref<1x128x128xf32, #tpu.memory_space<vmem>> -> memref<128x128xf32, #tpu.memory_space<vmem>>
        %parallel_loop3A_359 = arith.index_cast %parallel_loop3A_347 : i32 to index
        %parallel_loop3A_360 = arith.index_cast %parallel_loop3A_354 : i32 to index
        %parallel_loop3A_361 = tpu.vector_load %parallel_loop3A_358[%parallel_loop3A_359, %parallel_loop3A_360] {strides = array<i32>} : memref<128x128xf32, #tpu.memory_space<vmem>>, vector<16xf32>,
        %parallel_loop3A_362 = arith.mulf %parallel_loop3A_361, %parallel_loop3A_352 : vector<16xf32>
        %parallel_loop3A_363 = arith.constant 0 : i32
        %parallel_loop3A_364 = arith.index_cast %parallel_loop3A_363 : i32 to index
        %parallel_loop3A_365 = arith.index_cast %parallel_loop3A_347 : i32 to index
        %parallel_loop3A_366 = arith.constant 0 : index
        %parallel_loop3A_367 = tpu.vector_load %arg11[%parallel_loop3A_364, %parallel_loop3A_365, %parallel_loop3A_366] {strides = array<i32>} : memref<2x128x64xf32, #tpu.memory_space<vmem>>, vector<16xf32>,
        tpu.vector_store %arg11[%parallel_loop3A_364, %parallel_loop3A_365, %parallel_loop3A_366], %parallel_loop3A_362 {strides = array<i32>} : memref<2x128x64xf32, #tpu.memory_space<vmem>>, vector<16xf32>,
        %parallel_loop3A_368 = arith.constant 16 : i32
        %parallel_loop3A_369 = arith.addi %parallel_loop3A_349, %parallel_loop3A_368 : i32
        %parallel_loop3A_370 = arith.constant 0 : i32
        %parallel_loop3A_371 = arith.constant 0 : i32
        %parallel_loop3A_372 = tpu.memref_slice %arg9[%parallel_loop3A_115, %parallel_loop3A_370, %parallel_loop3A_371] : memref<2x128x128xf32, #tpu.memory_space<vmem>> -> memref<1x128x128xf32, #tpu.memory_space<vmem>>
        %parallel_loop3A_373 = tpu.memref_squeeze %parallel_loop3A_372 : memref<1x128x128xf32, #tpu.memory_space<vmem>> -> memref<128x128xf32, #tpu.memory_space<vmem>>
        %parallel_loop3A_374 = arith.index_cast %parallel_loop3A_347 : i32 to index
        %parallel_loop3A_375 = arith.index_cast %parallel_loop3A_369 : i32 to index
        %parallel_loop3A_376 = tpu.vector_load %parallel_loop3A_373[%parallel_loop3A_374, %parallel_loop3A_375] {strides = array<i32>} : memref<128x128xf32, #tpu.memory_space<vmem>>, vector<16xf32>,
        %parallel_loop3A_377 = arith.mulf %parallel_loop3A_376, %parallel_loop3A_352 : vector<16xf32>
        %parallel_loop3A_378 = arith.constant 0 : i32
        %parallel_loop3A_379 = arith.index_cast %parallel_loop3A_378 : i32 to index
        %parallel_loop3A_380 = arith.index_cast %parallel_loop3A_347 : i32 to index
        %parallel_loop3A_381 = arith.constant 16 : index
        %parallel_loop3A_382 = tpu.vector_load %arg11[%parallel_loop3A_379, %parallel_loop3A_380, %parallel_loop3A_381] {strides = array<i32>} : memref<2x128x64xf32, #tpu.memory_space<vmem>>, vector<16xf32>,
        tpu.vector_store %arg11[%parallel_loop3A_379, %parallel_loop3A_380, %parallel_loop3A_381], %parallel_loop3A_377 {strides = array<i32>} : memref<2x128x64xf32, #tpu.memory_space<vmem>>, vector<16xf32>,
        %parallel_loop3A_383 = arith.constant 32 : i32
        %parallel_loop3A_384 = arith.addi %parallel_loop3A_349, %parallel_loop3A_383 : i32
        %parallel_loop3A_385 = arith.constant 0 : i32
        %parallel_loop3A_386 = arith.constant 0 : i32
        %parallel_loop3A_387 = tpu.memref_slice %arg9[%parallel_loop3A_115, %parallel_loop3A_385, %parallel_loop3A_386] : memref<2x128x128xf32, #tpu.memory_space<vmem>> -> memref<1x128x128xf32, #tpu.memory_space<vmem>>
        %parallel_loop3A_388 = tpu.memref_squeeze %parallel_loop3A_387 : memref<1x128x128xf32, #tpu.memory_space<vmem>> -> memref<128x128xf32, #tpu.memory_space<vmem>>
        %parallel_loop3A_389 = arith.index_cast %parallel_loop3A_347 : i32 to index
        %parallel_loop3A_390 = arith.index_cast %parallel_loop3A_384 : i32 to index
        %parallel_loop3A_391 = tpu.vector_load %parallel_loop3A_388[%parallel_loop3A_389, %parallel_loop3A_390] {strides = array<i32>} : memref<128x128xf32, #tpu.memory_space<vmem>>, vector<16xf32>,
        %parallel_loop3A_392 = arith.mulf %parallel_loop3A_391, %parallel_loop3A_352 : vector<16xf32>
        %parallel_loop3A_393 = arith.constant 0 : i32
        %parallel_loop3A_394 = arith.index_cast %parallel_loop3A_393 : i32 to index
        %parallel_loop3A_395 = arith.index_cast %parallel_loop3A_347 : i32 to index
        %parallel_loop3A_396 = arith.constant 32 : index
        %parallel_loop3A_397 = tpu.vector_load %arg11[%parallel_loop3A_394, %parallel_loop3A_395, %parallel_loop3A_396] {strides = array<i32>} : memref<2x128x64xf32, #tpu.memory_space<vmem>>, vector<16xf32>,
        tpu.vector_store %arg11[%parallel_loop3A_394, %parallel_loop3A_395, %parallel_loop3A_396], %parallel_loop3A_392 {strides = array<i32>} : memref<2x128x64xf32, #tpu.memory_space<vmem>>, vector<16xf32>,
        %parallel_loop3A_398 = arith.constant 48 : i32
        %parallel_loop3A_399 = arith.addi %parallel_loop3A_349, %parallel_loop3A_398 : i32
        %parallel_loop3A_400 = arith.constant 0 : i32
        %parallel_loop3A_401 = arith.constant 0 : i32
        %parallel_loop3A_402 = tpu.memref_slice %arg9[%parallel_loop3A_115, %parallel_loop3A_400, %parallel_loop3A_401] : memref<2x128x128xf32, #tpu.memory_space<vmem>> -> memref<1x128x128xf32, #tpu.memory_space<vmem>>
        %parallel_loop3A_403 = tpu.memref_squeeze %parallel_loop3A_402 : memref<1x128x128xf32, #tpu.memory_space<vmem>> -> memref<128x128xf32, #tpu.memory_space<vmem>>
        %parallel_loop3A_404 = arith.index_cast %parallel_loop3A_347 : i32 to index
        %parallel_loop3A_405 = arith.index_cast %parallel_loop3A_399 : i32 to index
        %parallel_loop3A_406 = tpu.vector_load %parallel_loop3A_403[%parallel_loop3A_404, %parallel_loop3A_405] {strides = array<i32>} : memref<128x128xf32, #tpu.memory_space<vmem>>, vector<16xf32>,
        %parallel_loop3A_407 = arith.mulf %parallel_loop3A_406, %parallel_loop3A_352 : vector<16xf32>
        %parallel_loop3A_408 = arith.constant 0 : i32
        %parallel_loop3A_409 = arith.index_cast %parallel_loop3A_408 : i32 to index
        %parallel_loop3A_410 = arith.index_cast %parallel_loop3A_347 : i32 to index
        %parallel_loop3A_411 = arith.constant 48 : index
        %parallel_loop3A_412 = tpu.vector_load %arg11[%parallel_loop3A_409, %parallel_loop3A_410, %parallel_loop3A_411] {strides = array<i32>} : memref<2x128x64xf32, #tpu.memory_space<vmem>>, vector<16xf32>,
        tpu.vector_store %arg11[%parallel_loop3A_409, %parallel_loop3A_410, %parallel_loop3A_411], %parallel_loop3A_407 {strides = array<i32>} : memref<2x128x64xf32, #tpu.memory_space<vmem>>, vector<16xf32>,
        %parallel_loop3A_413 = arith.constant 3 : i32
        %parallel_loop3A_414 = arith.addi %parallel_loop3A_198, %parallel_loop3A_413 : i32
        %parallel_loop3A_415 = vector.extract_strided_slice %parallel_loop3A_207 {offsets = [3], sizes = [1], strides = [1]} : vector<16xi32> to vector<1xi32>
        %parallel_loop3A_416 = vector.extract %parallel_loop3A_415[0] : i32 from vector<1xi32>
        %parallel_loop3A_417 = vector.extract_strided_slice %parallel_loop3A_211 {offsets = [3], sizes = [1], strides = [1]} : vector<16xf32> to vector<1xf32>
        %parallel_loop3A_418 = vector.extract %parallel_loop3A_417[0] : f32 from vector<1xf32>
        %parallel_loop3A_419 = vector.broadcast %parallel_loop3A_418 : f32 to vector<16xf32>
        %parallel_loop3A_420 = arith.constant 0 : i32
        %parallel_loop3A_421 = arith.addi %parallel_loop3A_416, %parallel_loop3A_420 : i32
        %parallel_loop3A_422 = arith.constant 0 : i32
        %parallel_loop3A_423 = arith.constant 0 : i32
        %parallel_loop3A_424 = tpu.memref_slice %arg9[%parallel_loop3A_115, %parallel_loop3A_422, %parallel_loop3A_423] : memref<2x128x128xf32, #tpu.memory_space<vmem>> -> memref<1x128x128xf32, #tpu.memory_space<vmem>>
        %parallel_loop3A_425 = tpu.memref_squeeze %parallel_loop3A_424 : memref<1x128x128xf32, #tpu.memory_space<vmem>> -> memref<128x128xf32, #tpu.memory_space<vmem>>
        %parallel_loop3A_426 = arith.index_cast %parallel_loop3A_414 : i32 to index
        %parallel_loop3A_427 = arith.index_cast %parallel_loop3A_421 : i32 to index
        %parallel_loop3A_428 = tpu.vector_load %parallel_loop3A_425[%parallel_loop3A_426, %parallel_loop3A_427] {strides = array<i32>} : memref<128x128xf32, #tpu.memory_space<vmem>>, vector<16xf32>,
        %parallel_loop3A_429 = arith.mulf %parallel_loop3A_428, %parallel_loop3A_419 : vector<16xf32>
        %parallel_loop3A_430 = arith.constant 0 : i32
        %parallel_loop3A_431 = arith.index_cast %parallel_loop3A_430 : i32 to index
        %parallel_loop3A_432 = arith.index_cast %parallel_loop3A_414 : i32 to index
        %parallel_loop3A_433 = arith.constant 0 : index
        %parallel_loop3A_434 = tpu.vector_load %arg11[%parallel_loop3A_431, %parallel_loop3A_432, %parallel_loop3A_433] {strides = array<i32>} : memref<2x128x64xf32, #tpu.memory_space<vmem>>, vector<16xf32>,
        tpu.vector_store %arg11[%parallel_loop3A_431, %parallel_loop3A_432, %parallel_loop3A_433], %parallel_loop3A_429 {strides = array<i32>} : memref<2x128x64xf32, #tpu.memory_space<vmem>>, vector<16xf32>,
        %parallel_loop3A_435 = arith.constant 16 : i32
        %parallel_loop3A_436 = arith.addi %parallel_loop3A_416, %parallel_loop3A_435 : i32
        %parallel_loop3A_437 = arith.constant 0 : i32
        %parallel_loop3A_438 = arith.constant 0 : i32
        %parallel_loop3A_439 = tpu.memref_slice %arg9[%parallel_loop3A_115, %parallel_loop3A_437, %parallel_loop3A_438] : memref<2x128x128xf32, #tpu.memory_space<vmem>> -> memref<1x128x128xf32, #tpu.memory_space<vmem>>
        %parallel_loop3A_440 = tpu.memref_squeeze %parallel_loop3A_439 : memref<1x128x128xf32, #tpu.memory_space<vmem>> -> memref<128x128xf32, #tpu.memory_space<vmem>>
        %parallel_loop3A_441 = arith.index_cast %parallel_loop3A_414 : i32 to index
        %parallel_loop3A_442 = arith.index_cast %parallel_loop3A_436 : i32 to index
        %parallel_loop3A_443 = tpu.vector_load %parallel_loop3A_440[%parallel_loop3A_441, %parallel_loop3A_442] {strides = array<i32>} : memref<128x128xf32, #tpu.memory_space<vmem>>, vector<16xf32>,
        %parallel_loop3A_444 = arith.mulf %parallel_loop3A_443, %parallel_loop3A_419 : vector<16xf32>
        %parallel_loop3A_445 = arith.constant 0 : i32
        %parallel_loop3A_446 = arith.index_cast %parallel_loop3A_445 : i32 to index
        %parallel_loop3A_447 = arith.index_cast %parallel_loop3A_414 : i32 to index
        %parallel_loop3A_448 = arith.constant 16 : index
        %parallel_loop3A_449 = tpu.vector_load %arg11[%parallel_loop3A_446, %parallel_loop3A_447, %parallel_loop3A_448] {strides = array<i32>} : memref<2x128x64xf32, #tpu.memory_space<vmem>>, vector<16xf32>,
        tpu.vector_store %arg11[%parallel_loop3A_446, %parallel_loop3A_447, %parallel_loop3A_448], %parallel_loop3A_444 {strides = array<i32>} : memref<2x128x64xf32, #tpu.memory_space<vmem>>, vector<16xf32>,
        %parallel_loop3A_450 = arith.constant 32 : i32
        %parallel_loop3A_451 = arith.addi %parallel_loop3A_416, %parallel_loop3A_450 : i32
        %parallel_loop3A_452 = arith.constant 0 : i32
        %parallel_loop3A_453 = arith.constant 0 : i32
        %parallel_loop3A_454 = tpu.memref_slice %arg9[%parallel_loop3A_115, %parallel_loop3A_452, %parallel_loop3A_453] : memref<2x128x128xf32, #tpu.memory_space<vmem>> -> memref<1x128x128xf32, #tpu.memory_space<vmem>>
        %parallel_loop3A_455 = tpu.memref_squeeze %parallel_loop3A_454 : memref<1x128x128xf32, #tpu.memory_space<vmem>> -> memref<128x128xf32, #tpu.memory_space<vmem>>
        %parallel_loop3A_456 = arith.index_cast %parallel_loop3A_414 : i32 to index
        %parallel_loop3A_457 = arith.index_cast %parallel_loop3A_451 : i32 to index
        %parallel_loop3A_458 = tpu.vector_load %parallel_loop3A_455[%parallel_loop3A_456, %parallel_loop3A_457] {strides = array<i32>} : memref<128x128xf32, #tpu.memory_space<vmem>>, vector<16xf32>,
        %parallel_loop3A_459 = arith.mulf %parallel_loop3A_458, %parallel_loop3A_419 : vector<16xf32>
        %parallel_loop3A_460 = arith.constant 0 : i32
        %parallel_loop3A_461 = arith.index_cast %parallel_loop3A_460 : i32 to index
        %parallel_loop3A_462 = arith.index_cast %parallel_loop3A_414 : i32 to index
        %parallel_loop3A_463 = arith.constant 32 : index
        %parallel_loop3A_464 = tpu.vector_load %arg11[%parallel_loop3A_461, %parallel_loop3A_462, %parallel_loop3A_463] {strides = array<i32>} : memref<2x128x64xf32, #tpu.memory_space<vmem>>, vector<16xf32>,
        tpu.vector_store %arg11[%parallel_loop3A_461, %parallel_loop3A_462, %parallel_loop3A_463], %parallel_loop3A_459 {strides = array<i32>} : memref<2x128x64xf32, #tpu.memory_space<vmem>>, vector<16xf32>,
        %parallel_loop3A_465 = arith.constant 48 : i32
        %parallel_loop3A_466 = arith.addi %parallel_loop3A_416, %parallel_loop3A_465 : i32
        %parallel_loop3A_467 = arith.constant 0 : i32
        %parallel_loop3A_468 = arith.constant 0 : i32
        %parallel_loop3A_469 = tpu.memref_slice %arg9[%parallel_loop3A_115, %parallel_loop3A_467, %parallel_loop3A_468] : memref<2x128x128xf32, #tpu.memory_space<vmem>> -> memref<1x128x128xf32, #tpu.memory_space<vmem>>
        %parallel_loop3A_470 = tpu.memref_squeeze %parallel_loop3A_469 : memref<1x128x128xf32, #tpu.memory_space<vmem>> -> memref<128x128xf32, #tpu.memory_space<vmem>>
        %parallel_loop3A_471 = arith.index_cast %parallel_loop3A_414 : i32 to index
        %parallel_loop3A_472 = arith.index_cast %parallel_loop3A_466 : i32 to index
        %parallel_loop3A_473 = tpu.vector_load %parallel_loop3A_470[%parallel_loop3A_471, %parallel_loop3A_472] {strides = array<i32>} : memref<128x128xf32, #tpu.memory_space<vmem>>, vector<16xf32>,
        %parallel_loop3A_474 = arith.mulf %parallel_loop3A_473, %parallel_loop3A_419 : vector<16xf32>
        %parallel_loop3A_475 = arith.constant 0 : i32
        %parallel_loop3A_476 = arith.index_cast %parallel_loop3A_475 : i32 to index
        %parallel_loop3A_477 = arith.index_cast %parallel_loop3A_414 : i32 to index
        %parallel_loop3A_478 = arith.constant 48 : index
        %parallel_loop3A_479 = tpu.vector_load %arg11[%parallel_loop3A_476, %parallel_loop3A_477, %parallel_loop3A_478] {strides = array<i32>} : memref<2x128x64xf32, #tpu.memory_space<vmem>>, vector<16xf32>,
        tpu.vector_store %arg11[%parallel_loop3A_476, %parallel_loop3A_477, %parallel_loop3A_478], %parallel_loop3A_474 {strides = array<i32>} : memref<2x128x64xf32, #tpu.memory_space<vmem>>, vector<16xf32>,
        %parallel_loop3A_480 = arith.constant 4 : i32
        %parallel_loop3A_481 = arith.addi %parallel_loop3A_198, %parallel_loop3A_480 : i32
        %parallel_loop3A_482 = vector.extract_strided_slice %parallel_loop3A_207 {offsets = [4], sizes = [1], strides = [1]} : vector<16xi32> to vector<1xi32>
        %parallel_loop3A_483 = vector.extract %parallel_loop3A_482[0] : i32 from vector<1xi32>
        %parallel_loop3A_484 = vector.extract_strided_slice %parallel_loop3A_211 {offsets = [4], sizes = [1], strides = [1]} : vector<16xf32> to vector<1xf32>
        %parallel_loop3A_485 = vector.extract %parallel_loop3A_484[0] : f32 from vector<1xf32>
        %parallel_loop3A_486 = vector.broadcast %parallel_loop3A_485 : f32 to vector<16xf32>
        %parallel_loop3A_487 = arith.constant 0 : i32
        %parallel_loop3A_488 = arith.addi %parallel_loop3A_483, %parallel_loop3A_487 : i32
        %parallel_loop3A_489 = arith.constant 0 : i32
        %parallel_loop3A_490 = arith.constant 0 : i32
        %parallel_loop3A_491 = tpu.memref_slice %arg9[%parallel_loop3A_115, %parallel_loop3A_489, %parallel_loop3A_490] : memref<2x128x128xf32, #tpu.memory_space<vmem>> -> memref<1x128x128xf32, #tpu.memory_space<vmem>>
        %parallel_loop3A_492 = tpu.memref_squeeze %parallel_loop3A_491 : memref<1x128x128xf32, #tpu.memory_space<vmem>> -> memref<128x128xf32, #tpu.memory_space<vmem>>
        %parallel_loop3A_493 = arith.index_cast %parallel_loop3A_481 : i32 to index
        %parallel_loop3A_494 = arith.index_cast %parallel_loop3A_488 : i32 to index
        %parallel_loop3A_495 = tpu.vector_load %parallel_loop3A_492[%parallel_loop3A_493, %parallel_loop3A_494] {strides = array<i32>} : memref<128x128xf32, #tpu.memory_space<vmem>>, vector<16xf32>,
        %parallel_loop3A_496 = arith.mulf %parallel_loop3A_495, %parallel_loop3A_486 : vector<16xf32>
        %parallel_loop3A_497 = arith.constant 0 : i32
        %parallel_loop3A_498 = arith.index_cast %parallel_loop3A_497 : i32 to index
        %parallel_loop3A_499 = arith.index_cast %parallel_loop3A_481 : i32 to index
        %parallel_loop3A_500 = arith.constant 0 : index
        %parallel_loop3A_501 = tpu.vector_load %arg11[%parallel_loop3A_498, %parallel_loop3A_499, %parallel_loop3A_500] {strides = array<i32>} : memref<2x128x64xf32, #tpu.memory_space<vmem>>, vector<16xf32>,
        tpu.vector_store %arg11[%parallel_loop3A_498, %parallel_loop3A_499, %parallel_loop3A_500], %parallel_loop3A_496 {strides = array<i32>} : memref<2x128x64xf32, #tpu.memory_space<vmem>>, vector<16xf32>,
        %parallel_loop3A_502 = arith.constant 16 : i32
        %parallel_loop3A_503 = arith.addi %parallel_loop3A_483, %parallel_loop3A_502 : i32
        %parallel_loop3A_504 = arith.constant 0 : i32
        %parallel_loop3A_505 = arith.constant 0 : i32
        %parallel_loop3A_506 = tpu.memref_slice %arg9[%parallel_loop3A_115, %parallel_loop3A_504, %parallel_loop3A_505] : memref<2x128x128xf32, #tpu.memory_space<vmem>> -> memref<1x128x128xf32, #tpu.memory_space<vmem>>
        %parallel_loop3A_507 = tpu.memref_squeeze %parallel_loop3A_506 : memref<1x128x128xf32, #tpu.memory_space<vmem>> -> memref<128x128xf32, #tpu.memory_space<vmem>>
        %parallel_loop3A_508 = arith.index_cast %parallel_loop3A_481 : i32 to index
        %parallel_loop3A_509 = arith.index_cast %parallel_loop3A_503 : i32 to index
        %parallel_loop3A_510 = tpu.vector_load %parallel_loop3A_507[%parallel_loop3A_508, %parallel_loop3A_509] {strides = array<i32>} : memref<128x128xf32, #tpu.memory_space<vmem>>, vector<16xf32>,
        %parallel_loop3A_511 = arith.mulf %parallel_loop3A_510, %parallel_loop3A_486 : vector<16xf32>
        %parallel_loop3A_512 = arith.constant 0 : i32
        %parallel_loop3A_513 = arith.index_cast %parallel_loop3A_512 : i32 to index
        %parallel_loop3A_514 = arith.index_cast %parallel_loop3A_481 : i32 to index
        %parallel_loop3A_515 = arith.constant 16 : index
        %parallel_loop3A_516 = tpu.vector_load %arg11[%parallel_loop3A_513, %parallel_loop3A_514, %parallel_loop3A_515] {strides = array<i32>} : memref<2x128x64xf32, #tpu.memory_space<vmem>>, vector<16xf32>,
        tpu.vector_store %arg11[%parallel_loop3A_513, %parallel_loop3A_514, %parallel_loop3A_515], %parallel_loop3A_511 {strides = array<i32>} : memref<2x128x64xf32, #tpu.memory_space<vmem>>, vector<16xf32>,
        %parallel_loop3A_517 = arith.constant 32 : i32
        %parallel_loop3A_518 = arith.addi %parallel_loop3A_483, %parallel_loop3A_517 : i32
        %parallel_loop3A_519 = arith.constant 0 : i32
        %parallel_loop3A_520 = arith.constant 0 : i32
        %parallel_loop3A_521 = tpu.memref_slice %arg9[%parallel_loop3A_115, %parallel_loop3A_519, %parallel_loop3A_520] : memref<2x128x128xf32, #tpu.memory_space<vmem>> -> memref<1x128x128xf32, #tpu.memory_space<vmem>>
        %parallel_loop3A_522 = tpu.memref_squeeze %parallel_loop3A_521 : memref<1x128x128xf32, #tpu.memory_space<vmem>> -> memref<128x128xf32, #tpu.memory_space<vmem>>
        %parallel_loop3A_523 = arith.index_cast %parallel_loop3A_481 : i32 to index
        %parallel_loop3A_524 = arith.index_cast %parallel_loop3A_518 : i32 to index
        %parallel_loop3A_525 = tpu.vector_load %parallel_loop3A_522[%parallel_loop3A_523, %parallel_loop3A_524] {strides = array<i32>} : memref<128x128xf32, #tpu.memory_space<vmem>>, vector<16xf32>,
        %parallel_loop3A_526 = arith.mulf %parallel_loop3A_525, %parallel_loop3A_486 : vector<16xf32>
        %parallel_loop3A_527 = arith.constant 0 : i32
        %parallel_loop3A_528 = arith.index_cast %parallel_loop3A_527 : i32 to index
        %parallel_loop3A_529 = arith.index_cast %parallel_loop3A_481 : i32 to index
        %parallel_loop3A_530 = arith.constant 32 : index
        %parallel_loop3A_531 = tpu.vector_load %arg11[%parallel_loop3A_528, %parallel_loop3A_529, %parallel_loop3A_530] {strides = array<i32>} : memref<2x128x64xf32, #tpu.memory_space<vmem>>, vector<16xf32>,
        tpu.vector_store %arg11[%parallel_loop3A_528, %parallel_loop3A_529, %parallel_loop3A_530], %parallel_loop3A_526 {strides = array<i32>} : memref<2x128x64xf32, #tpu.memory_space<vmem>>, vector<16xf32>,
        %parallel_loop3A_532 = arith.constant 48 : i32
        %parallel_loop3A_533 = arith.addi %parallel_loop3A_483, %parallel_loop3A_532 : i32
        %parallel_loop3A_534 = arith.constant 0 : i32
        %parallel_loop3A_535 = arith.constant 0 : i32
        %parallel_loop3A_536 = tpu.memref_slice %arg9[%parallel_loop3A_115, %parallel_loop3A_534, %parallel_loop3A_535] : memref<2x128x128xf32, #tpu.memory_space<vmem>> -> memref<1x128x128xf32, #tpu.memory_space<vmem>>
        %parallel_loop3A_537 = tpu.memref_squeeze %parallel_loop3A_536 : memref<1x128x128xf32, #tpu.memory_space<vmem>> -> memref<128x128xf32, #tpu.memory_space<vmem>>
        %parallel_loop3A_538 = arith.index_cast %parallel_loop3A_481 : i32 to index
        %parallel_loop3A_539 = arith.index_cast %parallel_loop3A_533 : i32 to index
        %parallel_loop3A_540 = tpu.vector_load %parallel_loop3A_537[%parallel_loop3A_538, %parallel_loop3A_539] {strides = array<i32>} : memref<128x128xf32, #tpu.memory_space<vmem>>, vector<16xf32>,
        %parallel_loop3A_541 = arith.mulf %parallel_loop3A_540, %parallel_loop3A_486 : vector<16xf32>
        %parallel_loop3A_542 = arith.constant 0 : i32
        %parallel_loop3A_543 = arith.index_cast %parallel_loop3A_542 : i32 to index
        %parallel_loop3A_544 = arith.index_cast %parallel_loop3A_481 : i32 to index
        %parallel_loop3A_545 = arith.constant 48 : index
        %parallel_loop3A_546 = tpu.vector_load %arg11[%parallel_loop3A_543, %parallel_loop3A_544, %parallel_loop3A_545] {strides = array<i32>} : memref<2x128x64xf32, #tpu.memory_space<vmem>>, vector<16xf32>,
        tpu.vector_store %arg11[%parallel_loop3A_543, %parallel_loop3A_544, %parallel_loop3A_545], %parallel_loop3A_541 {strides = array<i32>} : memref<2x128x64xf32, #tpu.memory_space<vmem>>, vector<16xf32>,
        %parallel_loop3A_547 = arith.constant 5 : i32
        %parallel_loop3A_548 = arith.addi %parallel_loop3A_198, %parallel_loop3A_547 : i32
        %parallel_loop3A_549 = vector.extract_strided_slice %parallel_loop3A_207 {offsets = [5], sizes = [1], strides = [1]} : vector<16xi32> to vector<1xi32>
        %parallel_loop3A_550 = vector.extract %parallel_loop3A_549[0] : i32 from vector<1xi32>
        %parallel_loop3A_551 = vector.extract_strided_slice %parallel_loop3A_211 {offsets = [5], sizes = [1], strides = [1]} : vector<16xf32> to vector<1xf32>
        %parallel_loop3A_552 = vector.extract %parallel_loop3A_551[0] : f32 from vector<1xf32>
        %parallel_loop3A_553 = vector.broadcast %parallel_loop3A_552 : f32 to vector<16xf32>
        %parallel_loop3A_554 = arith.constant 0 : i32
        %parallel_loop3A_555 = arith.addi %parallel_loop3A_550, %parallel_loop3A_554 : i32
        %parallel_loop3A_556 = arith.constant 0 : i32
        %parallel_loop3A_557 = arith.constant 0 : i32
        %parallel_loop3A_558 = tpu.memref_slice %arg9[%parallel_loop3A_115, %parallel_loop3A_556, %parallel_loop3A_557] : memref<2x128x128xf32, #tpu.memory_space<vmem>> -> memref<1x128x128xf32, #tpu.memory_space<vmem>>
        %parallel_loop3A_559 = tpu.memref_squeeze %parallel_loop3A_558 : memref<1x128x128xf32, #tpu.memory_space<vmem>> -> memref<128x128xf32, #tpu.memory_space<vmem>>
        %parallel_loop3A_560 = arith.index_cast %parallel_loop3A_548 : i32 to index
        %parallel_loop3A_561 = arith.index_cast %parallel_loop3A_555 : i32 to index
        %parallel_loop3A_562 = tpu.vector_load %parallel_loop3A_559[%parallel_loop3A_560, %parallel_loop3A_561] {strides = array<i32>} : memref<128x128xf32, #tpu.memory_space<vmem>>, vector<16xf32>,
        %parallel_loop3A_563 = arith.mulf %parallel_loop3A_562, %parallel_loop3A_553 : vector<16xf32>
        %parallel_loop3A_564 = arith.constant 0 : i32
        %parallel_loop3A_565 = arith.index_cast %parallel_loop3A_564 : i32 to index
        %parallel_loop3A_566 = arith.index_cast %parallel_loop3A_548 : i32 to index
        %parallel_loop3A_567 = arith.constant 0 : index
        %parallel_loop3A_568 = tpu.vector_load %arg11[%parallel_loop3A_565, %parallel_loop3A_566, %parallel_loop3A_567] {strides = array<i32>} : memref<2x128x64xf32, #tpu.memory_space<vmem>>, vector<16xf32>,
        tpu.vector_store %arg11[%parallel_loop3A_565, %parallel_loop3A_566, %parallel_loop3A_567], %parallel_loop3A_563 {strides = array<i32>} : memref<2x128x64xf32, #tpu.memory_space<vmem>>, vector<16xf32>,
        %parallel_loop3A_569 = arith.constant 16 : i32
        %parallel_loop3A_570 = arith.addi %parallel_loop3A_550, %parallel_loop3A_569 : i32
        %parallel_loop3A_571 = arith.constant 0 : i32
        %parallel_loop3A_572 = arith.constant 0 : i32
        %parallel_loop3A_573 = tpu.memref_slice %arg9[%parallel_loop3A_115, %parallel_loop3A_571, %parallel_loop3A_572] : memref<2x128x128xf32, #tpu.memory_space<vmem>> -> memref<1x128x128xf32, #tpu.memory_space<vmem>>
        %parallel_loop3A_574 = tpu.memref_squeeze %parallel_loop3A_573 : memref<1x128x128xf32, #tpu.memory_space<vmem>> -> memref<128x128xf32, #tpu.memory_space<vmem>>
        %parallel_loop3A_575 = arith.index_cast %parallel_loop3A_548 : i32 to index
        %parallel_loop3A_576 = arith.index_cast %parallel_loop3A_570 : i32 to index
        %parallel_loop3A_577 = tpu.vector_load %parallel_loop3A_574[%parallel_loop3A_575, %parallel_loop3A_576] {strides = array<i32>} : memref<128x128xf32, #tpu.memory_space<vmem>>, vector<16xf32>,
        %parallel_loop3A_578 = arith.mulf %parallel_loop3A_577, %parallel_loop3A_553 : vector<16xf32>
        %parallel_loop3A_579 = arith.constant 0 : i32
        %parallel_loop3A_580 = arith.index_cast %parallel_loop3A_579 : i32 to index
        %parallel_loop3A_581 = arith.index_cast %parallel_loop3A_548 : i32 to index
        %parallel_loop3A_582 = arith.constant 16 : index
        %parallel_loop3A_583 = tpu.vector_load %arg11[%parallel_loop3A_580, %parallel_loop3A_581, %parallel_loop3A_582] {strides = array<i32>} : memref<2x128x64xf32, #tpu.memory_space<vmem>>, vector<16xf32>,
        tpu.vector_store %arg11[%parallel_loop3A_580, %parallel_loop3A_581, %parallel_loop3A_582], %parallel_loop3A_578 {strides = array<i32>} : memref<2x128x64xf32, #tpu.memory_space<vmem>>, vector<16xf32>,
        %parallel_loop3A_584 = arith.constant 32 : i32
        %parallel_loop3A_585 = arith.addi %parallel_loop3A_550, %parallel_loop3A_584 : i32
        %parallel_loop3A_586 = arith.constant 0 : i32
        %parallel_loop3A_587 = arith.constant 0 : i32
        %parallel_loop3A_588 = tpu.memref_slice %arg9[%parallel_loop3A_115, %parallel_loop3A_586, %parallel_loop3A_587] : memref<2x128x128xf32, #tpu.memory_space<vmem>> -> memref<1x128x128xf32, #tpu.memory_space<vmem>>
        %parallel_loop3A_589 = tpu.memref_squeeze %parallel_loop3A_588 : memref<1x128x128xf32, #tpu.memory_space<vmem>> -> memref<128x128xf32, #tpu.memory_space<vmem>>
        %parallel_loop3A_590 = arith.index_cast %parallel_loop3A_548 : i32 to index
        %parallel_loop3A_591 = arith.index_cast %parallel_loop3A_585 : i32 to index
        %parallel_loop3A_592 = tpu.vector_load %parallel_loop3A_589[%parallel_loop3A_590, %parallel_loop3A_591] {strides = array<i32>} : memref<128x128xf32, #tpu.memory_space<vmem>>, vector<16xf32>,
        %parallel_loop3A_593 = arith.mulf %parallel_loop3A_592, %parallel_loop3A_553 : vector<16xf32>
        %parallel_loop3A_594 = arith.constant 0 : i32
        %parallel_loop3A_595 = arith.index_cast %parallel_loop3A_594 : i32 to index
        %parallel_loop3A_596 = arith.index_cast %parallel_loop3A_548 : i32 to index
        %parallel_loop3A_597 = arith.constant 32 : index
        %parallel_loop3A_598 = tpu.vector_load %arg11[%parallel_loop3A_595, %parallel_loop3A_596, %parallel_loop3A_597] {strides = array<i32>} : memref<2x128x64xf32, #tpu.memory_space<vmem>>, vector<16xf32>,
        tpu.vector_store %arg11[%parallel_loop3A_595, %parallel_loop3A_596, %parallel_loop3A_597], %parallel_loop3A_593 {strides = array<i32>} : memref<2x128x64xf32, #tpu.memory_space<vmem>>, vector<16xf32>,
        %parallel_loop3A_599 = arith.constant 48 : i32
        %parallel_loop3A_600 = arith.addi %parallel_loop3A_550, %parallel_loop3A_599 : i32
        %parallel_loop3A_601 = arith.constant 0 : i32
        %parallel_loop3A_602 = arith.constant 0 : i32
        %parallel_loop3A_603 = tpu.memref_slice %arg9[%parallel_loop3A_115, %parallel_loop3A_601, %parallel_loop3A_602] : memref<2x128x128xf32, #tpu.memory_space<vmem>> -> memref<1x128x128xf32, #tpu.memory_space<vmem>>
        %parallel_loop3A_604 = tpu.memref_squeeze %parallel_loop3A_603 : memref<1x128x128xf32, #tpu.memory_space<vmem>> -> memref<128x128xf32, #tpu.memory_space<vmem>>
        %parallel_loop3A_605 = arith.index_cast %parallel_loop3A_548 : i32 to index
        %parallel_loop3A_606 = arith.index_cast %parallel_loop3A_600 : i32 to index
        %parallel_loop3A_607 = tpu.vector_load %parallel_loop3A_604[%parallel_loop3A_605, %parallel_loop3A_606] {strides = array<i32>} : memref<128x128xf32, #tpu.memory_space<vmem>>, vector<16xf32>,
        %parallel_loop3A_608 = arith.mulf %parallel_loop3A_607, %parallel_loop3A_553 : vector<16xf32>
        %parallel_loop3A_609 = arith.constant 0 : i32
        %parallel_loop3A_610 = arith.index_cast %parallel_loop3A_609 : i32 to index
        %parallel_loop3A_611 = arith.index_cast %parallel_loop3A_548 : i32 to index
        %parallel_loop3A_612 = arith.constant 48 : index
        %parallel_loop3A_613 = tpu.vector_load %arg11[%parallel_loop3A_610, %parallel_loop3A_611, %parallel_loop3A_612] {strides = array<i32>} : memref<2x128x64xf32, #tpu.memory_space<vmem>>, vector<16xf32>,
        tpu.vector_store %arg11[%parallel_loop3A_610, %parallel_loop3A_611, %parallel_loop3A_612], %parallel_loop3A_608 {strides = array<i32>} : memref<2x128x64xf32, #tpu.memory_space<vmem>>, vector<16xf32>,
        %parallel_loop3A_614 = arith.constant 6 : i32
        %parallel_loop3A_615 = arith.addi %parallel_loop3A_198, %parallel_loop3A_614 : i32
        %parallel_loop3A_616 = vector.extract_strided_slice %parallel_loop3A_207 {offsets = [6], sizes = [1], strides = [1]} : vector<16xi32> to vector<1xi32>
        %parallel_loop3A_617 = vector.extract %parallel_loop3A_616[0] : i32 from vector<1xi32>
        %parallel_loop3A_618 = vector.extract_strided_slice %parallel_loop3A_211 {offsets = [6], sizes = [1], strides = [1]} : vector<16xf32> to vector<1xf32>
        %parallel_loop3A_619 = vector.extract %parallel_loop3A_618[0] : f32 from vector<1xf32>
        %parallel_loop3A_620 = vector.broadcast %parallel_loop3A_619 : f32 to vector<16xf32>
        %parallel_loop3A_621 = arith.constant 0 : i32
        %parallel_loop3A_622 = arith.addi %parallel_loop3A_617, %parallel_loop3A_621 : i32
        %parallel_loop3A_623 = arith.constant 0 : i32
        %parallel_loop3A_624 = arith.constant 0 : i32
        %parallel_loop3A_625 = tpu.memref_slice %arg9[%parallel_loop3A_115, %parallel_loop3A_623, %parallel_loop3A_624] : memref<2x128x128xf32, #tpu.memory_space<vmem>> -> memref<1x128x128xf32, #tpu.memory_space<vmem>>
        %parallel_loop3A_626 = tpu.memref_squeeze %parallel_loop3A_625 : memref<1x128x128xf32, #tpu.memory_space<vmem>> -> memref<128x128xf32, #tpu.memory_space<vmem>>
        %parallel_loop3A_627 = arith.index_cast %parallel_loop3A_615 : i32 to index
        %parallel_loop3A_628 = arith.index_cast %parallel_loop3A_622 : i32 to index
        %parallel_loop3A_629 = tpu.vector_load %parallel_loop3A_626[%parallel_loop3A_627, %parallel_loop3A_628] {strides = array<i32>} : memref<128x128xf32, #tpu.memory_space<vmem>>, vector<16xf32>,
        %parallel_loop3A_630 = arith.mulf %parallel_loop3A_629, %parallel_loop3A_620 : vector<16xf32>
        %parallel_loop3A_631 = arith.constant 0 : i32
        %parallel_loop3A_632 = arith.index_cast %parallel_loop3A_631 : i32 to index
        %parallel_loop3A_633 = arith.index_cast %parallel_loop3A_615 : i32 to index
        %parallel_loop3A_634 = arith.constant 0 : index
        %parallel_loop3A_635 = tpu.vector_load %arg11[%parallel_loop3A_632, %parallel_loop3A_633, %parallel_loop3A_634] {strides = array<i32>} : memref<2x128x64xf32, #tpu.memory_space<vmem>>, vector<16xf32>,
        tpu.vector_store %arg11[%parallel_loop3A_632, %parallel_loop3A_633, %parallel_loop3A_634], %parallel_loop3A_630 {strides = array<i32>} : memref<2x128x64xf32, #tpu.memory_space<vmem>>, vector<16xf32>,
        %parallel_loop3A_636 = arith.constant 16 : i32
        %parallel_loop3A_637 = arith.addi %parallel_loop3A_617, %parallel_loop3A_636 : i32
        %parallel_loop3A_638 = arith.constant 0 : i32
        %parallel_loop3A_639 = arith.constant 0 : i32
        %parallel_loop3A_640 = tpu.memref_slice %arg9[%parallel_loop3A_115, %parallel_loop3A_638, %parallel_loop3A_639] : memref<2x128x128xf32, #tpu.memory_space<vmem>> -> memref<1x128x128xf32, #tpu.memory_space<vmem>>
        %parallel_loop3A_641 = tpu.memref_squeeze %parallel_loop3A_640 : memref<1x128x128xf32, #tpu.memory_space<vmem>> -> memref<128x128xf32, #tpu.memory_space<vmem>>
        %parallel_loop3A_642 = arith.index_cast %parallel_loop3A_615 : i32 to index
        %parallel_loop3A_643 = arith.index_cast %parallel_loop3A_637 : i32 to index
        %parallel_loop3A_644 = tpu.vector_load %parallel_loop3A_641[%parallel_loop3A_642, %parallel_loop3A_643] {strides = array<i32>} : memref<128x128xf32, #tpu.memory_space<vmem>>, vector<16xf32>,
        %parallel_loop3A_645 = arith.mulf %parallel_loop3A_644, %parallel_loop3A_620 : vector<16xf32>
        %parallel_loop3A_646 = arith.constant 0 : i32
        %parallel_loop3A_647 = arith.index_cast %parallel_loop3A_646 : i32 to index
        %parallel_loop3A_648 = arith.index_cast %parallel_loop3A_615 : i32 to index
        %parallel_loop3A_649 = arith.constant 16 : index
        %parallel_loop3A_650 = tpu.vector_load %arg11[%parallel_loop3A_647, %parallel_loop3A_648, %parallel_loop3A_649] {strides = array<i32>} : memref<2x128x64xf32, #tpu.memory_space<vmem>>, vector<16xf32>,
        tpu.vector_store %arg11[%parallel_loop3A_647, %parallel_loop3A_648, %parallel_loop3A_649], %parallel_loop3A_645 {strides = array<i32>} : memref<2x128x64xf32, #tpu.memory_space<vmem>>, vector<16xf32>,
        %parallel_loop3A_651 = arith.constant 32 : i32
        %parallel_loop3A_652 = arith.addi %parallel_loop3A_617, %parallel_loop3A_651 : i32
        %parallel_loop3A_653 = arith.constant 0 : i32
        %parallel_loop3A_654 = arith.constant 0 : i32
        %parallel_loop3A_655 = tpu.memref_slice %arg9[%parallel_loop3A_115, %parallel_loop3A_653, %parallel_loop3A_654] : memref<2x128x128xf32, #tpu.memory_space<vmem>> -> memref<1x128x128xf32, #tpu.memory_space<vmem>>
        %parallel_loop3A_656 = tpu.memref_squeeze %parallel_loop3A_655 : memref<1x128x128xf32, #tpu.memory_space<vmem>> -> memref<128x128xf32, #tpu.memory_space<vmem>>
        %parallel_loop3A_657 = arith.index_cast %parallel_loop3A_615 : i32 to index
        %parallel_loop3A_658 = arith.index_cast %parallel_loop3A_652 : i32 to index
        %parallel_loop3A_659 = tpu.vector_load %parallel_loop3A_656[%parallel_loop3A_657, %parallel_loop3A_658] {strides = array<i32>} : memref<128x128xf32, #tpu.memory_space<vmem>>, vector<16xf32>,
        %parallel_loop3A_660 = arith.mulf %parallel_loop3A_659, %parallel_loop3A_620 : vector<16xf32>
        %parallel_loop3A_661 = arith.constant 0 : i32
        %parallel_loop3A_662 = arith.index_cast %parallel_loop3A_661 : i32 to index
        %parallel_loop3A_663 = arith.index_cast %parallel_loop3A_615 : i32 to index
        %parallel_loop3A_664 = arith.constant 32 : index
        %parallel_loop3A_665 = tpu.vector_load %arg11[%parallel_loop3A_662, %parallel_loop3A_663, %parallel_loop3A_664] {strides = array<i32>} : memref<2x128x64xf32, #tpu.memory_space<vmem>>, vector<16xf32>,
        tpu.vector_store %arg11[%parallel_loop3A_662, %parallel_loop3A_663, %parallel_loop3A_664], %parallel_loop3A_660 {strides = array<i32>} : memref<2x128x64xf32, #tpu.memory_space<vmem>>, vector<16xf32>,
        %parallel_loop3A_666 = arith.constant 48 : i32
        %parallel_loop3A_667 = arith.addi %parallel_loop3A_617, %parallel_loop3A_666 : i32
        %parallel_loop3A_668 = arith.constant 0 : i32
        %parallel_loop3A_669 = arith.constant 0 : i32
        %parallel_loop3A_670 = tpu.memref_slice %arg9[%parallel_loop3A_115, %parallel_loop3A_668, %parallel_loop3A_669] : memref<2x128x128xf32, #tpu.memory_space<vmem>> -> memref<1x128x128xf32, #tpu.memory_space<vmem>>
        %parallel_loop3A_671 = tpu.memref_squeeze %parallel_loop3A_670 : memref<1x128x128xf32, #tpu.memory_space<vmem>> -> memref<128x128xf32, #tpu.memory_space<vmem>>
        %parallel_loop3A_672 = arith.index_cast %parallel_loop3A_615 : i32 to index
        %parallel_loop3A_673 = arith.index_cast %parallel_loop3A_667 : i32 to index
        %parallel_loop3A_674 = tpu.vector_load %parallel_loop3A_671[%parallel_loop3A_672, %parallel_loop3A_673] {strides = array<i32>} : memref<128x128xf32, #tpu.memory_space<vmem>>, vector<16xf32>,
        %parallel_loop3A_675 = arith.mulf %parallel_loop3A_674, %parallel_loop3A_620 : vector<16xf32>
        %parallel_loop3A_676 = arith.constant 0 : i32
        %parallel_loop3A_677 = arith.index_cast %parallel_loop3A_676 : i32 to index
        %parallel_loop3A_678 = arith.index_cast %parallel_loop3A_615 : i32 to index
        %parallel_loop3A_679 = arith.constant 48 : index
        %parallel_loop3A_680 = tpu.vector_load %arg11[%parallel_loop3A_677, %parallel_loop3A_678, %parallel_loop3A_679] {strides = array<i32>} : memref<2x128x64xf32, #tpu.memory_space<vmem>>, vector<16xf32>,
        tpu.vector_store %arg11[%parallel_loop3A_677, %parallel_loop3A_678, %parallel_loop3A_679], %parallel_loop3A_675 {strides = array<i32>} : memref<2x128x64xf32, #tpu.memory_space<vmem>>, vector<16xf32>,
        %parallel_loop3A_681 = arith.constant 7 : i32
        %parallel_loop3A_682 = arith.addi %parallel_loop3A_198, %parallel_loop3A_681 : i32
        %parallel_loop3A_683 = vector.extract_strided_slice %parallel_loop3A_207 {offsets = [7], sizes = [1], strides = [1]} : vector<16xi32> to vector<1xi32>
        %parallel_loop3A_684 = vector.extract %parallel_loop3A_683[0] : i32 from vector<1xi32>
        %parallel_loop3A_685 = vector.extract_strided_slice %parallel_loop3A_211 {offsets = [7], sizes = [1], strides = [1]} : vector<16xf32> to vector<1xf32>
        %parallel_loop3A_686 = vector.extract %parallel_loop3A_685[0] : f32 from vector<1xf32>
        %parallel_loop3A_687 = vector.broadcast %parallel_loop3A_686 : f32 to vector<16xf32>
        %parallel_loop3A_688 = arith.constant 0 : i32
        %parallel_loop3A_689 = arith.addi %parallel_loop3A_684, %parallel_loop3A_688 : i32
        %parallel_loop3A_690 = arith.constant 0 : i32
        %parallel_loop3A_691 = arith.constant 0 : i32
        %parallel_loop3A_692 = tpu.memref_slice %arg9[%parallel_loop3A_115, %parallel_loop3A_690, %parallel_loop3A_691] : memref<2x128x128xf32, #tpu.memory_space<vmem>> -> memref<1x128x128xf32, #tpu.memory_space<vmem>>
        %parallel_loop3A_693 = tpu.memref_squeeze %parallel_loop3A_692 : memref<1x128x128xf32, #tpu.memory_space<vmem>> -> memref<128x128xf32, #tpu.memory_space<vmem>>
        %parallel_loop3A_694 = arith.index_cast %parallel_loop3A_682 : i32 to index
        %parallel_loop3A_695 = arith.index_cast %parallel_loop3A_689 : i32 to index
        %parallel_loop3A_696 = tpu.vector_load %parallel_loop3A_693[%parallel_loop3A_694, %parallel_loop3A_695] {strides = array<i32>} : memref<128x128xf32, #tpu.memory_space<vmem>>, vector<16xf32>,
        %parallel_loop3A_697 = arith.mulf %parallel_loop3A_696, %parallel_loop3A_687 : vector<16xf32>
        %parallel_loop3A_698 = arith.constant 0 : i32
        %parallel_loop3A_699 = arith.index_cast %parallel_loop3A_698 : i32 to index
        %parallel_loop3A_700 = arith.index_cast %parallel_loop3A_682 : i32 to index
        %parallel_loop3A_701 = arith.constant 0 : index
        %parallel_loop3A_702 = tpu.vector_load %arg11[%parallel_loop3A_699, %parallel_loop3A_700, %parallel_loop3A_701] {strides = array<i32>} : memref<2x128x64xf32, #tpu.memory_space<vmem>>, vector<16xf32>,
        tpu.vector_store %arg11[%parallel_loop3A_699, %parallel_loop3A_700, %parallel_loop3A_701], %parallel_loop3A_697 {strides = array<i32>} : memref<2x128x64xf32, #tpu.memory_space<vmem>>, vector<16xf32>,
        %parallel_loop3A_703 = arith.constant 16 : i32
        %parallel_loop3A_704 = arith.addi %parallel_loop3A_684, %parallel_loop3A_703 : i32
        %parallel_loop3A_705 = arith.constant 0 : i32
        %parallel_loop3A_706 = arith.constant 0 : i32
        %parallel_loop3A_707 = tpu.memref_slice %arg9[%parallel_loop3A_115, %parallel_loop3A_705, %parallel_loop3A_706] : memref<2x128x128xf32, #tpu.memory_space<vmem>> -> memref<1x128x128xf32, #tpu.memory_space<vmem>>
        %parallel_loop3A_708 = tpu.memref_squeeze %parallel_loop3A_707 : memref<1x128x128xf32, #tpu.memory_space<vmem>> -> memref<128x128xf32, #tpu.memory_space<vmem>>
        %parallel_loop3A_709 = arith.index_cast %parallel_loop3A_682 : i32 to index
        %parallel_loop3A_710 = arith.index_cast %parallel_loop3A_704 : i32 to index
        %parallel_loop3A_711 = tpu.vector_load %parallel_loop3A_708[%parallel_loop3A_709, %parallel_loop3A_710] {strides = array<i32>} : memref<128x128xf32, #tpu.memory_space<vmem>>, vector<16xf32>,
        %parallel_loop3A_712 = arith.mulf %parallel_loop3A_711, %parallel_loop3A_687 : vector<16xf32>
        %parallel_loop3A_713 = arith.constant 0 : i32
        %parallel_loop3A_714 = arith.index_cast %parallel_loop3A_713 : i32 to index
        %parallel_loop3A_715 = arith.index_cast %parallel_loop3A_682 : i32 to index
        %parallel_loop3A_716 = arith.constant 16 : index
        %parallel_loop3A_717 = tpu.vector_load %arg11[%parallel_loop3A_714, %parallel_loop3A_715, %parallel_loop3A_716] {strides = array<i32>} : memref<2x128x64xf32, #tpu.memory_space<vmem>>, vector<16xf32>,
        tpu.vector_store %arg11[%parallel_loop3A_714, %parallel_loop3A_715, %parallel_loop3A_716], %parallel_loop3A_712 {strides = array<i32>} : memref<2x128x64xf32, #tpu.memory_space<vmem>>, vector<16xf32>,
        %parallel_loop3A_718 = arith.constant 32 : i32
        %parallel_loop3A_719 = arith.addi %parallel_loop3A_684, %parallel_loop3A_718 : i32
        %parallel_loop3A_720 = arith.constant 0 : i32
        %parallel_loop3A_721 = arith.constant 0 : i32
        %parallel_loop3A_722 = tpu.memref_slice %arg9[%parallel_loop3A_115, %parallel_loop3A_720, %parallel_loop3A_721] : memref<2x128x128xf32, #tpu.memory_space<vmem>> -> memref<1x128x128xf32, #tpu.memory_space<vmem>>
        %parallel_loop3A_723 = tpu.memref_squeeze %parallel_loop3A_722 : memref<1x128x128xf32, #tpu.memory_space<vmem>> -> memref<128x128xf32, #tpu.memory_space<vmem>>
        %parallel_loop3A_724 = arith.index_cast %parallel_loop3A_682 : i32 to index
        %parallel_loop3A_725 = arith.index_cast %parallel_loop3A_719 : i32 to index
        %parallel_loop3A_726 = tpu.vector_load %parallel_loop3A_723[%parallel_loop3A_724, %parallel_loop3A_725] {strides = array<i32>} : memref<128x128xf32, #tpu.memory_space<vmem>>, vector<16xf32>,
        %parallel_loop3A_727 = arith.mulf %parallel_loop3A_726, %parallel_loop3A_687 : vector<16xf32>
        %parallel_loop3A_728 = arith.constant 0 : i32
        %parallel_loop3A_729 = arith.index_cast %parallel_loop3A_728 : i32 to index
        %parallel_loop3A_730 = arith.index_cast %parallel_loop3A_682 : i32 to index
        %parallel_loop3A_731 = arith.constant 32 : index
        %parallel_loop3A_732 = tpu.vector_load %arg11[%parallel_loop3A_729, %parallel_loop3A_730, %parallel_loop3A_731] {strides = array<i32>} : memref<2x128x64xf32, #tpu.memory_space<vmem>>, vector<16xf32>,
        tpu.vector_store %arg11[%parallel_loop3A_729, %parallel_loop3A_730, %parallel_loop3A_731], %parallel_loop3A_727 {strides = array<i32>} : memref<2x128x64xf32, #tpu.memory_space<vmem>>, vector<16xf32>,
        %parallel_loop3A_733 = arith.constant 48 : i32
        %parallel_loop3A_734 = arith.addi %parallel_loop3A_684, %parallel_loop3A_733 : i32
        %parallel_loop3A_735 = arith.constant 0 : i32
        %parallel_loop3A_736 = arith.constant 0 : i32
        %parallel_loop3A_737 = tpu.memref_slice %arg9[%parallel_loop3A_115, %parallel_loop3A_735, %parallel_loop3A_736] : memref<2x128x128xf32, #tpu.memory_space<vmem>> -> memref<1x128x128xf32, #tpu.memory_space<vmem>>
        %parallel_loop3A_738 = tpu.memref_squeeze %parallel_loop3A_737 : memref<1x128x128xf32, #tpu.memory_space<vmem>> -> memref<128x128xf32, #tpu.memory_space<vmem>>
        %parallel_loop3A_739 = arith.index_cast %parallel_loop3A_682 : i32 to index
        %parallel_loop3A_740 = arith.index_cast %parallel_loop3A_734 : i32 to index
        %parallel_loop3A_741 = tpu.vector_load %parallel_loop3A_738[%parallel_loop3A_739, %parallel_loop3A_740] {strides = array<i32>} : memref<128x128xf32, #tpu.memory_space<vmem>>, vector<16xf32>,
        %parallel_loop3A_742 = arith.mulf %parallel_loop3A_741, %parallel_loop3A_687 : vector<16xf32>
        %parallel_loop3A_743 = arith.constant 0 : i32
        %parallel_loop3A_744 = arith.index_cast %parallel_loop3A_743 : i32 to index
        %parallel_loop3A_745 = arith.index_cast %parallel_loop3A_682 : i32 to index
        %parallel_loop3A_746 = arith.constant 48 : index
        %parallel_loop3A_747 = tpu.vector_load %arg11[%parallel_loop3A_744, %parallel_loop3A_745, %parallel_loop3A_746] {strides = array<i32>} : memref<2x128x64xf32, #tpu.memory_space<vmem>>, vector<16xf32>,
        tpu.vector_store %arg11[%parallel_loop3A_744, %parallel_loop3A_745, %parallel_loop3A_746], %parallel_loop3A_742 {strides = array<i32>} : memref<2x128x64xf32, #tpu.memory_space<vmem>>, vector<16xf32>,
        %parallel_loop3A_748 = arith.constant 8 : i32
        %parallel_loop3A_749 = arith.addi %parallel_loop3A_198, %parallel_loop3A_748 : i32
        %parallel_loop3A_750 = vector.extract_strided_slice %parallel_loop3A_207 {offsets = [8], sizes = [1], strides = [1]} : vector<16xi32> to vector<1xi32>
        %parallel_loop3A_751 = vector.extract %parallel_loop3A_750[0] : i32 from vector<1xi32>
        %parallel_loop3A_752 = vector.extract_strided_slice %parallel_loop3A_211 {offsets = [8], sizes = [1], strides = [1]} : vector<16xf32> to vector<1xf32>
        %parallel_loop3A_753 = vector.extract %parallel_loop3A_752[0] : f32 from vector<1xf32>
        %parallel_loop3A_754 = vector.broadcast %parallel_loop3A_753 : f32 to vector<16xf32>
        %parallel_loop3A_755 = arith.constant 0 : i32
        %parallel_loop3A_756 = arith.addi %parallel_loop3A_751, %parallel_loop3A_755 : i32
        %parallel_loop3A_757 = arith.constant 0 : i32
        %parallel_loop3A_758 = arith.constant 0 : i32
        %parallel_loop3A_759 = tpu.memref_slice %arg9[%parallel_loop3A_115, %parallel_loop3A_757, %parallel_loop3A_758] : memref<2x128x128xf32, #tpu.memory_space<vmem>> -> memref<1x128x128xf32, #tpu.memory_space<vmem>>
        %parallel_loop3A_760 = tpu.memref_squeeze %parallel_loop3A_759 : memref<1x128x128xf32, #tpu.memory_space<vmem>> -> memref<128x128xf32, #tpu.memory_space<vmem>>
        %parallel_loop3A_761 = arith.index_cast %parallel_loop3A_749 : i32 to index
        %parallel_loop3A_762 = arith.index_cast %parallel_loop3A_756 : i32 to index
        %parallel_loop3A_763 = tpu.vector_load %parallel_loop3A_760[%parallel_loop3A_761, %parallel_loop3A_762] {strides = array<i32>} : memref<128x128xf32, #tpu.memory_space<vmem>>, vector<16xf32>,
        %parallel_loop3A_764 = arith.mulf %parallel_loop3A_763, %parallel_loop3A_754 : vector<16xf32>
        %parallel_loop3A_765 = arith.constant 0 : i32
        %parallel_loop3A_766 = arith.index_cast %parallel_loop3A_765 : i32 to index
        %parallel_loop3A_767 = arith.index_cast %parallel_loop3A_749 : i32 to index
        %parallel_loop3A_768 = arith.constant 0 : index
        %parallel_loop3A_769 = tpu.vector_load %arg11[%parallel_loop3A_766, %parallel_loop3A_767, %parallel_loop3A_768] {strides = array<i32>} : memref<2x128x64xf32, #tpu.memory_space<vmem>>, vector<16xf32>,
        tpu.vector_store %arg11[%parallel_loop3A_766, %parallel_loop3A_767, %parallel_loop3A_768], %parallel_loop3A_764 {strides = array<i32>} : memref<2x128x64xf32, #tpu.memory_space<vmem>>, vector<16xf32>,
        %parallel_loop3A_770 = arith.constant 16 : i32
        %parallel_loop3A_771 = arith.addi %parallel_loop3A_751, %parallel_loop3A_770 : i32
        %parallel_loop3A_772 = arith.constant 0 : i32
        %parallel_loop3A_773 = arith.constant 0 : i32
        %parallel_loop3A_774 = tpu.memref_slice %arg9[%parallel_loop3A_115, %parallel_loop3A_772, %parallel_loop3A_773] : memref<2x128x128xf32, #tpu.memory_space<vmem>> -> memref<1x128x128xf32, #tpu.memory_space<vmem>>
        %parallel_loop3A_775 = tpu.memref_squeeze %parallel_loop3A_774 : memref<1x128x128xf32, #tpu.memory_space<vmem>> -> memref<128x128xf32, #tpu.memory_space<vmem>>
        %parallel_loop3A_776 = arith.index_cast %parallel_loop3A_749 : i32 to index
        %parallel_loop3A_777 = arith.index_cast %parallel_loop3A_771 : i32 to index
        %parallel_loop3A_778 = tpu.vector_load %parallel_loop3A_775[%parallel_loop3A_776, %parallel_loop3A_777] {strides = array<i32>} : memref<128x128xf32, #tpu.memory_space<vmem>>, vector<16xf32>,
        %parallel_loop3A_779 = arith.mulf %parallel_loop3A_778, %parallel_loop3A_754 : vector<16xf32>
        %parallel_loop3A_780 = arith.constant 0 : i32
        %parallel_loop3A_781 = arith.index_cast %parallel_loop3A_780 : i32 to index
        %parallel_loop3A_782 = arith.index_cast %parallel_loop3A_749 : i32 to index
        %parallel_loop3A_783 = arith.constant 16 : index
        %parallel_loop3A_784 = tpu.vector_load %arg11[%parallel_loop3A_781, %parallel_loop3A_782, %parallel_loop3A_783] {strides = array<i32>} : memref<2x128x64xf32, #tpu.memory_space<vmem>>, vector<16xf32>,
        tpu.vector_store %arg11[%parallel_loop3A_781, %parallel_loop3A_782, %parallel_loop3A_783], %parallel_loop3A_779 {strides = array<i32>} : memref<2x128x64xf32, #tpu.memory_space<vmem>>, vector<16xf32>,
        %parallel_loop3A_785 = arith.constant 32 : i32
        %parallel_loop3A_786 = arith.addi %parallel_loop3A_751, %parallel_loop3A_785 : i32
        %parallel_loop3A_787 = arith.constant 0 : i32
        %parallel_loop3A_788 = arith.constant 0 : i32
        %parallel_loop3A_789 = tpu.memref_slice %arg9[%parallel_loop3A_115, %parallel_loop3A_787, %parallel_loop3A_788] : memref<2x128x128xf32, #tpu.memory_space<vmem>> -> memref<1x128x128xf32, #tpu.memory_space<vmem>>
        %parallel_loop3A_790 = tpu.memref_squeeze %parallel_loop3A_789 : memref<1x128x128xf32, #tpu.memory_space<vmem>> -> memref<128x128xf32, #tpu.memory_space<vmem>>
        %parallel_loop3A_791 = arith.index_cast %parallel_loop3A_749 : i32 to index
        %parallel_loop3A_792 = arith.index_cast %parallel_loop3A_786 : i32 to index
        %parallel_loop3A_793 = tpu.vector_load %parallel_loop3A_790[%parallel_loop3A_791, %parallel_loop3A_792] {strides = array<i32>} : memref<128x128xf32, #tpu.memory_space<vmem>>, vector<16xf32>,
        %parallel_loop3A_794 = arith.mulf %parallel_loop3A_793, %parallel_loop3A_754 : vector<16xf32>
        %parallel_loop3A_795 = arith.constant 0 : i32
        %parallel_loop3A_796 = arith.index_cast %parallel_loop3A_795 : i32 to index
        %parallel_loop3A_797 = arith.index_cast %parallel_loop3A_749 : i32 to index
        %parallel_loop3A_798 = arith.constant 32 : index
        %parallel_loop3A_799 = tpu.vector_load %arg11[%parallel_loop3A_796, %parallel_loop3A_797, %parallel_loop3A_798] {strides = array<i32>} : memref<2x128x64xf32, #tpu.memory_space<vmem>>, vector<16xf32>,
        tpu.vector_store %arg11[%parallel_loop3A_796, %parallel_loop3A_797, %parallel_loop3A_798], %parallel_loop3A_794 {strides = array<i32>} : memref<2x128x64xf32, #tpu.memory_space<vmem>>, vector<16xf32>,
        %parallel_loop3A_800 = arith.constant 48 : i32
        %parallel_loop3A_801 = arith.addi %parallel_loop3A_751, %parallel_loop3A_800 : i32
        %parallel_loop3A_802 = arith.constant 0 : i32
        %parallel_loop3A_803 = arith.constant 0 : i32
        %parallel_loop3A_804 = tpu.memref_slice %arg9[%parallel_loop3A_115, %parallel_loop3A_802, %parallel_loop3A_803] : memref<2x128x128xf32, #tpu.memory_space<vmem>> -> memref<1x128x128xf32, #tpu.memory_space<vmem>>
        %parallel_loop3A_805 = tpu.memref_squeeze %parallel_loop3A_804 : memref<1x128x128xf32, #tpu.memory_space<vmem>> -> memref<128x128xf32, #tpu.memory_space<vmem>>
        %parallel_loop3A_806 = arith.index_cast %parallel_loop3A_749 : i32 to index
        %parallel_loop3A_807 = arith.index_cast %parallel_loop3A_801 : i32 to index
        %parallel_loop3A_808 = tpu.vector_load %parallel_loop3A_805[%parallel_loop3A_806, %parallel_loop3A_807] {strides = array<i32>} : memref<128x128xf32, #tpu.memory_space<vmem>>, vector<16xf32>,
        %parallel_loop3A_809 = arith.mulf %parallel_loop3A_808, %parallel_loop3A_754 : vector<16xf32>
        %parallel_loop3A_810 = arith.constant 0 : i32
        %parallel_loop3A_811 = arith.index_cast %parallel_loop3A_810 : i32 to index
        %parallel_loop3A_812 = arith.index_cast %parallel_loop3A_749 : i32 to index
        %parallel_loop3A_813 = arith.constant 48 : index
        %parallel_loop3A_814 = tpu.vector_load %arg11[%parallel_loop3A_811, %parallel_loop3A_812, %parallel_loop3A_813] {strides = array<i32>} : memref<2x128x64xf32, #tpu.memory_space<vmem>>, vector<16xf32>,
        tpu.vector_store %arg11[%parallel_loop3A_811, %parallel_loop3A_812, %parallel_loop3A_813], %parallel_loop3A_809 {strides = array<i32>} : memref<2x128x64xf32, #tpu.memory_space<vmem>>, vector<16xf32>,
        %parallel_loop3A_815 = arith.constant 9 : i32
        %parallel_loop3A_816 = arith.addi %parallel_loop3A_198, %parallel_loop3A_815 : i32
        %parallel_loop3A_817 = vector.extract_strided_slice %parallel_loop3A_207 {offsets = [9], sizes = [1], strides = [1]} : vector<16xi32> to vector<1xi32>
        %parallel_loop3A_818 = vector.extract %parallel_loop3A_817[0] : i32 from vector<1xi32>
        %parallel_loop3A_819 = vector.extract_strided_slice %parallel_loop3A_211 {offsets = [9], sizes = [1], strides = [1]} : vector<16xf32> to vector<1xf32>
        %parallel_loop3A_820 = vector.extract %parallel_loop3A_819[0] : f32 from vector<1xf32>
        %parallel_loop3A_821 = vector.broadcast %parallel_loop3A_820 : f32 to vector<16xf32>
        %parallel_loop3A_822 = arith.constant 0 : i32
        %parallel_loop3A_823 = arith.addi %parallel_loop3A_818, %parallel_loop3A_822 : i32
        %parallel_loop3A_824 = arith.constant 0 : i32
        %parallel_loop3A_825 = arith.constant 0 : i32
        %parallel_loop3A_826 = tpu.memref_slice %arg9[%parallel_loop3A_115, %parallel_loop3A_824, %parallel_loop3A_825] : memref<2x128x128xf32, #tpu.memory_space<vmem>> -> memref<1x128x128xf32, #tpu.memory_space<vmem>>
        %parallel_loop3A_827 = tpu.memref_squeeze %parallel_loop3A_826 : memref<1x128x128xf32, #tpu.memory_space<vmem>> -> memref<128x128xf32, #tpu.memory_space<vmem>>
        %parallel_loop3A_828 = arith.index_cast %parallel_loop3A_816 : i32 to index
        %parallel_loop3A_829 = arith.index_cast %parallel_loop3A_823 : i32 to index
        %parallel_loop3A_830 = tpu.vector_load %parallel_loop3A_827[%parallel_loop3A_828, %parallel_loop3A_829] {strides = array<i32>} : memref<128x128xf32, #tpu.memory_space<vmem>>, vector<16xf32>,
        %parallel_loop3A_831 = arith.mulf %parallel_loop3A_830, %parallel_loop3A_821 : vector<16xf32>
        %parallel_loop3A_832 = arith.constant 0 : i32
        %parallel_loop3A_833 = arith.index_cast %parallel_loop3A_832 : i32 to index
        %parallel_loop3A_834 = arith.index_cast %parallel_loop3A_816 : i32 to index
        %parallel_loop3A_835 = arith.constant 0 : index
        %parallel_loop3A_836 = tpu.vector_load %arg11[%parallel_loop3A_833, %parallel_loop3A_834, %parallel_loop3A_835] {strides = array<i32>} : memref<2x128x64xf32, #tpu.memory_space<vmem>>, vector<16xf32>,
        tpu.vector_store %arg11[%parallel_loop3A_833, %parallel_loop3A_834, %parallel_loop3A_835], %parallel_loop3A_831 {strides = array<i32>} : memref<2x128x64xf32, #tpu.memory_space<vmem>>, vector<16xf32>,
        %parallel_loop3A_837 = arith.constant 16 : i32
        %parallel_loop3A_838 = arith.addi %parallel_loop3A_818, %parallel_loop3A_837 : i32
        %parallel_loop3A_839 = arith.constant 0 : i32
        %parallel_loop3A_840 = arith.constant 0 : i32
        %parallel_loop3A_841 = tpu.memref_slice %arg9[%parallel_loop3A_115, %parallel_loop3A_839, %parallel_loop3A_840] : memref<2x128x128xf32, #tpu.memory_space<vmem>> -> memref<1x128x128xf32, #tpu.memory_space<vmem>>
        %parallel_loop3A_842 = tpu.memref_squeeze %parallel_loop3A_841 : memref<1x128x128xf32, #tpu.memory_space<vmem>> -> memref<128x128xf32, #tpu.memory_space<vmem>>
        %parallel_loop3A_843 = arith.index_cast %parallel_loop3A_816 : i32 to index
        %parallel_loop3A_844 = arith.index_cast %parallel_loop3A_838 : i32 to index
        %parallel_loop3A_845 = tpu.vector_load %parallel_loop3A_842[%parallel_loop3A_843, %parallel_loop3A_844] {strides = array<i32>} : memref<128x128xf32, #tpu.memory_space<vmem>>, vector<16xf32>,
        %parallel_loop3A_846 = arith.mulf %parallel_loop3A_845, %parallel_loop3A_821 : vector<16xf32>
        %parallel_loop3A_847 = arith.constant 0 : i32
        %parallel_loop3A_848 = arith.index_cast %parallel_loop3A_847 : i32 to index
        %parallel_loop3A_849 = arith.index_cast %parallel_loop3A_816 : i32 to index
        %parallel_loop3A_850 = arith.constant 16 : index
        %parallel_loop3A_851 = tpu.vector_load %arg11[%parallel_loop3A_848, %parallel_loop3A_849, %parallel_loop3A_850] {strides = array<i32>} : memref<2x128x64xf32, #tpu.memory_space<vmem>>, vector<16xf32>,
        tpu.vector_store %arg11[%parallel_loop3A_848, %parallel_loop3A_849, %parallel_loop3A_850], %parallel_loop3A_846 {strides = array<i32>} : memref<2x128x64xf32, #tpu.memory_space<vmem>>, vector<16xf32>,
        %parallel_loop3A_852 = arith.constant 32 : i32
        %parallel_loop3A_853 = arith.addi %parallel_loop3A_818, %parallel_loop3A_852 : i32
        %parallel_loop3A_854 = arith.constant 0 : i32
        %parallel_loop3A_855 = arith.constant 0 : i32
        %parallel_loop3A_856 = tpu.memref_slice %arg9[%parallel_loop3A_115, %parallel_loop3A_854, %parallel_loop3A_855] : memref<2x128x128xf32, #tpu.memory_space<vmem>> -> memref<1x128x128xf32, #tpu.memory_space<vmem>>
        %parallel_loop3A_857 = tpu.memref_squeeze %parallel_loop3A_856 : memref<1x128x128xf32, #tpu.memory_space<vmem>> -> memref<128x128xf32, #tpu.memory_space<vmem>>
        %parallel_loop3A_858 = arith.index_cast %parallel_loop3A_816 : i32 to index
        %parallel_loop3A_859 = arith.index_cast %parallel_loop3A_853 : i32 to index
        %parallel_loop3A_860 = tpu.vector_load %parallel_loop3A_857[%parallel_loop3A_858, %parallel_loop3A_859] {strides = array<i32>} : memref<128x128xf32, #tpu.memory_space<vmem>>, vector<16xf32>,
        %parallel_loop3A_861 = arith.mulf %parallel_loop3A_860, %parallel_loop3A_821 : vector<16xf32>
        %parallel_loop3A_862 = arith.constant 0 : i32
        %parallel_loop3A_863 = arith.index_cast %parallel_loop3A_862 : i32 to index
        %parallel_loop3A_864 = arith.index_cast %parallel_loop3A_816 : i32 to index
        %parallel_loop3A_865 = arith.constant 32 : index
        %parallel_loop3A_866 = tpu.vector_load %arg11[%parallel_loop3A_863, %parallel_loop3A_864, %parallel_loop3A_865] {strides = array<i32>} : memref<2x128x64xf32, #tpu.memory_space<vmem>>, vector<16xf32>,
        tpu.vector_store %arg11[%parallel_loop3A_863, %parallel_loop3A_864, %parallel_loop3A_865], %parallel_loop3A_861 {strides = array<i32>} : memref<2x128x64xf32, #tpu.memory_space<vmem>>, vector<16xf32>,
        %parallel_loop3A_867 = arith.constant 48 : i32
        %parallel_loop3A_868 = arith.addi %parallel_loop3A_818, %parallel_loop3A_867 : i32
        %parallel_loop3A_869 = arith.constant 0 : i32
        %parallel_loop3A_870 = arith.constant 0 : i32
        %parallel_loop3A_871 = tpu.memref_slice %arg9[%parallel_loop3A_115, %parallel_loop3A_869, %parallel_loop3A_870] : memref<2x128x128xf32, #tpu.memory_space<vmem>> -> memref<1x128x128xf32, #tpu.memory_space<vmem>>
        %parallel_loop3A_872 = tpu.memref_squeeze %parallel_loop3A_871 : memref<1x128x128xf32, #tpu.memory_space<vmem>> -> memref<128x128xf32, #tpu.memory_space<vmem>>
        %parallel_loop3A_873 = arith.index_cast %parallel_loop3A_816 : i32 to index
        %parallel_loop3A_874 = arith.index_cast %parallel_loop3A_868 : i32 to index
        %parallel_loop3A_875 = tpu.vector_load %parallel_loop3A_872[%parallel_loop3A_873, %parallel_loop3A_874] {strides = array<i32>} : memref<128x128xf32, #tpu.memory_space<vmem>>, vector<16xf32>,
        %parallel_loop3A_876 = arith.mulf %parallel_loop3A_875, %parallel_loop3A_821 : vector<16xf32>
        %parallel_loop3A_877 = arith.constant 0 : i32
        %parallel_loop3A_878 = arith.index_cast %parallel_loop3A_877 : i32 to index
        %parallel_loop3A_879 = arith.index_cast %parallel_loop3A_816 : i32 to index
        %parallel_loop3A_880 = arith.constant 48 : index
        %parallel_loop3A_881 = tpu.vector_load %arg11[%parallel_loop3A_878, %parallel_loop3A_879, %parallel_loop3A_880] {strides = array<i32>} : memref<2x128x64xf32, #tpu.memory_space<vmem>>, vector<16xf32>,
        tpu.vector_store %arg11[%parallel_loop3A_878, %parallel_loop3A_879, %parallel_loop3A_880], %parallel_loop3A_876 {strides = array<i32>} : memref<2x128x64xf32, #tpu.memory_space<vmem>>, vector<16xf32>,
        %parallel_loop3A_882 = arith.constant 10 : i32
        %parallel_loop3A_883 = arith.addi %parallel_loop3A_198, %parallel_loop3A_882 : i32
        %parallel_loop3A_884 = vector.extract_strided_slice %parallel_loop3A_207 {offsets = [10], sizes = [1], strides = [1]} : vector<16xi32> to vector<1xi32>
        %parallel_loop3A_885 = vector.extract %parallel_loop3A_884[0] : i32 from vector<1xi32>
        %parallel_loop3A_886 = vector.extract_strided_slice %parallel_loop3A_211 {offsets = [10], sizes = [1], strides = [1]} : vector<16xf32> to vector<1xf32>
        %parallel_loop3A_887 = vector.extract %parallel_loop3A_886[0] : f32 from vector<1xf32>
        %parallel_loop3A_888 = vector.broadcast %parallel_loop3A_887 : f32 to vector<16xf32>
        %parallel_loop3A_889 = arith.constant 0 : i32
        %parallel_loop3A_890 = arith.addi %parallel_loop3A_885, %parallel_loop3A_889 : i32
        %parallel_loop3A_891 = arith.constant 0 : i32
        %parallel_loop3A_892 = arith.constant 0 : i32
        %parallel_loop3A_893 = tpu.memref_slice %arg9[%parallel_loop3A_115, %parallel_loop3A_891, %parallel_loop3A_892] : memref<2x128x128xf32, #tpu.memory_space<vmem>> -> memref<1x128x128xf32, #tpu.memory_space<vmem>>
        %parallel_loop3A_894 = tpu.memref_squeeze %parallel_loop3A_893 : memref<1x128x128xf32, #tpu.memory_space<vmem>> -> memref<128x128xf32, #tpu.memory_space<vmem>>
        %parallel_loop3A_895 = arith.index_cast %parallel_loop3A_883 : i32 to index
        %parallel_loop3A_896 = arith.index_cast %parallel_loop3A_890 : i32 to index
        %parallel_loop3A_897 = tpu.vector_load %parallel_loop3A_894[%parallel_loop3A_895, %parallel_loop3A_896] {strides = array<i32>} : memref<128x128xf32, #tpu.memory_space<vmem>>, vector<16xf32>,
        %parallel_loop3A_898 = arith.mulf %parallel_loop3A_897, %parallel_loop3A_888 : vector<16xf32>
        %parallel_loop3A_899 = arith.constant 0 : i32
        %parallel_loop3A_900 = arith.index_cast %parallel_loop3A_899 : i32 to index
        %parallel_loop3A_901 = arith.index_cast %parallel_loop3A_883 : i32 to index
        %parallel_loop3A_902 = arith.constant 0 : index
        %parallel_loop3A_903 = tpu.vector_load %arg11[%parallel_loop3A_900, %parallel_loop3A_901, %parallel_loop3A_902] {strides = array<i32>} : memref<2x128x64xf32, #tpu.memory_space<vmem>>, vector<16xf32>,
        tpu.vector_store %arg11[%parallel_loop3A_900, %parallel_loop3A_901, %parallel_loop3A_902], %parallel_loop3A_898 {strides = array<i32>} : memref<2x128x64xf32, #tpu.memory_space<vmem>>, vector<16xf32>,
        %parallel_loop3A_904 = arith.constant 16 : i32
        %parallel_loop3A_905 = arith.addi %parallel_loop3A_885, %parallel_loop3A_904 : i32
        %parallel_loop3A_906 = arith.constant 0 : i32
        %parallel_loop3A_907 = arith.constant 0 : i32
        %parallel_loop3A_908 = tpu.memref_slice %arg9[%parallel_loop3A_115, %parallel_loop3A_906, %parallel_loop3A_907] : memref<2x128x128xf32, #tpu.memory_space<vmem>> -> memref<1x128x128xf32, #tpu.memory_space<vmem>>
        %parallel_loop3A_909 = tpu.memref_squeeze %parallel_loop3A_908 : memref<1x128x128xf32, #tpu.memory_space<vmem>> -> memref<128x128xf32, #tpu.memory_space<vmem>>
        %parallel_loop3A_910 = arith.index_cast %parallel_loop3A_883 : i32 to index
        %parallel_loop3A_911 = arith.index_cast %parallel_loop3A_905 : i32 to index
        %parallel_loop3A_912 = tpu.vector_load %parallel_loop3A_909[%parallel_loop3A_910, %parallel_loop3A_911] {strides = array<i32>} : memref<128x128xf32, #tpu.memory_space<vmem>>, vector<16xf32>,
        %parallel_loop3A_913 = arith.mulf %parallel_loop3A_912, %parallel_loop3A_888 : vector<16xf32>
        %parallel_loop3A_914 = arith.constant 0 : i32
        %parallel_loop3A_915 = arith.index_cast %parallel_loop3A_914 : i32 to index
        %parallel_loop3A_916 = arith.index_cast %parallel_loop3A_883 : i32 to index
        %parallel_loop3A_917 = arith.constant 16 : index
        %parallel_loop3A_918 = tpu.vector_load %arg11[%parallel_loop3A_915, %parallel_loop3A_916, %parallel_loop3A_917] {strides = array<i32>} : memref<2x128x64xf32, #tpu.memory_space<vmem>>, vector<16xf32>,
        tpu.vector_store %arg11[%parallel_loop3A_915, %parallel_loop3A_916, %parallel_loop3A_917], %parallel_loop3A_913 {strides = array<i32>} : memref<2x128x64xf32, #tpu.memory_space<vmem>>, vector<16xf32>,
        %parallel_loop3A_919 = arith.constant 32 : i32
        %parallel_loop3A_920 = arith.addi %parallel_loop3A_885, %parallel_loop3A_919 : i32
        %parallel_loop3A_921 = arith.constant 0 : i32
        %parallel_loop3A_922 = arith.constant 0 : i32
        %parallel_loop3A_923 = tpu.memref_slice %arg9[%parallel_loop3A_115, %parallel_loop3A_921, %parallel_loop3A_922] : memref<2x128x128xf32, #tpu.memory_space<vmem>> -> memref<1x128x128xf32, #tpu.memory_space<vmem>>
        %parallel_loop3A_924 = tpu.memref_squeeze %parallel_loop3A_923 : memref<1x128x128xf32, #tpu.memory_space<vmem>> -> memref<128x128xf32, #tpu.memory_space<vmem>>
        %parallel_loop3A_925 = arith.index_cast %parallel_loop3A_883 : i32 to index
        %parallel_loop3A_926 = arith.index_cast %parallel_loop3A_920 : i32 to index
        %parallel_loop3A_927 = tpu.vector_load %parallel_loop3A_924[%parallel_loop3A_925, %parallel_loop3A_926] {strides = array<i32>} : memref<128x128xf32, #tpu.memory_space<vmem>>, vector<16xf32>,
        %parallel_loop3A_928 = arith.mulf %parallel_loop3A_927, %parallel_loop3A_888 : vector<16xf32>
        %parallel_loop3A_929 = arith.constant 0 : i32
        %parallel_loop3A_930 = arith.index_cast %parallel_loop3A_929 : i32 to index
        %parallel_loop3A_931 = arith.index_cast %parallel_loop3A_883 : i32 to index
        %parallel_loop3A_932 = arith.constant 32 : index
        %parallel_loop3A_933 = tpu.vector_load %arg11[%parallel_loop3A_930, %parallel_loop3A_931, %parallel_loop3A_932] {strides = array<i32>} : memref<2x128x64xf32, #tpu.memory_space<vmem>>, vector<16xf32>,
        tpu.vector_store %arg11[%parallel_loop3A_930, %parallel_loop3A_931, %parallel_loop3A_932], %parallel_loop3A_928 {strides = array<i32>} : memref<2x128x64xf32, #tpu.memory_space<vmem>>, vector<16xf32>,
        %parallel_loop3A_934 = arith.constant 48 : i32
        %parallel_loop3A_935 = arith.addi %parallel_loop3A_885, %parallel_loop3A_934 : i32
        %parallel_loop3A_936 = arith.constant 0 : i32
        %parallel_loop3A_937 = arith.constant 0 : i32
        %parallel_loop3A_938 = tpu.memref_slice %arg9[%parallel_loop3A_115, %parallel_loop3A_936, %parallel_loop3A_937] : memref<2x128x128xf32, #tpu.memory_space<vmem>> -> memref<1x128x128xf32, #tpu.memory_space<vmem>>
        %parallel_loop3A_939 = tpu.memref_squeeze %parallel_loop3A_938 : memref<1x128x128xf32, #tpu.memory_space<vmem>> -> memref<128x128xf32, #tpu.memory_space<vmem>>
        %parallel_loop3A_940 = arith.index_cast %parallel_loop3A_883 : i32 to index
        %parallel_loop3A_941 = arith.index_cast %parallel_loop3A_935 : i32 to index
        %parallel_loop3A_942 = tpu.vector_load %parallel_loop3A_939[%parallel_loop3A_940, %parallel_loop3A_941] {strides = array<i32>} : memref<128x128xf32, #tpu.memory_space<vmem>>, vector<16xf32>,
        %parallel_loop3A_943 = arith.mulf %parallel_loop3A_942, %parallel_loop3A_888 : vector<16xf32>
        %parallel_loop3A_944 = arith.constant 0 : i32
        %parallel_loop3A_945 = arith.index_cast %parallel_loop3A_944 : i32 to index
        %parallel_loop3A_946 = arith.index_cast %parallel_loop3A_883 : i32 to index
        %parallel_loop3A_947 = arith.constant 48 : index
        %parallel_loop3A_948 = tpu.vector_load %arg11[%parallel_loop3A_945, %parallel_loop3A_946, %parallel_loop3A_947] {strides = array<i32>} : memref<2x128x64xf32, #tpu.memory_space<vmem>>, vector<16xf32>,
        tpu.vector_store %arg11[%parallel_loop3A_945, %parallel_loop3A_946, %parallel_loop3A_947], %parallel_loop3A_943 {strides = array<i32>} : memref<2x128x64xf32, #tpu.memory_space<vmem>>, vector<16xf32>,
        %parallel_loop3A_949 = arith.constant 11 : i32
        %parallel_loop3A_950 = arith.addi %parallel_loop3A_198, %parallel_loop3A_949 : i32
        %parallel_loop3A_951 = vector.extract_strided_slice %parallel_loop3A_207 {offsets = [11], sizes = [1], strides = [1]} : vector<16xi32> to vector<1xi32>
        %parallel_loop3A_952 = vector.extract %parallel_loop3A_951[0] : i32 from vector<1xi32>
        %parallel_loop3A_953 = vector.extract_strided_slice %parallel_loop3A_211 {offsets = [11], sizes = [1], strides = [1]} : vector<16xf32> to vector<1xf32>
        %parallel_loop3A_954 = vector.extract %parallel_loop3A_953[0] : f32 from vector<1xf32>
        %parallel_loop3A_955 = vector.broadcast %parallel_loop3A_954 : f32 to vector<16xf32>
        %parallel_loop3A_956 = arith.constant 0 : i32
        %parallel_loop3A_957 = arith.addi %parallel_loop3A_952, %parallel_loop3A_956 : i32
        %parallel_loop3A_958 = arith.constant 0 : i32
        %parallel_loop3A_959 = arith.constant 0 : i32
        %parallel_loop3A_960 = tpu.memref_slice %arg9[%parallel_loop3A_115, %parallel_loop3A_958, %parallel_loop3A_959] : memref<2x128x128xf32, #tpu.memory_space<vmem>> -> memref<1x128x128xf32, #tpu.memory_space<vmem>>
        %parallel_loop3A_961 = tpu.memref_squeeze %parallel_loop3A_960 : memref<1x128x128xf32, #tpu.memory_space<vmem>> -> memref<128x128xf32, #tpu.memory_space<vmem>>
        %parallel_loop3A_962 = arith.index_cast %parallel_loop3A_950 : i32 to index
        %parallel_loop3A_963 = arith.index_cast %parallel_loop3A_957 : i32 to index
        %parallel_loop3A_964 = tpu.vector_load %parallel_loop3A_961[%parallel_loop3A_962, %parallel_loop3A_963] {strides = array<i32>} : memref<128x128xf32, #tpu.memory_space<vmem>>, vector<16xf32>,
        %parallel_loop3A_965 = arith.mulf %parallel_loop3A_964, %parallel_loop3A_955 : vector<16xf32>
        %parallel_loop3A_966 = arith.constant 0 : i32
        %parallel_loop3A_967 = arith.index_cast %parallel_loop3A_966 : i32 to index
        %parallel_loop3A_968 = arith.index_cast %parallel_loop3A_950 : i32 to index
        %parallel_loop3A_969 = arith.constant 0 : index
        %parallel_loop3A_970 = tpu.vector_load %arg11[%parallel_loop3A_967, %parallel_loop3A_968, %parallel_loop3A_969] {strides = array<i32>} : memref<2x128x64xf32, #tpu.memory_space<vmem>>, vector<16xf32>,
        tpu.vector_store %arg11[%parallel_loop3A_967, %parallel_loop3A_968, %parallel_loop3A_969], %parallel_loop3A_965 {strides = array<i32>} : memref<2x128x64xf32, #tpu.memory_space<vmem>>, vector<16xf32>,
        %parallel_loop3A_971 = arith.constant 16 : i32
        %parallel_loop3A_972 = arith.addi %parallel_loop3A_952, %parallel_loop3A_971 : i32
        %parallel_loop3A_973 = arith.constant 0 : i32
        %parallel_loop3A_974 = arith.constant 0 : i32
        %parallel_loop3A_975 = tpu.memref_slice %arg9[%parallel_loop3A_115, %parallel_loop3A_973, %parallel_loop3A_974] : memref<2x128x128xf32, #tpu.memory_space<vmem>> -> memref<1x128x128xf32, #tpu.memory_space<vmem>>
        %parallel_loop3A_976 = tpu.memref_squeeze %parallel_loop3A_975 : memref<1x128x128xf32, #tpu.memory_space<vmem>> -> memref<128x128xf32, #tpu.memory_space<vmem>>
        %parallel_loop3A_977 = arith.index_cast %parallel_loop3A_950 : i32 to index
        %parallel_loop3A_978 = arith.index_cast %parallel_loop3A_972 : i32 to index
        %parallel_loop3A_979 = tpu.vector_load %parallel_loop3A_976[%parallel_loop3A_977, %parallel_loop3A_978] {strides = array<i32>} : memref<128x128xf32, #tpu.memory_space<vmem>>, vector<16xf32>,
        %parallel_loop3A_980 = arith.mulf %parallel_loop3A_979, %parallel_loop3A_955 : vector<16xf32>
        %parallel_loop3A_981 = arith.constant 0 : i32
        %parallel_loop3A_982 = arith.index_cast %parallel_loop3A_981 : i32 to index
        %parallel_loop3A_983 = arith.index_cast %parallel_loop3A_950 : i32 to index
        %parallel_loop3A_984 = arith.constant 16 : index
        %parallel_loop3A_985 = tpu.vector_load %arg11[%parallel_loop3A_982, %parallel_loop3A_983, %parallel_loop3A_984] {strides = array<i32>} : memref<2x128x64xf32, #tpu.memory_space<vmem>>, vector<16xf32>,
        tpu.vector_store %arg11[%parallel_loop3A_982, %parallel_loop3A_983, %parallel_loop3A_984], %parallel_loop3A_980 {strides = array<i32>} : memref<2x128x64xf32, #tpu.memory_space<vmem>>, vector<16xf32>,
        %parallel_loop3A_986 = arith.constant 32 : i32
        %parallel_loop3A_987 = arith.addi %parallel_loop3A_952, %parallel_loop3A_986 : i32
        %parallel_loop3A_988 = arith.constant 0 : i32
        %parallel_loop3A_989 = arith.constant 0 : i32
        %parallel_loop3A_990 = tpu.memref_slice %arg9[%parallel_loop3A_115, %parallel_loop3A_988, %parallel_loop3A_989] : memref<2x128x128xf32, #tpu.memory_space<vmem>> -> memref<1x128x128xf32, #tpu.memory_space<vmem>>
        %parallel_loop3A_991 = tpu.memref_squeeze %parallel_loop3A_990 : memref<1x128x128xf32, #tpu.memory_space<vmem>> -> memref<128x128xf32, #tpu.memory_space<vmem>>
        %parallel_loop3A_992 = arith.index_cast %parallel_loop3A_950 : i32 to index
        %parallel_loop3A_993 = arith.index_cast %parallel_loop3A_987 : i32 to index
        %parallel_loop3A_994 = tpu.vector_load %parallel_loop3A_991[%parallel_loop3A_992, %parallel_loop3A_993] {strides = array<i32>} : memref<128x128xf32, #tpu.memory_space<vmem>>, vector<16xf32>,
        %parallel_loop3A_995 = arith.mulf %parallel_loop3A_994, %parallel_loop3A_955 : vector<16xf32>
        %parallel_loop3A_996 = arith.constant 0 : i32
        %parallel_loop3A_997 = arith.index_cast %parallel_loop3A_996 : i32 to index
        %parallel_loop3A_998 = arith.index_cast %parallel_loop3A_950 : i32 to index
        %parallel_loop3A_999 = arith.constant 32 : index
        %parallel_loop3A_1000 = tpu.vector_load %arg11[%parallel_loop3A_997, %parallel_loop3A_998, %parallel_loop3A_999] {strides = array<i32>} : memref<2x128x64xf32, #tpu.memory_space<vmem>>, vector<16xf32>,
        tpu.vector_store %arg11[%parallel_loop3A_997, %parallel_loop3A_998, %parallel_loop3A_999], %parallel_loop3A_995 {strides = array<i32>} : memref<2x128x64xf32, #tpu.memory_space<vmem>>, vector<16xf32>,
        %parallel_loop3A_1001 = arith.constant 48 : i32
        %parallel_loop3A_1002 = arith.addi %parallel_loop3A_952, %parallel_loop3A_1001 : i32
        %parallel_loop3A_1003 = arith.constant 0 : i32
        %parallel_loop3A_1004 = arith.constant 0 : i32
        %parallel_loop3A_1005 = tpu.memref_slice %arg9[%parallel_loop3A_115, %parallel_loop3A_1003, %parallel_loop3A_1004] : memref<2x128x128xf32, #tpu.memory_space<vmem>> -> memref<1x128x128xf32, #tpu.memory_space<vmem>>
        %parallel_loop3A_1006 = tpu.memref_squeeze %parallel_loop3A_1005 : memref<1x128x128xf32, #tpu.memory_space<vmem>> -> memref<128x128xf32, #tpu.memory_space<vmem>>
        %parallel_loop3A_1007 = arith.index_cast %parallel_loop3A_950 : i32 to index
        %parallel_loop3A_1008 = arith.index_cast %parallel_loop3A_1002 : i32 to index
        %parallel_loop3A_1009 = tpu.vector_load %parallel_loop3A_1006[%parallel_loop3A_1007, %parallel_loop3A_1008] {strides = array<i32>} : memref<128x128xf32, #tpu.memory_space<vmem>>, vector<16xf32>,
        %parallel_loop3A_1010 = arith.mulf %parallel_loop3A_1009, %parallel_loop3A_955 : vector<16xf32>
        %parallel_loop3A_1011 = arith.constant 0 : i32
        %parallel_loop3A_1012 = arith.index_cast %parallel_loop3A_1011 : i32 to index
        %parallel_loop3A_1013 = arith.index_cast %parallel_loop3A_950 : i32 to index
        %parallel_loop3A_1014 = arith.constant 48 : index
        %parallel_loop3A_1015 = tpu.vector_load %arg11[%parallel_loop3A_1012, %parallel_loop3A_1013, %parallel_loop3A_1014] {strides = array<i32>} : memref<2x128x64xf32, #tpu.memory_space<vmem>>, vector<16xf32>,
        tpu.vector_store %arg11[%parallel_loop3A_1012, %parallel_loop3A_1013, %parallel_loop3A_1014], %parallel_loop3A_1010 {strides = array<i32>} : memref<2x128x64xf32, #tpu.memory_space<vmem>>, vector<16xf32>,
        %parallel_loop3A_1016 = arith.constant 12 : i32
        %parallel_loop3A_1017 = arith.addi %parallel_loop3A_198, %parallel_loop3A_1016 : i32
        %parallel_loop3A_1018 = vector.extract_strided_slice %parallel_loop3A_207 {offsets = [12], sizes = [1], strides = [1]} : vector<16xi32> to vector<1xi32>
        %parallel_loop3A_1019 = vector.extract %parallel_loop3A_1018[0] : i32 from vector<1xi32>
        %parallel_loop3A_1020 = vector.extract_strided_slice %parallel_loop3A_211 {offsets = [12], sizes = [1], strides = [1]} : vector<16xf32> to vector<1xf32>
        %parallel_loop3A_1021 = vector.extract %parallel_loop3A_1020[0] : f32 from vector<1xf32>
        %parallel_loop3A_1022 = vector.broadcast %parallel_loop3A_1021 : f32 to vector<16xf32>
        %parallel_loop3A_1023 = arith.constant 0 : i32
        %parallel_loop3A_1024 = arith.addi %parallel_loop3A_1019, %parallel_loop3A_1023 : i32
        %parallel_loop3A_1025 = arith.constant 0 : i32
        %parallel_loop3A_1026 = arith.constant 0 : i32
        %parallel_loop3A_1027 = tpu.memref_slice %arg9[%parallel_loop3A_115, %parallel_loop3A_1025, %parallel_loop3A_1026] : memref<2x128x128xf32, #tpu.memory_space<vmem>> -> memref<1x128x128xf32, #tpu.memory_space<vmem>>
        %parallel_loop3A_1028 = tpu.memref_squeeze %parallel_loop3A_1027 : memref<1x128x128xf32, #tpu.memory_space<vmem>> -> memref<128x128xf32, #tpu.memory_space<vmem>>
        %parallel_loop3A_1029 = arith.index_cast %parallel_loop3A_1017 : i32 to index
        %parallel_loop3A_1030 = arith.index_cast %parallel_loop3A_1024 : i32 to index
        %parallel_loop3A_1031 = tpu.vector_load %parallel_loop3A_1028[%parallel_loop3A_1029, %parallel_loop3A_1030] {strides = array<i32>} : memref<128x128xf32, #tpu.memory_space<vmem>>, vector<16xf32>,
        %parallel_loop3A_1032 = arith.mulf %parallel_loop3A_1031, %parallel_loop3A_1022 : vector<16xf32>
        %parallel_loop3A_1033 = arith.constant 0 : i32
        %parallel_loop3A_1034 = arith.index_cast %parallel_loop3A_1033 : i32 to index
        %parallel_loop3A_1035 = arith.index_cast %parallel_loop3A_1017 : i32 to index
        %parallel_loop3A_1036 = arith.constant 0 : index
        %parallel_loop3A_1037 = tpu.vector_load %arg11[%parallel_loop3A_1034, %parallel_loop3A_1035, %parallel_loop3A_1036] {strides = array<i32>} : memref<2x128x64xf32, #tpu.memory_space<vmem>>, vector<16xf32>,
        tpu.vector_store %arg11[%parallel_loop3A_1034, %parallel_loop3A_1035, %parallel_loop3A_1036], %parallel_loop3A_1032 {strides = array<i32>} : memref<2x128x64xf32, #tpu.memory_space<vmem>>, vector<16xf32>,
        %parallel_loop3A_1038 = arith.constant 16 : i32
        %parallel_loop3A_1039 = arith.addi %parallel_loop3A_1019, %parallel_loop3A_1038 : i32
        %parallel_loop3A_1040 = arith.constant 0 : i32
        %parallel_loop3A_1041 = arith.constant 0 : i32
        %parallel_loop3A_1042 = tpu.memref_slice %arg9[%parallel_loop3A_115, %parallel_loop3A_1040, %parallel_loop3A_1041] : memref<2x128x128xf32, #tpu.memory_space<vmem>> -> memref<1x128x128xf32, #tpu.memory_space<vmem>>
        %parallel_loop3A_1043 = tpu.memref_squeeze %parallel_loop3A_1042 : memref<1x128x128xf32, #tpu.memory_space<vmem>> -> memref<128x128xf32, #tpu.memory_space<vmem>>
        %parallel_loop3A_1044 = arith.index_cast %parallel_loop3A_1017 : i32 to index
        %parallel_loop3A_1045 = arith.index_cast %parallel_loop3A_1039 : i32 to index
        %parallel_loop3A_1046 = tpu.vector_load %parallel_loop3A_1043[%parallel_loop3A_1044, %parallel_loop3A_1045] {strides = array<i32>} : memref<128x128xf32, #tpu.memory_space<vmem>>, vector<16xf32>,
        %parallel_loop3A_1047 = arith.mulf %parallel_loop3A_1046, %parallel_loop3A_1022 : vector<16xf32>
        %parallel_loop3A_1048 = arith.constant 0 : i32
        %parallel_loop3A_1049 = arith.index_cast %parallel_loop3A_1048 : i32 to index
        %parallel_loop3A_1050 = arith.index_cast %parallel_loop3A_1017 : i32 to index
        %parallel_loop3A_1051 = arith.constant 16 : index
        %parallel_loop3A_1052 = tpu.vector_load %arg11[%parallel_loop3A_1049, %parallel_loop3A_1050, %parallel_loop3A_1051] {strides = array<i32>} : memref<2x128x64xf32, #tpu.memory_space<vmem>>, vector<16xf32>,
        tpu.vector_store %arg11[%parallel_loop3A_1049, %parallel_loop3A_1050, %parallel_loop3A_1051], %parallel_loop3A_1047 {strides = array<i32>} : memref<2x128x64xf32, #tpu.memory_space<vmem>>, vector<16xf32>,
        %parallel_loop3A_1053 = arith.constant 32 : i32
        %parallel_loop3A_1054 = arith.addi %parallel_loop3A_1019, %parallel_loop3A_1053 : i32
        %parallel_loop3A_1055 = arith.constant 0 : i32
        %parallel_loop3A_1056 = arith.constant 0 : i32
        %parallel_loop3A_1057 = tpu.memref_slice %arg9[%parallel_loop3A_115, %parallel_loop3A_1055, %parallel_loop3A_1056] : memref<2x128x128xf32, #tpu.memory_space<vmem>> -> memref<1x128x128xf32, #tpu.memory_space<vmem>>
        %parallel_loop3A_1058 = tpu.memref_squeeze %parallel_loop3A_1057 : memref<1x128x128xf32, #tpu.memory_space<vmem>> -> memref<128x128xf32, #tpu.memory_space<vmem>>
        %parallel_loop3A_1059 = arith.index_cast %parallel_loop3A_1017 : i32 to index
        %parallel_loop3A_1060 = arith.index_cast %parallel_loop3A_1054 : i32 to index
        %parallel_loop3A_1061 = tpu.vector_load %parallel_loop3A_1058[%parallel_loop3A_1059, %parallel_loop3A_1060] {strides = array<i32>} : memref<128x128xf32, #tpu.memory_space<vmem>>, vector<16xf32>,
        %parallel_loop3A_1062 = arith.mulf %parallel_loop3A_1061, %parallel_loop3A_1022 : vector<16xf32>
        %parallel_loop3A_1063 = arith.constant 0 : i32
        %parallel_loop3A_1064 = arith.index_cast %parallel_loop3A_1063 : i32 to index
        %parallel_loop3A_1065 = arith.index_cast %parallel_loop3A_1017 : i32 to index
        %parallel_loop3A_1066 = arith.constant 32 : index
        %parallel_loop3A_1067 = tpu.vector_load %arg11[%parallel_loop3A_1064, %parallel_loop3A_1065, %parallel_loop3A_1066] {strides = array<i32>} : memref<2x128x64xf32, #tpu.memory_space<vmem>>, vector<16xf32>,
        tpu.vector_store %arg11[%parallel_loop3A_1064, %parallel_loop3A_1065, %parallel_loop3A_1066], %parallel_loop3A_1062 {strides = array<i32>} : memref<2x128x64xf32, #tpu.memory_space<vmem>>, vector<16xf32>,
        %parallel_loop3A_1068 = arith.constant 48 : i32
        %parallel_loop3A_1069 = arith.addi %parallel_loop3A_1019, %parallel_loop3A_1068 : i32
        %parallel_loop3A_1070 = arith.constant 0 : i32
        %parallel_loop3A_1071 = arith.constant 0 : i32
        %parallel_loop3A_1072 = tpu.memref_slice %arg9[%parallel_loop3A_115, %parallel_loop3A_1070, %parallel_loop3A_1071] : memref<2x128x128xf32, #tpu.memory_space<vmem>> -> memref<1x128x128xf32, #tpu.memory_space<vmem>>
        %parallel_loop3A_1073 = tpu.memref_squeeze %parallel_loop3A_1072 : memref<1x128x128xf32, #tpu.memory_space<vmem>> -> memref<128x128xf32, #tpu.memory_space<vmem>>
        %parallel_loop3A_1074 = arith.index_cast %parallel_loop3A_1017 : i32 to index
        %parallel_loop3A_1075 = arith.index_cast %parallel_loop3A_1069 : i32 to index
        %parallel_loop3A_1076 = tpu.vector_load %parallel_loop3A_1073[%parallel_loop3A_1074, %parallel_loop3A_1075] {strides = array<i32>} : memref<128x128xf32, #tpu.memory_space<vmem>>, vector<16xf32>,
        %parallel_loop3A_1077 = arith.mulf %parallel_loop3A_1076, %parallel_loop3A_1022 : vector<16xf32>
        %parallel_loop3A_1078 = arith.constant 0 : i32
        %parallel_loop3A_1079 = arith.index_cast %parallel_loop3A_1078 : i32 to index
        %parallel_loop3A_1080 = arith.index_cast %parallel_loop3A_1017 : i32 to index
        %parallel_loop3A_1081 = arith.constant 48 : index
        %parallel_loop3A_1082 = tpu.vector_load %arg11[%parallel_loop3A_1079, %parallel_loop3A_1080, %parallel_loop3A_1081] {strides = array<i32>} : memref<2x128x64xf32, #tpu.memory_space<vmem>>, vector<16xf32>,
        tpu.vector_store %arg11[%parallel_loop3A_1079, %parallel_loop3A_1080, %parallel_loop3A_1081], %parallel_loop3A_1077 {strides = array<i32>} : memref<2x128x64xf32, #tpu.memory_space<vmem>>, vector<16xf32>,
        %parallel_loop3A_1083 = arith.constant 13 : i32
        %parallel_loop3A_1084 = arith.addi %parallel_loop3A_198, %parallel_loop3A_1083 : i32
        %parallel_loop3A_1085 = vector.extract_strided_slice %parallel_loop3A_207 {offsets = [13], sizes = [1], strides = [1]} : vector<16xi32> to vector<1xi32>
        %parallel_loop3A_1086 = vector.extract %parallel_loop3A_1085[0] : i32 from vector<1xi32>
        %parallel_loop3A_1087 = vector.extract_strided_slice %parallel_loop3A_211 {offsets = [13], sizes = [1], strides = [1]} : vector<16xf32> to vector<1xf32>
        %parallel_loop3A_1088 = vector.extract %parallel_loop3A_1087[0] : f32 from vector<1xf32>
        %parallel_loop3A_1089 = vector.broadcast %parallel_loop3A_1088 : f32 to vector<16xf32>
        %parallel_loop3A_1090 = arith.constant 0 : i32
        %parallel_loop3A_1091 = arith.addi %parallel_loop3A_1086, %parallel_loop3A_1090 : i32
        %parallel_loop3A_1092 = arith.constant 0 : i32
        %parallel_loop3A_1093 = arith.constant 0 : i32
        %parallel_loop3A_1094 = tpu.memref_slice %arg9[%parallel_loop3A_115, %parallel_loop3A_1092, %parallel_loop3A_1093] : memref<2x128x128xf32, #tpu.memory_space<vmem>> -> memref<1x128x128xf32, #tpu.memory_space<vmem>>
        %parallel_loop3A_1095 = tpu.memref_squeeze %parallel_loop3A_1094 : memref<1x128x128xf32, #tpu.memory_space<vmem>> -> memref<128x128xf32, #tpu.memory_space<vmem>>
        %parallel_loop3A_1096 = arith.index_cast %parallel_loop3A_1084 : i32 to index
        %parallel_loop3A_1097 = arith.index_cast %parallel_loop3A_1091 : i32 to index
        %parallel_loop3A_1098 = tpu.vector_load %parallel_loop3A_1095[%parallel_loop3A_1096, %parallel_loop3A_1097] {strides = array<i32>} : memref<128x128xf32, #tpu.memory_space<vmem>>, vector<16xf32>,
        %parallel_loop3A_1099 = arith.mulf %parallel_loop3A_1098, %parallel_loop3A_1089 : vector<16xf32>
        %parallel_loop3A_1100 = arith.constant 0 : i32
        %parallel_loop3A_1101 = arith.index_cast %parallel_loop3A_1100 : i32 to index
        %parallel_loop3A_1102 = arith.index_cast %parallel_loop3A_1084 : i32 to index
        %parallel_loop3A_1103 = arith.constant 0 : index
        %parallel_loop3A_1104 = tpu.vector_load %arg11[%parallel_loop3A_1101, %parallel_loop3A_1102, %parallel_loop3A_1103] {strides = array<i32>} : memref<2x128x64xf32, #tpu.memory_space<vmem>>, vector<16xf32>,
        tpu.vector_store %arg11[%parallel_loop3A_1101, %parallel_loop3A_1102, %parallel_loop3A_1103], %parallel_loop3A_1099 {strides = array<i32>} : memref<2x128x64xf32, #tpu.memory_space<vmem>>, vector<16xf32>,
        %parallel_loop3A_1105 = arith.constant 16 : i32
        %parallel_loop3A_1106 = arith.addi %parallel_loop3A_1086, %parallel_loop3A_1105 : i32
        %parallel_loop3A_1107 = arith.constant 0 : i32
        %parallel_loop3A_1108 = arith.constant 0 : i32
        %parallel_loop3A_1109 = tpu.memref_slice %arg9[%parallel_loop3A_115, %parallel_loop3A_1107, %parallel_loop3A_1108] : memref<2x128x128xf32, #tpu.memory_space<vmem>> -> memref<1x128x128xf32, #tpu.memory_space<vmem>>
        %parallel_loop3A_1110 = tpu.memref_squeeze %parallel_loop3A_1109 : memref<1x128x128xf32, #tpu.memory_space<vmem>> -> memref<128x128xf32, #tpu.memory_space<vmem>>
        %parallel_loop3A_1111 = arith.index_cast %parallel_loop3A_1084 : i32 to index
        %parallel_loop3A_1112 = arith.index_cast %parallel_loop3A_1106 : i32 to index
        %parallel_loop3A_1113 = tpu.vector_load %parallel_loop3A_1110[%parallel_loop3A_1111, %parallel_loop3A_1112] {strides = array<i32>} : memref<128x128xf32, #tpu.memory_space<vmem>>, vector<16xf32>,
        %parallel_loop3A_1114 = arith.mulf %parallel_loop3A_1113, %parallel_loop3A_1089 : vector<16xf32>
        %parallel_loop3A_1115 = arith.constant 0 : i32
        %parallel_loop3A_1116 = arith.index_cast %parallel_loop3A_1115 : i32 to index
        %parallel_loop3A_1117 = arith.index_cast %parallel_loop3A_1084 : i32 to index
        %parallel_loop3A_1118 = arith.constant 16 : index
        %parallel_loop3A_1119 = tpu.vector_load %arg11[%parallel_loop3A_1116, %parallel_loop3A_1117, %parallel_loop3A_1118] {strides = array<i32>} : memref<2x128x64xf32, #tpu.memory_space<vmem>>, vector<16xf32>,
        tpu.vector_store %arg11[%parallel_loop3A_1116, %parallel_loop3A_1117, %parallel_loop3A_1118], %parallel_loop3A_1114 {strides = array<i32>} : memref<2x128x64xf32, #tpu.memory_space<vmem>>, vector<16xf32>,
        %parallel_loop3A_1120 = arith.constant 32 : i32
        %parallel_loop3A_1121 = arith.addi %parallel_loop3A_1086, %parallel_loop3A_1120 : i32
        %parallel_loop3A_1122 = arith.constant 0 : i32
        %parallel_loop3A_1123 = arith.constant 0 : i32
        %parallel_loop3A_1124 = tpu.memref_slice %arg9[%parallel_loop3A_115, %parallel_loop3A_1122, %parallel_loop3A_1123] : memref<2x128x128xf32, #tpu.memory_space<vmem>> -> memref<1x128x128xf32, #tpu.memory_space<vmem>>
        %parallel_loop3A_1125 = tpu.memref_squeeze %parallel_loop3A_1124 : memref<1x128x128xf32, #tpu.memory_space<vmem>> -> memref<128x128xf32, #tpu.memory_space<vmem>>
        %parallel_loop3A_1126 = arith.index_cast %parallel_loop3A_1084 : i32 to index
        %parallel_loop3A_1127 = arith.index_cast %parallel_loop3A_1121 : i32 to index
        %parallel_loop3A_1128 = tpu.vector_load %parallel_loop3A_1125[%parallel_loop3A_1126, %parallel_loop3A_1127] {strides = array<i32>} : memref<128x128xf32, #tpu.memory_space<vmem>>, vector<16xf32>,
        %parallel_loop3A_1129 = arith.mulf %parallel_loop3A_1128, %parallel_loop3A_1089 : vector<16xf32>
        %parallel_loop3A_1130 = arith.constant 0 : i32
        %parallel_loop3A_1131 = arith.index_cast %parallel_loop3A_1130 : i32 to index
        %parallel_loop3A_1132 = arith.index_cast %parallel_loop3A_1084 : i32 to index
        %parallel_loop3A_1133 = arith.constant 32 : index
        %parallel_loop3A_1134 = tpu.vector_load %arg11[%parallel_loop3A_1131, %parallel_loop3A_1132, %parallel_loop3A_1133] {strides = array<i32>} : memref<2x128x64xf32, #tpu.memory_space<vmem>>, vector<16xf32>,
        tpu.vector_store %arg11[%parallel_loop3A_1131, %parallel_loop3A_1132, %parallel_loop3A_1133], %parallel_loop3A_1129 {strides = array<i32>} : memref<2x128x64xf32, #tpu.memory_space<vmem>>, vector<16xf32>,
        %parallel_loop3A_1135 = arith.constant 48 : i32
        %parallel_loop3A_1136 = arith.addi %parallel_loop3A_1086, %parallel_loop3A_1135 : i32
        %parallel_loop3A_1137 = arith.constant 0 : i32
        %parallel_loop3A_1138 = arith.constant 0 : i32
        %parallel_loop3A_1139 = tpu.memref_slice %arg9[%parallel_loop3A_115, %parallel_loop3A_1137, %parallel_loop3A_1138] : memref<2x128x128xf32, #tpu.memory_space<vmem>> -> memref<1x128x128xf32, #tpu.memory_space<vmem>>
        %parallel_loop3A_1140 = tpu.memref_squeeze %parallel_loop3A_1139 : memref<1x128x128xf32, #tpu.memory_space<vmem>> -> memref<128x128xf32, #tpu.memory_space<vmem>>
        %parallel_loop3A_1141 = arith.index_cast %parallel_loop3A_1084 : i32 to index
        %parallel_loop3A_1142 = arith.index_cast %parallel_loop3A_1136 : i32 to index
        %parallel_loop3A_1143 = tpu.vector_load %parallel_loop3A_1140[%parallel_loop3A_1141, %parallel_loop3A_1142] {strides = array<i32>} : memref<128x128xf32, #tpu.memory_space<vmem>>, vector<16xf32>,
        %parallel_loop3A_1144 = arith.mulf %parallel_loop3A_1143, %parallel_loop3A_1089 : vector<16xf32>
        %parallel_loop3A_1145 = arith.constant 0 : i32
        %parallel_loop3A_1146 = arith.index_cast %parallel_loop3A_1145 : i32 to index
        %parallel_loop3A_1147 = arith.index_cast %parallel_loop3A_1084 : i32 to index
        %parallel_loop3A_1148 = arith.constant 48 : index
        %parallel_loop3A_1149 = tpu.vector_load %arg11[%parallel_loop3A_1146, %parallel_loop3A_1147, %parallel_loop3A_1148] {strides = array<i32>} : memref<2x128x64xf32, #tpu.memory_space<vmem>>, vector<16xf32>,
        tpu.vector_store %arg11[%parallel_loop3A_1146, %parallel_loop3A_1147, %parallel_loop3A_1148], %parallel_loop3A_1144 {strides = array<i32>} : memref<2x128x64xf32, #tpu.memory_space<vmem>>, vector<16xf32>,
        %parallel_loop3A_1150 = arith.constant 14 : i32
        %parallel_loop3A_1151 = arith.addi %parallel_loop3A_198, %parallel_loop3A_1150 : i32
        %parallel_loop3A_1152 = vector.extract_strided_slice %parallel_loop3A_207 {offsets = [14], sizes = [1], strides = [1]} : vector<16xi32> to vector<1xi32>
        %parallel_loop3A_1153 = vector.extract %parallel_loop3A_1152[0] : i32 from vector<1xi32>
        %parallel_loop3A_1154 = vector.extract_strided_slice %parallel_loop3A_211 {offsets = [14], sizes = [1], strides = [1]} : vector<16xf32> to vector<1xf32>
        %parallel_loop3A_1155 = vector.extract %parallel_loop3A_1154[0] : f32 from vector<1xf32>
        %parallel_loop3A_1156 = vector.broadcast %parallel_loop3A_1155 : f32 to vector<16xf32>
        %parallel_loop3A_1157 = arith.constant 0 : i32
        %parallel_loop3A_1158 = arith.addi %parallel_loop3A_1153, %parallel_loop3A_1157 : i32
        %parallel_loop3A_1159 = arith.constant 0 : i32
        %parallel_loop3A_1160 = arith.constant 0 : i32
        %parallel_loop3A_1161 = tpu.memref_slice %arg9[%parallel_loop3A_115, %parallel_loop3A_1159, %parallel_loop3A_1160] : memref<2x128x128xf32, #tpu.memory_space<vmem>> -> memref<1x128x128xf32, #tpu.memory_space<vmem>>
        %parallel_loop3A_1162 = tpu.memref_squeeze %parallel_loop3A_1161 : memref<1x128x128xf32, #tpu.memory_space<vmem>> -> memref<128x128xf32, #tpu.memory_space<vmem>>
        %parallel_loop3A_1163 = arith.index_cast %parallel_loop3A_1151 : i32 to index
        %parallel_loop3A_1164 = arith.index_cast %parallel_loop3A_1158 : i32 to index
        %parallel_loop3A_1165 = tpu.vector_load %parallel_loop3A_1162[%parallel_loop3A_1163, %parallel_loop3A_1164] {strides = array<i32>} : memref<128x128xf32, #tpu.memory_space<vmem>>, vector<16xf32>,
        %parallel_loop3A_1166 = arith.mulf %parallel_loop3A_1165, %parallel_loop3A_1156 : vector<16xf32>
        %parallel_loop3A_1167 = arith.constant 0 : i32
        %parallel_loop3A_1168 = arith.index_cast %parallel_loop3A_1167 : i32 to index
        %parallel_loop3A_1169 = arith.index_cast %parallel_loop3A_1151 : i32 to index
        %parallel_loop3A_1170 = arith.constant 0 : index
        %parallel_loop3A_1171 = tpu.vector_load %arg11[%parallel_loop3A_1168, %parallel_loop3A_1169, %parallel_loop3A_1170] {strides = array<i32>} : memref<2x128x64xf32, #tpu.memory_space<vmem>>, vector<16xf32>,
        tpu.vector_store %arg11[%parallel_loop3A_1168, %parallel_loop3A_1169, %parallel_loop3A_1170], %parallel_loop3A_1166 {strides = array<i32>} : memref<2x128x64xf32, #tpu.memory_space<vmem>>, vector<16xf32>,
        %parallel_loop3A_1172 = arith.constant 16 : i32
        %parallel_loop3A_1173 = arith.addi %parallel_loop3A_1153, %parallel_loop3A_1172 : i32
        %parallel_loop3A_1174 = arith.constant 0 : i32
        %parallel_loop3A_1175 = arith.constant 0 : i32
        %parallel_loop3A_1176 = tpu.memref_slice %arg9[%parallel_loop3A_115, %parallel_loop3A_1174, %parallel_loop3A_1175] : memref<2x128x128xf32, #tpu.memory_space<vmem>> -> memref<1x128x128xf32, #tpu.memory_space<vmem>>
        %parallel_loop3A_1177 = tpu.memref_squeeze %parallel_loop3A_1176 : memref<1x128x128xf32, #tpu.memory_space<vmem>> -> memref<128x128xf32, #tpu.memory_space<vmem>>
        %parallel_loop3A_1178 = arith.index_cast %parallel_loop3A_1151 : i32 to index
        %parallel_loop3A_1179 = arith.index_cast %parallel_loop3A_1173 : i32 to index
        %parallel_loop3A_1180 = tpu.vector_load %parallel_loop3A_1177[%parallel_loop3A_1178, %parallel_loop3A_1179] {strides = array<i32>} : memref<128x128xf32, #tpu.memory_space<vmem>>, vector<16xf32>,
        %parallel_loop3A_1181 = arith.mulf %parallel_loop3A_1180, %parallel_loop3A_1156 : vector<16xf32>
        %parallel_loop3A_1182 = arith.constant 0 : i32
        %parallel_loop3A_1183 = arith.index_cast %parallel_loop3A_1182 : i32 to index
        %parallel_loop3A_1184 = arith.index_cast %parallel_loop3A_1151 : i32 to index
        %parallel_loop3A_1185 = arith.constant 16 : index
        %parallel_loop3A_1186 = tpu.vector_load %arg11[%parallel_loop3A_1183, %parallel_loop3A_1184, %parallel_loop3A_1185] {strides = array<i32>} : memref<2x128x64xf32, #tpu.memory_space<vmem>>, vector<16xf32>,
        tpu.vector_store %arg11[%parallel_loop3A_1183, %parallel_loop3A_1184, %parallel_loop3A_1185], %parallel_loop3A_1181 {strides = array<i32>} : memref<2x128x64xf32, #tpu.memory_space<vmem>>, vector<16xf32>,
        %parallel_loop3A_1187 = arith.constant 32 : i32
        %parallel_loop3A_1188 = arith.addi %parallel_loop3A_1153, %parallel_loop3A_1187 : i32
        %parallel_loop3A_1189 = arith.constant 0 : i32
        %parallel_loop3A_1190 = arith.constant 0 : i32
        %parallel_loop3A_1191 = tpu.memref_slice %arg9[%parallel_loop3A_115, %parallel_loop3A_1189, %parallel_loop3A_1190] : memref<2x128x128xf32, #tpu.memory_space<vmem>> -> memref<1x128x128xf32, #tpu.memory_space<vmem>>
        %parallel_loop3A_1192 = tpu.memref_squeeze %parallel_loop3A_1191 : memref<1x128x128xf32, #tpu.memory_space<vmem>> -> memref<128x128xf32, #tpu.memory_space<vmem>>
        %parallel_loop3A_1193 = arith.index_cast %parallel_loop3A_1151 : i32 to index
        %parallel_loop3A_1194 = arith.index_cast %parallel_loop3A_1188 : i32 to index
        %parallel_loop3A_1195 = tpu.vector_load %parallel_loop3A_1192[%parallel_loop3A_1193, %parallel_loop3A_1194] {strides = array<i32>} : memref<128x128xf32, #tpu.memory_space<vmem>>, vector<16xf32>,
        %parallel_loop3A_1196 = arith.mulf %parallel_loop3A_1195, %parallel_loop3A_1156 : vector<16xf32>
        %parallel_loop3A_1197 = arith.constant 0 : i32
        %parallel_loop3A_1198 = arith.index_cast %parallel_loop3A_1197 : i32 to index
        %parallel_loop3A_1199 = arith.index_cast %parallel_loop3A_1151 : i32 to index
        %parallel_loop3A_1200 = arith.constant 32 : index
        %parallel_loop3A_1201 = tpu.vector_load %arg11[%parallel_loop3A_1198, %parallel_loop3A_1199, %parallel_loop3A_1200] {strides = array<i32>} : memref<2x128x64xf32, #tpu.memory_space<vmem>>, vector<16xf32>,
        tpu.vector_store %arg11[%parallel_loop3A_1198, %parallel_loop3A_1199, %parallel_loop3A_1200], %parallel_loop3A_1196 {strides = array<i32>} : memref<2x128x64xf32, #tpu.memory_space<vmem>>, vector<16xf32>,
        %parallel_loop3A_1202 = arith.constant 48 : i32
        %parallel_loop3A_1203 = arith.addi %parallel_loop3A_1153, %parallel_loop3A_1202 : i32
        %parallel_loop3A_1204 = arith.constant 0 : i32
        %parallel_loop3A_1205 = arith.constant 0 : i32
        %parallel_loop3A_1206 = tpu.memref_slice %arg9[%parallel_loop3A_115, %parallel_loop3A_1204, %parallel_loop3A_1205] : memref<2x128x128xf32, #tpu.memory_space<vmem>> -> memref<1x128x128xf32, #tpu.memory_space<vmem>>
        %parallel_loop3A_1207 = tpu.memref_squeeze %parallel_loop3A_1206 : memref<1x128x128xf32, #tpu.memory_space<vmem>> -> memref<128x128xf32, #tpu.memory_space<vmem>>
        %parallel_loop3A_1208 = arith.index_cast %parallel_loop3A_1151 : i32 to index
        %parallel_loop3A_1209 = arith.index_cast %parallel_loop3A_1203 : i32 to index
        %parallel_loop3A_1210 = tpu.vector_load %parallel_loop3A_1207[%parallel_loop3A_1208, %parallel_loop3A_1209] {strides = array<i32>} : memref<128x128xf32, #tpu.memory_space<vmem>>, vector<16xf32>,
        %parallel_loop3A_1211 = arith.mulf %parallel_loop3A_1210, %parallel_loop3A_1156 : vector<16xf32>
        %parallel_loop3A_1212 = arith.constant 0 : i32
        %parallel_loop3A_1213 = arith.index_cast %parallel_loop3A_1212 : i32 to index
        %parallel_loop3A_1214 = arith.index_cast %parallel_loop3A_1151 : i32 to index
        %parallel_loop3A_1215 = arith.constant 48 : index
        %parallel_loop3A_1216 = tpu.vector_load %arg11[%parallel_loop3A_1213, %parallel_loop3A_1214, %parallel_loop3A_1215] {strides = array<i32>} : memref<2x128x64xf32, #tpu.memory_space<vmem>>, vector<16xf32>,
        tpu.vector_store %arg11[%parallel_loop3A_1213, %parallel_loop3A_1214, %parallel_loop3A_1215], %parallel_loop3A_1211 {strides = array<i32>} : memref<2x128x64xf32, #tpu.memory_space<vmem>>, vector<16xf32>,
        %parallel_loop3A_1217 = arith.constant 15 : i32
        %parallel_loop3A_1218 = arith.addi %parallel_loop3A_198, %parallel_loop3A_1217 : i32
        %parallel_loop3A_1219 = vector.extract_strided_slice %parallel_loop3A_207 {offsets = [15], sizes = [1], strides = [1]} : vector<16xi32> to vector<1xi32>
        %parallel_loop3A_1220 = vector.extract %parallel_loop3A_1219[0] : i32 from vector<1xi32>
        %parallel_loop3A_1221 = vector.extract_strided_slice %parallel_loop3A_211 {offsets = [15], sizes = [1], strides = [1]} : vector<16xf32> to vector<1xf32>
        %parallel_loop3A_1222 = vector.extract %parallel_loop3A_1221[0] : f32 from vector<1xf32>
        %parallel_loop3A_1223 = vector.broadcast %parallel_loop3A_1222 : f32 to vector<16xf32>
        %parallel_loop3A_1224 = arith.constant 0 : i32
        %parallel_loop3A_1225 = arith.addi %parallel_loop3A_1220, %parallel_loop3A_1224 : i32
        %parallel_loop3A_1226 = arith.constant 0 : i32
        %parallel_loop3A_1227 = arith.constant 0 : i32
        %parallel_loop3A_1228 = tpu.memref_slice %arg9[%parallel_loop3A_115, %parallel_loop3A_1226, %parallel_loop3A_1227] : memref<2x128x128xf32, #tpu.memory_space<vmem>> -> memref<1x128x128xf32, #tpu.memory_space<vmem>>
        %parallel_loop3A_1229 = tpu.memref_squeeze %parallel_loop3A_1228 : memref<1x128x128xf32, #tpu.memory_space<vmem>> -> memref<128x128xf32, #tpu.memory_space<vmem>>
        %parallel_loop3A_1230 = arith.index_cast %parallel_loop3A_1218 : i32 to index
        %parallel_loop3A_1231 = arith.index_cast %parallel_loop3A_1225 : i32 to index
        %parallel_loop3A_1232 = tpu.vector_load %parallel_loop3A_1229[%parallel_loop3A_1230, %parallel_loop3A_1231] {strides = array<i32>} : memref<128x128xf32, #tpu.memory_space<vmem>>, vector<16xf32>,
        %parallel_loop3A_1233 = arith.mulf %parallel_loop3A_1232, %parallel_loop3A_1223 : vector<16xf32>
        %parallel_loop3A_1234 = arith.constant 0 : i32
        %parallel_loop3A_1235 = arith.index_cast %parallel_loop3A_1234 : i32 to index
        %parallel_loop3A_1236 = arith.index_cast %parallel_loop3A_1218 : i32 to index
        %parallel_loop3A_1237 = arith.constant 0 : index
        %parallel_loop3A_1238 = tpu.vector_load %arg11[%parallel_loop3A_1235, %parallel_loop3A_1236, %parallel_loop3A_1237] {strides = array<i32>} : memref<2x128x64xf32, #tpu.memory_space<vmem>>, vector<16xf32>,
        tpu.vector_store %arg11[%parallel_loop3A_1235, %parallel_loop3A_1236, %parallel_loop3A_1237], %parallel_loop3A_1233 {strides = array<i32>} : memref<2x128x64xf32, #tpu.memory_space<vmem>>, vector<16xf32>,
        %parallel_loop3A_1239 = arith.constant 16 : i32
        %parallel_loop3A_1240 = arith.addi %parallel_loop3A_1220, %parallel_loop3A_1239 : i32
        %parallel_loop3A_1241 = arith.constant 0 : i32
        %parallel_loop3A_1242 = arith.constant 0 : i32
        %parallel_loop3A_1243 = tpu.memref_slice %arg9[%parallel_loop3A_115, %parallel_loop3A_1241, %parallel_loop3A_1242] : memref<2x128x128xf32, #tpu.memory_space<vmem>> -> memref<1x128x128xf32, #tpu.memory_space<vmem>>
        %parallel_loop3A_1244 = tpu.memref_squeeze %parallel_loop3A_1243 : memref<1x128x128xf32, #tpu.memory_space<vmem>> -> memref<128x128xf32, #tpu.memory_space<vmem>>
        %parallel_loop3A_1245 = arith.index_cast %parallel_loop3A_1218 : i32 to index
        %parallel_loop3A_1246 = arith.index_cast %parallel_loop3A_1240 : i32 to index
        %parallel_loop3A_1247 = tpu.vector_load %parallel_loop3A_1244[%parallel_loop3A_1245, %parallel_loop3A_1246] {strides = array<i32>} : memref<128x128xf32, #tpu.memory_space<vmem>>, vector<16xf32>,
        %parallel_loop3A_1248 = arith.mulf %parallel_loop3A_1247, %parallel_loop3A_1223 : vector<16xf32>
        %parallel_loop3A_1249 = arith.constant 0 : i32
        %parallel_loop3A_1250 = arith.index_cast %parallel_loop3A_1249 : i32 to index
        %parallel_loop3A_1251 = arith.index_cast %parallel_loop3A_1218 : i32 to index
        %parallel_loop3A_1252 = arith.constant 16 : index
        %parallel_loop3A_1253 = tpu.vector_load %arg11[%parallel_loop3A_1250, %parallel_loop3A_1251, %parallel_loop3A_1252] {strides = array<i32>} : memref<2x128x64xf32, #tpu.memory_space<vmem>>, vector<16xf32>,
        tpu.vector_store %arg11[%parallel_loop3A_1250, %parallel_loop3A_1251, %parallel_loop3A_1252], %parallel_loop3A_1248 {strides = array<i32>} : memref<2x128x64xf32, #tpu.memory_space<vmem>>, vector<16xf32>,
        %parallel_loop3A_1254 = arith.constant 32 : i32
        %parallel_loop3A_1255 = arith.addi %parallel_loop3A_1220, %parallel_loop3A_1254 : i32
        %parallel_loop3A_1256 = arith.constant 0 : i32
        %parallel_loop3A_1257 = arith.constant 0 : i32
        %parallel_loop3A_1258 = tpu.memref_slice %arg9[%parallel_loop3A_115, %parallel_loop3A_1256, %parallel_loop3A_1257] : memref<2x128x128xf32, #tpu.memory_space<vmem>> -> memref<1x128x128xf32, #tpu.memory_space<vmem>>
        %parallel_loop3A_1259 = tpu.memref_squeeze %parallel_loop3A_1258 : memref<1x128x128xf32, #tpu.memory_space<vmem>> -> memref<128x128xf32, #tpu.memory_space<vmem>>
        %parallel_loop3A_1260 = arith.index_cast %parallel_loop3A_1218 : i32 to index
        %parallel_loop3A_1261 = arith.index_cast %parallel_loop3A_1255 : i32 to index
        %parallel_loop3A_1262 = tpu.vector_load %parallel_loop3A_1259[%parallel_loop3A_1260, %parallel_loop3A_1261] {strides = array<i32>} : memref<128x128xf32, #tpu.memory_space<vmem>>, vector<16xf32>,
        %parallel_loop3A_1263 = arith.mulf %parallel_loop3A_1262, %parallel_loop3A_1223 : vector<16xf32>
        %parallel_loop3A_1264 = arith.constant 0 : i32
        %parallel_loop3A_1265 = arith.index_cast %parallel_loop3A_1264 : i32 to index
        %parallel_loop3A_1266 = arith.index_cast %parallel_loop3A_1218 : i32 to index
        %parallel_loop3A_1267 = arith.constant 32 : index
        %parallel_loop3A_1268 = tpu.vector_load %arg11[%parallel_loop3A_1265, %parallel_loop3A_1266, %parallel_loop3A_1267] {strides = array<i32>} : memref<2x128x64xf32, #tpu.memory_space<vmem>>, vector<16xf32>,
        tpu.vector_store %arg11[%parallel_loop3A_1265, %parallel_loop3A_1266, %parallel_loop3A_1267], %parallel_loop3A_1263 {strides = array<i32>} : memref<2x128x64xf32, #tpu.memory_space<vmem>>, vector<16xf32>,
        %parallel_loop3A_1269 = arith.constant 48 : i32
        %parallel_loop3A_1270 = arith.addi %parallel_loop3A_1220, %parallel_loop3A_1269 : i32
        %parallel_loop3A_1271 = arith.constant 0 : i32
        %parallel_loop3A_1272 = arith.constant 0 : i32
        %parallel_loop3A_1273 = tpu.memref_slice %arg9[%parallel_loop3A_115, %parallel_loop3A_1271, %parallel_loop3A_1272] : memref<2x128x128xf32, #tpu.memory_space<vmem>> -> memref<1x128x128xf32, #tpu.memory_space<vmem>>
        %parallel_loop3A_1274 = tpu.memref_squeeze %parallel_loop3A_1273 : memref<1x128x128xf32, #tpu.memory_space<vmem>> -> memref<128x128xf32, #tpu.memory_space<vmem>>
        %parallel_loop3A_1275 = arith.index_cast %parallel_loop3A_1218 : i32 to index
        %parallel_loop3A_1276 = arith.index_cast %parallel_loop3A_1270 : i32 to index
        %parallel_loop3A_1277 = tpu.vector_load %parallel_loop3A_1274[%parallel_loop3A_1275, %parallel_loop3A_1276] {strides = array<i32>} : memref<128x128xf32, #tpu.memory_space<vmem>>, vector<16xf32>,
        %parallel_loop3A_1278 = arith.mulf %parallel_loop3A_1277, %parallel_loop3A_1223 : vector<16xf32>
        %parallel_loop3A_1279 = arith.constant 0 : i32
        %parallel_loop3A_1280 = arith.index_cast %parallel_loop3A_1279 : i32 to index
        %parallel_loop3A_1281 = arith.index_cast %parallel_loop3A_1218 : i32 to index
        %parallel_loop3A_1282 = arith.constant 48 : index
        %parallel_loop3A_1283 = tpu.vector_load %arg11[%parallel_loop3A_1280, %parallel_loop3A_1281, %parallel_loop3A_1282] {strides = array<i32>} : memref<2x128x64xf32, #tpu.memory_space<vmem>>, vector<16xf32>,
        tpu.vector_store %arg11[%parallel_loop3A_1280, %parallel_loop3A_1281, %parallel_loop3A_1282], %parallel_loop3A_1278 {strides = array<i32>} : memref<2x128x64xf32, #tpu.memory_space<vmem>>, vector<16xf32>,
      } {sc.loop_unroll_factor = 2 : i64, sc.parallel_access}
      %mul3A_116 = arith.constant 128 : i32
      %mul3A_117 = arith.muli %add3A_84, %mul3A_116 : i32
      %add3A_118 = arith.addi %mul3A_2, %mul3A_117 : i32
      %dma_start3A_119 = arith.constant 0 : i32
      %dma_start3A_120 = arith.constant 0 : i32
      %dma_start3A_121 = arith.constant 0 : i32
      %dma_start3A_122 = tpu.memref_slice %arg11[%dma_start3A_119, %dma_start3A_120, %dma_start3A_121] : memref<2x128x64xf32, #tpu.memory_space<vmem>> -> memref<1x128x64xf32, #tpu.memory_space<vmem>>
      %dma_start3A_123 = tpu.memref_squeeze %dma_start3A_122 : memref<1x128x64xf32, #tpu.memory_space<vmem>> -> memref<128x64xf32, #tpu.memory_space<vmem>>
      %dma_start3A_124 = arith.constant 0 : i32
      %dma_start3A_125 = tpu.memref_slice %arg6[%add3A_118, %dma_start3A_124] : memref<819200x64xf32, #tpu.memory_space<hbm>> -> memref<128x64xf32, #tpu.memory_space<hbm>>
      %dma_start3A_126 = arith.constant 0 : i32
      %dma_start3A_127 = tpu.memref_slice %arg6[%add3A_118, %dma_start3A_126] : memref<819200x64xf32, #tpu.memory_space<hbm>> -> memref<128x64xf32, #tpu.memory_space<hbm>>
      %dma_start3A_128 = arith.constant 0 : i32
      %dma_start3A_129 = arith.constant 0 : i32
      %dma_start3A_130 = tpu.memref_slice %arg11[%dma_start3A_119, %dma_start3A_128, %dma_start3A_129] : memref<2x128x64xf32, #tpu.memory_space<vmem>> -> memref<1x128x64xf32, #tpu.memory_space<vmem>>
      %dma_start3A_131 = tpu.memref_squeeze %dma_start3A_130 : memref<1x128x64xf32, #tpu.memory_space<vmem>> -> memref<128x64xf32, #tpu.memory_space<vmem>>
      tpu.enqueue_dma source(%dma_start3A_131 : memref<128x64xf32, #tpu.memory_space<vmem>>) target(%dma_start3A_127 : memref<128x64xf32, #tpu.memory_space<hbm>>) target_semaphore(%arg14 : memref<!tpu.dma_semaphore, #tpu.memory_space<semaphore_mem>>)
      %add3A_132 = arith.constant 2 : i32
      %add3A_133 = arith.addi %add3A_84, %add3A_132 : i32
      %lt3A = arith.constant 200 : i32
      %lt3A_134 = arith.cmpi slt, %add3A_133, %lt3A : i32
      %convert_element_type3A_135 = arith.extui %lt3A_134 : i1 to i32
      %cond3A_136 = arith.constant 0 : i32
      %cond3A_137 = arith.cmpi ne, %convert_element_type3A_135, %cond3A_136 : i32
      scf.if %cond3A_137 {
        %add3A_198 = arith.constant 2 : i32
        %add3A_199 = arith.addi %add3A_84, %add3A_198 : i32
        %dma_start3A_200 = arith.constant 0 : i32
        %dma_start3A_201 = arith.constant 0 : i32
        %dma_start3A_202 = arith.constant 0 : i32
        %dma_start3A_203 = tpu.memref_slice %arg9[%dma_start3A_200, %dma_start3A_201, %dma_start3A_202] : memref<2x128x128xf32, #tpu.memory_space<vmem>> -> memref<1x128x128xf32, #tpu.memory_space<vmem>>
        %dma_start3A_204 = tpu.memref_squeeze %dma_start3A_203 : memref<1x128x128xf32, #tpu.memory_space<vmem>> -> memref<128x128xf32, #tpu.memory_space<vmem>>
        %dma_start3A_205 = arith.constant 0 : i32
        %dma_start3A_206 = tpu.memref_slice %arg7[%add3A_199, %dma_start3A_205] : memref<200x128xi32, #tpu.memory_space<vmem>> -> memref<1x128xi32, #tpu.memory_space<vmem>>
        %dma_start3A_207 = tpu.memref_squeeze %dma_start3A_206 : memref<1x128xi32, #tpu.memory_space<vmem>> -> memref<128xi32, #tpu.memory_space<vmem>>
        %dma_start3A_208 = arith.constant 0 : i32
        %dma_start3A_209 = arith.constant 0 : i32
        %dma_start3A_210 = tpu.memref_slice %arg2[%dma_start3A_208, %dma_start3A_209] : memref<500000x128xf32, #tpu.memory_space<hbm>> -> memref<500000x128xf32, #tpu.memory_space<hbm>>
        tpu.enqueue_indirect_dma source(%dma_start3A_210 : memref<500000x128xf32, #tpu.memory_space<hbm>>) target(%dma_start3A_204 : memref<128x128xf32, #tpu.memory_space<vmem>>) offsets(%dma_start3A_207 : memref<128xi32, #tpu.memory_space<vmem>>) semaphore(%arg12 : memref<!tpu.dma_semaphore, #tpu.memory_space<semaphore_mem>>)
        %dma_start3A_211 = arith.constant 0 : i32
        %dma_start3A_212 = arith.constant 0 : i32
        %dma_start3A_213 = tpu.memref_slice %arg10[%dma_start3A_211, %dma_start3A_212] : memref<2x128xf32, #tpu.memory_space<vmem>> -> memref<1x128xf32, #tpu.memory_space<vmem>>
        %dma_start3A_214 = tpu.memref_squeeze %dma_start3A_213 : memref<1x128xf32, #tpu.memory_space<vmem>> -> memref<128xf32, #tpu.memory_space<vmem>>
        %dma_start3A_215 = arith.constant 0 : i32
        %dma_start3A_216 = tpu.memref_slice %arg8[%add3A_199, %dma_start3A_215] : memref<200x128xi32, #tpu.memory_space<vmem>> -> memref<1x128xi32, #tpu.memory_space<vmem>>
        %dma_start3A_217 = tpu.memref_squeeze %dma_start3A_216 : memref<1x128xi32, #tpu.memory_space<vmem>> -> memref<128xi32, #tpu.memory_space<vmem>>
        %dma_start3A_218 = arith.constant 0 : i32
        %dma_start3A_219 = tpu.memref_slice %arg3[%dma_start3A_218] : memref<1000000xf32, #tpu.memory_space<hbm>> -> memref<1000000xf32, #tpu.memory_space<hbm>>
        tpu.enqueue_indirect_dma source(%dma_start3A_219 : memref<1000000xf32, #tpu.memory_space<hbm>>) target(%dma_start3A_214 : memref<128xf32, #tpu.memory_space<vmem>>) offsets(%dma_start3A_217 : memref<128xi32, #tpu.memory_space<vmem>>) semaphore(%arg12 : memref<!tpu.dma_semaphore, #tpu.memory_space<semaphore_mem>>)
      } else {
      }
      %add3A_138 = arith.constant 1 : i32
      %add3A_139 = arith.addi %mul3A_82, %add3A_138 : i32
      %dma_wait3A_140 = arith.constant 1 : i32
      %dma_wait3A_141 = arith.constant 0 : i32
      %dma_wait3A_142 = arith.constant 0 : i32
      %dma_wait3A_143 = tpu.memref_slice %arg9[%dma_wait3A_140, %dma_wait3A_141, %dma_wait3A_142] : memref<2x128x128xf32, #tpu.memory_space<vmem>> -> memref<1x128x128xf32, #tpu.memory_space<vmem>>
      %dma_wait3A_144 = tpu.memref_squeeze %dma_wait3A_143 : memref<1x128x128xf32, #tpu.memory_space<vmem>> -> memref<128x128xf32, #tpu.memory_space<vmem>>
      %dma_wait3A_145 = arith.constant 0 : i32
      %dma_wait3A_146 = arith.constant 0 : i32
      %dma_wait3A_147 = tpu.memref_slice %arg2[%dma_wait3A_145, %dma_wait3A_146] : memref<500000x128xf32, #tpu.memory_space<hbm>> -> memref<128x128xf32, #tpu.memory_space<hbm>>
      %dma_wait3A_148 = arith.constant 0 : i32
      %dma_wait3A_149 = arith.constant 0 : i32
      %dma_wait3A_150 = tpu.memref_slice %arg9[%dma_wait3A_140, %dma_wait3A_148, %dma_wait3A_149] : memref<2x128x128xf32, #tpu.memory_space<vmem>> -> memref<1x128x128xf32, #tpu.memory_space<vmem>>
      %dma_wait3A_151 = tpu.memref_squeeze %dma_wait3A_150 : memref<1x128x128xf32, #tpu.memory_space<vmem>> -> memref<128x128xf32, #tpu.memory_space<vmem>>
      %dma_wait3A_152 = arith.constant 0 : i32
      %dma_wait3A_153 = arith.constant 0 : i32
      %dma_wait3A_154 = tpu.memref_slice %arg2[%dma_wait3A_152, %dma_wait3A_153] : memref<500000x128xf32, #tpu.memory_space<hbm>> -> memref<128x128xf32, #tpu.memory_space<hbm>>
      tpu.wait_dma2 semaphore(%arg13 : memref<!tpu.dma_semaphore, #tpu.memory_space<semaphore_mem>>) src(%dma_wait3A_154 : memref<128x128xf32, #tpu.memory_space<hbm>>) dst(%dma_wait3A_151 : memref<128x128xf32, #tpu.memory_space<vmem>>)
      %dma_wait3A_155 = arith.constant 1 : i32
      %dma_wait3A_156 = arith.constant 0 : i32
      %dma_wait3A_157 = tpu.memref_slice %arg10[%dma_wait3A_155, %dma_wait3A_156] : memref<2x128xf32, #tpu.memory_space<vmem>> -> memref<1x128xf32, #tpu.memory_space<vmem>>
      %dma_wait3A_158 = tpu.memref_squeeze %dma_wait3A_157 : memref<1x128xf32, #tpu.memory_space<vmem>> -> memref<128xf32, #tpu.memory_space<vmem>>
      %dma_wait3A_159 = arith.constant 0 : i32
      %dma_wait3A_160 = tpu.memref_slice %arg3[%dma_wait3A_159] : memref<1000000xf32, #tpu.memory_space<hbm>> -> memref<128xf32, #tpu.memory_space<hbm>>
      %dma_wait3A_161 = arith.constant 0 : i32
      %dma_wait3A_162 = tpu.memref_slice %arg10[%dma_wait3A_155, %dma_wait3A_161] : memref<2x128xf32, #tpu.memory_space<vmem>> -> memref<1x128xf32, #tpu.memory_space<vmem>>
      %dma_wait3A_163 = tpu.memref_squeeze %dma_wait3A_162 : memref<1x128xf32, #tpu.memory_space<vmem>> -> memref<128xf32, #tpu.memory_space<vmem>>
      %dma_wait3A_164 = arith.constant 0 : i32
      %dma_wait3A_165 = tpu.memref_slice %arg3[%dma_wait3A_164] : memref<1000000xf32, #tpu.memory_space<hbm>> -> memref<128xf32, #tpu.memory_space<hbm>>
      tpu.wait_dma2 semaphore(%arg13 : memref<!tpu.dma_semaphore, #tpu.memory_space<semaphore_mem>>) src(%dma_wait3A_165 : memref<128xf32, #tpu.memory_space<hbm>>) dst(%dma_wait3A_163 : memref<128xf32, #tpu.memory_space<vmem>>)
      %gt3A_166 = arith.constant 0 : i32
      %gt3A_167 = arith.cmpi sgt, %scan3A_80, %gt3A_166 : i32
      %convert_element_type3A_168 = arith.extui %gt3A_167 : i1 to i32
      %cond3A_169 = arith.constant 0 : i32
      %cond3A_170 = arith.cmpi ne, %convert_element_type3A_168, %cond3A_169 : i32
      scf.if %cond3A_170 {
        %dma_wait3A_198 = arith.constant 1 : i32
        %dma_wait3A_199 = arith.constant 0 : i32
        %dma_wait3A_200 = arith.constant 0 : i32
        %dma_wait3A_201 = tpu.memref_slice %arg11[%dma_wait3A_198, %dma_wait3A_199, %dma_wait3A_200] : memref<2x128x64xf32, #tpu.memory_space<vmem>> -> memref<1x128x64xf32, #tpu.memory_space<vmem>>
        %dma_wait3A_202 = tpu.memref_squeeze %dma_wait3A_201 : memref<1x128x64xf32, #tpu.memory_space<vmem>> -> memref<128x64xf32, #tpu.memory_space<vmem>>
        %dma_wait3A_203 = arith.constant 0 : i32
        %dma_wait3A_204 = arith.constant 0 : i32
        %dma_wait3A_205 = tpu.memref_slice %arg6[%dma_wait3A_203, %dma_wait3A_204] : memref<819200x64xf32, #tpu.memory_space<hbm>> -> memref<128x64xf32, #tpu.memory_space<hbm>>
        %dma_wait3A_206 = arith.constant 0 : i32
        %dma_wait3A_207 = arith.constant 0 : i32
        %dma_wait3A_208 = tpu.memref_slice %arg6[%dma_wait3A_206, %dma_wait3A_207] : memref<819200x64xf32, #tpu.memory_space<hbm>> -> memref<128x64xf32, #tpu.memory_space<hbm>>
        %dma_wait3A_209 = arith.constant 0 : i32
        %dma_wait3A_210 = arith.constant 0 : i32
        %dma_wait3A_211 = tpu.memref_slice %arg11[%dma_wait3A_198, %dma_wait3A_209, %dma_wait3A_210] : memref<2x128x64xf32, #tpu.memory_space<vmem>> -> memref<1x128x64xf32, #tpu.memory_space<vmem>>
        %dma_wait3A_212 = tpu.memref_squeeze %dma_wait3A_211 : memref<1x128x64xf32, #tpu.memory_space<vmem>> -> memref<128x64xf32, #tpu.memory_space<vmem>>
        tpu.wait_dma2 semaphore(%arg15 : memref<!tpu.dma_semaphore, #tpu.memory_space<semaphore_mem>>) src(%dma_wait3A_212 : memref<128x64xf32, #tpu.memory_space<vmem>>) dst(%dma_wait3A_208 : memref<128x64xf32, #tpu.memory_space<hbm>>)
      } else {
      }
      %parallel_loop3A_171 = arith.constant 0 : i32
      %parallel_loop3A_172 = arith.constant 128 : i32
      %parallel_loop3A_173 = arith.constant 16 : i32
      %parallel_loop3A_174 = arith.constant 1 : i32
      scf.for %parallel_loop3A_198 = %parallel_loop3A_171 to %parallel_loop3A_172 step %parallel_loop3A_173  : i32 {
        %parallel_loop3A_199 = arith.index_cast %add3A_139 : i32 to index
        %parallel_loop3A_200 = arith.index_cast %parallel_loop3A_198 : i32 to index
        %parallel_loop3A_201 = tpu.vector_load %arg8[%parallel_loop3A_199, %parallel_loop3A_200] {strides = array<i32>} : memref<200x128xi32, #tpu.memory_space<vmem>>, vector<16xi32>,
        %parallel_loop3A_202 = arith.constant 1 : i32
        %parallel_loop3A_203 = vector.broadcast %parallel_loop3A_202 : i32 to vector<16xi32>
        %parallel_loop3A_204 = arith.andi %parallel_loop3A_201, %parallel_loop3A_203 : vector<16xi32>
        %parallel_loop3A_205 = arith.constant 6 : i32
        %parallel_loop3A_206 = vector.broadcast %parallel_loop3A_205 : i32 to vector<16xi32>
        %parallel_loop3A_207 = arith.shli %parallel_loop3A_204, %parallel_loop3A_206 : vector<16xi32>
        %parallel_loop3A_208 = arith.constant 1 : i32
        %parallel_loop3A_209 = arith.index_cast %parallel_loop3A_208 : i32 to index
        %parallel_loop3A_210 = arith.index_cast %parallel_loop3A_198 : i32 to index
        %parallel_loop3A_211 = tpu.vector_load %arg10[%parallel_loop3A_209, %parallel_loop3A_210] {strides = array<i32>} : memref<2x128xf32, #tpu.memory_space<vmem>>, vector<16xf32>,
        %parallel_loop3A_212 = arith.constant 0 : i32
        %parallel_loop3A_213 = arith.addi %parallel_loop3A_198, %parallel_loop3A_212 : i32
        %parallel_loop3A_214 = vector.extract_strided_slice %parallel_loop3A_207 {offsets = [0], sizes = [1], strides = [1]} : vector<16xi32> to vector<1xi32>
        %parallel_loop3A_215 = vector.extract %parallel_loop3A_214[0] : i32 from vector<1xi32>
        %parallel_loop3A_216 = vector.extract_strided_slice %parallel_loop3A_211 {offsets = [0], sizes = [1], strides = [1]} : vector<16xf32> to vector<1xf32>
        %parallel_loop3A_217 = vector.extract %parallel_loop3A_216[0] : f32 from vector<1xf32>
        %parallel_loop3A_218 = vector.broadcast %parallel_loop3A_217 : f32 to vector<16xf32>
        %parallel_loop3A_219 = arith.constant 0 : i32
        %parallel_loop3A_220 = arith.addi %parallel_loop3A_215, %parallel_loop3A_219 : i32
        %parallel_loop3A_221 = arith.constant 0 : i32
        %parallel_loop3A_222 = arith.constant 0 : i32
        %parallel_loop3A_223 = tpu.memref_slice %arg9[%parallel_loop3A_174, %parallel_loop3A_221, %parallel_loop3A_222] : memref<2x128x128xf32, #tpu.memory_space<vmem>> -> memref<1x128x128xf32, #tpu.memory_space<vmem>>
        %parallel_loop3A_224 = tpu.memref_squeeze %parallel_loop3A_223 : memref<1x128x128xf32, #tpu.memory_space<vmem>> -> memref<128x128xf32, #tpu.memory_space<vmem>>
        %parallel_loop3A_225 = arith.index_cast %parallel_loop3A_213 : i32 to index
        %parallel_loop3A_226 = arith.index_cast %parallel_loop3A_220 : i32 to index
        %parallel_loop3A_227 = tpu.vector_load %parallel_loop3A_224[%parallel_loop3A_225, %parallel_loop3A_226] {strides = array<i32>} : memref<128x128xf32, #tpu.memory_space<vmem>>, vector<16xf32>,
        %parallel_loop3A_228 = arith.mulf %parallel_loop3A_227, %parallel_loop3A_218 : vector<16xf32>
        %parallel_loop3A_229 = arith.constant 1 : i32
        %parallel_loop3A_230 = arith.index_cast %parallel_loop3A_229 : i32 to index
        %parallel_loop3A_231 = arith.index_cast %parallel_loop3A_213 : i32 to index
        %parallel_loop3A_232 = arith.constant 0 : index
        %parallel_loop3A_233 = tpu.vector_load %arg11[%parallel_loop3A_230, %parallel_loop3A_231, %parallel_loop3A_232] {strides = array<i32>} : memref<2x128x64xf32, #tpu.memory_space<vmem>>, vector<16xf32>,
        tpu.vector_store %arg11[%parallel_loop3A_230, %parallel_loop3A_231, %parallel_loop3A_232], %parallel_loop3A_228 {strides = array<i32>} : memref<2x128x64xf32, #tpu.memory_space<vmem>>, vector<16xf32>,
        %parallel_loop3A_234 = arith.constant 16 : i32
        %parallel_loop3A_235 = arith.addi %parallel_loop3A_215, %parallel_loop3A_234 : i32
        %parallel_loop3A_236 = arith.constant 0 : i32
        %parallel_loop3A_237 = arith.constant 0 : i32
        %parallel_loop3A_238 = tpu.memref_slice %arg9[%parallel_loop3A_174, %parallel_loop3A_236, %parallel_loop3A_237] : memref<2x128x128xf32, #tpu.memory_space<vmem>> -> memref<1x128x128xf32, #tpu.memory_space<vmem>>
        %parallel_loop3A_239 = tpu.memref_squeeze %parallel_loop3A_238 : memref<1x128x128xf32, #tpu.memory_space<vmem>> -> memref<128x128xf32, #tpu.memory_space<vmem>>
        %parallel_loop3A_240 = arith.index_cast %parallel_loop3A_213 : i32 to index
        %parallel_loop3A_241 = arith.index_cast %parallel_loop3A_235 : i32 to index
        %parallel_loop3A_242 = tpu.vector_load %parallel_loop3A_239[%parallel_loop3A_240, %parallel_loop3A_241] {strides = array<i32>} : memref<128x128xf32, #tpu.memory_space<vmem>>, vector<16xf32>,
        %parallel_loop3A_243 = arith.mulf %parallel_loop3A_242, %parallel_loop3A_218 : vector<16xf32>
        %parallel_loop3A_244 = arith.constant 1 : i32
        %parallel_loop3A_245 = arith.index_cast %parallel_loop3A_244 : i32 to index
        %parallel_loop3A_246 = arith.index_cast %parallel_loop3A_213 : i32 to index
        %parallel_loop3A_247 = arith.constant 16 : index
        %parallel_loop3A_248 = tpu.vector_load %arg11[%parallel_loop3A_245, %parallel_loop3A_246, %parallel_loop3A_247] {strides = array<i32>} : memref<2x128x64xf32, #tpu.memory_space<vmem>>, vector<16xf32>,
        tpu.vector_store %arg11[%parallel_loop3A_245, %parallel_loop3A_246, %parallel_loop3A_247], %parallel_loop3A_243 {strides = array<i32>} : memref<2x128x64xf32, #tpu.memory_space<vmem>>, vector<16xf32>,
        %parallel_loop3A_249 = arith.constant 32 : i32
        %parallel_loop3A_250 = arith.addi %parallel_loop3A_215, %parallel_loop3A_249 : i32
        %parallel_loop3A_251 = arith.constant 0 : i32
        %parallel_loop3A_252 = arith.constant 0 : i32
        %parallel_loop3A_253 = tpu.memref_slice %arg9[%parallel_loop3A_174, %parallel_loop3A_251, %parallel_loop3A_252] : memref<2x128x128xf32, #tpu.memory_space<vmem>> -> memref<1x128x128xf32, #tpu.memory_space<vmem>>
        %parallel_loop3A_254 = tpu.memref_squeeze %parallel_loop3A_253 : memref<1x128x128xf32, #tpu.memory_space<vmem>> -> memref<128x128xf32, #tpu.memory_space<vmem>>
        %parallel_loop3A_255 = arith.index_cast %parallel_loop3A_213 : i32 to index
        %parallel_loop3A_256 = arith.index_cast %parallel_loop3A_250 : i32 to index
        %parallel_loop3A_257 = tpu.vector_load %parallel_loop3A_254[%parallel_loop3A_255, %parallel_loop3A_256] {strides = array<i32>} : memref<128x128xf32, #tpu.memory_space<vmem>>, vector<16xf32>,
        %parallel_loop3A_258 = arith.mulf %parallel_loop3A_257, %parallel_loop3A_218 : vector<16xf32>
        %parallel_loop3A_259 = arith.constant 1 : i32
        %parallel_loop3A_260 = arith.index_cast %parallel_loop3A_259 : i32 to index
        %parallel_loop3A_261 = arith.index_cast %parallel_loop3A_213 : i32 to index
        %parallel_loop3A_262 = arith.constant 32 : index
        %parallel_loop3A_263 = tpu.vector_load %arg11[%parallel_loop3A_260, %parallel_loop3A_261, %parallel_loop3A_262] {strides = array<i32>} : memref<2x128x64xf32, #tpu.memory_space<vmem>>, vector<16xf32>,
        tpu.vector_store %arg11[%parallel_loop3A_260, %parallel_loop3A_261, %parallel_loop3A_262], %parallel_loop3A_258 {strides = array<i32>} : memref<2x128x64xf32, #tpu.memory_space<vmem>>, vector<16xf32>,
        %parallel_loop3A_264 = arith.constant 48 : i32
        %parallel_loop3A_265 = arith.addi %parallel_loop3A_215, %parallel_loop3A_264 : i32
        %parallel_loop3A_266 = arith.constant 0 : i32
        %parallel_loop3A_267 = arith.constant 0 : i32
        %parallel_loop3A_268 = tpu.memref_slice %arg9[%parallel_loop3A_174, %parallel_loop3A_266, %parallel_loop3A_267] : memref<2x128x128xf32, #tpu.memory_space<vmem>> -> memref<1x128x128xf32, #tpu.memory_space<vmem>>
        %parallel_loop3A_269 = tpu.memref_squeeze %parallel_loop3A_268 : memref<1x128x128xf32, #tpu.memory_space<vmem>> -> memref<128x128xf32, #tpu.memory_space<vmem>>
        %parallel_loop3A_270 = arith.index_cast %parallel_loop3A_213 : i32 to index
        %parallel_loop3A_271 = arith.index_cast %parallel_loop3A_265 : i32 to index
        %parallel_loop3A_272 = tpu.vector_load %parallel_loop3A_269[%parallel_loop3A_270, %parallel_loop3A_271] {strides = array<i32>} : memref<128x128xf32, #tpu.memory_space<vmem>>, vector<16xf32>,
        %parallel_loop3A_273 = arith.mulf %parallel_loop3A_272, %parallel_loop3A_218 : vector<16xf32>
        %parallel_loop3A_274 = arith.constant 1 : i32
        %parallel_loop3A_275 = arith.index_cast %parallel_loop3A_274 : i32 to index
        %parallel_loop3A_276 = arith.index_cast %parallel_loop3A_213 : i32 to index
        %parallel_loop3A_277 = arith.constant 48 : index
        %parallel_loop3A_278 = tpu.vector_load %arg11[%parallel_loop3A_275, %parallel_loop3A_276, %parallel_loop3A_277] {strides = array<i32>} : memref<2x128x64xf32, #tpu.memory_space<vmem>>, vector<16xf32>,
        tpu.vector_store %arg11[%parallel_loop3A_275, %parallel_loop3A_276, %parallel_loop3A_277], %parallel_loop3A_273 {strides = array<i32>} : memref<2x128x64xf32, #tpu.memory_space<vmem>>, vector<16xf32>,
        %parallel_loop3A_279 = arith.constant 1 : i32
        %parallel_loop3A_280 = arith.addi %parallel_loop3A_198, %parallel_loop3A_279 : i32
        %parallel_loop3A_281 = vector.extract_strided_slice %parallel_loop3A_207 {offsets = [1], sizes = [1], strides = [1]} : vector<16xi32> to vector<1xi32>
        %parallel_loop3A_282 = vector.extract %parallel_loop3A_281[0] : i32 from vector<1xi32>
        %parallel_loop3A_283 = vector.extract_strided_slice %parallel_loop3A_211 {offsets = [1], sizes = [1], strides = [1]} : vector<16xf32> to vector<1xf32>
        %parallel_loop3A_284 = vector.extract %parallel_loop3A_283[0] : f32 from vector<1xf32>
        %parallel_loop3A_285 = vector.broadcast %parallel_loop3A_284 : f32 to vector<16xf32>
        %parallel_loop3A_286 = arith.constant 0 : i32
        %parallel_loop3A_287 = arith.addi %parallel_loop3A_282, %parallel_loop3A_286 : i32
        %parallel_loop3A_288 = arith.constant 0 : i32
        %parallel_loop3A_289 = arith.constant 0 : i32
        %parallel_loop3A_290 = tpu.memref_slice %arg9[%parallel_loop3A_174, %parallel_loop3A_288, %parallel_loop3A_289] : memref<2x128x128xf32, #tpu.memory_space<vmem>> -> memref<1x128x128xf32, #tpu.memory_space<vmem>>
        %parallel_loop3A_291 = tpu.memref_squeeze %parallel_loop3A_290 : memref<1x128x128xf32, #tpu.memory_space<vmem>> -> memref<128x128xf32, #tpu.memory_space<vmem>>
        %parallel_loop3A_292 = arith.index_cast %parallel_loop3A_280 : i32 to index
        %parallel_loop3A_293 = arith.index_cast %parallel_loop3A_287 : i32 to index
        %parallel_loop3A_294 = tpu.vector_load %parallel_loop3A_291[%parallel_loop3A_292, %parallel_loop3A_293] {strides = array<i32>} : memref<128x128xf32, #tpu.memory_space<vmem>>, vector<16xf32>,
        %parallel_loop3A_295 = arith.mulf %parallel_loop3A_294, %parallel_loop3A_285 : vector<16xf32>
        %parallel_loop3A_296 = arith.constant 1 : i32
        %parallel_loop3A_297 = arith.index_cast %parallel_loop3A_296 : i32 to index
        %parallel_loop3A_298 = arith.index_cast %parallel_loop3A_280 : i32 to index
        %parallel_loop3A_299 = arith.constant 0 : index
        %parallel_loop3A_300 = tpu.vector_load %arg11[%parallel_loop3A_297, %parallel_loop3A_298, %parallel_loop3A_299] {strides = array<i32>} : memref<2x128x64xf32, #tpu.memory_space<vmem>>, vector<16xf32>,
        tpu.vector_store %arg11[%parallel_loop3A_297, %parallel_loop3A_298, %parallel_loop3A_299], %parallel_loop3A_295 {strides = array<i32>} : memref<2x128x64xf32, #tpu.memory_space<vmem>>, vector<16xf32>,
        %parallel_loop3A_301 = arith.constant 16 : i32
        %parallel_loop3A_302 = arith.addi %parallel_loop3A_282, %parallel_loop3A_301 : i32
        %parallel_loop3A_303 = arith.constant 0 : i32
        %parallel_loop3A_304 = arith.constant 0 : i32
        %parallel_loop3A_305 = tpu.memref_slice %arg9[%parallel_loop3A_174, %parallel_loop3A_303, %parallel_loop3A_304] : memref<2x128x128xf32, #tpu.memory_space<vmem>> -> memref<1x128x128xf32, #tpu.memory_space<vmem>>
        %parallel_loop3A_306 = tpu.memref_squeeze %parallel_loop3A_305 : memref<1x128x128xf32, #tpu.memory_space<vmem>> -> memref<128x128xf32, #tpu.memory_space<vmem>>
        %parallel_loop3A_307 = arith.index_cast %parallel_loop3A_280 : i32 to index
        %parallel_loop3A_308 = arith.index_cast %parallel_loop3A_302 : i32 to index
        %parallel_loop3A_309 = tpu.vector_load %parallel_loop3A_306[%parallel_loop3A_307, %parallel_loop3A_308] {strides = array<i32>} : memref<128x128xf32, #tpu.memory_space<vmem>>, vector<16xf32>,
        %parallel_loop3A_310 = arith.mulf %parallel_loop3A_309, %parallel_loop3A_285 : vector<16xf32>
        %parallel_loop3A_311 = arith.constant 1 : i32
        %parallel_loop3A_312 = arith.index_cast %parallel_loop3A_311 : i32 to index
        %parallel_loop3A_313 = arith.index_cast %parallel_loop3A_280 : i32 to index
        %parallel_loop3A_314 = arith.constant 16 : index
        %parallel_loop3A_315 = tpu.vector_load %arg11[%parallel_loop3A_312, %parallel_loop3A_313, %parallel_loop3A_314] {strides = array<i32>} : memref<2x128x64xf32, #tpu.memory_space<vmem>>, vector<16xf32>,
        tpu.vector_store %arg11[%parallel_loop3A_312, %parallel_loop3A_313, %parallel_loop3A_314], %parallel_loop3A_310 {strides = array<i32>} : memref<2x128x64xf32, #tpu.memory_space<vmem>>, vector<16xf32>,
        %parallel_loop3A_316 = arith.constant 32 : i32
        %parallel_loop3A_317 = arith.addi %parallel_loop3A_282, %parallel_loop3A_316 : i32
        %parallel_loop3A_318 = arith.constant 0 : i32
        %parallel_loop3A_319 = arith.constant 0 : i32
        %parallel_loop3A_320 = tpu.memref_slice %arg9[%parallel_loop3A_174, %parallel_loop3A_318, %parallel_loop3A_319] : memref<2x128x128xf32, #tpu.memory_space<vmem>> -> memref<1x128x128xf32, #tpu.memory_space<vmem>>
        %parallel_loop3A_321 = tpu.memref_squeeze %parallel_loop3A_320 : memref<1x128x128xf32, #tpu.memory_space<vmem>> -> memref<128x128xf32, #tpu.memory_space<vmem>>
        %parallel_loop3A_322 = arith.index_cast %parallel_loop3A_280 : i32 to index
        %parallel_loop3A_323 = arith.index_cast %parallel_loop3A_317 : i32 to index
        %parallel_loop3A_324 = tpu.vector_load %parallel_loop3A_321[%parallel_loop3A_322, %parallel_loop3A_323] {strides = array<i32>} : memref<128x128xf32, #tpu.memory_space<vmem>>, vector<16xf32>,
        %parallel_loop3A_325 = arith.mulf %parallel_loop3A_324, %parallel_loop3A_285 : vector<16xf32>
        %parallel_loop3A_326 = arith.constant 1 : i32
        %parallel_loop3A_327 = arith.index_cast %parallel_loop3A_326 : i32 to index
        %parallel_loop3A_328 = arith.index_cast %parallel_loop3A_280 : i32 to index
        %parallel_loop3A_329 = arith.constant 32 : index
        %parallel_loop3A_330 = tpu.vector_load %arg11[%parallel_loop3A_327, %parallel_loop3A_328, %parallel_loop3A_329] {strides = array<i32>} : memref<2x128x64xf32, #tpu.memory_space<vmem>>, vector<16xf32>,
        tpu.vector_store %arg11[%parallel_loop3A_327, %parallel_loop3A_328, %parallel_loop3A_329], %parallel_loop3A_325 {strides = array<i32>} : memref<2x128x64xf32, #tpu.memory_space<vmem>>, vector<16xf32>,
        %parallel_loop3A_331 = arith.constant 48 : i32
        %parallel_loop3A_332 = arith.addi %parallel_loop3A_282, %parallel_loop3A_331 : i32
        %parallel_loop3A_333 = arith.constant 0 : i32
        %parallel_loop3A_334 = arith.constant 0 : i32
        %parallel_loop3A_335 = tpu.memref_slice %arg9[%parallel_loop3A_174, %parallel_loop3A_333, %parallel_loop3A_334] : memref<2x128x128xf32, #tpu.memory_space<vmem>> -> memref<1x128x128xf32, #tpu.memory_space<vmem>>
        %parallel_loop3A_336 = tpu.memref_squeeze %parallel_loop3A_335 : memref<1x128x128xf32, #tpu.memory_space<vmem>> -> memref<128x128xf32, #tpu.memory_space<vmem>>
        %parallel_loop3A_337 = arith.index_cast %parallel_loop3A_280 : i32 to index
        %parallel_loop3A_338 = arith.index_cast %parallel_loop3A_332 : i32 to index
        %parallel_loop3A_339 = tpu.vector_load %parallel_loop3A_336[%parallel_loop3A_337, %parallel_loop3A_338] {strides = array<i32>} : memref<128x128xf32, #tpu.memory_space<vmem>>, vector<16xf32>,
        %parallel_loop3A_340 = arith.mulf %parallel_loop3A_339, %parallel_loop3A_285 : vector<16xf32>
        %parallel_loop3A_341 = arith.constant 1 : i32
        %parallel_loop3A_342 = arith.index_cast %parallel_loop3A_341 : i32 to index
        %parallel_loop3A_343 = arith.index_cast %parallel_loop3A_280 : i32 to index
        %parallel_loop3A_344 = arith.constant 48 : index
        %parallel_loop3A_345 = tpu.vector_load %arg11[%parallel_loop3A_342, %parallel_loop3A_343, %parallel_loop3A_344] {strides = array<i32>} : memref<2x128x64xf32, #tpu.memory_space<vmem>>, vector<16xf32>,
        tpu.vector_store %arg11[%parallel_loop3A_342, %parallel_loop3A_343, %parallel_loop3A_344], %parallel_loop3A_340 {strides = array<i32>} : memref<2x128x64xf32, #tpu.memory_space<vmem>>, vector<16xf32>,
        %parallel_loop3A_346 = arith.constant 2 : i32
        %parallel_loop3A_347 = arith.addi %parallel_loop3A_198, %parallel_loop3A_346 : i32
        %parallel_loop3A_348 = vector.extract_strided_slice %parallel_loop3A_207 {offsets = [2], sizes = [1], strides = [1]} : vector<16xi32> to vector<1xi32>
        %parallel_loop3A_349 = vector.extract %parallel_loop3A_348[0] : i32 from vector<1xi32>
        %parallel_loop3A_350 = vector.extract_strided_slice %parallel_loop3A_211 {offsets = [2], sizes = [1], strides = [1]} : vector<16xf32> to vector<1xf32>
        %parallel_loop3A_351 = vector.extract %parallel_loop3A_350[0] : f32 from vector<1xf32>
        %parallel_loop3A_352 = vector.broadcast %parallel_loop3A_351 : f32 to vector<16xf32>
        %parallel_loop3A_353 = arith.constant 0 : i32
        %parallel_loop3A_354 = arith.addi %parallel_loop3A_349, %parallel_loop3A_353 : i32
        %parallel_loop3A_355 = arith.constant 0 : i32
        %parallel_loop3A_356 = arith.constant 0 : i32
        %parallel_loop3A_357 = tpu.memref_slice %arg9[%parallel_loop3A_174, %parallel_loop3A_355, %parallel_loop3A_356] : memref<2x128x128xf32, #tpu.memory_space<vmem>> -> memref<1x128x128xf32, #tpu.memory_space<vmem>>
        %parallel_loop3A_358 = tpu.memref_squeeze %parallel_loop3A_357 : memref<1x128x128xf32, #tpu.memory_space<vmem>> -> memref<128x128xf32, #tpu.memory_space<vmem>>
        %parallel_loop3A_359 = arith.index_cast %parallel_loop3A_347 : i32 to index
        %parallel_loop3A_360 = arith.index_cast %parallel_loop3A_354 : i32 to index
        %parallel_loop3A_361 = tpu.vector_load %parallel_loop3A_358[%parallel_loop3A_359, %parallel_loop3A_360] {strides = array<i32>} : memref<128x128xf32, #tpu.memory_space<vmem>>, vector<16xf32>,
        %parallel_loop3A_362 = arith.mulf %parallel_loop3A_361, %parallel_loop3A_352 : vector<16xf32>
        %parallel_loop3A_363 = arith.constant 1 : i32
        %parallel_loop3A_364 = arith.index_cast %parallel_loop3A_363 : i32 to index
        %parallel_loop3A_365 = arith.index_cast %parallel_loop3A_347 : i32 to index
        %parallel_loop3A_366 = arith.constant 0 : index
        %parallel_loop3A_367 = tpu.vector_load %arg11[%parallel_loop3A_364, %parallel_loop3A_365, %parallel_loop3A_366] {strides = array<i32>} : memref<2x128x64xf32, #tpu.memory_space<vmem>>, vector<16xf32>,
        tpu.vector_store %arg11[%parallel_loop3A_364, %parallel_loop3A_365, %parallel_loop3A_366], %parallel_loop3A_362 {strides = array<i32>} : memref<2x128x64xf32, #tpu.memory_space<vmem>>, vector<16xf32>,
        %parallel_loop3A_368 = arith.constant 16 : i32
        %parallel_loop3A_369 = arith.addi %parallel_loop3A_349, %parallel_loop3A_368 : i32
        %parallel_loop3A_370 = arith.constant 0 : i32
        %parallel_loop3A_371 = arith.constant 0 : i32
        %parallel_loop3A_372 = tpu.memref_slice %arg9[%parallel_loop3A_174, %parallel_loop3A_370, %parallel_loop3A_371] : memref<2x128x128xf32, #tpu.memory_space<vmem>> -> memref<1x128x128xf32, #tpu.memory_space<vmem>>
        %parallel_loop3A_373 = tpu.memref_squeeze %parallel_loop3A_372 : memref<1x128x128xf32, #tpu.memory_space<vmem>> -> memref<128x128xf32, #tpu.memory_space<vmem>>
        %parallel_loop3A_374 = arith.index_cast %parallel_loop3A_347 : i32 to index
        %parallel_loop3A_375 = arith.index_cast %parallel_loop3A_369 : i32 to index
        %parallel_loop3A_376 = tpu.vector_load %parallel_loop3A_373[%parallel_loop3A_374, %parallel_loop3A_375] {strides = array<i32>} : memref<128x128xf32, #tpu.memory_space<vmem>>, vector<16xf32>,
        %parallel_loop3A_377 = arith.mulf %parallel_loop3A_376, %parallel_loop3A_352 : vector<16xf32>
        %parallel_loop3A_378 = arith.constant 1 : i32
        %parallel_loop3A_379 = arith.index_cast %parallel_loop3A_378 : i32 to index
        %parallel_loop3A_380 = arith.index_cast %parallel_loop3A_347 : i32 to index
        %parallel_loop3A_381 = arith.constant 16 : index
        %parallel_loop3A_382 = tpu.vector_load %arg11[%parallel_loop3A_379, %parallel_loop3A_380, %parallel_loop3A_381] {strides = array<i32>} : memref<2x128x64xf32, #tpu.memory_space<vmem>>, vector<16xf32>,
        tpu.vector_store %arg11[%parallel_loop3A_379, %parallel_loop3A_380, %parallel_loop3A_381], %parallel_loop3A_377 {strides = array<i32>} : memref<2x128x64xf32, #tpu.memory_space<vmem>>, vector<16xf32>,
        %parallel_loop3A_383 = arith.constant 32 : i32
        %parallel_loop3A_384 = arith.addi %parallel_loop3A_349, %parallel_loop3A_383 : i32
        %parallel_loop3A_385 = arith.constant 0 : i32
        %parallel_loop3A_386 = arith.constant 0 : i32
        %parallel_loop3A_387 = tpu.memref_slice %arg9[%parallel_loop3A_174, %parallel_loop3A_385, %parallel_loop3A_386] : memref<2x128x128xf32, #tpu.memory_space<vmem>> -> memref<1x128x128xf32, #tpu.memory_space<vmem>>
        %parallel_loop3A_388 = tpu.memref_squeeze %parallel_loop3A_387 : memref<1x128x128xf32, #tpu.memory_space<vmem>> -> memref<128x128xf32, #tpu.memory_space<vmem>>
        %parallel_loop3A_389 = arith.index_cast %parallel_loop3A_347 : i32 to index
        %parallel_loop3A_390 = arith.index_cast %parallel_loop3A_384 : i32 to index
        %parallel_loop3A_391 = tpu.vector_load %parallel_loop3A_388[%parallel_loop3A_389, %parallel_loop3A_390] {strides = array<i32>} : memref<128x128xf32, #tpu.memory_space<vmem>>, vector<16xf32>,
        %parallel_loop3A_392 = arith.mulf %parallel_loop3A_391, %parallel_loop3A_352 : vector<16xf32>
        %parallel_loop3A_393 = arith.constant 1 : i32
        %parallel_loop3A_394 = arith.index_cast %parallel_loop3A_393 : i32 to index
        %parallel_loop3A_395 = arith.index_cast %parallel_loop3A_347 : i32 to index
        %parallel_loop3A_396 = arith.constant 32 : index
        %parallel_loop3A_397 = tpu.vector_load %arg11[%parallel_loop3A_394, %parallel_loop3A_395, %parallel_loop3A_396] {strides = array<i32>} : memref<2x128x64xf32, #tpu.memory_space<vmem>>, vector<16xf32>,
        tpu.vector_store %arg11[%parallel_loop3A_394, %parallel_loop3A_395, %parallel_loop3A_396], %parallel_loop3A_392 {strides = array<i32>} : memref<2x128x64xf32, #tpu.memory_space<vmem>>, vector<16xf32>,
        %parallel_loop3A_398 = arith.constant 48 : i32
        %parallel_loop3A_399 = arith.addi %parallel_loop3A_349, %parallel_loop3A_398 : i32
        %parallel_loop3A_400 = arith.constant 0 : i32
        %parallel_loop3A_401 = arith.constant 0 : i32
        %parallel_loop3A_402 = tpu.memref_slice %arg9[%parallel_loop3A_174, %parallel_loop3A_400, %parallel_loop3A_401] : memref<2x128x128xf32, #tpu.memory_space<vmem>> -> memref<1x128x128xf32, #tpu.memory_space<vmem>>
        %parallel_loop3A_403 = tpu.memref_squeeze %parallel_loop3A_402 : memref<1x128x128xf32, #tpu.memory_space<vmem>> -> memref<128x128xf32, #tpu.memory_space<vmem>>
        %parallel_loop3A_404 = arith.index_cast %parallel_loop3A_347 : i32 to index
        %parallel_loop3A_405 = arith.index_cast %parallel_loop3A_399 : i32 to index
        %parallel_loop3A_406 = tpu.vector_load %parallel_loop3A_403[%parallel_loop3A_404, %parallel_loop3A_405] {strides = array<i32>} : memref<128x128xf32, #tpu.memory_space<vmem>>, vector<16xf32>,
        %parallel_loop3A_407 = arith.mulf %parallel_loop3A_406, %parallel_loop3A_352 : vector<16xf32>
        %parallel_loop3A_408 = arith.constant 1 : i32
        %parallel_loop3A_409 = arith.index_cast %parallel_loop3A_408 : i32 to index
        %parallel_loop3A_410 = arith.index_cast %parallel_loop3A_347 : i32 to index
        %parallel_loop3A_411 = arith.constant 48 : index
        %parallel_loop3A_412 = tpu.vector_load %arg11[%parallel_loop3A_409, %parallel_loop3A_410, %parallel_loop3A_411] {strides = array<i32>} : memref<2x128x64xf32, #tpu.memory_space<vmem>>, vector<16xf32>,
        tpu.vector_store %arg11[%parallel_loop3A_409, %parallel_loop3A_410, %parallel_loop3A_411], %parallel_loop3A_407 {strides = array<i32>} : memref<2x128x64xf32, #tpu.memory_space<vmem>>, vector<16xf32>,
        %parallel_loop3A_413 = arith.constant 3 : i32
        %parallel_loop3A_414 = arith.addi %parallel_loop3A_198, %parallel_loop3A_413 : i32
        %parallel_loop3A_415 = vector.extract_strided_slice %parallel_loop3A_207 {offsets = [3], sizes = [1], strides = [1]} : vector<16xi32> to vector<1xi32>
        %parallel_loop3A_416 = vector.extract %parallel_loop3A_415[0] : i32 from vector<1xi32>
        %parallel_loop3A_417 = vector.extract_strided_slice %parallel_loop3A_211 {offsets = [3], sizes = [1], strides = [1]} : vector<16xf32> to vector<1xf32>
        %parallel_loop3A_418 = vector.extract %parallel_loop3A_417[0] : f32 from vector<1xf32>
        %parallel_loop3A_419 = vector.broadcast %parallel_loop3A_418 : f32 to vector<16xf32>
        %parallel_loop3A_420 = arith.constant 0 : i32
        %parallel_loop3A_421 = arith.addi %parallel_loop3A_416, %parallel_loop3A_420 : i32
        %parallel_loop3A_422 = arith.constant 0 : i32
        %parallel_loop3A_423 = arith.constant 0 : i32
        %parallel_loop3A_424 = tpu.memref_slice %arg9[%parallel_loop3A_174, %parallel_loop3A_422, %parallel_loop3A_423] : memref<2x128x128xf32, #tpu.memory_space<vmem>> -> memref<1x128x128xf32, #tpu.memory_space<vmem>>
        %parallel_loop3A_425 = tpu.memref_squeeze %parallel_loop3A_424 : memref<1x128x128xf32, #tpu.memory_space<vmem>> -> memref<128x128xf32, #tpu.memory_space<vmem>>
        %parallel_loop3A_426 = arith.index_cast %parallel_loop3A_414 : i32 to index
        %parallel_loop3A_427 = arith.index_cast %parallel_loop3A_421 : i32 to index
        %parallel_loop3A_428 = tpu.vector_load %parallel_loop3A_425[%parallel_loop3A_426, %parallel_loop3A_427] {strides = array<i32>} : memref<128x128xf32, #tpu.memory_space<vmem>>, vector<16xf32>,
        %parallel_loop3A_429 = arith.mulf %parallel_loop3A_428, %parallel_loop3A_419 : vector<16xf32>
        %parallel_loop3A_430 = arith.constant 1 : i32
        %parallel_loop3A_431 = arith.index_cast %parallel_loop3A_430 : i32 to index
        %parallel_loop3A_432 = arith.index_cast %parallel_loop3A_414 : i32 to index
        %parallel_loop3A_433 = arith.constant 0 : index
        %parallel_loop3A_434 = tpu.vector_load %arg11[%parallel_loop3A_431, %parallel_loop3A_432, %parallel_loop3A_433] {strides = array<i32>} : memref<2x128x64xf32, #tpu.memory_space<vmem>>, vector<16xf32>,
        tpu.vector_store %arg11[%parallel_loop3A_431, %parallel_loop3A_432, %parallel_loop3A_433], %parallel_loop3A_429 {strides = array<i32>} : memref<2x128x64xf32, #tpu.memory_space<vmem>>, vector<16xf32>,
        %parallel_loop3A_435 = arith.constant 16 : i32
        %parallel_loop3A_436 = arith.addi %parallel_loop3A_416, %parallel_loop3A_435 : i32
        %parallel_loop3A_437 = arith.constant 0 : i32
        %parallel_loop3A_438 = arith.constant 0 : i32
        %parallel_loop3A_439 = tpu.memref_slice %arg9[%parallel_loop3A_174, %parallel_loop3A_437, %parallel_loop3A_438] : memref<2x128x128xf32, #tpu.memory_space<vmem>> -> memref<1x128x128xf32, #tpu.memory_space<vmem>>
        %parallel_loop3A_440 = tpu.memref_squeeze %parallel_loop3A_439 : memref<1x128x128xf32, #tpu.memory_space<vmem>> -> memref<128x128xf32, #tpu.memory_space<vmem>>
        %parallel_loop3A_441 = arith.index_cast %parallel_loop3A_414 : i32 to index
        %parallel_loop3A_442 = arith.index_cast %parallel_loop3A_436 : i32 to index
        %parallel_loop3A_443 = tpu.vector_load %parallel_loop3A_440[%parallel_loop3A_441, %parallel_loop3A_442] {strides = array<i32>} : memref<128x128xf32, #tpu.memory_space<vmem>>, vector<16xf32>,
        %parallel_loop3A_444 = arith.mulf %parallel_loop3A_443, %parallel_loop3A_419 : vector<16xf32>
        %parallel_loop3A_445 = arith.constant 1 : i32
        %parallel_loop3A_446 = arith.index_cast %parallel_loop3A_445 : i32 to index
        %parallel_loop3A_447 = arith.index_cast %parallel_loop3A_414 : i32 to index
        %parallel_loop3A_448 = arith.constant 16 : index
        %parallel_loop3A_449 = tpu.vector_load %arg11[%parallel_loop3A_446, %parallel_loop3A_447, %parallel_loop3A_448] {strides = array<i32>} : memref<2x128x64xf32, #tpu.memory_space<vmem>>, vector<16xf32>,
        tpu.vector_store %arg11[%parallel_loop3A_446, %parallel_loop3A_447, %parallel_loop3A_448], %parallel_loop3A_444 {strides = array<i32>} : memref<2x128x64xf32, #tpu.memory_space<vmem>>, vector<16xf32>,
        %parallel_loop3A_450 = arith.constant 32 : i32
        %parallel_loop3A_451 = arith.addi %parallel_loop3A_416, %parallel_loop3A_450 : i32
        %parallel_loop3A_452 = arith.constant 0 : i32
        %parallel_loop3A_453 = arith.constant 0 : i32
        %parallel_loop3A_454 = tpu.memref_slice %arg9[%parallel_loop3A_174, %parallel_loop3A_452, %parallel_loop3A_453] : memref<2x128x128xf32, #tpu.memory_space<vmem>> -> memref<1x128x128xf32, #tpu.memory_space<vmem>>
        %parallel_loop3A_455 = tpu.memref_squeeze %parallel_loop3A_454 : memref<1x128x128xf32, #tpu.memory_space<vmem>> -> memref<128x128xf32, #tpu.memory_space<vmem>>
        %parallel_loop3A_456 = arith.index_cast %parallel_loop3A_414 : i32 to index
        %parallel_loop3A_457 = arith.index_cast %parallel_loop3A_451 : i32 to index
        %parallel_loop3A_458 = tpu.vector_load %parallel_loop3A_455[%parallel_loop3A_456, %parallel_loop3A_457] {strides = array<i32>} : memref<128x128xf32, #tpu.memory_space<vmem>>, vector<16xf32>,
        %parallel_loop3A_459 = arith.mulf %parallel_loop3A_458, %parallel_loop3A_419 : vector<16xf32>
        %parallel_loop3A_460 = arith.constant 1 : i32
        %parallel_loop3A_461 = arith.index_cast %parallel_loop3A_460 : i32 to index
        %parallel_loop3A_462 = arith.index_cast %parallel_loop3A_414 : i32 to index
        %parallel_loop3A_463 = arith.constant 32 : index
        %parallel_loop3A_464 = tpu.vector_load %arg11[%parallel_loop3A_461, %parallel_loop3A_462, %parallel_loop3A_463] {strides = array<i32>} : memref<2x128x64xf32, #tpu.memory_space<vmem>>, vector<16xf32>,
        tpu.vector_store %arg11[%parallel_loop3A_461, %parallel_loop3A_462, %parallel_loop3A_463], %parallel_loop3A_459 {strides = array<i32>} : memref<2x128x64xf32, #tpu.memory_space<vmem>>, vector<16xf32>,
        %parallel_loop3A_465 = arith.constant 48 : i32
        %parallel_loop3A_466 = arith.addi %parallel_loop3A_416, %parallel_loop3A_465 : i32
        %parallel_loop3A_467 = arith.constant 0 : i32
        %parallel_loop3A_468 = arith.constant 0 : i32
        %parallel_loop3A_469 = tpu.memref_slice %arg9[%parallel_loop3A_174, %parallel_loop3A_467, %parallel_loop3A_468] : memref<2x128x128xf32, #tpu.memory_space<vmem>> -> memref<1x128x128xf32, #tpu.memory_space<vmem>>
        %parallel_loop3A_470 = tpu.memref_squeeze %parallel_loop3A_469 : memref<1x128x128xf32, #tpu.memory_space<vmem>> -> memref<128x128xf32, #tpu.memory_space<vmem>>
        %parallel_loop3A_471 = arith.index_cast %parallel_loop3A_414 : i32 to index
        %parallel_loop3A_472 = arith.index_cast %parallel_loop3A_466 : i32 to index
        %parallel_loop3A_473 = tpu.vector_load %parallel_loop3A_470[%parallel_loop3A_471, %parallel_loop3A_472] {strides = array<i32>} : memref<128x128xf32, #tpu.memory_space<vmem>>, vector<16xf32>,
        %parallel_loop3A_474 = arith.mulf %parallel_loop3A_473, %parallel_loop3A_419 : vector<16xf32>
        %parallel_loop3A_475 = arith.constant 1 : i32
        %parallel_loop3A_476 = arith.index_cast %parallel_loop3A_475 : i32 to index
        %parallel_loop3A_477 = arith.index_cast %parallel_loop3A_414 : i32 to index
        %parallel_loop3A_478 = arith.constant 48 : index
        %parallel_loop3A_479 = tpu.vector_load %arg11[%parallel_loop3A_476, %parallel_loop3A_477, %parallel_loop3A_478] {strides = array<i32>} : memref<2x128x64xf32, #tpu.memory_space<vmem>>, vector<16xf32>,
        tpu.vector_store %arg11[%parallel_loop3A_476, %parallel_loop3A_477, %parallel_loop3A_478], %parallel_loop3A_474 {strides = array<i32>} : memref<2x128x64xf32, #tpu.memory_space<vmem>>, vector<16xf32>,
        %parallel_loop3A_480 = arith.constant 4 : i32
        %parallel_loop3A_481 = arith.addi %parallel_loop3A_198, %parallel_loop3A_480 : i32
        %parallel_loop3A_482 = vector.extract_strided_slice %parallel_loop3A_207 {offsets = [4], sizes = [1], strides = [1]} : vector<16xi32> to vector<1xi32>
        %parallel_loop3A_483 = vector.extract %parallel_loop3A_482[0] : i32 from vector<1xi32>
        %parallel_loop3A_484 = vector.extract_strided_slice %parallel_loop3A_211 {offsets = [4], sizes = [1], strides = [1]} : vector<16xf32> to vector<1xf32>
        %parallel_loop3A_485 = vector.extract %parallel_loop3A_484[0] : f32 from vector<1xf32>
        %parallel_loop3A_486 = vector.broadcast %parallel_loop3A_485 : f32 to vector<16xf32>
        %parallel_loop3A_487 = arith.constant 0 : i32
        %parallel_loop3A_488 = arith.addi %parallel_loop3A_483, %parallel_loop3A_487 : i32
        %parallel_loop3A_489 = arith.constant 0 : i32
        %parallel_loop3A_490 = arith.constant 0 : i32
        %parallel_loop3A_491 = tpu.memref_slice %arg9[%parallel_loop3A_174, %parallel_loop3A_489, %parallel_loop3A_490] : memref<2x128x128xf32, #tpu.memory_space<vmem>> -> memref<1x128x128xf32, #tpu.memory_space<vmem>>
        %parallel_loop3A_492 = tpu.memref_squeeze %parallel_loop3A_491 : memref<1x128x128xf32, #tpu.memory_space<vmem>> -> memref<128x128xf32, #tpu.memory_space<vmem>>
        %parallel_loop3A_493 = arith.index_cast %parallel_loop3A_481 : i32 to index
        %parallel_loop3A_494 = arith.index_cast %parallel_loop3A_488 : i32 to index
        %parallel_loop3A_495 = tpu.vector_load %parallel_loop3A_492[%parallel_loop3A_493, %parallel_loop3A_494] {strides = array<i32>} : memref<128x128xf32, #tpu.memory_space<vmem>>, vector<16xf32>,
        %parallel_loop3A_496 = arith.mulf %parallel_loop3A_495, %parallel_loop3A_486 : vector<16xf32>
        %parallel_loop3A_497 = arith.constant 1 : i32
        %parallel_loop3A_498 = arith.index_cast %parallel_loop3A_497 : i32 to index
        %parallel_loop3A_499 = arith.index_cast %parallel_loop3A_481 : i32 to index
        %parallel_loop3A_500 = arith.constant 0 : index
        %parallel_loop3A_501 = tpu.vector_load %arg11[%parallel_loop3A_498, %parallel_loop3A_499, %parallel_loop3A_500] {strides = array<i32>} : memref<2x128x64xf32, #tpu.memory_space<vmem>>, vector<16xf32>,
        tpu.vector_store %arg11[%parallel_loop3A_498, %parallel_loop3A_499, %parallel_loop3A_500], %parallel_loop3A_496 {strides = array<i32>} : memref<2x128x64xf32, #tpu.memory_space<vmem>>, vector<16xf32>,
        %parallel_loop3A_502 = arith.constant 16 : i32
        %parallel_loop3A_503 = arith.addi %parallel_loop3A_483, %parallel_loop3A_502 : i32
        %parallel_loop3A_504 = arith.constant 0 : i32
        %parallel_loop3A_505 = arith.constant 0 : i32
        %parallel_loop3A_506 = tpu.memref_slice %arg9[%parallel_loop3A_174, %parallel_loop3A_504, %parallel_loop3A_505] : memref<2x128x128xf32, #tpu.memory_space<vmem>> -> memref<1x128x128xf32, #tpu.memory_space<vmem>>
        %parallel_loop3A_507 = tpu.memref_squeeze %parallel_loop3A_506 : memref<1x128x128xf32, #tpu.memory_space<vmem>> -> memref<128x128xf32, #tpu.memory_space<vmem>>
        %parallel_loop3A_508 = arith.index_cast %parallel_loop3A_481 : i32 to index
        %parallel_loop3A_509 = arith.index_cast %parallel_loop3A_503 : i32 to index
        %parallel_loop3A_510 = tpu.vector_load %parallel_loop3A_507[%parallel_loop3A_508, %parallel_loop3A_509] {strides = array<i32>} : memref<128x128xf32, #tpu.memory_space<vmem>>, vector<16xf32>,
        %parallel_loop3A_511 = arith.mulf %parallel_loop3A_510, %parallel_loop3A_486 : vector<16xf32>
        %parallel_loop3A_512 = arith.constant 1 : i32
        %parallel_loop3A_513 = arith.index_cast %parallel_loop3A_512 : i32 to index
        %parallel_loop3A_514 = arith.index_cast %parallel_loop3A_481 : i32 to index
        %parallel_loop3A_515 = arith.constant 16 : index
        %parallel_loop3A_516 = tpu.vector_load %arg11[%parallel_loop3A_513, %parallel_loop3A_514, %parallel_loop3A_515] {strides = array<i32>} : memref<2x128x64xf32, #tpu.memory_space<vmem>>, vector<16xf32>,
        tpu.vector_store %arg11[%parallel_loop3A_513, %parallel_loop3A_514, %parallel_loop3A_515], %parallel_loop3A_511 {strides = array<i32>} : memref<2x128x64xf32, #tpu.memory_space<vmem>>, vector<16xf32>,
        %parallel_loop3A_517 = arith.constant 32 : i32
        %parallel_loop3A_518 = arith.addi %parallel_loop3A_483, %parallel_loop3A_517 : i32
        %parallel_loop3A_519 = arith.constant 0 : i32
        %parallel_loop3A_520 = arith.constant 0 : i32
        %parallel_loop3A_521 = tpu.memref_slice %arg9[%parallel_loop3A_174, %parallel_loop3A_519, %parallel_loop3A_520] : memref<2x128x128xf32, #tpu.memory_space<vmem>> -> memref<1x128x128xf32, #tpu.memory_space<vmem>>
        %parallel_loop3A_522 = tpu.memref_squeeze %parallel_loop3A_521 : memref<1x128x128xf32, #tpu.memory_space<vmem>> -> memref<128x128xf32, #tpu.memory_space<vmem>>
        %parallel_loop3A_523 = arith.index_cast %parallel_loop3A_481 : i32 to index
        %parallel_loop3A_524 = arith.index_cast %parallel_loop3A_518 : i32 to index
        %parallel_loop3A_525 = tpu.vector_load %parallel_loop3A_522[%parallel_loop3A_523, %parallel_loop3A_524] {strides = array<i32>} : memref<128x128xf32, #tpu.memory_space<vmem>>, vector<16xf32>,
        %parallel_loop3A_526 = arith.mulf %parallel_loop3A_525, %parallel_loop3A_486 : vector<16xf32>
        %parallel_loop3A_527 = arith.constant 1 : i32
        %parallel_loop3A_528 = arith.index_cast %parallel_loop3A_527 : i32 to index
        %parallel_loop3A_529 = arith.index_cast %parallel_loop3A_481 : i32 to index
        %parallel_loop3A_530 = arith.constant 32 : index
        %parallel_loop3A_531 = tpu.vector_load %arg11[%parallel_loop3A_528, %parallel_loop3A_529, %parallel_loop3A_530] {strides = array<i32>} : memref<2x128x64xf32, #tpu.memory_space<vmem>>, vector<16xf32>,
        tpu.vector_store %arg11[%parallel_loop3A_528, %parallel_loop3A_529, %parallel_loop3A_530], %parallel_loop3A_526 {strides = array<i32>} : memref<2x128x64xf32, #tpu.memory_space<vmem>>, vector<16xf32>,
        %parallel_loop3A_532 = arith.constant 48 : i32
        %parallel_loop3A_533 = arith.addi %parallel_loop3A_483, %parallel_loop3A_532 : i32
        %parallel_loop3A_534 = arith.constant 0 : i32
        %parallel_loop3A_535 = arith.constant 0 : i32
        %parallel_loop3A_536 = tpu.memref_slice %arg9[%parallel_loop3A_174, %parallel_loop3A_534, %parallel_loop3A_535] : memref<2x128x128xf32, #tpu.memory_space<vmem>> -> memref<1x128x128xf32, #tpu.memory_space<vmem>>
        %parallel_loop3A_537 = tpu.memref_squeeze %parallel_loop3A_536 : memref<1x128x128xf32, #tpu.memory_space<vmem>> -> memref<128x128xf32, #tpu.memory_space<vmem>>
        %parallel_loop3A_538 = arith.index_cast %parallel_loop3A_481 : i32 to index
        %parallel_loop3A_539 = arith.index_cast %parallel_loop3A_533 : i32 to index
        %parallel_loop3A_540 = tpu.vector_load %parallel_loop3A_537[%parallel_loop3A_538, %parallel_loop3A_539] {strides = array<i32>} : memref<128x128xf32, #tpu.memory_space<vmem>>, vector<16xf32>,
        %parallel_loop3A_541 = arith.mulf %parallel_loop3A_540, %parallel_loop3A_486 : vector<16xf32>
        %parallel_loop3A_542 = arith.constant 1 : i32
        %parallel_loop3A_543 = arith.index_cast %parallel_loop3A_542 : i32 to index
        %parallel_loop3A_544 = arith.index_cast %parallel_loop3A_481 : i32 to index
        %parallel_loop3A_545 = arith.constant 48 : index
        %parallel_loop3A_546 = tpu.vector_load %arg11[%parallel_loop3A_543, %parallel_loop3A_544, %parallel_loop3A_545] {strides = array<i32>} : memref<2x128x64xf32, #tpu.memory_space<vmem>>, vector<16xf32>,
        tpu.vector_store %arg11[%parallel_loop3A_543, %parallel_loop3A_544, %parallel_loop3A_545], %parallel_loop3A_541 {strides = array<i32>} : memref<2x128x64xf32, #tpu.memory_space<vmem>>, vector<16xf32>,
        %parallel_loop3A_547 = arith.constant 5 : i32
        %parallel_loop3A_548 = arith.addi %parallel_loop3A_198, %parallel_loop3A_547 : i32
        %parallel_loop3A_549 = vector.extract_strided_slice %parallel_loop3A_207 {offsets = [5], sizes = [1], strides = [1]} : vector<16xi32> to vector<1xi32>
        %parallel_loop3A_550 = vector.extract %parallel_loop3A_549[0] : i32 from vector<1xi32>
        %parallel_loop3A_551 = vector.extract_strided_slice %parallel_loop3A_211 {offsets = [5], sizes = [1], strides = [1]} : vector<16xf32> to vector<1xf32>
        %parallel_loop3A_552 = vector.extract %parallel_loop3A_551[0] : f32 from vector<1xf32>
        %parallel_loop3A_553 = vector.broadcast %parallel_loop3A_552 : f32 to vector<16xf32>
        %parallel_loop3A_554 = arith.constant 0 : i32
        %parallel_loop3A_555 = arith.addi %parallel_loop3A_550, %parallel_loop3A_554 : i32
        %parallel_loop3A_556 = arith.constant 0 : i32
        %parallel_loop3A_557 = arith.constant 0 : i32
        %parallel_loop3A_558 = tpu.memref_slice %arg9[%parallel_loop3A_174, %parallel_loop3A_556, %parallel_loop3A_557] : memref<2x128x128xf32, #tpu.memory_space<vmem>> -> memref<1x128x128xf32, #tpu.memory_space<vmem>>
        %parallel_loop3A_559 = tpu.memref_squeeze %parallel_loop3A_558 : memref<1x128x128xf32, #tpu.memory_space<vmem>> -> memref<128x128xf32, #tpu.memory_space<vmem>>
        %parallel_loop3A_560 = arith.index_cast %parallel_loop3A_548 : i32 to index
        %parallel_loop3A_561 = arith.index_cast %parallel_loop3A_555 : i32 to index
        %parallel_loop3A_562 = tpu.vector_load %parallel_loop3A_559[%parallel_loop3A_560, %parallel_loop3A_561] {strides = array<i32>} : memref<128x128xf32, #tpu.memory_space<vmem>>, vector<16xf32>,
        %parallel_loop3A_563 = arith.mulf %parallel_loop3A_562, %parallel_loop3A_553 : vector<16xf32>
        %parallel_loop3A_564 = arith.constant 1 : i32
        %parallel_loop3A_565 = arith.index_cast %parallel_loop3A_564 : i32 to index
        %parallel_loop3A_566 = arith.index_cast %parallel_loop3A_548 : i32 to index
        %parallel_loop3A_567 = arith.constant 0 : index
        %parallel_loop3A_568 = tpu.vector_load %arg11[%parallel_loop3A_565, %parallel_loop3A_566, %parallel_loop3A_567] {strides = array<i32>} : memref<2x128x64xf32, #tpu.memory_space<vmem>>, vector<16xf32>,
        tpu.vector_store %arg11[%parallel_loop3A_565, %parallel_loop3A_566, %parallel_loop3A_567], %parallel_loop3A_563 {strides = array<i32>} : memref<2x128x64xf32, #tpu.memory_space<vmem>>, vector<16xf32>,
        %parallel_loop3A_569 = arith.constant 16 : i32
        %parallel_loop3A_570 = arith.addi %parallel_loop3A_550, %parallel_loop3A_569 : i32
        %parallel_loop3A_571 = arith.constant 0 : i32
        %parallel_loop3A_572 = arith.constant 0 : i32
        %parallel_loop3A_573 = tpu.memref_slice %arg9[%parallel_loop3A_174, %parallel_loop3A_571, %parallel_loop3A_572] : memref<2x128x128xf32, #tpu.memory_space<vmem>> -> memref<1x128x128xf32, #tpu.memory_space<vmem>>
        %parallel_loop3A_574 = tpu.memref_squeeze %parallel_loop3A_573 : memref<1x128x128xf32, #tpu.memory_space<vmem>> -> memref<128x128xf32, #tpu.memory_space<vmem>>
        %parallel_loop3A_575 = arith.index_cast %parallel_loop3A_548 : i32 to index
        %parallel_loop3A_576 = arith.index_cast %parallel_loop3A_570 : i32 to index
        %parallel_loop3A_577 = tpu.vector_load %parallel_loop3A_574[%parallel_loop3A_575, %parallel_loop3A_576] {strides = array<i32>} : memref<128x128xf32, #tpu.memory_space<vmem>>, vector<16xf32>,
        %parallel_loop3A_578 = arith.mulf %parallel_loop3A_577, %parallel_loop3A_553 : vector<16xf32>
        %parallel_loop3A_579 = arith.constant 1 : i32
        %parallel_loop3A_580 = arith.index_cast %parallel_loop3A_579 : i32 to index
        %parallel_loop3A_581 = arith.index_cast %parallel_loop3A_548 : i32 to index
        %parallel_loop3A_582 = arith.constant 16 : index
        %parallel_loop3A_583 = tpu.vector_load %arg11[%parallel_loop3A_580, %parallel_loop3A_581, %parallel_loop3A_582] {strides = array<i32>} : memref<2x128x64xf32, #tpu.memory_space<vmem>>, vector<16xf32>,
        tpu.vector_store %arg11[%parallel_loop3A_580, %parallel_loop3A_581, %parallel_loop3A_582], %parallel_loop3A_578 {strides = array<i32>} : memref<2x128x64xf32, #tpu.memory_space<vmem>>, vector<16xf32>,
        %parallel_loop3A_584 = arith.constant 32 : i32
        %parallel_loop3A_585 = arith.addi %parallel_loop3A_550, %parallel_loop3A_584 : i32
        %parallel_loop3A_586 = arith.constant 0 : i32
        %parallel_loop3A_587 = arith.constant 0 : i32
        %parallel_loop3A_588 = tpu.memref_slice %arg9[%parallel_loop3A_174, %parallel_loop3A_586, %parallel_loop3A_587] : memref<2x128x128xf32, #tpu.memory_space<vmem>> -> memref<1x128x128xf32, #tpu.memory_space<vmem>>
        %parallel_loop3A_589 = tpu.memref_squeeze %parallel_loop3A_588 : memref<1x128x128xf32, #tpu.memory_space<vmem>> -> memref<128x128xf32, #tpu.memory_space<vmem>>
        %parallel_loop3A_590 = arith.index_cast %parallel_loop3A_548 : i32 to index
        %parallel_loop3A_591 = arith.index_cast %parallel_loop3A_585 : i32 to index
        %parallel_loop3A_592 = tpu.vector_load %parallel_loop3A_589[%parallel_loop3A_590, %parallel_loop3A_591] {strides = array<i32>} : memref<128x128xf32, #tpu.memory_space<vmem>>, vector<16xf32>,
        %parallel_loop3A_593 = arith.mulf %parallel_loop3A_592, %parallel_loop3A_553 : vector<16xf32>
        %parallel_loop3A_594 = arith.constant 1 : i32
        %parallel_loop3A_595 = arith.index_cast %parallel_loop3A_594 : i32 to index
        %parallel_loop3A_596 = arith.index_cast %parallel_loop3A_548 : i32 to index
        %parallel_loop3A_597 = arith.constant 32 : index
        %parallel_loop3A_598 = tpu.vector_load %arg11[%parallel_loop3A_595, %parallel_loop3A_596, %parallel_loop3A_597] {strides = array<i32>} : memref<2x128x64xf32, #tpu.memory_space<vmem>>, vector<16xf32>,
        tpu.vector_store %arg11[%parallel_loop3A_595, %parallel_loop3A_596, %parallel_loop3A_597], %parallel_loop3A_593 {strides = array<i32>} : memref<2x128x64xf32, #tpu.memory_space<vmem>>, vector<16xf32>,
        %parallel_loop3A_599 = arith.constant 48 : i32
        %parallel_loop3A_600 = arith.addi %parallel_loop3A_550, %parallel_loop3A_599 : i32
        %parallel_loop3A_601 = arith.constant 0 : i32
        %parallel_loop3A_602 = arith.constant 0 : i32
        %parallel_loop3A_603 = tpu.memref_slice %arg9[%parallel_loop3A_174, %parallel_loop3A_601, %parallel_loop3A_602] : memref<2x128x128xf32, #tpu.memory_space<vmem>> -> memref<1x128x128xf32, #tpu.memory_space<vmem>>
        %parallel_loop3A_604 = tpu.memref_squeeze %parallel_loop3A_603 : memref<1x128x128xf32, #tpu.memory_space<vmem>> -> memref<128x128xf32, #tpu.memory_space<vmem>>
        %parallel_loop3A_605 = arith.index_cast %parallel_loop3A_548 : i32 to index
        %parallel_loop3A_606 = arith.index_cast %parallel_loop3A_600 : i32 to index
        %parallel_loop3A_607 = tpu.vector_load %parallel_loop3A_604[%parallel_loop3A_605, %parallel_loop3A_606] {strides = array<i32>} : memref<128x128xf32, #tpu.memory_space<vmem>>, vector<16xf32>,
        %parallel_loop3A_608 = arith.mulf %parallel_loop3A_607, %parallel_loop3A_553 : vector<16xf32>
        %parallel_loop3A_609 = arith.constant 1 : i32
        %parallel_loop3A_610 = arith.index_cast %parallel_loop3A_609 : i32 to index
        %parallel_loop3A_611 = arith.index_cast %parallel_loop3A_548 : i32 to index
        %parallel_loop3A_612 = arith.constant 48 : index
        %parallel_loop3A_613 = tpu.vector_load %arg11[%parallel_loop3A_610, %parallel_loop3A_611, %parallel_loop3A_612] {strides = array<i32>} : memref<2x128x64xf32, #tpu.memory_space<vmem>>, vector<16xf32>,
        tpu.vector_store %arg11[%parallel_loop3A_610, %parallel_loop3A_611, %parallel_loop3A_612], %parallel_loop3A_608 {strides = array<i32>} : memref<2x128x64xf32, #tpu.memory_space<vmem>>, vector<16xf32>,
        %parallel_loop3A_614 = arith.constant 6 : i32
        %parallel_loop3A_615 = arith.addi %parallel_loop3A_198, %parallel_loop3A_614 : i32
        %parallel_loop3A_616 = vector.extract_strided_slice %parallel_loop3A_207 {offsets = [6], sizes = [1], strides = [1]} : vector<16xi32> to vector<1xi32>
        %parallel_loop3A_617 = vector.extract %parallel_loop3A_616[0] : i32 from vector<1xi32>
        %parallel_loop3A_618 = vector.extract_strided_slice %parallel_loop3A_211 {offsets = [6], sizes = [1], strides = [1]} : vector<16xf32> to vector<1xf32>
        %parallel_loop3A_619 = vector.extract %parallel_loop3A_618[0] : f32 from vector<1xf32>
        %parallel_loop3A_620 = vector.broadcast %parallel_loop3A_619 : f32 to vector<16xf32>
        %parallel_loop3A_621 = arith.constant 0 : i32
        %parallel_loop3A_622 = arith.addi %parallel_loop3A_617, %parallel_loop3A_621 : i32
        %parallel_loop3A_623 = arith.constant 0 : i32
        %parallel_loop3A_624 = arith.constant 0 : i32
        %parallel_loop3A_625 = tpu.memref_slice %arg9[%parallel_loop3A_174, %parallel_loop3A_623, %parallel_loop3A_624] : memref<2x128x128xf32, #tpu.memory_space<vmem>> -> memref<1x128x128xf32, #tpu.memory_space<vmem>>
        %parallel_loop3A_626 = tpu.memref_squeeze %parallel_loop3A_625 : memref<1x128x128xf32, #tpu.memory_space<vmem>> -> memref<128x128xf32, #tpu.memory_space<vmem>>
        %parallel_loop3A_627 = arith.index_cast %parallel_loop3A_615 : i32 to index
        %parallel_loop3A_628 = arith.index_cast %parallel_loop3A_622 : i32 to index
        %parallel_loop3A_629 = tpu.vector_load %parallel_loop3A_626[%parallel_loop3A_627, %parallel_loop3A_628] {strides = array<i32>} : memref<128x128xf32, #tpu.memory_space<vmem>>, vector<16xf32>,
        %parallel_loop3A_630 = arith.mulf %parallel_loop3A_629, %parallel_loop3A_620 : vector<16xf32>
        %parallel_loop3A_631 = arith.constant 1 : i32
        %parallel_loop3A_632 = arith.index_cast %parallel_loop3A_631 : i32 to index
        %parallel_loop3A_633 = arith.index_cast %parallel_loop3A_615 : i32 to index
        %parallel_loop3A_634 = arith.constant 0 : index
        %parallel_loop3A_635 = tpu.vector_load %arg11[%parallel_loop3A_632, %parallel_loop3A_633, %parallel_loop3A_634] {strides = array<i32>} : memref<2x128x64xf32, #tpu.memory_space<vmem>>, vector<16xf32>,
        tpu.vector_store %arg11[%parallel_loop3A_632, %parallel_loop3A_633, %parallel_loop3A_634], %parallel_loop3A_630 {strides = array<i32>} : memref<2x128x64xf32, #tpu.memory_space<vmem>>, vector<16xf32>,
        %parallel_loop3A_636 = arith.constant 16 : i32
        %parallel_loop3A_637 = arith.addi %parallel_loop3A_617, %parallel_loop3A_636 : i32
        %parallel_loop3A_638 = arith.constant 0 : i32
        %parallel_loop3A_639 = arith.constant 0 : i32
        %parallel_loop3A_640 = tpu.memref_slice %arg9[%parallel_loop3A_174, %parallel_loop3A_638, %parallel_loop3A_639] : memref<2x128x128xf32, #tpu.memory_space<vmem>> -> memref<1x128x128xf32, #tpu.memory_space<vmem>>
        %parallel_loop3A_641 = tpu.memref_squeeze %parallel_loop3A_640 : memref<1x128x128xf32, #tpu.memory_space<vmem>> -> memref<128x128xf32, #tpu.memory_space<vmem>>
        %parallel_loop3A_642 = arith.index_cast %parallel_loop3A_615 : i32 to index
        %parallel_loop3A_643 = arith.index_cast %parallel_loop3A_637 : i32 to index
        %parallel_loop3A_644 = tpu.vector_load %parallel_loop3A_641[%parallel_loop3A_642, %parallel_loop3A_643] {strides = array<i32>} : memref<128x128xf32, #tpu.memory_space<vmem>>, vector<16xf32>,
        %parallel_loop3A_645 = arith.mulf %parallel_loop3A_644, %parallel_loop3A_620 : vector<16xf32>
        %parallel_loop3A_646 = arith.constant 1 : i32
        %parallel_loop3A_647 = arith.index_cast %parallel_loop3A_646 : i32 to index
        %parallel_loop3A_648 = arith.index_cast %parallel_loop3A_615 : i32 to index
        %parallel_loop3A_649 = arith.constant 16 : index
        %parallel_loop3A_650 = tpu.vector_load %arg11[%parallel_loop3A_647, %parallel_loop3A_648, %parallel_loop3A_649] {strides = array<i32>} : memref<2x128x64xf32, #tpu.memory_space<vmem>>, vector<16xf32>,
        tpu.vector_store %arg11[%parallel_loop3A_647, %parallel_loop3A_648, %parallel_loop3A_649], %parallel_loop3A_645 {strides = array<i32>} : memref<2x128x64xf32, #tpu.memory_space<vmem>>, vector<16xf32>,
        %parallel_loop3A_651 = arith.constant 32 : i32
        %parallel_loop3A_652 = arith.addi %parallel_loop3A_617, %parallel_loop3A_651 : i32
        %parallel_loop3A_653 = arith.constant 0 : i32
        %parallel_loop3A_654 = arith.constant 0 : i32
        %parallel_loop3A_655 = tpu.memref_slice %arg9[%parallel_loop3A_174, %parallel_loop3A_653, %parallel_loop3A_654] : memref<2x128x128xf32, #tpu.memory_space<vmem>> -> memref<1x128x128xf32, #tpu.memory_space<vmem>>
        %parallel_loop3A_656 = tpu.memref_squeeze %parallel_loop3A_655 : memref<1x128x128xf32, #tpu.memory_space<vmem>> -> memref<128x128xf32, #tpu.memory_space<vmem>>
        %parallel_loop3A_657 = arith.index_cast %parallel_loop3A_615 : i32 to index
        %parallel_loop3A_658 = arith.index_cast %parallel_loop3A_652 : i32 to index
        %parallel_loop3A_659 = tpu.vector_load %parallel_loop3A_656[%parallel_loop3A_657, %parallel_loop3A_658] {strides = array<i32>} : memref<128x128xf32, #tpu.memory_space<vmem>>, vector<16xf32>,
        %parallel_loop3A_660 = arith.mulf %parallel_loop3A_659, %parallel_loop3A_620 : vector<16xf32>
        %parallel_loop3A_661 = arith.constant 1 : i32
        %parallel_loop3A_662 = arith.index_cast %parallel_loop3A_661 : i32 to index
        %parallel_loop3A_663 = arith.index_cast %parallel_loop3A_615 : i32 to index
        %parallel_loop3A_664 = arith.constant 32 : index
        %parallel_loop3A_665 = tpu.vector_load %arg11[%parallel_loop3A_662, %parallel_loop3A_663, %parallel_loop3A_664] {strides = array<i32>} : memref<2x128x64xf32, #tpu.memory_space<vmem>>, vector<16xf32>,
        tpu.vector_store %arg11[%parallel_loop3A_662, %parallel_loop3A_663, %parallel_loop3A_664], %parallel_loop3A_660 {strides = array<i32>} : memref<2x128x64xf32, #tpu.memory_space<vmem>>, vector<16xf32>,
        %parallel_loop3A_666 = arith.constant 48 : i32
        %parallel_loop3A_667 = arith.addi %parallel_loop3A_617, %parallel_loop3A_666 : i32
        %parallel_loop3A_668 = arith.constant 0 : i32
        %parallel_loop3A_669 = arith.constant 0 : i32
        %parallel_loop3A_670 = tpu.memref_slice %arg9[%parallel_loop3A_174, %parallel_loop3A_668, %parallel_loop3A_669] : memref<2x128x128xf32, #tpu.memory_space<vmem>> -> memref<1x128x128xf32, #tpu.memory_space<vmem>>
        %parallel_loop3A_671 = tpu.memref_squeeze %parallel_loop3A_670 : memref<1x128x128xf32, #tpu.memory_space<vmem>> -> memref<128x128xf32, #tpu.memory_space<vmem>>
        %parallel_loop3A_672 = arith.index_cast %parallel_loop3A_615 : i32 to index
        %parallel_loop3A_673 = arith.index_cast %parallel_loop3A_667 : i32 to index
        %parallel_loop3A_674 = tpu.vector_load %parallel_loop3A_671[%parallel_loop3A_672, %parallel_loop3A_673] {strides = array<i32>} : memref<128x128xf32, #tpu.memory_space<vmem>>, vector<16xf32>,
        %parallel_loop3A_675 = arith.mulf %parallel_loop3A_674, %parallel_loop3A_620 : vector<16xf32>
        %parallel_loop3A_676 = arith.constant 1 : i32
        %parallel_loop3A_677 = arith.index_cast %parallel_loop3A_676 : i32 to index
        %parallel_loop3A_678 = arith.index_cast %parallel_loop3A_615 : i32 to index
        %parallel_loop3A_679 = arith.constant 48 : index
        %parallel_loop3A_680 = tpu.vector_load %arg11[%parallel_loop3A_677, %parallel_loop3A_678, %parallel_loop3A_679] {strides = array<i32>} : memref<2x128x64xf32, #tpu.memory_space<vmem>>, vector<16xf32>,
        tpu.vector_store %arg11[%parallel_loop3A_677, %parallel_loop3A_678, %parallel_loop3A_679], %parallel_loop3A_675 {strides = array<i32>} : memref<2x128x64xf32, #tpu.memory_space<vmem>>, vector<16xf32>,
        %parallel_loop3A_681 = arith.constant 7 : i32
        %parallel_loop3A_682 = arith.addi %parallel_loop3A_198, %parallel_loop3A_681 : i32
        %parallel_loop3A_683 = vector.extract_strided_slice %parallel_loop3A_207 {offsets = [7], sizes = [1], strides = [1]} : vector<16xi32> to vector<1xi32>
        %parallel_loop3A_684 = vector.extract %parallel_loop3A_683[0] : i32 from vector<1xi32>
        %parallel_loop3A_685 = vector.extract_strided_slice %parallel_loop3A_211 {offsets = [7], sizes = [1], strides = [1]} : vector<16xf32> to vector<1xf32>
        %parallel_loop3A_686 = vector.extract %parallel_loop3A_685[0] : f32 from vector<1xf32>
        %parallel_loop3A_687 = vector.broadcast %parallel_loop3A_686 : f32 to vector<16xf32>
        %parallel_loop3A_688 = arith.constant 0 : i32
        %parallel_loop3A_689 = arith.addi %parallel_loop3A_684, %parallel_loop3A_688 : i32
        %parallel_loop3A_690 = arith.constant 0 : i32
        %parallel_loop3A_691 = arith.constant 0 : i32
        %parallel_loop3A_692 = tpu.memref_slice %arg9[%parallel_loop3A_174, %parallel_loop3A_690, %parallel_loop3A_691] : memref<2x128x128xf32, #tpu.memory_space<vmem>> -> memref<1x128x128xf32, #tpu.memory_space<vmem>>
        %parallel_loop3A_693 = tpu.memref_squeeze %parallel_loop3A_692 : memref<1x128x128xf32, #tpu.memory_space<vmem>> -> memref<128x128xf32, #tpu.memory_space<vmem>>
        %parallel_loop3A_694 = arith.index_cast %parallel_loop3A_682 : i32 to index
        %parallel_loop3A_695 = arith.index_cast %parallel_loop3A_689 : i32 to index
        %parallel_loop3A_696 = tpu.vector_load %parallel_loop3A_693[%parallel_loop3A_694, %parallel_loop3A_695] {strides = array<i32>} : memref<128x128xf32, #tpu.memory_space<vmem>>, vector<16xf32>,
        %parallel_loop3A_697 = arith.mulf %parallel_loop3A_696, %parallel_loop3A_687 : vector<16xf32>
        %parallel_loop3A_698 = arith.constant 1 : i32
        %parallel_loop3A_699 = arith.index_cast %parallel_loop3A_698 : i32 to index
        %parallel_loop3A_700 = arith.index_cast %parallel_loop3A_682 : i32 to index
        %parallel_loop3A_701 = arith.constant 0 : index
        %parallel_loop3A_702 = tpu.vector_load %arg11[%parallel_loop3A_699, %parallel_loop3A_700, %parallel_loop3A_701] {strides = array<i32>} : memref<2x128x64xf32, #tpu.memory_space<vmem>>, vector<16xf32>,
        tpu.vector_store %arg11[%parallel_loop3A_699, %parallel_loop3A_700, %parallel_loop3A_701], %parallel_loop3A_697 {strides = array<i32>} : memref<2x128x64xf32, #tpu.memory_space<vmem>>, vector<16xf32>,
        %parallel_loop3A_703 = arith.constant 16 : i32
        %parallel_loop3A_704 = arith.addi %parallel_loop3A_684, %parallel_loop3A_703 : i32
        %parallel_loop3A_705 = arith.constant 0 : i32
        %parallel_loop3A_706 = arith.constant 0 : i32
        %parallel_loop3A_707 = tpu.memref_slice %arg9[%parallel_loop3A_174, %parallel_loop3A_705, %parallel_loop3A_706] : memref<2x128x128xf32, #tpu.memory_space<vmem>> -> memref<1x128x128xf32, #tpu.memory_space<vmem>>
        %parallel_loop3A_708 = tpu.memref_squeeze %parallel_loop3A_707 : memref<1x128x128xf32, #tpu.memory_space<vmem>> -> memref<128x128xf32, #tpu.memory_space<vmem>>
        %parallel_loop3A_709 = arith.index_cast %parallel_loop3A_682 : i32 to index
        %parallel_loop3A_710 = arith.index_cast %parallel_loop3A_704 : i32 to index
        %parallel_loop3A_711 = tpu.vector_load %parallel_loop3A_708[%parallel_loop3A_709, %parallel_loop3A_710] {strides = array<i32>} : memref<128x128xf32, #tpu.memory_space<vmem>>, vector<16xf32>,
        %parallel_loop3A_712 = arith.mulf %parallel_loop3A_711, %parallel_loop3A_687 : vector<16xf32>
        %parallel_loop3A_713 = arith.constant 1 : i32
        %parallel_loop3A_714 = arith.index_cast %parallel_loop3A_713 : i32 to index
        %parallel_loop3A_715 = arith.index_cast %parallel_loop3A_682 : i32 to index
        %parallel_loop3A_716 = arith.constant 16 : index
        %parallel_loop3A_717 = tpu.vector_load %arg11[%parallel_loop3A_714, %parallel_loop3A_715, %parallel_loop3A_716] {strides = array<i32>} : memref<2x128x64xf32, #tpu.memory_space<vmem>>, vector<16xf32>,
        tpu.vector_store %arg11[%parallel_loop3A_714, %parallel_loop3A_715, %parallel_loop3A_716], %parallel_loop3A_712 {strides = array<i32>} : memref<2x128x64xf32, #tpu.memory_space<vmem>>, vector<16xf32>,
        %parallel_loop3A_718 = arith.constant 32 : i32
        %parallel_loop3A_719 = arith.addi %parallel_loop3A_684, %parallel_loop3A_718 : i32
        %parallel_loop3A_720 = arith.constant 0 : i32
        %parallel_loop3A_721 = arith.constant 0 : i32
        %parallel_loop3A_722 = tpu.memref_slice %arg9[%parallel_loop3A_174, %parallel_loop3A_720, %parallel_loop3A_721] : memref<2x128x128xf32, #tpu.memory_space<vmem>> -> memref<1x128x128xf32, #tpu.memory_space<vmem>>
        %parallel_loop3A_723 = tpu.memref_squeeze %parallel_loop3A_722 : memref<1x128x128xf32, #tpu.memory_space<vmem>> -> memref<128x128xf32, #tpu.memory_space<vmem>>
        %parallel_loop3A_724 = arith.index_cast %parallel_loop3A_682 : i32 to index
        %parallel_loop3A_725 = arith.index_cast %parallel_loop3A_719 : i32 to index
        %parallel_loop3A_726 = tpu.vector_load %parallel_loop3A_723[%parallel_loop3A_724, %parallel_loop3A_725] {strides = array<i32>} : memref<128x128xf32, #tpu.memory_space<vmem>>, vector<16xf32>,
        %parallel_loop3A_727 = arith.mulf %parallel_loop3A_726, %parallel_loop3A_687 : vector<16xf32>
        %parallel_loop3A_728 = arith.constant 1 : i32
        %parallel_loop3A_729 = arith.index_cast %parallel_loop3A_728 : i32 to index
        %parallel_loop3A_730 = arith.index_cast %parallel_loop3A_682 : i32 to index
        %parallel_loop3A_731 = arith.constant 32 : index
        %parallel_loop3A_732 = tpu.vector_load %arg11[%parallel_loop3A_729, %parallel_loop3A_730, %parallel_loop3A_731] {strides = array<i32>} : memref<2x128x64xf32, #tpu.memory_space<vmem>>, vector<16xf32>,
        tpu.vector_store %arg11[%parallel_loop3A_729, %parallel_loop3A_730, %parallel_loop3A_731], %parallel_loop3A_727 {strides = array<i32>} : memref<2x128x64xf32, #tpu.memory_space<vmem>>, vector<16xf32>,
        %parallel_loop3A_733 = arith.constant 48 : i32
        %parallel_loop3A_734 = arith.addi %parallel_loop3A_684, %parallel_loop3A_733 : i32
        %parallel_loop3A_735 = arith.constant 0 : i32
        %parallel_loop3A_736 = arith.constant 0 : i32
        %parallel_loop3A_737 = tpu.memref_slice %arg9[%parallel_loop3A_174, %parallel_loop3A_735, %parallel_loop3A_736] : memref<2x128x128xf32, #tpu.memory_space<vmem>> -> memref<1x128x128xf32, #tpu.memory_space<vmem>>
        %parallel_loop3A_738 = tpu.memref_squeeze %parallel_loop3A_737 : memref<1x128x128xf32, #tpu.memory_space<vmem>> -> memref<128x128xf32, #tpu.memory_space<vmem>>
        %parallel_loop3A_739 = arith.index_cast %parallel_loop3A_682 : i32 to index
        %parallel_loop3A_740 = arith.index_cast %parallel_loop3A_734 : i32 to index
        %parallel_loop3A_741 = tpu.vector_load %parallel_loop3A_738[%parallel_loop3A_739, %parallel_loop3A_740] {strides = array<i32>} : memref<128x128xf32, #tpu.memory_space<vmem>>, vector<16xf32>,
        %parallel_loop3A_742 = arith.mulf %parallel_loop3A_741, %parallel_loop3A_687 : vector<16xf32>
        %parallel_loop3A_743 = arith.constant 1 : i32
        %parallel_loop3A_744 = arith.index_cast %parallel_loop3A_743 : i32 to index
        %parallel_loop3A_745 = arith.index_cast %parallel_loop3A_682 : i32 to index
        %parallel_loop3A_746 = arith.constant 48 : index
        %parallel_loop3A_747 = tpu.vector_load %arg11[%parallel_loop3A_744, %parallel_loop3A_745, %parallel_loop3A_746] {strides = array<i32>} : memref<2x128x64xf32, #tpu.memory_space<vmem>>, vector<16xf32>,
        tpu.vector_store %arg11[%parallel_loop3A_744, %parallel_loop3A_745, %parallel_loop3A_746], %parallel_loop3A_742 {strides = array<i32>} : memref<2x128x64xf32, #tpu.memory_space<vmem>>, vector<16xf32>,
        %parallel_loop3A_748 = arith.constant 8 : i32
        %parallel_loop3A_749 = arith.addi %parallel_loop3A_198, %parallel_loop3A_748 : i32
        %parallel_loop3A_750 = vector.extract_strided_slice %parallel_loop3A_207 {offsets = [8], sizes = [1], strides = [1]} : vector<16xi32> to vector<1xi32>
        %parallel_loop3A_751 = vector.extract %parallel_loop3A_750[0] : i32 from vector<1xi32>
        %parallel_loop3A_752 = vector.extract_strided_slice %parallel_loop3A_211 {offsets = [8], sizes = [1], strides = [1]} : vector<16xf32> to vector<1xf32>
        %parallel_loop3A_753 = vector.extract %parallel_loop3A_752[0] : f32 from vector<1xf32>
        %parallel_loop3A_754 = vector.broadcast %parallel_loop3A_753 : f32 to vector<16xf32>
        %parallel_loop3A_755 = arith.constant 0 : i32
        %parallel_loop3A_756 = arith.addi %parallel_loop3A_751, %parallel_loop3A_755 : i32
        %parallel_loop3A_757 = arith.constant 0 : i32
        %parallel_loop3A_758 = arith.constant 0 : i32
        %parallel_loop3A_759 = tpu.memref_slice %arg9[%parallel_loop3A_174, %parallel_loop3A_757, %parallel_loop3A_758] : memref<2x128x128xf32, #tpu.memory_space<vmem>> -> memref<1x128x128xf32, #tpu.memory_space<vmem>>
        %parallel_loop3A_760 = tpu.memref_squeeze %parallel_loop3A_759 : memref<1x128x128xf32, #tpu.memory_space<vmem>> -> memref<128x128xf32, #tpu.memory_space<vmem>>
        %parallel_loop3A_761 = arith.index_cast %parallel_loop3A_749 : i32 to index
        %parallel_loop3A_762 = arith.index_cast %parallel_loop3A_756 : i32 to index
        %parallel_loop3A_763 = tpu.vector_load %parallel_loop3A_760[%parallel_loop3A_761, %parallel_loop3A_762] {strides = array<i32>} : memref<128x128xf32, #tpu.memory_space<vmem>>, vector<16xf32>,
        %parallel_loop3A_764 = arith.mulf %parallel_loop3A_763, %parallel_loop3A_754 : vector<16xf32>
        %parallel_loop3A_765 = arith.constant 1 : i32
        %parallel_loop3A_766 = arith.index_cast %parallel_loop3A_765 : i32 to index
        %parallel_loop3A_767 = arith.index_cast %parallel_loop3A_749 : i32 to index
        %parallel_loop3A_768 = arith.constant 0 : index
        %parallel_loop3A_769 = tpu.vector_load %arg11[%parallel_loop3A_766, %parallel_loop3A_767, %parallel_loop3A_768] {strides = array<i32>} : memref<2x128x64xf32, #tpu.memory_space<vmem>>, vector<16xf32>,
        tpu.vector_store %arg11[%parallel_loop3A_766, %parallel_loop3A_767, %parallel_loop3A_768], %parallel_loop3A_764 {strides = array<i32>} : memref<2x128x64xf32, #tpu.memory_space<vmem>>, vector<16xf32>,
        %parallel_loop3A_770 = arith.constant 16 : i32
        %parallel_loop3A_771 = arith.addi %parallel_loop3A_751, %parallel_loop3A_770 : i32
        %parallel_loop3A_772 = arith.constant 0 : i32
        %parallel_loop3A_773 = arith.constant 0 : i32
        %parallel_loop3A_774 = tpu.memref_slice %arg9[%parallel_loop3A_174, %parallel_loop3A_772, %parallel_loop3A_773] : memref<2x128x128xf32, #tpu.memory_space<vmem>> -> memref<1x128x128xf32, #tpu.memory_space<vmem>>
        %parallel_loop3A_775 = tpu.memref_squeeze %parallel_loop3A_774 : memref<1x128x128xf32, #tpu.memory_space<vmem>> -> memref<128x128xf32, #tpu.memory_space<vmem>>
        %parallel_loop3A_776 = arith.index_cast %parallel_loop3A_749 : i32 to index
        %parallel_loop3A_777 = arith.index_cast %parallel_loop3A_771 : i32 to index
        %parallel_loop3A_778 = tpu.vector_load %parallel_loop3A_775[%parallel_loop3A_776, %parallel_loop3A_777] {strides = array<i32>} : memref<128x128xf32, #tpu.memory_space<vmem>>, vector<16xf32>,
        %parallel_loop3A_779 = arith.mulf %parallel_loop3A_778, %parallel_loop3A_754 : vector<16xf32>
        %parallel_loop3A_780 = arith.constant 1 : i32
        %parallel_loop3A_781 = arith.index_cast %parallel_loop3A_780 : i32 to index
        %parallel_loop3A_782 = arith.index_cast %parallel_loop3A_749 : i32 to index
        %parallel_loop3A_783 = arith.constant 16 : index
        %parallel_loop3A_784 = tpu.vector_load %arg11[%parallel_loop3A_781, %parallel_loop3A_782, %parallel_loop3A_783] {strides = array<i32>} : memref<2x128x64xf32, #tpu.memory_space<vmem>>, vector<16xf32>,
        tpu.vector_store %arg11[%parallel_loop3A_781, %parallel_loop3A_782, %parallel_loop3A_783], %parallel_loop3A_779 {strides = array<i32>} : memref<2x128x64xf32, #tpu.memory_space<vmem>>, vector<16xf32>,
        %parallel_loop3A_785 = arith.constant 32 : i32
        %parallel_loop3A_786 = arith.addi %parallel_loop3A_751, %parallel_loop3A_785 : i32
        %parallel_loop3A_787 = arith.constant 0 : i32
        %parallel_loop3A_788 = arith.constant 0 : i32
        %parallel_loop3A_789 = tpu.memref_slice %arg9[%parallel_loop3A_174, %parallel_loop3A_787, %parallel_loop3A_788] : memref<2x128x128xf32, #tpu.memory_space<vmem>> -> memref<1x128x128xf32, #tpu.memory_space<vmem>>
        %parallel_loop3A_790 = tpu.memref_squeeze %parallel_loop3A_789 : memref<1x128x128xf32, #tpu.memory_space<vmem>> -> memref<128x128xf32, #tpu.memory_space<vmem>>
        %parallel_loop3A_791 = arith.index_cast %parallel_loop3A_749 : i32 to index
        %parallel_loop3A_792 = arith.index_cast %parallel_loop3A_786 : i32 to index
        %parallel_loop3A_793 = tpu.vector_load %parallel_loop3A_790[%parallel_loop3A_791, %parallel_loop3A_792] {strides = array<i32>} : memref<128x128xf32, #tpu.memory_space<vmem>>, vector<16xf32>,
        %parallel_loop3A_794 = arith.mulf %parallel_loop3A_793, %parallel_loop3A_754 : vector<16xf32>
        %parallel_loop3A_795 = arith.constant 1 : i32
        %parallel_loop3A_796 = arith.index_cast %parallel_loop3A_795 : i32 to index
        %parallel_loop3A_797 = arith.index_cast %parallel_loop3A_749 : i32 to index
        %parallel_loop3A_798 = arith.constant 32 : index
        %parallel_loop3A_799 = tpu.vector_load %arg11[%parallel_loop3A_796, %parallel_loop3A_797, %parallel_loop3A_798] {strides = array<i32>} : memref<2x128x64xf32, #tpu.memory_space<vmem>>, vector<16xf32>,
        tpu.vector_store %arg11[%parallel_loop3A_796, %parallel_loop3A_797, %parallel_loop3A_798], %parallel_loop3A_794 {strides = array<i32>} : memref<2x128x64xf32, #tpu.memory_space<vmem>>, vector<16xf32>,
        %parallel_loop3A_800 = arith.constant 48 : i32
        %parallel_loop3A_801 = arith.addi %parallel_loop3A_751, %parallel_loop3A_800 : i32
        %parallel_loop3A_802 = arith.constant 0 : i32
        %parallel_loop3A_803 = arith.constant 0 : i32
        %parallel_loop3A_804 = tpu.memref_slice %arg9[%parallel_loop3A_174, %parallel_loop3A_802, %parallel_loop3A_803] : memref<2x128x128xf32, #tpu.memory_space<vmem>> -> memref<1x128x128xf32, #tpu.memory_space<vmem>>
        %parallel_loop3A_805 = tpu.memref_squeeze %parallel_loop3A_804 : memref<1x128x128xf32, #tpu.memory_space<vmem>> -> memref<128x128xf32, #tpu.memory_space<vmem>>
        %parallel_loop3A_806 = arith.index_cast %parallel_loop3A_749 : i32 to index
        %parallel_loop3A_807 = arith.index_cast %parallel_loop3A_801 : i32 to index
        %parallel_loop3A_808 = tpu.vector_load %parallel_loop3A_805[%parallel_loop3A_806, %parallel_loop3A_807] {strides = array<i32>} : memref<128x128xf32, #tpu.memory_space<vmem>>, vector<16xf32>,
        %parallel_loop3A_809 = arith.mulf %parallel_loop3A_808, %parallel_loop3A_754 : vector<16xf32>
        %parallel_loop3A_810 = arith.constant 1 : i32
        %parallel_loop3A_811 = arith.index_cast %parallel_loop3A_810 : i32 to index
        %parallel_loop3A_812 = arith.index_cast %parallel_loop3A_749 : i32 to index
        %parallel_loop3A_813 = arith.constant 48 : index
        %parallel_loop3A_814 = tpu.vector_load %arg11[%parallel_loop3A_811, %parallel_loop3A_812, %parallel_loop3A_813] {strides = array<i32>} : memref<2x128x64xf32, #tpu.memory_space<vmem>>, vector<16xf32>,
        tpu.vector_store %arg11[%parallel_loop3A_811, %parallel_loop3A_812, %parallel_loop3A_813], %parallel_loop3A_809 {strides = array<i32>} : memref<2x128x64xf32, #tpu.memory_space<vmem>>, vector<16xf32>,
        %parallel_loop3A_815 = arith.constant 9 : i32
        %parallel_loop3A_816 = arith.addi %parallel_loop3A_198, %parallel_loop3A_815 : i32
        %parallel_loop3A_817 = vector.extract_strided_slice %parallel_loop3A_207 {offsets = [9], sizes = [1], strides = [1]} : vector<16xi32> to vector<1xi32>
        %parallel_loop3A_818 = vector.extract %parallel_loop3A_817[0] : i32 from vector<1xi32>
        %parallel_loop3A_819 = vector.extract_strided_slice %parallel_loop3A_211 {offsets = [9], sizes = [1], strides = [1]} : vector<16xf32> to vector<1xf32>
        %parallel_loop3A_820 = vector.extract %parallel_loop3A_819[0] : f32 from vector<1xf32>
        %parallel_loop3A_821 = vector.broadcast %parallel_loop3A_820 : f32 to vector<16xf32>
        %parallel_loop3A_822 = arith.constant 0 : i32
        %parallel_loop3A_823 = arith.addi %parallel_loop3A_818, %parallel_loop3A_822 : i32
        %parallel_loop3A_824 = arith.constant 0 : i32
        %parallel_loop3A_825 = arith.constant 0 : i32
        %parallel_loop3A_826 = tpu.memref_slice %arg9[%parallel_loop3A_174, %parallel_loop3A_824, %parallel_loop3A_825] : memref<2x128x128xf32, #tpu.memory_space<vmem>> -> memref<1x128x128xf32, #tpu.memory_space<vmem>>
        %parallel_loop3A_827 = tpu.memref_squeeze %parallel_loop3A_826 : memref<1x128x128xf32, #tpu.memory_space<vmem>> -> memref<128x128xf32, #tpu.memory_space<vmem>>
        %parallel_loop3A_828 = arith.index_cast %parallel_loop3A_816 : i32 to index
        %parallel_loop3A_829 = arith.index_cast %parallel_loop3A_823 : i32 to index
        %parallel_loop3A_830 = tpu.vector_load %parallel_loop3A_827[%parallel_loop3A_828, %parallel_loop3A_829] {strides = array<i32>} : memref<128x128xf32, #tpu.memory_space<vmem>>, vector<16xf32>,
        %parallel_loop3A_831 = arith.mulf %parallel_loop3A_830, %parallel_loop3A_821 : vector<16xf32>
        %parallel_loop3A_832 = arith.constant 1 : i32
        %parallel_loop3A_833 = arith.index_cast %parallel_loop3A_832 : i32 to index
        %parallel_loop3A_834 = arith.index_cast %parallel_loop3A_816 : i32 to index
        %parallel_loop3A_835 = arith.constant 0 : index
        %parallel_loop3A_836 = tpu.vector_load %arg11[%parallel_loop3A_833, %parallel_loop3A_834, %parallel_loop3A_835] {strides = array<i32>} : memref<2x128x64xf32, #tpu.memory_space<vmem>>, vector<16xf32>,
        tpu.vector_store %arg11[%parallel_loop3A_833, %parallel_loop3A_834, %parallel_loop3A_835], %parallel_loop3A_831 {strides = array<i32>} : memref<2x128x64xf32, #tpu.memory_space<vmem>>, vector<16xf32>,
        %parallel_loop3A_837 = arith.constant 16 : i32
        %parallel_loop3A_838 = arith.addi %parallel_loop3A_818, %parallel_loop3A_837 : i32
        %parallel_loop3A_839 = arith.constant 0 : i32
        %parallel_loop3A_840 = arith.constant 0 : i32
        %parallel_loop3A_841 = tpu.memref_slice %arg9[%parallel_loop3A_174, %parallel_loop3A_839, %parallel_loop3A_840] : memref<2x128x128xf32, #tpu.memory_space<vmem>> -> memref<1x128x128xf32, #tpu.memory_space<vmem>>
        %parallel_loop3A_842 = tpu.memref_squeeze %parallel_loop3A_841 : memref<1x128x128xf32, #tpu.memory_space<vmem>> -> memref<128x128xf32, #tpu.memory_space<vmem>>
        %parallel_loop3A_843 = arith.index_cast %parallel_loop3A_816 : i32 to index
        %parallel_loop3A_844 = arith.index_cast %parallel_loop3A_838 : i32 to index
        %parallel_loop3A_845 = tpu.vector_load %parallel_loop3A_842[%parallel_loop3A_843, %parallel_loop3A_844] {strides = array<i32>} : memref<128x128xf32, #tpu.memory_space<vmem>>, vector<16xf32>,
        %parallel_loop3A_846 = arith.mulf %parallel_loop3A_845, %parallel_loop3A_821 : vector<16xf32>
        %parallel_loop3A_847 = arith.constant 1 : i32
        %parallel_loop3A_848 = arith.index_cast %parallel_loop3A_847 : i32 to index
        %parallel_loop3A_849 = arith.index_cast %parallel_loop3A_816 : i32 to index
        %parallel_loop3A_850 = arith.constant 16 : index
        %parallel_loop3A_851 = tpu.vector_load %arg11[%parallel_loop3A_848, %parallel_loop3A_849, %parallel_loop3A_850] {strides = array<i32>} : memref<2x128x64xf32, #tpu.memory_space<vmem>>, vector<16xf32>,
        tpu.vector_store %arg11[%parallel_loop3A_848, %parallel_loop3A_849, %parallel_loop3A_850], %parallel_loop3A_846 {strides = array<i32>} : memref<2x128x64xf32, #tpu.memory_space<vmem>>, vector<16xf32>,
        %parallel_loop3A_852 = arith.constant 32 : i32
        %parallel_loop3A_853 = arith.addi %parallel_loop3A_818, %parallel_loop3A_852 : i32
        %parallel_loop3A_854 = arith.constant 0 : i32
        %parallel_loop3A_855 = arith.constant 0 : i32
        %parallel_loop3A_856 = tpu.memref_slice %arg9[%parallel_loop3A_174, %parallel_loop3A_854, %parallel_loop3A_855] : memref<2x128x128xf32, #tpu.memory_space<vmem>> -> memref<1x128x128xf32, #tpu.memory_space<vmem>>
        %parallel_loop3A_857 = tpu.memref_squeeze %parallel_loop3A_856 : memref<1x128x128xf32, #tpu.memory_space<vmem>> -> memref<128x128xf32, #tpu.memory_space<vmem>>
        %parallel_loop3A_858 = arith.index_cast %parallel_loop3A_816 : i32 to index
        %parallel_loop3A_859 = arith.index_cast %parallel_loop3A_853 : i32 to index
        %parallel_loop3A_860 = tpu.vector_load %parallel_loop3A_857[%parallel_loop3A_858, %parallel_loop3A_859] {strides = array<i32>} : memref<128x128xf32, #tpu.memory_space<vmem>>, vector<16xf32>,
        %parallel_loop3A_861 = arith.mulf %parallel_loop3A_860, %parallel_loop3A_821 : vector<16xf32>
        %parallel_loop3A_862 = arith.constant 1 : i32
        %parallel_loop3A_863 = arith.index_cast %parallel_loop3A_862 : i32 to index
        %parallel_loop3A_864 = arith.index_cast %parallel_loop3A_816 : i32 to index
        %parallel_loop3A_865 = arith.constant 32 : index
        %parallel_loop3A_866 = tpu.vector_load %arg11[%parallel_loop3A_863, %parallel_loop3A_864, %parallel_loop3A_865] {strides = array<i32>} : memref<2x128x64xf32, #tpu.memory_space<vmem>>, vector<16xf32>,
        tpu.vector_store %arg11[%parallel_loop3A_863, %parallel_loop3A_864, %parallel_loop3A_865], %parallel_loop3A_861 {strides = array<i32>} : memref<2x128x64xf32, #tpu.memory_space<vmem>>, vector<16xf32>,
        %parallel_loop3A_867 = arith.constant 48 : i32
        %parallel_loop3A_868 = arith.addi %parallel_loop3A_818, %parallel_loop3A_867 : i32
        %parallel_loop3A_869 = arith.constant 0 : i32
        %parallel_loop3A_870 = arith.constant 0 : i32
        %parallel_loop3A_871 = tpu.memref_slice %arg9[%parallel_loop3A_174, %parallel_loop3A_869, %parallel_loop3A_870] : memref<2x128x128xf32, #tpu.memory_space<vmem>> -> memref<1x128x128xf32, #tpu.memory_space<vmem>>
        %parallel_loop3A_872 = tpu.memref_squeeze %parallel_loop3A_871 : memref<1x128x128xf32, #tpu.memory_space<vmem>> -> memref<128x128xf32, #tpu.memory_space<vmem>>
        %parallel_loop3A_873 = arith.index_cast %parallel_loop3A_816 : i32 to index
        %parallel_loop3A_874 = arith.index_cast %parallel_loop3A_868 : i32 to index
        %parallel_loop3A_875 = tpu.vector_load %parallel_loop3A_872[%parallel_loop3A_873, %parallel_loop3A_874] {strides = array<i32>} : memref<128x128xf32, #tpu.memory_space<vmem>>, vector<16xf32>,
        %parallel_loop3A_876 = arith.mulf %parallel_loop3A_875, %parallel_loop3A_821 : vector<16xf32>
        %parallel_loop3A_877 = arith.constant 1 : i32
        %parallel_loop3A_878 = arith.index_cast %parallel_loop3A_877 : i32 to index
        %parallel_loop3A_879 = arith.index_cast %parallel_loop3A_816 : i32 to index
        %parallel_loop3A_880 = arith.constant 48 : index
        %parallel_loop3A_881 = tpu.vector_load %arg11[%parallel_loop3A_878, %parallel_loop3A_879, %parallel_loop3A_880] {strides = array<i32>} : memref<2x128x64xf32, #tpu.memory_space<vmem>>, vector<16xf32>,
        tpu.vector_store %arg11[%parallel_loop3A_878, %parallel_loop3A_879, %parallel_loop3A_880], %parallel_loop3A_876 {strides = array<i32>} : memref<2x128x64xf32, #tpu.memory_space<vmem>>, vector<16xf32>,
        %parallel_loop3A_882 = arith.constant 10 : i32
        %parallel_loop3A_883 = arith.addi %parallel_loop3A_198, %parallel_loop3A_882 : i32
        %parallel_loop3A_884 = vector.extract_strided_slice %parallel_loop3A_207 {offsets = [10], sizes = [1], strides = [1]} : vector<16xi32> to vector<1xi32>
        %parallel_loop3A_885 = vector.extract %parallel_loop3A_884[0] : i32 from vector<1xi32>
        %parallel_loop3A_886 = vector.extract_strided_slice %parallel_loop3A_211 {offsets = [10], sizes = [1], strides = [1]} : vector<16xf32> to vector<1xf32>
        %parallel_loop3A_887 = vector.extract %parallel_loop3A_886[0] : f32 from vector<1xf32>
        %parallel_loop3A_888 = vector.broadcast %parallel_loop3A_887 : f32 to vector<16xf32>
        %parallel_loop3A_889 = arith.constant 0 : i32
        %parallel_loop3A_890 = arith.addi %parallel_loop3A_885, %parallel_loop3A_889 : i32
        %parallel_loop3A_891 = arith.constant 0 : i32
        %parallel_loop3A_892 = arith.constant 0 : i32
        %parallel_loop3A_893 = tpu.memref_slice %arg9[%parallel_loop3A_174, %parallel_loop3A_891, %parallel_loop3A_892] : memref<2x128x128xf32, #tpu.memory_space<vmem>> -> memref<1x128x128xf32, #tpu.memory_space<vmem>>
        %parallel_loop3A_894 = tpu.memref_squeeze %parallel_loop3A_893 : memref<1x128x128xf32, #tpu.memory_space<vmem>> -> memref<128x128xf32, #tpu.memory_space<vmem>>
        %parallel_loop3A_895 = arith.index_cast %parallel_loop3A_883 : i32 to index
        %parallel_loop3A_896 = arith.index_cast %parallel_loop3A_890 : i32 to index
        %parallel_loop3A_897 = tpu.vector_load %parallel_loop3A_894[%parallel_loop3A_895, %parallel_loop3A_896] {strides = array<i32>} : memref<128x128xf32, #tpu.memory_space<vmem>>, vector<16xf32>,
        %parallel_loop3A_898 = arith.mulf %parallel_loop3A_897, %parallel_loop3A_888 : vector<16xf32>
        %parallel_loop3A_899 = arith.constant 1 : i32
        %parallel_loop3A_900 = arith.index_cast %parallel_loop3A_899 : i32 to index
        %parallel_loop3A_901 = arith.index_cast %parallel_loop3A_883 : i32 to index
        %parallel_loop3A_902 = arith.constant 0 : index
        %parallel_loop3A_903 = tpu.vector_load %arg11[%parallel_loop3A_900, %parallel_loop3A_901, %parallel_loop3A_902] {strides = array<i32>} : memref<2x128x64xf32, #tpu.memory_space<vmem>>, vector<16xf32>,
        tpu.vector_store %arg11[%parallel_loop3A_900, %parallel_loop3A_901, %parallel_loop3A_902], %parallel_loop3A_898 {strides = array<i32>} : memref<2x128x64xf32, #tpu.memory_space<vmem>>, vector<16xf32>,
        %parallel_loop3A_904 = arith.constant 16 : i32
        %parallel_loop3A_905 = arith.addi %parallel_loop3A_885, %parallel_loop3A_904 : i32
        %parallel_loop3A_906 = arith.constant 0 : i32
        %parallel_loop3A_907 = arith.constant 0 : i32
        %parallel_loop3A_908 = tpu.memref_slice %arg9[%parallel_loop3A_174, %parallel_loop3A_906, %parallel_loop3A_907] : memref<2x128x128xf32, #tpu.memory_space<vmem>> -> memref<1x128x128xf32, #tpu.memory_space<vmem>>
        %parallel_loop3A_909 = tpu.memref_squeeze %parallel_loop3A_908 : memref<1x128x128xf32, #tpu.memory_space<vmem>> -> memref<128x128xf32, #tpu.memory_space<vmem>>
        %parallel_loop3A_910 = arith.index_cast %parallel_loop3A_883 : i32 to index
        %parallel_loop3A_911 = arith.index_cast %parallel_loop3A_905 : i32 to index
        %parallel_loop3A_912 = tpu.vector_load %parallel_loop3A_909[%parallel_loop3A_910, %parallel_loop3A_911] {strides = array<i32>} : memref<128x128xf32, #tpu.memory_space<vmem>>, vector<16xf32>,
        %parallel_loop3A_913 = arith.mulf %parallel_loop3A_912, %parallel_loop3A_888 : vector<16xf32>
        %parallel_loop3A_914 = arith.constant 1 : i32
        %parallel_loop3A_915 = arith.index_cast %parallel_loop3A_914 : i32 to index
        %parallel_loop3A_916 = arith.index_cast %parallel_loop3A_883 : i32 to index
        %parallel_loop3A_917 = arith.constant 16 : index
        %parallel_loop3A_918 = tpu.vector_load %arg11[%parallel_loop3A_915, %parallel_loop3A_916, %parallel_loop3A_917] {strides = array<i32>} : memref<2x128x64xf32, #tpu.memory_space<vmem>>, vector<16xf32>,
        tpu.vector_store %arg11[%parallel_loop3A_915, %parallel_loop3A_916, %parallel_loop3A_917], %parallel_loop3A_913 {strides = array<i32>} : memref<2x128x64xf32, #tpu.memory_space<vmem>>, vector<16xf32>,
        %parallel_loop3A_919 = arith.constant 32 : i32
        %parallel_loop3A_920 = arith.addi %parallel_loop3A_885, %parallel_loop3A_919 : i32
        %parallel_loop3A_921 = arith.constant 0 : i32
        %parallel_loop3A_922 = arith.constant 0 : i32
        %parallel_loop3A_923 = tpu.memref_slice %arg9[%parallel_loop3A_174, %parallel_loop3A_921, %parallel_loop3A_922] : memref<2x128x128xf32, #tpu.memory_space<vmem>> -> memref<1x128x128xf32, #tpu.memory_space<vmem>>
        %parallel_loop3A_924 = tpu.memref_squeeze %parallel_loop3A_923 : memref<1x128x128xf32, #tpu.memory_space<vmem>> -> memref<128x128xf32, #tpu.memory_space<vmem>>
        %parallel_loop3A_925 = arith.index_cast %parallel_loop3A_883 : i32 to index
        %parallel_loop3A_926 = arith.index_cast %parallel_loop3A_920 : i32 to index
        %parallel_loop3A_927 = tpu.vector_load %parallel_loop3A_924[%parallel_loop3A_925, %parallel_loop3A_926] {strides = array<i32>} : memref<128x128xf32, #tpu.memory_space<vmem>>, vector<16xf32>,
        %parallel_loop3A_928 = arith.mulf %parallel_loop3A_927, %parallel_loop3A_888 : vector<16xf32>
        %parallel_loop3A_929 = arith.constant 1 : i32
        %parallel_loop3A_930 = arith.index_cast %parallel_loop3A_929 : i32 to index
        %parallel_loop3A_931 = arith.index_cast %parallel_loop3A_883 : i32 to index
        %parallel_loop3A_932 = arith.constant 32 : index
        %parallel_loop3A_933 = tpu.vector_load %arg11[%parallel_loop3A_930, %parallel_loop3A_931, %parallel_loop3A_932] {strides = array<i32>} : memref<2x128x64xf32, #tpu.memory_space<vmem>>, vector<16xf32>,
        tpu.vector_store %arg11[%parallel_loop3A_930, %parallel_loop3A_931, %parallel_loop3A_932], %parallel_loop3A_928 {strides = array<i32>} : memref<2x128x64xf32, #tpu.memory_space<vmem>>, vector<16xf32>,
        %parallel_loop3A_934 = arith.constant 48 : i32
        %parallel_loop3A_935 = arith.addi %parallel_loop3A_885, %parallel_loop3A_934 : i32
        %parallel_loop3A_936 = arith.constant 0 : i32
        %parallel_loop3A_937 = arith.constant 0 : i32
        %parallel_loop3A_938 = tpu.memref_slice %arg9[%parallel_loop3A_174, %parallel_loop3A_936, %parallel_loop3A_937] : memref<2x128x128xf32, #tpu.memory_space<vmem>> -> memref<1x128x128xf32, #tpu.memory_space<vmem>>
        %parallel_loop3A_939 = tpu.memref_squeeze %parallel_loop3A_938 : memref<1x128x128xf32, #tpu.memory_space<vmem>> -> memref<128x128xf32, #tpu.memory_space<vmem>>
        %parallel_loop3A_940 = arith.index_cast %parallel_loop3A_883 : i32 to index
        %parallel_loop3A_941 = arith.index_cast %parallel_loop3A_935 : i32 to index
        %parallel_loop3A_942 = tpu.vector_load %parallel_loop3A_939[%parallel_loop3A_940, %parallel_loop3A_941] {strides = array<i32>} : memref<128x128xf32, #tpu.memory_space<vmem>>, vector<16xf32>,
        %parallel_loop3A_943 = arith.mulf %parallel_loop3A_942, %parallel_loop3A_888 : vector<16xf32>
        %parallel_loop3A_944 = arith.constant 1 : i32
        %parallel_loop3A_945 = arith.index_cast %parallel_loop3A_944 : i32 to index
        %parallel_loop3A_946 = arith.index_cast %parallel_loop3A_883 : i32 to index
        %parallel_loop3A_947 = arith.constant 48 : index
        %parallel_loop3A_948 = tpu.vector_load %arg11[%parallel_loop3A_945, %parallel_loop3A_946, %parallel_loop3A_947] {strides = array<i32>} : memref<2x128x64xf32, #tpu.memory_space<vmem>>, vector<16xf32>,
        tpu.vector_store %arg11[%parallel_loop3A_945, %parallel_loop3A_946, %parallel_loop3A_947], %parallel_loop3A_943 {strides = array<i32>} : memref<2x128x64xf32, #tpu.memory_space<vmem>>, vector<16xf32>,
        %parallel_loop3A_949 = arith.constant 11 : i32
        %parallel_loop3A_950 = arith.addi %parallel_loop3A_198, %parallel_loop3A_949 : i32
        %parallel_loop3A_951 = vector.extract_strided_slice %parallel_loop3A_207 {offsets = [11], sizes = [1], strides = [1]} : vector<16xi32> to vector<1xi32>
        %parallel_loop3A_952 = vector.extract %parallel_loop3A_951[0] : i32 from vector<1xi32>
        %parallel_loop3A_953 = vector.extract_strided_slice %parallel_loop3A_211 {offsets = [11], sizes = [1], strides = [1]} : vector<16xf32> to vector<1xf32>
        %parallel_loop3A_954 = vector.extract %parallel_loop3A_953[0] : f32 from vector<1xf32>
        %parallel_loop3A_955 = vector.broadcast %parallel_loop3A_954 : f32 to vector<16xf32>
        %parallel_loop3A_956 = arith.constant 0 : i32
        %parallel_loop3A_957 = arith.addi %parallel_loop3A_952, %parallel_loop3A_956 : i32
        %parallel_loop3A_958 = arith.constant 0 : i32
        %parallel_loop3A_959 = arith.constant 0 : i32
        %parallel_loop3A_960 = tpu.memref_slice %arg9[%parallel_loop3A_174, %parallel_loop3A_958, %parallel_loop3A_959] : memref<2x128x128xf32, #tpu.memory_space<vmem>> -> memref<1x128x128xf32, #tpu.memory_space<vmem>>
        %parallel_loop3A_961 = tpu.memref_squeeze %parallel_loop3A_960 : memref<1x128x128xf32, #tpu.memory_space<vmem>> -> memref<128x128xf32, #tpu.memory_space<vmem>>
        %parallel_loop3A_962 = arith.index_cast %parallel_loop3A_950 : i32 to index
        %parallel_loop3A_963 = arith.index_cast %parallel_loop3A_957 : i32 to index
        %parallel_loop3A_964 = tpu.vector_load %parallel_loop3A_961[%parallel_loop3A_962, %parallel_loop3A_963] {strides = array<i32>} : memref<128x128xf32, #tpu.memory_space<vmem>>, vector<16xf32>,
        %parallel_loop3A_965 = arith.mulf %parallel_loop3A_964, %parallel_loop3A_955 : vector<16xf32>
        %parallel_loop3A_966 = arith.constant 1 : i32
        %parallel_loop3A_967 = arith.index_cast %parallel_loop3A_966 : i32 to index
        %parallel_loop3A_968 = arith.index_cast %parallel_loop3A_950 : i32 to index
        %parallel_loop3A_969 = arith.constant 0 : index
        %parallel_loop3A_970 = tpu.vector_load %arg11[%parallel_loop3A_967, %parallel_loop3A_968, %parallel_loop3A_969] {strides = array<i32>} : memref<2x128x64xf32, #tpu.memory_space<vmem>>, vector<16xf32>,
        tpu.vector_store %arg11[%parallel_loop3A_967, %parallel_loop3A_968, %parallel_loop3A_969], %parallel_loop3A_965 {strides = array<i32>} : memref<2x128x64xf32, #tpu.memory_space<vmem>>, vector<16xf32>,
        %parallel_loop3A_971 = arith.constant 16 : i32
        %parallel_loop3A_972 = arith.addi %parallel_loop3A_952, %parallel_loop3A_971 : i32
        %parallel_loop3A_973 = arith.constant 0 : i32
        %parallel_loop3A_974 = arith.constant 0 : i32
        %parallel_loop3A_975 = tpu.memref_slice %arg9[%parallel_loop3A_174, %parallel_loop3A_973, %parallel_loop3A_974] : memref<2x128x128xf32, #tpu.memory_space<vmem>> -> memref<1x128x128xf32, #tpu.memory_space<vmem>>
        %parallel_loop3A_976 = tpu.memref_squeeze %parallel_loop3A_975 : memref<1x128x128xf32, #tpu.memory_space<vmem>> -> memref<128x128xf32, #tpu.memory_space<vmem>>
        %parallel_loop3A_977 = arith.index_cast %parallel_loop3A_950 : i32 to index
        %parallel_loop3A_978 = arith.index_cast %parallel_loop3A_972 : i32 to index
        %parallel_loop3A_979 = tpu.vector_load %parallel_loop3A_976[%parallel_loop3A_977, %parallel_loop3A_978] {strides = array<i32>} : memref<128x128xf32, #tpu.memory_space<vmem>>, vector<16xf32>,
        %parallel_loop3A_980 = arith.mulf %parallel_loop3A_979, %parallel_loop3A_955 : vector<16xf32>
        %parallel_loop3A_981 = arith.constant 1 : i32
        %parallel_loop3A_982 = arith.index_cast %parallel_loop3A_981 : i32 to index
        %parallel_loop3A_983 = arith.index_cast %parallel_loop3A_950 : i32 to index
        %parallel_loop3A_984 = arith.constant 16 : index
        %parallel_loop3A_985 = tpu.vector_load %arg11[%parallel_loop3A_982, %parallel_loop3A_983, %parallel_loop3A_984] {strides = array<i32>} : memref<2x128x64xf32, #tpu.memory_space<vmem>>, vector<16xf32>,
        tpu.vector_store %arg11[%parallel_loop3A_982, %parallel_loop3A_983, %parallel_loop3A_984], %parallel_loop3A_980 {strides = array<i32>} : memref<2x128x64xf32, #tpu.memory_space<vmem>>, vector<16xf32>,
        %parallel_loop3A_986 = arith.constant 32 : i32
        %parallel_loop3A_987 = arith.addi %parallel_loop3A_952, %parallel_loop3A_986 : i32
        %parallel_loop3A_988 = arith.constant 0 : i32
        %parallel_loop3A_989 = arith.constant 0 : i32
        %parallel_loop3A_990 = tpu.memref_slice %arg9[%parallel_loop3A_174, %parallel_loop3A_988, %parallel_loop3A_989] : memref<2x128x128xf32, #tpu.memory_space<vmem>> -> memref<1x128x128xf32, #tpu.memory_space<vmem>>
        %parallel_loop3A_991 = tpu.memref_squeeze %parallel_loop3A_990 : memref<1x128x128xf32, #tpu.memory_space<vmem>> -> memref<128x128xf32, #tpu.memory_space<vmem>>
        %parallel_loop3A_992 = arith.index_cast %parallel_loop3A_950 : i32 to index
        %parallel_loop3A_993 = arith.index_cast %parallel_loop3A_987 : i32 to index
        %parallel_loop3A_994 = tpu.vector_load %parallel_loop3A_991[%parallel_loop3A_992, %parallel_loop3A_993] {strides = array<i32>} : memref<128x128xf32, #tpu.memory_space<vmem>>, vector<16xf32>,
        %parallel_loop3A_995 = arith.mulf %parallel_loop3A_994, %parallel_loop3A_955 : vector<16xf32>
        %parallel_loop3A_996 = arith.constant 1 : i32
        %parallel_loop3A_997 = arith.index_cast %parallel_loop3A_996 : i32 to index
        %parallel_loop3A_998 = arith.index_cast %parallel_loop3A_950 : i32 to index
        %parallel_loop3A_999 = arith.constant 32 : index
        %parallel_loop3A_1000 = tpu.vector_load %arg11[%parallel_loop3A_997, %parallel_loop3A_998, %parallel_loop3A_999] {strides = array<i32>} : memref<2x128x64xf32, #tpu.memory_space<vmem>>, vector<16xf32>,
        tpu.vector_store %arg11[%parallel_loop3A_997, %parallel_loop3A_998, %parallel_loop3A_999], %parallel_loop3A_995 {strides = array<i32>} : memref<2x128x64xf32, #tpu.memory_space<vmem>>, vector<16xf32>,
        %parallel_loop3A_1001 = arith.constant 48 : i32
        %parallel_loop3A_1002 = arith.addi %parallel_loop3A_952, %parallel_loop3A_1001 : i32
        %parallel_loop3A_1003 = arith.constant 0 : i32
        %parallel_loop3A_1004 = arith.constant 0 : i32
        %parallel_loop3A_1005 = tpu.memref_slice %arg9[%parallel_loop3A_174, %parallel_loop3A_1003, %parallel_loop3A_1004] : memref<2x128x128xf32, #tpu.memory_space<vmem>> -> memref<1x128x128xf32, #tpu.memory_space<vmem>>
        %parallel_loop3A_1006 = tpu.memref_squeeze %parallel_loop3A_1005 : memref<1x128x128xf32, #tpu.memory_space<vmem>> -> memref<128x128xf32, #tpu.memory_space<vmem>>
        %parallel_loop3A_1007 = arith.index_cast %parallel_loop3A_950 : i32 to index
        %parallel_loop3A_1008 = arith.index_cast %parallel_loop3A_1002 : i32 to index
        %parallel_loop3A_1009 = tpu.vector_load %parallel_loop3A_1006[%parallel_loop3A_1007, %parallel_loop3A_1008] {strides = array<i32>} : memref<128x128xf32, #tpu.memory_space<vmem>>, vector<16xf32>,
        %parallel_loop3A_1010 = arith.mulf %parallel_loop3A_1009, %parallel_loop3A_955 : vector<16xf32>
        %parallel_loop3A_1011 = arith.constant 1 : i32
        %parallel_loop3A_1012 = arith.index_cast %parallel_loop3A_1011 : i32 to index
        %parallel_loop3A_1013 = arith.index_cast %parallel_loop3A_950 : i32 to index
        %parallel_loop3A_1014 = arith.constant 48 : index
        %parallel_loop3A_1015 = tpu.vector_load %arg11[%parallel_loop3A_1012, %parallel_loop3A_1013, %parallel_loop3A_1014] {strides = array<i32>} : memref<2x128x64xf32, #tpu.memory_space<vmem>>, vector<16xf32>,
        tpu.vector_store %arg11[%parallel_loop3A_1012, %parallel_loop3A_1013, %parallel_loop3A_1014], %parallel_loop3A_1010 {strides = array<i32>} : memref<2x128x64xf32, #tpu.memory_space<vmem>>, vector<16xf32>,
        %parallel_loop3A_1016 = arith.constant 12 : i32
        %parallel_loop3A_1017 = arith.addi %parallel_loop3A_198, %parallel_loop3A_1016 : i32
        %parallel_loop3A_1018 = vector.extract_strided_slice %parallel_loop3A_207 {offsets = [12], sizes = [1], strides = [1]} : vector<16xi32> to vector<1xi32>
        %parallel_loop3A_1019 = vector.extract %parallel_loop3A_1018[0] : i32 from vector<1xi32>
        %parallel_loop3A_1020 = vector.extract_strided_slice %parallel_loop3A_211 {offsets = [12], sizes = [1], strides = [1]} : vector<16xf32> to vector<1xf32>
        %parallel_loop3A_1021 = vector.extract %parallel_loop3A_1020[0] : f32 from vector<1xf32>
        %parallel_loop3A_1022 = vector.broadcast %parallel_loop3A_1021 : f32 to vector<16xf32>
        %parallel_loop3A_1023 = arith.constant 0 : i32
        %parallel_loop3A_1024 = arith.addi %parallel_loop3A_1019, %parallel_loop3A_1023 : i32
        %parallel_loop3A_1025 = arith.constant 0 : i32
        %parallel_loop3A_1026 = arith.constant 0 : i32
        %parallel_loop3A_1027 = tpu.memref_slice %arg9[%parallel_loop3A_174, %parallel_loop3A_1025, %parallel_loop3A_1026] : memref<2x128x128xf32, #tpu.memory_space<vmem>> -> memref<1x128x128xf32, #tpu.memory_space<vmem>>
        %parallel_loop3A_1028 = tpu.memref_squeeze %parallel_loop3A_1027 : memref<1x128x128xf32, #tpu.memory_space<vmem>> -> memref<128x128xf32, #tpu.memory_space<vmem>>
        %parallel_loop3A_1029 = arith.index_cast %parallel_loop3A_1017 : i32 to index
        %parallel_loop3A_1030 = arith.index_cast %parallel_loop3A_1024 : i32 to index
        %parallel_loop3A_1031 = tpu.vector_load %parallel_loop3A_1028[%parallel_loop3A_1029, %parallel_loop3A_1030] {strides = array<i32>} : memref<128x128xf32, #tpu.memory_space<vmem>>, vector<16xf32>,
        %parallel_loop3A_1032 = arith.mulf %parallel_loop3A_1031, %parallel_loop3A_1022 : vector<16xf32>
        %parallel_loop3A_1033 = arith.constant 1 : i32
        %parallel_loop3A_1034 = arith.index_cast %parallel_loop3A_1033 : i32 to index
        %parallel_loop3A_1035 = arith.index_cast %parallel_loop3A_1017 : i32 to index
        %parallel_loop3A_1036 = arith.constant 0 : index
        %parallel_loop3A_1037 = tpu.vector_load %arg11[%parallel_loop3A_1034, %parallel_loop3A_1035, %parallel_loop3A_1036] {strides = array<i32>} : memref<2x128x64xf32, #tpu.memory_space<vmem>>, vector<16xf32>,
        tpu.vector_store %arg11[%parallel_loop3A_1034, %parallel_loop3A_1035, %parallel_loop3A_1036], %parallel_loop3A_1032 {strides = array<i32>} : memref<2x128x64xf32, #tpu.memory_space<vmem>>, vector<16xf32>,
        %parallel_loop3A_1038 = arith.constant 16 : i32
        %parallel_loop3A_1039 = arith.addi %parallel_loop3A_1019, %parallel_loop3A_1038 : i32
        %parallel_loop3A_1040 = arith.constant 0 : i32
        %parallel_loop3A_1041 = arith.constant 0 : i32
        %parallel_loop3A_1042 = tpu.memref_slice %arg9[%parallel_loop3A_174, %parallel_loop3A_1040, %parallel_loop3A_1041] : memref<2x128x128xf32, #tpu.memory_space<vmem>> -> memref<1x128x128xf32, #tpu.memory_space<vmem>>
        %parallel_loop3A_1043 = tpu.memref_squeeze %parallel_loop3A_1042 : memref<1x128x128xf32, #tpu.memory_space<vmem>> -> memref<128x128xf32, #tpu.memory_space<vmem>>
        %parallel_loop3A_1044 = arith.index_cast %parallel_loop3A_1017 : i32 to index
        %parallel_loop3A_1045 = arith.index_cast %parallel_loop3A_1039 : i32 to index
        %parallel_loop3A_1046 = tpu.vector_load %parallel_loop3A_1043[%parallel_loop3A_1044, %parallel_loop3A_1045] {strides = array<i32>} : memref<128x128xf32, #tpu.memory_space<vmem>>, vector<16xf32>,
        %parallel_loop3A_1047 = arith.mulf %parallel_loop3A_1046, %parallel_loop3A_1022 : vector<16xf32>
        %parallel_loop3A_1048 = arith.constant 1 : i32
        %parallel_loop3A_1049 = arith.index_cast %parallel_loop3A_1048 : i32 to index
        %parallel_loop3A_1050 = arith.index_cast %parallel_loop3A_1017 : i32 to index
        %parallel_loop3A_1051 = arith.constant 16 : index
        %parallel_loop3A_1052 = tpu.vector_load %arg11[%parallel_loop3A_1049, %parallel_loop3A_1050, %parallel_loop3A_1051] {strides = array<i32>} : memref<2x128x64xf32, #tpu.memory_space<vmem>>, vector<16xf32>,
        tpu.vector_store %arg11[%parallel_loop3A_1049, %parallel_loop3A_1050, %parallel_loop3A_1051], %parallel_loop3A_1047 {strides = array<i32>} : memref<2x128x64xf32, #tpu.memory_space<vmem>>, vector<16xf32>,
        %parallel_loop3A_1053 = arith.constant 32 : i32
        %parallel_loop3A_1054 = arith.addi %parallel_loop3A_1019, %parallel_loop3A_1053 : i32
        %parallel_loop3A_1055 = arith.constant 0 : i32
        %parallel_loop3A_1056 = arith.constant 0 : i32
        %parallel_loop3A_1057 = tpu.memref_slice %arg9[%parallel_loop3A_174, %parallel_loop3A_1055, %parallel_loop3A_1056] : memref<2x128x128xf32, #tpu.memory_space<vmem>> -> memref<1x128x128xf32, #tpu.memory_space<vmem>>
        %parallel_loop3A_1058 = tpu.memref_squeeze %parallel_loop3A_1057 : memref<1x128x128xf32, #tpu.memory_space<vmem>> -> memref<128x128xf32, #tpu.memory_space<vmem>>
        %parallel_loop3A_1059 = arith.index_cast %parallel_loop3A_1017 : i32 to index
        %parallel_loop3A_1060 = arith.index_cast %parallel_loop3A_1054 : i32 to index
        %parallel_loop3A_1061 = tpu.vector_load %parallel_loop3A_1058[%parallel_loop3A_1059, %parallel_loop3A_1060] {strides = array<i32>} : memref<128x128xf32, #tpu.memory_space<vmem>>, vector<16xf32>,
        %parallel_loop3A_1062 = arith.mulf %parallel_loop3A_1061, %parallel_loop3A_1022 : vector<16xf32>
        %parallel_loop3A_1063 = arith.constant 1 : i32
        %parallel_loop3A_1064 = arith.index_cast %parallel_loop3A_1063 : i32 to index
        %parallel_loop3A_1065 = arith.index_cast %parallel_loop3A_1017 : i32 to index
        %parallel_loop3A_1066 = arith.constant 32 : index
        %parallel_loop3A_1067 = tpu.vector_load %arg11[%parallel_loop3A_1064, %parallel_loop3A_1065, %parallel_loop3A_1066] {strides = array<i32>} : memref<2x128x64xf32, #tpu.memory_space<vmem>>, vector<16xf32>,
        tpu.vector_store %arg11[%parallel_loop3A_1064, %parallel_loop3A_1065, %parallel_loop3A_1066], %parallel_loop3A_1062 {strides = array<i32>} : memref<2x128x64xf32, #tpu.memory_space<vmem>>, vector<16xf32>,
        %parallel_loop3A_1068 = arith.constant 48 : i32
        %parallel_loop3A_1069 = arith.addi %parallel_loop3A_1019, %parallel_loop3A_1068 : i32
        %parallel_loop3A_1070 = arith.constant 0 : i32
        %parallel_loop3A_1071 = arith.constant 0 : i32
        %parallel_loop3A_1072 = tpu.memref_slice %arg9[%parallel_loop3A_174, %parallel_loop3A_1070, %parallel_loop3A_1071] : memref<2x128x128xf32, #tpu.memory_space<vmem>> -> memref<1x128x128xf32, #tpu.memory_space<vmem>>
        %parallel_loop3A_1073 = tpu.memref_squeeze %parallel_loop3A_1072 : memref<1x128x128xf32, #tpu.memory_space<vmem>> -> memref<128x128xf32, #tpu.memory_space<vmem>>
        %parallel_loop3A_1074 = arith.index_cast %parallel_loop3A_1017 : i32 to index
        %parallel_loop3A_1075 = arith.index_cast %parallel_loop3A_1069 : i32 to index
        %parallel_loop3A_1076 = tpu.vector_load %parallel_loop3A_1073[%parallel_loop3A_1074, %parallel_loop3A_1075] {strides = array<i32>} : memref<128x128xf32, #tpu.memory_space<vmem>>, vector<16xf32>,
        %parallel_loop3A_1077 = arith.mulf %parallel_loop3A_1076, %parallel_loop3A_1022 : vector<16xf32>
        %parallel_loop3A_1078 = arith.constant 1 : i32
        %parallel_loop3A_1079 = arith.index_cast %parallel_loop3A_1078 : i32 to index
        %parallel_loop3A_1080 = arith.index_cast %parallel_loop3A_1017 : i32 to index
        %parallel_loop3A_1081 = arith.constant 48 : index
        %parallel_loop3A_1082 = tpu.vector_load %arg11[%parallel_loop3A_1079, %parallel_loop3A_1080, %parallel_loop3A_1081] {strides = array<i32>} : memref<2x128x64xf32, #tpu.memory_space<vmem>>, vector<16xf32>,
        tpu.vector_store %arg11[%parallel_loop3A_1079, %parallel_loop3A_1080, %parallel_loop3A_1081], %parallel_loop3A_1077 {strides = array<i32>} : memref<2x128x64xf32, #tpu.memory_space<vmem>>, vector<16xf32>,
        %parallel_loop3A_1083 = arith.constant 13 : i32
        %parallel_loop3A_1084 = arith.addi %parallel_loop3A_198, %parallel_loop3A_1083 : i32
        %parallel_loop3A_1085 = vector.extract_strided_slice %parallel_loop3A_207 {offsets = [13], sizes = [1], strides = [1]} : vector<16xi32> to vector<1xi32>
        %parallel_loop3A_1086 = vector.extract %parallel_loop3A_1085[0] : i32 from vector<1xi32>
        %parallel_loop3A_1087 = vector.extract_strided_slice %parallel_loop3A_211 {offsets = [13], sizes = [1], strides = [1]} : vector<16xf32> to vector<1xf32>
        %parallel_loop3A_1088 = vector.extract %parallel_loop3A_1087[0] : f32 from vector<1xf32>
        %parallel_loop3A_1089 = vector.broadcast %parallel_loop3A_1088 : f32 to vector<16xf32>
        %parallel_loop3A_1090 = arith.constant 0 : i32
        %parallel_loop3A_1091 = arith.addi %parallel_loop3A_1086, %parallel_loop3A_1090 : i32
        %parallel_loop3A_1092 = arith.constant 0 : i32
        %parallel_loop3A_1093 = arith.constant 0 : i32
        %parallel_loop3A_1094 = tpu.memref_slice %arg9[%parallel_loop3A_174, %parallel_loop3A_1092, %parallel_loop3A_1093] : memref<2x128x128xf32, #tpu.memory_space<vmem>> -> memref<1x128x128xf32, #tpu.memory_space<vmem>>
        %parallel_loop3A_1095 = tpu.memref_squeeze %parallel_loop3A_1094 : memref<1x128x128xf32, #tpu.memory_space<vmem>> -> memref<128x128xf32, #tpu.memory_space<vmem>>
        %parallel_loop3A_1096 = arith.index_cast %parallel_loop3A_1084 : i32 to index
        %parallel_loop3A_1097 = arith.index_cast %parallel_loop3A_1091 : i32 to index
        %parallel_loop3A_1098 = tpu.vector_load %parallel_loop3A_1095[%parallel_loop3A_1096, %parallel_loop3A_1097] {strides = array<i32>} : memref<128x128xf32, #tpu.memory_space<vmem>>, vector<16xf32>,
        %parallel_loop3A_1099 = arith.mulf %parallel_loop3A_1098, %parallel_loop3A_1089 : vector<16xf32>
        %parallel_loop3A_1100 = arith.constant 1 : i32
        %parallel_loop3A_1101 = arith.index_cast %parallel_loop3A_1100 : i32 to index
        %parallel_loop3A_1102 = arith.index_cast %parallel_loop3A_1084 : i32 to index
        %parallel_loop3A_1103 = arith.constant 0 : index
        %parallel_loop3A_1104 = tpu.vector_load %arg11[%parallel_loop3A_1101, %parallel_loop3A_1102, %parallel_loop3A_1103] {strides = array<i32>} : memref<2x128x64xf32, #tpu.memory_space<vmem>>, vector<16xf32>,
        tpu.vector_store %arg11[%parallel_loop3A_1101, %parallel_loop3A_1102, %parallel_loop3A_1103], %parallel_loop3A_1099 {strides = array<i32>} : memref<2x128x64xf32, #tpu.memory_space<vmem>>, vector<16xf32>,
        %parallel_loop3A_1105 = arith.constant 16 : i32
        %parallel_loop3A_1106 = arith.addi %parallel_loop3A_1086, %parallel_loop3A_1105 : i32
        %parallel_loop3A_1107 = arith.constant 0 : i32
        %parallel_loop3A_1108 = arith.constant 0 : i32
        %parallel_loop3A_1109 = tpu.memref_slice %arg9[%parallel_loop3A_174, %parallel_loop3A_1107, %parallel_loop3A_1108] : memref<2x128x128xf32, #tpu.memory_space<vmem>> -> memref<1x128x128xf32, #tpu.memory_space<vmem>>
        %parallel_loop3A_1110 = tpu.memref_squeeze %parallel_loop3A_1109 : memref<1x128x128xf32, #tpu.memory_space<vmem>> -> memref<128x128xf32, #tpu.memory_space<vmem>>
        %parallel_loop3A_1111 = arith.index_cast %parallel_loop3A_1084 : i32 to index
        %parallel_loop3A_1112 = arith.index_cast %parallel_loop3A_1106 : i32 to index
        %parallel_loop3A_1113 = tpu.vector_load %parallel_loop3A_1110[%parallel_loop3A_1111, %parallel_loop3A_1112] {strides = array<i32>} : memref<128x128xf32, #tpu.memory_space<vmem>>, vector<16xf32>,
        %parallel_loop3A_1114 = arith.mulf %parallel_loop3A_1113, %parallel_loop3A_1089 : vector<16xf32>
        %parallel_loop3A_1115 = arith.constant 1 : i32
        %parallel_loop3A_1116 = arith.index_cast %parallel_loop3A_1115 : i32 to index
        %parallel_loop3A_1117 = arith.index_cast %parallel_loop3A_1084 : i32 to index
        %parallel_loop3A_1118 = arith.constant 16 : index
        %parallel_loop3A_1119 = tpu.vector_load %arg11[%parallel_loop3A_1116, %parallel_loop3A_1117, %parallel_loop3A_1118] {strides = array<i32>} : memref<2x128x64xf32, #tpu.memory_space<vmem>>, vector<16xf32>,
        tpu.vector_store %arg11[%parallel_loop3A_1116, %parallel_loop3A_1117, %parallel_loop3A_1118], %parallel_loop3A_1114 {strides = array<i32>} : memref<2x128x64xf32, #tpu.memory_space<vmem>>, vector<16xf32>,
        %parallel_loop3A_1120 = arith.constant 32 : i32
        %parallel_loop3A_1121 = arith.addi %parallel_loop3A_1086, %parallel_loop3A_1120 : i32
        %parallel_loop3A_1122 = arith.constant 0 : i32
        %parallel_loop3A_1123 = arith.constant 0 : i32
        %parallel_loop3A_1124 = tpu.memref_slice %arg9[%parallel_loop3A_174, %parallel_loop3A_1122, %parallel_loop3A_1123] : memref<2x128x128xf32, #tpu.memory_space<vmem>> -> memref<1x128x128xf32, #tpu.memory_space<vmem>>
        %parallel_loop3A_1125 = tpu.memref_squeeze %parallel_loop3A_1124 : memref<1x128x128xf32, #tpu.memory_space<vmem>> -> memref<128x128xf32, #tpu.memory_space<vmem>>
        %parallel_loop3A_1126 = arith.index_cast %parallel_loop3A_1084 : i32 to index
        %parallel_loop3A_1127 = arith.index_cast %parallel_loop3A_1121 : i32 to index
        %parallel_loop3A_1128 = tpu.vector_load %parallel_loop3A_1125[%parallel_loop3A_1126, %parallel_loop3A_1127] {strides = array<i32>} : memref<128x128xf32, #tpu.memory_space<vmem>>, vector<16xf32>,
        %parallel_loop3A_1129 = arith.mulf %parallel_loop3A_1128, %parallel_loop3A_1089 : vector<16xf32>
        %parallel_loop3A_1130 = arith.constant 1 : i32
        %parallel_loop3A_1131 = arith.index_cast %parallel_loop3A_1130 : i32 to index
        %parallel_loop3A_1132 = arith.index_cast %parallel_loop3A_1084 : i32 to index
        %parallel_loop3A_1133 = arith.constant 32 : index
        %parallel_loop3A_1134 = tpu.vector_load %arg11[%parallel_loop3A_1131, %parallel_loop3A_1132, %parallel_loop3A_1133] {strides = array<i32>} : memref<2x128x64xf32, #tpu.memory_space<vmem>>, vector<16xf32>,
        tpu.vector_store %arg11[%parallel_loop3A_1131, %parallel_loop3A_1132, %parallel_loop3A_1133], %parallel_loop3A_1129 {strides = array<i32>} : memref<2x128x64xf32, #tpu.memory_space<vmem>>, vector<16xf32>,
        %parallel_loop3A_1135 = arith.constant 48 : i32
        %parallel_loop3A_1136 = arith.addi %parallel_loop3A_1086, %parallel_loop3A_1135 : i32
        %parallel_loop3A_1137 = arith.constant 0 : i32
        %parallel_loop3A_1138 = arith.constant 0 : i32
        %parallel_loop3A_1139 = tpu.memref_slice %arg9[%parallel_loop3A_174, %parallel_loop3A_1137, %parallel_loop3A_1138] : memref<2x128x128xf32, #tpu.memory_space<vmem>> -> memref<1x128x128xf32, #tpu.memory_space<vmem>>
        %parallel_loop3A_1140 = tpu.memref_squeeze %parallel_loop3A_1139 : memref<1x128x128xf32, #tpu.memory_space<vmem>> -> memref<128x128xf32, #tpu.memory_space<vmem>>
        %parallel_loop3A_1141 = arith.index_cast %parallel_loop3A_1084 : i32 to index
        %parallel_loop3A_1142 = arith.index_cast %parallel_loop3A_1136 : i32 to index
        %parallel_loop3A_1143 = tpu.vector_load %parallel_loop3A_1140[%parallel_loop3A_1141, %parallel_loop3A_1142] {strides = array<i32>} : memref<128x128xf32, #tpu.memory_space<vmem>>, vector<16xf32>,
        %parallel_loop3A_1144 = arith.mulf %parallel_loop3A_1143, %parallel_loop3A_1089 : vector<16xf32>
        %parallel_loop3A_1145 = arith.constant 1 : i32
        %parallel_loop3A_1146 = arith.index_cast %parallel_loop3A_1145 : i32 to index
        %parallel_loop3A_1147 = arith.index_cast %parallel_loop3A_1084 : i32 to index
        %parallel_loop3A_1148 = arith.constant 48 : index
        %parallel_loop3A_1149 = tpu.vector_load %arg11[%parallel_loop3A_1146, %parallel_loop3A_1147, %parallel_loop3A_1148] {strides = array<i32>} : memref<2x128x64xf32, #tpu.memory_space<vmem>>, vector<16xf32>,
        tpu.vector_store %arg11[%parallel_loop3A_1146, %parallel_loop3A_1147, %parallel_loop3A_1148], %parallel_loop3A_1144 {strides = array<i32>} : memref<2x128x64xf32, #tpu.memory_space<vmem>>, vector<16xf32>,
        %parallel_loop3A_1150 = arith.constant 14 : i32
        %parallel_loop3A_1151 = arith.addi %parallel_loop3A_198, %parallel_loop3A_1150 : i32
        %parallel_loop3A_1152 = vector.extract_strided_slice %parallel_loop3A_207 {offsets = [14], sizes = [1], strides = [1]} : vector<16xi32> to vector<1xi32>
        %parallel_loop3A_1153 = vector.extract %parallel_loop3A_1152[0] : i32 from vector<1xi32>
        %parallel_loop3A_1154 = vector.extract_strided_slice %parallel_loop3A_211 {offsets = [14], sizes = [1], strides = [1]} : vector<16xf32> to vector<1xf32>
        %parallel_loop3A_1155 = vector.extract %parallel_loop3A_1154[0] : f32 from vector<1xf32>
        %parallel_loop3A_1156 = vector.broadcast %parallel_loop3A_1155 : f32 to vector<16xf32>
        %parallel_loop3A_1157 = arith.constant 0 : i32
        %parallel_loop3A_1158 = arith.addi %parallel_loop3A_1153, %parallel_loop3A_1157 : i32
        %parallel_loop3A_1159 = arith.constant 0 : i32
        %parallel_loop3A_1160 = arith.constant 0 : i32
        %parallel_loop3A_1161 = tpu.memref_slice %arg9[%parallel_loop3A_174, %parallel_loop3A_1159, %parallel_loop3A_1160] : memref<2x128x128xf32, #tpu.memory_space<vmem>> -> memref<1x128x128xf32, #tpu.memory_space<vmem>>
        %parallel_loop3A_1162 = tpu.memref_squeeze %parallel_loop3A_1161 : memref<1x128x128xf32, #tpu.memory_space<vmem>> -> memref<128x128xf32, #tpu.memory_space<vmem>>
        %parallel_loop3A_1163 = arith.index_cast %parallel_loop3A_1151 : i32 to index
        %parallel_loop3A_1164 = arith.index_cast %parallel_loop3A_1158 : i32 to index
        %parallel_loop3A_1165 = tpu.vector_load %parallel_loop3A_1162[%parallel_loop3A_1163, %parallel_loop3A_1164] {strides = array<i32>} : memref<128x128xf32, #tpu.memory_space<vmem>>, vector<16xf32>,
        %parallel_loop3A_1166 = arith.mulf %parallel_loop3A_1165, %parallel_loop3A_1156 : vector<16xf32>
        %parallel_loop3A_1167 = arith.constant 1 : i32
        %parallel_loop3A_1168 = arith.index_cast %parallel_loop3A_1167 : i32 to index
        %parallel_loop3A_1169 = arith.index_cast %parallel_loop3A_1151 : i32 to index
        %parallel_loop3A_1170 = arith.constant 0 : index
        %parallel_loop3A_1171 = tpu.vector_load %arg11[%parallel_loop3A_1168, %parallel_loop3A_1169, %parallel_loop3A_1170] {strides = array<i32>} : memref<2x128x64xf32, #tpu.memory_space<vmem>>, vector<16xf32>,
        tpu.vector_store %arg11[%parallel_loop3A_1168, %parallel_loop3A_1169, %parallel_loop3A_1170], %parallel_loop3A_1166 {strides = array<i32>} : memref<2x128x64xf32, #tpu.memory_space<vmem>>, vector<16xf32>,
        %parallel_loop3A_1172 = arith.constant 16 : i32
        %parallel_loop3A_1173 = arith.addi %parallel_loop3A_1153, %parallel_loop3A_1172 : i32
        %parallel_loop3A_1174 = arith.constant 0 : i32
        %parallel_loop3A_1175 = arith.constant 0 : i32
        %parallel_loop3A_1176 = tpu.memref_slice %arg9[%parallel_loop3A_174, %parallel_loop3A_1174, %parallel_loop3A_1175] : memref<2x128x128xf32, #tpu.memory_space<vmem>> -> memref<1x128x128xf32, #tpu.memory_space<vmem>>
        %parallel_loop3A_1177 = tpu.memref_squeeze %parallel_loop3A_1176 : memref<1x128x128xf32, #tpu.memory_space<vmem>> -> memref<128x128xf32, #tpu.memory_space<vmem>>
        %parallel_loop3A_1178 = arith.index_cast %parallel_loop3A_1151 : i32 to index
        %parallel_loop3A_1179 = arith.index_cast %parallel_loop3A_1173 : i32 to index
        %parallel_loop3A_1180 = tpu.vector_load %parallel_loop3A_1177[%parallel_loop3A_1178, %parallel_loop3A_1179] {strides = array<i32>} : memref<128x128xf32, #tpu.memory_space<vmem>>, vector<16xf32>,
        %parallel_loop3A_1181 = arith.mulf %parallel_loop3A_1180, %parallel_loop3A_1156 : vector<16xf32>
        %parallel_loop3A_1182 = arith.constant 1 : i32
        %parallel_loop3A_1183 = arith.index_cast %parallel_loop3A_1182 : i32 to index
        %parallel_loop3A_1184 = arith.index_cast %parallel_loop3A_1151 : i32 to index
        %parallel_loop3A_1185 = arith.constant 16 : index
        %parallel_loop3A_1186 = tpu.vector_load %arg11[%parallel_loop3A_1183, %parallel_loop3A_1184, %parallel_loop3A_1185] {strides = array<i32>} : memref<2x128x64xf32, #tpu.memory_space<vmem>>, vector<16xf32>,
        tpu.vector_store %arg11[%parallel_loop3A_1183, %parallel_loop3A_1184, %parallel_loop3A_1185], %parallel_loop3A_1181 {strides = array<i32>} : memref<2x128x64xf32, #tpu.memory_space<vmem>>, vector<16xf32>,
        %parallel_loop3A_1187 = arith.constant 32 : i32
        %parallel_loop3A_1188 = arith.addi %parallel_loop3A_1153, %parallel_loop3A_1187 : i32
        %parallel_loop3A_1189 = arith.constant 0 : i32
        %parallel_loop3A_1190 = arith.constant 0 : i32
        %parallel_loop3A_1191 = tpu.memref_slice %arg9[%parallel_loop3A_174, %parallel_loop3A_1189, %parallel_loop3A_1190] : memref<2x128x128xf32, #tpu.memory_space<vmem>> -> memref<1x128x128xf32, #tpu.memory_space<vmem>>
        %parallel_loop3A_1192 = tpu.memref_squeeze %parallel_loop3A_1191 : memref<1x128x128xf32, #tpu.memory_space<vmem>> -> memref<128x128xf32, #tpu.memory_space<vmem>>
        %parallel_loop3A_1193 = arith.index_cast %parallel_loop3A_1151 : i32 to index
        %parallel_loop3A_1194 = arith.index_cast %parallel_loop3A_1188 : i32 to index
        %parallel_loop3A_1195 = tpu.vector_load %parallel_loop3A_1192[%parallel_loop3A_1193, %parallel_loop3A_1194] {strides = array<i32>} : memref<128x128xf32, #tpu.memory_space<vmem>>, vector<16xf32>,
        %parallel_loop3A_1196 = arith.mulf %parallel_loop3A_1195, %parallel_loop3A_1156 : vector<16xf32>
        %parallel_loop3A_1197 = arith.constant 1 : i32
        %parallel_loop3A_1198 = arith.index_cast %parallel_loop3A_1197 : i32 to index
        %parallel_loop3A_1199 = arith.index_cast %parallel_loop3A_1151 : i32 to index
        %parallel_loop3A_1200 = arith.constant 32 : index
        %parallel_loop3A_1201 = tpu.vector_load %arg11[%parallel_loop3A_1198, %parallel_loop3A_1199, %parallel_loop3A_1200] {strides = array<i32>} : memref<2x128x64xf32, #tpu.memory_space<vmem>>, vector<16xf32>,
        tpu.vector_store %arg11[%parallel_loop3A_1198, %parallel_loop3A_1199, %parallel_loop3A_1200], %parallel_loop3A_1196 {strides = array<i32>} : memref<2x128x64xf32, #tpu.memory_space<vmem>>, vector<16xf32>,
        %parallel_loop3A_1202 = arith.constant 48 : i32
        %parallel_loop3A_1203 = arith.addi %parallel_loop3A_1153, %parallel_loop3A_1202 : i32
        %parallel_loop3A_1204 = arith.constant 0 : i32
        %parallel_loop3A_1205 = arith.constant 0 : i32
        %parallel_loop3A_1206 = tpu.memref_slice %arg9[%parallel_loop3A_174, %parallel_loop3A_1204, %parallel_loop3A_1205] : memref<2x128x128xf32, #tpu.memory_space<vmem>> -> memref<1x128x128xf32, #tpu.memory_space<vmem>>
        %parallel_loop3A_1207 = tpu.memref_squeeze %parallel_loop3A_1206 : memref<1x128x128xf32, #tpu.memory_space<vmem>> -> memref<128x128xf32, #tpu.memory_space<vmem>>
        %parallel_loop3A_1208 = arith.index_cast %parallel_loop3A_1151 : i32 to index
        %parallel_loop3A_1209 = arith.index_cast %parallel_loop3A_1203 : i32 to index
        %parallel_loop3A_1210 = tpu.vector_load %parallel_loop3A_1207[%parallel_loop3A_1208, %parallel_loop3A_1209] {strides = array<i32>} : memref<128x128xf32, #tpu.memory_space<vmem>>, vector<16xf32>,
        %parallel_loop3A_1211 = arith.mulf %parallel_loop3A_1210, %parallel_loop3A_1156 : vector<16xf32>
        %parallel_loop3A_1212 = arith.constant 1 : i32
        %parallel_loop3A_1213 = arith.index_cast %parallel_loop3A_1212 : i32 to index
        %parallel_loop3A_1214 = arith.index_cast %parallel_loop3A_1151 : i32 to index
        %parallel_loop3A_1215 = arith.constant 48 : index
        %parallel_loop3A_1216 = tpu.vector_load %arg11[%parallel_loop3A_1213, %parallel_loop3A_1214, %parallel_loop3A_1215] {strides = array<i32>} : memref<2x128x64xf32, #tpu.memory_space<vmem>>, vector<16xf32>,
        tpu.vector_store %arg11[%parallel_loop3A_1213, %parallel_loop3A_1214, %parallel_loop3A_1215], %parallel_loop3A_1211 {strides = array<i32>} : memref<2x128x64xf32, #tpu.memory_space<vmem>>, vector<16xf32>,
        %parallel_loop3A_1217 = arith.constant 15 : i32
        %parallel_loop3A_1218 = arith.addi %parallel_loop3A_198, %parallel_loop3A_1217 : i32
        %parallel_loop3A_1219 = vector.extract_strided_slice %parallel_loop3A_207 {offsets = [15], sizes = [1], strides = [1]} : vector<16xi32> to vector<1xi32>
        %parallel_loop3A_1220 = vector.extract %parallel_loop3A_1219[0] : i32 from vector<1xi32>
        %parallel_loop3A_1221 = vector.extract_strided_slice %parallel_loop3A_211 {offsets = [15], sizes = [1], strides = [1]} : vector<16xf32> to vector<1xf32>
        %parallel_loop3A_1222 = vector.extract %parallel_loop3A_1221[0] : f32 from vector<1xf32>
        %parallel_loop3A_1223 = vector.broadcast %parallel_loop3A_1222 : f32 to vector<16xf32>
        %parallel_loop3A_1224 = arith.constant 0 : i32
        %parallel_loop3A_1225 = arith.addi %parallel_loop3A_1220, %parallel_loop3A_1224 : i32
        %parallel_loop3A_1226 = arith.constant 0 : i32
        %parallel_loop3A_1227 = arith.constant 0 : i32
        %parallel_loop3A_1228 = tpu.memref_slice %arg9[%parallel_loop3A_174, %parallel_loop3A_1226, %parallel_loop3A_1227] : memref<2x128x128xf32, #tpu.memory_space<vmem>> -> memref<1x128x128xf32, #tpu.memory_space<vmem>>
        %parallel_loop3A_1229 = tpu.memref_squeeze %parallel_loop3A_1228 : memref<1x128x128xf32, #tpu.memory_space<vmem>> -> memref<128x128xf32, #tpu.memory_space<vmem>>
        %parallel_loop3A_1230 = arith.index_cast %parallel_loop3A_1218 : i32 to index
        %parallel_loop3A_1231 = arith.index_cast %parallel_loop3A_1225 : i32 to index
        %parallel_loop3A_1232 = tpu.vector_load %parallel_loop3A_1229[%parallel_loop3A_1230, %parallel_loop3A_1231] {strides = array<i32>} : memref<128x128xf32, #tpu.memory_space<vmem>>, vector<16xf32>,
        %parallel_loop3A_1233 = arith.mulf %parallel_loop3A_1232, %parallel_loop3A_1223 : vector<16xf32>
        %parallel_loop3A_1234 = arith.constant 1 : i32
        %parallel_loop3A_1235 = arith.index_cast %parallel_loop3A_1234 : i32 to index
        %parallel_loop3A_1236 = arith.index_cast %parallel_loop3A_1218 : i32 to index
        %parallel_loop3A_1237 = arith.constant 0 : index
        %parallel_loop3A_1238 = tpu.vector_load %arg11[%parallel_loop3A_1235, %parallel_loop3A_1236, %parallel_loop3A_1237] {strides = array<i32>} : memref<2x128x64xf32, #tpu.memory_space<vmem>>, vector<16xf32>,
        tpu.vector_store %arg11[%parallel_loop3A_1235, %parallel_loop3A_1236, %parallel_loop3A_1237], %parallel_loop3A_1233 {strides = array<i32>} : memref<2x128x64xf32, #tpu.memory_space<vmem>>, vector<16xf32>,
        %parallel_loop3A_1239 = arith.constant 16 : i32
        %parallel_loop3A_1240 = arith.addi %parallel_loop3A_1220, %parallel_loop3A_1239 : i32
        %parallel_loop3A_1241 = arith.constant 0 : i32
        %parallel_loop3A_1242 = arith.constant 0 : i32
        %parallel_loop3A_1243 = tpu.memref_slice %arg9[%parallel_loop3A_174, %parallel_loop3A_1241, %parallel_loop3A_1242] : memref<2x128x128xf32, #tpu.memory_space<vmem>> -> memref<1x128x128xf32, #tpu.memory_space<vmem>>
        %parallel_loop3A_1244 = tpu.memref_squeeze %parallel_loop3A_1243 : memref<1x128x128xf32, #tpu.memory_space<vmem>> -> memref<128x128xf32, #tpu.memory_space<vmem>>
        %parallel_loop3A_1245 = arith.index_cast %parallel_loop3A_1218 : i32 to index
        %parallel_loop3A_1246 = arith.index_cast %parallel_loop3A_1240 : i32 to index
        %parallel_loop3A_1247 = tpu.vector_load %parallel_loop3A_1244[%parallel_loop3A_1245, %parallel_loop3A_1246] {strides = array<i32>} : memref<128x128xf32, #tpu.memory_space<vmem>>, vector<16xf32>,
        %parallel_loop3A_1248 = arith.mulf %parallel_loop3A_1247, %parallel_loop3A_1223 : vector<16xf32>
        %parallel_loop3A_1249 = arith.constant 1 : i32
        %parallel_loop3A_1250 = arith.index_cast %parallel_loop3A_1249 : i32 to index
        %parallel_loop3A_1251 = arith.index_cast %parallel_loop3A_1218 : i32 to index
        %parallel_loop3A_1252 = arith.constant 16 : index
        %parallel_loop3A_1253 = tpu.vector_load %arg11[%parallel_loop3A_1250, %parallel_loop3A_1251, %parallel_loop3A_1252] {strides = array<i32>} : memref<2x128x64xf32, #tpu.memory_space<vmem>>, vector<16xf32>,
        tpu.vector_store %arg11[%parallel_loop3A_1250, %parallel_loop3A_1251, %parallel_loop3A_1252], %parallel_loop3A_1248 {strides = array<i32>} : memref<2x128x64xf32, #tpu.memory_space<vmem>>, vector<16xf32>,
        %parallel_loop3A_1254 = arith.constant 32 : i32
        %parallel_loop3A_1255 = arith.addi %parallel_loop3A_1220, %parallel_loop3A_1254 : i32
        %parallel_loop3A_1256 = arith.constant 0 : i32
        %parallel_loop3A_1257 = arith.constant 0 : i32
        %parallel_loop3A_1258 = tpu.memref_slice %arg9[%parallel_loop3A_174, %parallel_loop3A_1256, %parallel_loop3A_1257] : memref<2x128x128xf32, #tpu.memory_space<vmem>> -> memref<1x128x128xf32, #tpu.memory_space<vmem>>
        %parallel_loop3A_1259 = tpu.memref_squeeze %parallel_loop3A_1258 : memref<1x128x128xf32, #tpu.memory_space<vmem>> -> memref<128x128xf32, #tpu.memory_space<vmem>>
        %parallel_loop3A_1260 = arith.index_cast %parallel_loop3A_1218 : i32 to index
        %parallel_loop3A_1261 = arith.index_cast %parallel_loop3A_1255 : i32 to index
        %parallel_loop3A_1262 = tpu.vector_load %parallel_loop3A_1259[%parallel_loop3A_1260, %parallel_loop3A_1261] {strides = array<i32>} : memref<128x128xf32, #tpu.memory_space<vmem>>, vector<16xf32>,
        %parallel_loop3A_1263 = arith.mulf %parallel_loop3A_1262, %parallel_loop3A_1223 : vector<16xf32>
        %parallel_loop3A_1264 = arith.constant 1 : i32
        %parallel_loop3A_1265 = arith.index_cast %parallel_loop3A_1264 : i32 to index
        %parallel_loop3A_1266 = arith.index_cast %parallel_loop3A_1218 : i32 to index
        %parallel_loop3A_1267 = arith.constant 32 : index
        %parallel_loop3A_1268 = tpu.vector_load %arg11[%parallel_loop3A_1265, %parallel_loop3A_1266, %parallel_loop3A_1267] {strides = array<i32>} : memref<2x128x64xf32, #tpu.memory_space<vmem>>, vector<16xf32>,
        tpu.vector_store %arg11[%parallel_loop3A_1265, %parallel_loop3A_1266, %parallel_loop3A_1267], %parallel_loop3A_1263 {strides = array<i32>} : memref<2x128x64xf32, #tpu.memory_space<vmem>>, vector<16xf32>,
        %parallel_loop3A_1269 = arith.constant 48 : i32
        %parallel_loop3A_1270 = arith.addi %parallel_loop3A_1220, %parallel_loop3A_1269 : i32
        %parallel_loop3A_1271 = arith.constant 0 : i32
        %parallel_loop3A_1272 = arith.constant 0 : i32
        %parallel_loop3A_1273 = tpu.memref_slice %arg9[%parallel_loop3A_174, %parallel_loop3A_1271, %parallel_loop3A_1272] : memref<2x128x128xf32, #tpu.memory_space<vmem>> -> memref<1x128x128xf32, #tpu.memory_space<vmem>>
        %parallel_loop3A_1274 = tpu.memref_squeeze %parallel_loop3A_1273 : memref<1x128x128xf32, #tpu.memory_space<vmem>> -> memref<128x128xf32, #tpu.memory_space<vmem>>
        %parallel_loop3A_1275 = arith.index_cast %parallel_loop3A_1218 : i32 to index
        %parallel_loop3A_1276 = arith.index_cast %parallel_loop3A_1270 : i32 to index
        %parallel_loop3A_1277 = tpu.vector_load %parallel_loop3A_1274[%parallel_loop3A_1275, %parallel_loop3A_1276] {strides = array<i32>} : memref<128x128xf32, #tpu.memory_space<vmem>>, vector<16xf32>,
        %parallel_loop3A_1278 = arith.mulf %parallel_loop3A_1277, %parallel_loop3A_1223 : vector<16xf32>
        %parallel_loop3A_1279 = arith.constant 1 : i32
        %parallel_loop3A_1280 = arith.index_cast %parallel_loop3A_1279 : i32 to index
        %parallel_loop3A_1281 = arith.index_cast %parallel_loop3A_1218 : i32 to index
        %parallel_loop3A_1282 = arith.constant 48 : index
        %parallel_loop3A_1283 = tpu.vector_load %arg11[%parallel_loop3A_1280, %parallel_loop3A_1281, %parallel_loop3A_1282] {strides = array<i32>} : memref<2x128x64xf32, #tpu.memory_space<vmem>>, vector<16xf32>,
        tpu.vector_store %arg11[%parallel_loop3A_1280, %parallel_loop3A_1281, %parallel_loop3A_1282], %parallel_loop3A_1278 {strides = array<i32>} : memref<2x128x64xf32, #tpu.memory_space<vmem>>, vector<16xf32>,
      } {sc.loop_unroll_factor = 2 : i64, sc.parallel_access}
      %mul3A_175 = arith.constant 128 : i32
      %mul3A_176 = arith.muli %add3A_139, %mul3A_175 : i32
      %add3A_177 = arith.addi %mul3A_2, %mul3A_176 : i32
      %dma_start3A_178 = arith.constant 1 : i32
      %dma_start3A_179 = arith.constant 0 : i32
      %dma_start3A_180 = arith.constant 0 : i32
      %dma_start3A_181 = tpu.memref_slice %arg11[%dma_start3A_178, %dma_start3A_179, %dma_start3A_180] : memref<2x128x64xf32, #tpu.memory_space<vmem>> -> memref<1x128x64xf32, #tpu.memory_space<vmem>>
      %dma_start3A_182 = tpu.memref_squeeze %dma_start3A_181 : memref<1x128x64xf32, #tpu.memory_space<vmem>> -> memref<128x64xf32, #tpu.memory_space<vmem>>
      %dma_start3A_183 = arith.constant 0 : i32
      %dma_start3A_184 = tpu.memref_slice %arg6[%add3A_177, %dma_start3A_183] : memref<819200x64xf32, #tpu.memory_space<hbm>> -> memref<128x64xf32, #tpu.memory_space<hbm>>
      %dma_start3A_185 = arith.constant 0 : i32
      %dma_start3A_186 = tpu.memref_slice %arg6[%add3A_177, %dma_start3A_185] : memref<819200x64xf32, #tpu.memory_space<hbm>> -> memref<128x64xf32, #tpu.memory_space<hbm>>
      %dma_start3A_187 = arith.constant 0 : i32
      %dma_start3A_188 = arith.constant 0 : i32
      %dma_start3A_189 = tpu.memref_slice %arg11[%dma_start3A_178, %dma_start3A_187, %dma_start3A_188] : memref<2x128x64xf32, #tpu.memory_space<vmem>> -> memref<1x128x64xf32, #tpu.memory_space<vmem>>
      %dma_start3A_190 = tpu.memref_squeeze %dma_start3A_189 : memref<1x128x64xf32, #tpu.memory_space<vmem>> -> memref<128x64xf32, #tpu.memory_space<vmem>>
      tpu.enqueue_dma source(%dma_start3A_190 : memref<128x64xf32, #tpu.memory_space<vmem>>) target(%dma_start3A_186 : memref<128x64xf32, #tpu.memory_space<hbm>>) target_semaphore(%arg15 : memref<!tpu.dma_semaphore, #tpu.memory_space<semaphore_mem>>)
      %add3A_191 = arith.constant 2 : i32
      %add3A_192 = arith.addi %add3A_139, %add3A_191 : i32
      %lt3A_193 = arith.constant 200 : i32
      %lt3A_194 = arith.cmpi slt, %add3A_192, %lt3A_193 : i32
      %convert_element_type3A_195 = arith.extui %lt3A_194 : i1 to i32
      %cond3A_196 = arith.constant 0 : i32
      %cond3A_197 = arith.cmpi ne, %convert_element_type3A_195, %cond3A_196 : i32
      scf.if %cond3A_197 {
        %add3A_198 = arith.constant 2 : i32
        %add3A_199 = arith.addi %add3A_139, %add3A_198 : i32
        %dma_start3A_200 = arith.constant 1 : i32
        %dma_start3A_201 = arith.constant 0 : i32
        %dma_start3A_202 = arith.constant 0 : i32
        %dma_start3A_203 = tpu.memref_slice %arg9[%dma_start3A_200, %dma_start3A_201, %dma_start3A_202] : memref<2x128x128xf32, #tpu.memory_space<vmem>> -> memref<1x128x128xf32, #tpu.memory_space<vmem>>
        %dma_start3A_204 = tpu.memref_squeeze %dma_start3A_203 : memref<1x128x128xf32, #tpu.memory_space<vmem>> -> memref<128x128xf32, #tpu.memory_space<vmem>>
        %dma_start3A_205 = arith.constant 0 : i32
        %dma_start3A_206 = tpu.memref_slice %arg7[%add3A_199, %dma_start3A_205] : memref<200x128xi32, #tpu.memory_space<vmem>> -> memref<1x128xi32, #tpu.memory_space<vmem>>
        %dma_start3A_207 = tpu.memref_squeeze %dma_start3A_206 : memref<1x128xi32, #tpu.memory_space<vmem>> -> memref<128xi32, #tpu.memory_space<vmem>>
        %dma_start3A_208 = arith.constant 0 : i32
        %dma_start3A_209 = arith.constant 0 : i32
        %dma_start3A_210 = tpu.memref_slice %arg2[%dma_start3A_208, %dma_start3A_209] : memref<500000x128xf32, #tpu.memory_space<hbm>> -> memref<500000x128xf32, #tpu.memory_space<hbm>>
        tpu.enqueue_indirect_dma source(%dma_start3A_210 : memref<500000x128xf32, #tpu.memory_space<hbm>>) target(%dma_start3A_204 : memref<128x128xf32, #tpu.memory_space<vmem>>) offsets(%dma_start3A_207 : memref<128xi32, #tpu.memory_space<vmem>>) semaphore(%arg13 : memref<!tpu.dma_semaphore, #tpu.memory_space<semaphore_mem>>)
        %dma_start3A_211 = arith.constant 1 : i32
        %dma_start3A_212 = arith.constant 0 : i32
        %dma_start3A_213 = tpu.memref_slice %arg10[%dma_start3A_211, %dma_start3A_212] : memref<2x128xf32, #tpu.memory_space<vmem>> -> memref<1x128xf32, #tpu.memory_space<vmem>>
        %dma_start3A_214 = tpu.memref_squeeze %dma_start3A_213 : memref<1x128xf32, #tpu.memory_space<vmem>> -> memref<128xf32, #tpu.memory_space<vmem>>
        %dma_start3A_215 = arith.constant 0 : i32
        %dma_start3A_216 = tpu.memref_slice %arg8[%add3A_199, %dma_start3A_215] : memref<200x128xi32, #tpu.memory_space<vmem>> -> memref<1x128xi32, #tpu.memory_space<vmem>>
        %dma_start3A_217 = tpu.memref_squeeze %dma_start3A_216 : memref<1x128xi32, #tpu.memory_space<vmem>> -> memref<128xi32, #tpu.memory_space<vmem>>
        %dma_start3A_218 = arith.constant 0 : i32
        %dma_start3A_219 = tpu.memref_slice %arg3[%dma_start3A_218] : memref<1000000xf32, #tpu.memory_space<hbm>> -> memref<1000000xf32, #tpu.memory_space<hbm>>
        tpu.enqueue_indirect_dma source(%dma_start3A_219 : memref<1000000xf32, #tpu.memory_space<hbm>>) target(%dma_start3A_214 : memref<128xf32, #tpu.memory_space<vmem>>) offsets(%dma_start3A_217 : memref<128xi32, #tpu.memory_space<vmem>>) semaphore(%arg13 : memref<!tpu.dma_semaphore, #tpu.memory_space<semaphore_mem>>)
      } else {
      }
    }
    %scan3A_50 = arith.constant 100 : i32
    %dma_wait3A = arith.constant 0 : i32
    %dma_wait3A_51 = arith.constant 0 : i32
    %dma_wait3A_52 = arith.constant 0 : i32
    %dma_wait3A_53 = tpu.memref_slice %arg11[%dma_wait3A, %dma_wait3A_51, %dma_wait3A_52] : memref<2x128x64xf32, #tpu.memory_space<vmem>> -> memref<1x128x64xf32, #tpu.memory_space<vmem>>
    %dma_wait3A_54 = tpu.memref_squeeze %dma_wait3A_53 : memref<1x128x64xf32, #tpu.memory_space<vmem>> -> memref<128x64xf32, #tpu.memory_space<vmem>>
    %dma_wait3A_55 = arith.constant 0 : i32
    %dma_wait3A_56 = arith.constant 0 : i32
    %dma_wait3A_57 = tpu.memref_slice %arg6[%dma_wait3A_55, %dma_wait3A_56] : memref<819200x64xf32, #tpu.memory_space<hbm>> -> memref<128x64xf32, #tpu.memory_space<hbm>>
    %dma_wait3A_58 = arith.constant 0 : i32
    %dma_wait3A_59 = arith.constant 0 : i32
    %dma_wait3A_60 = tpu.memref_slice %arg6[%dma_wait3A_58, %dma_wait3A_59] : memref<819200x64xf32, #tpu.memory_space<hbm>> -> memref<128x64xf32, #tpu.memory_space<hbm>>
    %dma_wait3A_61 = arith.constant 0 : i32
    %dma_wait3A_62 = arith.constant 0 : i32
    %dma_wait3A_63 = tpu.memref_slice %arg11[%dma_wait3A, %dma_wait3A_61, %dma_wait3A_62] : memref<2x128x64xf32, #tpu.memory_space<vmem>> -> memref<1x128x64xf32, #tpu.memory_space<vmem>>
    %dma_wait3A_64 = tpu.memref_squeeze %dma_wait3A_63 : memref<1x128x64xf32, #tpu.memory_space<vmem>> -> memref<128x64xf32, #tpu.memory_space<vmem>>
    tpu.wait_dma2 semaphore(%arg14 : memref<!tpu.dma_semaphore, #tpu.memory_space<semaphore_mem>>) src(%dma_wait3A_64 : memref<128x64xf32, #tpu.memory_space<vmem>>) dst(%dma_wait3A_60 : memref<128x64xf32, #tpu.memory_space<hbm>>)
    %dma_wait3A_65 = arith.constant 1 : i32
    %dma_wait3A_66 = arith.constant 0 : i32
    %dma_wait3A_67 = arith.constant 0 : i32
    %dma_wait3A_68 = tpu.memref_slice %arg11[%dma_wait3A_65, %dma_wait3A_66, %dma_wait3A_67] : memref<2x128x64xf32, #tpu.memory_space<vmem>> -> memref<1x128x64xf32, #tpu.memory_space<vmem>>
    %dma_wait3A_69 = tpu.memref_squeeze %dma_wait3A_68 : memref<1x128x64xf32, #tpu.memory_space<vmem>> -> memref<128x64xf32, #tpu.memory_space<vmem>>
    %dma_wait3A_70 = arith.constant 0 : i32
    %dma_wait3A_71 = arith.constant 0 : i32
    %dma_wait3A_72 = tpu.memref_slice %arg6[%dma_wait3A_70, %dma_wait3A_71] : memref<819200x64xf32, #tpu.memory_space<hbm>> -> memref<128x64xf32, #tpu.memory_space<hbm>>
    %dma_wait3A_73 = arith.constant 0 : i32
    %dma_wait3A_74 = arith.constant 0 : i32
    %dma_wait3A_75 = tpu.memref_slice %arg6[%dma_wait3A_73, %dma_wait3A_74] : memref<819200x64xf32, #tpu.memory_space<hbm>> -> memref<128x64xf32, #tpu.memory_space<hbm>>
    %dma_wait3A_76 = arith.constant 0 : i32
    %dma_wait3A_77 = arith.constant 0 : i32
    %dma_wait3A_78 = tpu.memref_slice %arg11[%dma_wait3A_65, %dma_wait3A_76, %dma_wait3A_77] : memref<2x128x64xf32, #tpu.memory_space<vmem>> -> memref<1x128x64xf32, #tpu.memory_space<vmem>>
    %dma_wait3A_79 = tpu.memref_squeeze %dma_wait3A_78 : memref<1x128x64xf32, #tpu.memory_space<vmem>> -> memref<128x64xf32, #tpu.memory_space<vmem>>
    tpu.wait_dma2 semaphore(%arg15 : memref<!tpu.dma_semaphore, #tpu.memory_space<semaphore_mem>>) src(%dma_wait3A_79 : memref<128x64xf32, #tpu.memory_space<vmem>>) dst(%dma_wait3A_75 : memref<128x64xf32, #tpu.memory_space<hbm>>)
    return
  }
}

</mosaic_0001>

<sc_bundles>
// kernel: kernel.3.cloned.1.call-start
scs
__scs_entry_jumppad:
0x0: {  	(pc) =	sbr.rel $0x88, $3  }
0x1: {  	(tag) =	ssettag $0x0;
	lr =	simm.s32 $0x1  }
0x2: {  	[smem:$0x3F9F] =	sst lr;
	_ =	strace $0xD0000000  }
0x3: {  	_ = 	snop  }
0x4: {  	_ = 	snop  }
0x5: {  	_ = 	snop  }
0x6: {  	_ = 	snop  }
0x7: {  	_ = 	snop  }
__scs_overlays_trampoline_lowered:
0x8: {  	[smem:$0x3FAE] =	sst s0  }
0x9: {  	[smem:$0x3FAF] =	sst s1  }
0xa: {  	[smem:$0x3FB0] =	sst s2  }
0xb: {  	[smem:$0x3FB1] =	sst s3  }
0xc: {  	[smem:$0x3FB2] =	sst s4  }
0xd: {  	[smem:$0x3FB3] =	sst s5  }
0xe: {  	[smem:$0x3FB4] =	sst s6  }
0xf: {  	[smem:$0x3FB5] =	sst s7  }
0x10: {  	[smem:$0x3FB6] =	sst s8  }
0x11: {  	[smem:$0x3FB7] =	sst s9;
	s0 =	simm.s32 @!p0 $0x0  }
0x12: {  	s1 =	sld [smem:$0x3F9D];
	s0 =	simm.s32 @p0 $0x1  }
0x13: {  	[smem:$0x3FB8] =	sst s0;
	s0 =	simm.s32 @!p1 $0x0  }
0x14: {  	s2 =	sld [smem:$0x3F9C];
	s0 =	simm.s32 @p1 $0x1  }
0x15: {  	[smem:$0x3FB9] =	sst s0;
	s0 =	simm.s32 @!p2 $0x0  }
0x16: {  	s3 =	sld [smem:$0x3FDB];
	s0 =	simm.s32 @p2 $0x1  }
0x17: {  	s4 =	simm.s32 $0x1BF5;
	[smem:$0x3FBB] =	sst s0  }
0x18: {  	s0 =	sld [smem:$0x3F9E];
	_ =	swait.ge [sflag:s4], $0x0  }
0x19: {  	s7 =	sld [smem:$0x3F9F]  }
0x1a: {  	s8 =	sadd.s32 $0xFFFFE003, lr  }
0x1b: {  	s9 =	sadd.s32 $0xFFFFFEF7, lr;
	s5 =	simm.s32 $0xFFFFFFFF;
	p2 =	slt.u32 s8, $0xFFFFF086  }
0x1c: {  	p1 =	slt.u32 s9, $0xF7A;
	s5 =	simm.s32 @!p2 $0x0  }
0x1d: {  	s5 =	simm.s32 @p1 $0x1;
	p0 =	seq.s32 s7, s2  }
0x1e: {  	s7 =	smul.u32 @!p0 $0xF7A, s2;
	p2 =	seq.s32 @!p0 s5, $0x0  }
0x1f: {  	s9 =	smul.u32 $0xF7A, s1;
	s8 =	simm.s32 @!p0 $0x1BF5;
	p2 =	por !p2, p0  }
0x20: {  	[sflag:s8] =	ssyncset.s32 @!p0 $0xFFFFF086;
	s6 =	sadd.s32 @!p0 s3, s7;
	s7 =	simm.s32 @!p0 $0x108  }
0x21: {  	s3 =	sadd.s32 s3, s9;
	s6 =	sadd.s32 @!p0 $0x88, s6;
	s7 =	simm.s32 @p2 $0x1082  }
0x22: {  	[simem:s7], [sflag:s8] =	dma.local @!p0 [hbm:s6], $0xF7A  }
0x23: {  	s9 =	sor.u32 $0xD0000000, s2;
	s6 =	simm.s32 $0x108;
	_ =	swait.ge @!p0 [sflag:s8], $0x0  }
0x24: {  	s3 =	sadd.s32 $0x88, s3;
	s6 =	simm.s32 @!p1 $0x1082;
	[sflag:s4] =	ssyncset.s32 $0xFFFFF086  }
0x25: {  	[simem:s6], [sflag:s4] =	dma.local [hbm:s3], $0xF7A  }
0x26: {  	[smem:$0x3F9F] =	sst s1;
	(tag) =	ssettag s2;
	_ =	strace s9  }
0x27: {  	s1 =	sld [smem:$0x3FAF]  }
0x28: {  	s2 =	sld [smem:$0x3FB0]  }
0x29: {  	s4 =	sld [smem:$0x3FB2]  }
0x2a: {  	p0 =	seq.s32 s5, $0x0;
	s5 =	sld [smem:$0x3FB3]  }
0x2b: {  	s6 =	sld [smem:$0x3FB4]  }
0x2c: {  	s7 =	sld [smem:$0x3FB5]  }
0x2d: {  	s3 =	simm.s32 $0x108;
	s8 =	sld [smem:$0x3FB6]  }
0x2e: {  	s3 =	simm.s32 @!p0 $0x1082;
	s9 =	sld [smem:$0x3FB7]  }
0x2f: {  	lr =	sadd.s32 s0, s3;
	s0 =	sld [smem:$0x3FAE]  }
0x30: {  	s3 =	sld [smem:$0x3FB1]  }
0x31: {  	[smem:$0x3FBA] =	sst s10  }
0x32: {  	s10 =	sld [smem:$0x3FB8];
	_ =	sdelay $0x3  }
0x33: {  	p0 =	seq.s32 s10, $0x1;
	s10 =	sld [smem:$0x3FBA];
	_ =	sdelay $0x3  }
0x34: {  	[smem:$0x3FBA] =	sst s10  }
0x35: {  	s10 =	sld [smem:$0x3FB9];
	_ =	sdelay $0x3  }
0x36: {  	p1 =	seq.s32 s10, $0x1;
	s10 =	sld [smem:$0x3FBA];
	_ =	sdelay $0x3  }
0x37: {  	[smem:$0x3FBA] =	sst s10  }
0x38: {  	s10 =	sld [smem:$0x3FBB]  }
0x39: {  	_ = 	snop;
	(pc) =	sbr.ind lr, $3  }
0x3a: {  	_ = 	snop  }
0x3b: {  	_ = 	snop  }
0x3c: {  	p2 =	seq.s32 s10, $0x1;
	s10 =	sld [smem:$0x3FBA]  }
0x3d: {  	_ =	shalt  }
0x3e: {  	_ =	shalt  }
0x3f: {  	_ =	shalt  }
0x40: {  	_ =	shalt  }
0x41: {  	_ =	shalt  }
0x42: {  	_ =	shalt  }
0x43: {  	_ =	shalt  }
0x44: {  	_ =	shalt  }
0x45: {  	_ =	shalt  }
0x46: {  	_ =	shalt  }
0x47: {  	_ =	shalt  }
0x48: {  	_ =	shalt  }
0x49: {  	_ =	shalt  }
0x4a: {  	_ =	shalt  }
0x4b: {  	_ =	shalt  }
0x4c: {  	_ =	shalt  }
0x4d: {  	_ =	shalt  }
0x4e: {  	_ =	shalt  }
0x4f: {  	_ =	shalt  }
0x50: {  	_ =	shalt  }
0x51: {  	_ =	shalt  }
0x52: {  	_ =	shalt  }
0x53: {  	_ =	shalt  }
0x54: {  	_ =	shalt  }
0x55: {  	_ =	shalt  }
0x56: {  	_ =	shalt  }
0x57: {  	_ =	shalt  }
0x58: {  	_ =	shalt  }
0x59: {  	_ =	shalt  }
0x5a: {  	_ =	shalt  }
0x5b: {  	_ =	shalt  }
0x5c: {  	_ =	shalt  }
0x5d: {  	_ =	shalt  }
0x5e: {  	_ =	shalt  }
0x5f: {  	_ =	shalt  }
0x60: {  	_ =	shalt  }
0x61: {  	_ =	shalt  }
0x62: {  	_ =	shalt  }
0x63: {  	_ =	shalt  }
0x64: {  	_ =	shalt  }
0x65: {  	_ =	shalt  }
0x66: {  	_ =	shalt  }
0x67: {  	_ =	shalt  }
0x68: {  	_ =	shalt  }
0x69: {  	_ =	shalt  }
0x6a: {  	_ =	shalt  }
0x6b: {  	_ =	shalt  }
0x6c: {  	_ =	shalt  }
0x6d: {  	_ =	shalt  }
0x6e: {  	_ =	shalt  }
0x6f: {  	_ =	shalt  }
0x70: {  	_ =	shalt  }
0x71: {  	_ =	shalt  }
0x72: {  	_ =	shalt  }
0x73: {  	_ =	shalt  }
0x74: {  	_ =	shalt  }
0x75: {  	_ =	shalt  }
0x76: {  	_ =	shalt  }
0x77: {  	_ =	shalt  }
0x78: {  	_ =	shalt  }
0x79: {  	_ =	shalt  }
0x7a: {  	_ =	shalt  }
0x7b: {  	_ =	shalt  }
0x7c: {  	_ =	shalt  }
0x7d: {  	_ =	shalt  }
0x7e: {  	_ =	shalt  }
0x7f: {  	_ =	shalt  }
0x80: {  	_ =	shalt  }
0x81: {  	_ =	shalt  }
0x82: {  	_ =	shalt  }
0x83: {  	_ =	shalt  }
0x84: {  	_ =	shalt  }
0x85: {  	_ =	shalt  }
0x86: {  	_ =	shalt  }
0x87: {  	_ =	shalt  }
.Lfunc_end0:
.L_simem_size_0:
called_computation.1_lowered:
.L_overlay_start_0:
0x88: {  	s2 =	sld [smem:$0x3FD9]  }
0x89: {  	s3 =	sld [smem:$0x3FFE];
	_ =	sdelay $0x1  }
0x8a: {  	s1 =	srdreg.scid  }
0x8b: {  	s0 =	sand.u32 $0x1, s1  }
0x8c: {  	s17 =	sshll.u32 s0, $0xA;
	s2 =	sadd.s32 s3, s2  }
0x8d: {  	s2 =	sadd.s32 s2, s17  }
0x8e: {  	[smem:$0x3FC6] =	sst s2  }
0x8f: {  	_ = 	snop  }
0x90: {  	s2 =	sld [smem:$0x3FD0];
	(tm) =	ssettm $0x1  }
0x91: {  	s18 =	sld [smem:$0x3FFB];
	_ =	sdelay $0x3  }
0x92: {  	_ =	strace s18  }
0x93: {  	s3 =	sld [smem:$0x3FFC];
	_ =	sdelay $0x3  }
0x94: {  	_ =	strace s3  }
0x95: {  	s3 =	sld [smem:$0x3FFD];
	_ =	sdelay $0x3  }
0x96: {  	_ =	strace s3  }
0x97: {  	_ =	strace $0x8FFFFFFF  }
0x98: {  	s19 =	sld [smem:$0x3FDB];
	_ =	sdelay $0x1  }
0x99: {  	s4 =	simm.s32 $_scs_section_size  }
0x9a: {  	s5 =	simm.s32 $_size__tile_overlayer_lowered;
	s6 =	simm.s32 $_tile_overlayer_lowered  }
0x9b: {  	s22 =	simm.s32 $0x1BFF;
	s21 =	sshll.u32 s6, $0x1;
	s3 =	sadd.s32 s4, s19  }
0x9c: {  	s7 =	simm.s32 $0x0;
	s20 =	sshll.u32 s5, $0x1;
	s5 =	sadd.s32 s21, s3  }
0x9d: {  	[timem:s7], [sflag:s22] =	dma.local [hbm:s5], s20  }
0x9e: {  	_ =	swait.ge [sflag:s22], s20  }
0x9f: {  	s4 =	ssub.s32 $0x0, s20;
	[sflag:s22] =	ssyncset.done $0x0  }
0xa0: {  	[sflag:s22] =	ssyncadd.s32 s4;
	_ =	sdelay $0x1  }
0xa1: {  	s23 =	simm.s32 $0x1B8B  }
0xa2: {  	_ =	swait.ge [sflag:s23], $0x1  }
0xa3: {  	[sflag:s23] =	ssyncset.done $0x0  }
0xa4: {  	s25 =	simm.s32 $0x1B8E;
	s24 =	sld [smem:$0x3FFE];
	[sflag:s23] =	ssyncadd.s32 $0xFFFFFFFF  }
0xa5: {  	s26 =	simm.s32 $execute0_lowered;
	[smem:$0x3FD2] =	sst s25  }
0xa6: {  	s5 =	sshll.u32 s26, $0x1;
	_ =	strace $0x80000046;
	[dreg:$0x1] =	wrdreg $0xFFFFFFFF  }
0xa7: {  	s28 =	simm.s32 $_size_execute0_lowered;
	s3 =	sadd.s32 s3, s5;
	[dreg:$0x0] =	wrdreg $0x0  }
0xa8: {  	s5 =	sshll.u32 s28, $0x1;
	[dreg:$0x2] =	wrdreg s3  }
0xa9: {  	[dreg:$0x3] =	wrdreg s5  }
0xaa: {  	[dreg:$0x4] =	wrdreg $0xC0  }
0xab: {  	_ =	task [dreg:s7], $0x5FFFF  }
0xac: {  	[dreg:$0x1] =	wrdreg $0xFFFFFFFF  }
0xad: {  	[dreg:$0x0] =	wrdreg $0x60  }
0xae: {  	[dreg:$0x2] =	wrdreg s24  }
0xaf: {  	[dreg:$0x3] =	wrdreg s2  }
0xb0: {  	[dreg:$0x4] =	wrdreg $0x9  }
0xb1: {  	_ =	task.clear_ibuf [dreg:s7], $0x5FFFF;
	_ =	strace $0x90000046  }
0xb2: {  	s29 =	simm.s32 $0x9;
	_ =	strace $0x80000048  }
0xb3: {  	_ =	swait.ge [sflag:s29], $0x1  }
0xb4: {  	[sflag:s29] =	ssyncadd.s32 $0xFFFFFFFF  }
0xb5: {  	_ =	strace $0x90000048  }
0xb6: {  	_ =	sfence  }
0xb7: {  	s30 =	sld [smem:$0x0];
	_ =	sdelay $0x2  }
0xb8: {  	s31 =	sshll.u32 s1, $0xD;
	s1 =	sshrl.u32 s1, $0x2  }
0xb9: {  	s3 =	sand.u32 $0x4000, s31;
	s1 =	sadd.s32 s1, s30  }
0xba: {  	s0 =	sor.u32 s3, s0;
	s1 =	sshll.u32 s1, $0x11  }
0xbb: {  	s0 =	sor.u32 s1, s0  }
0xbc: {  	s0 =	sadd.s32 $0x8F2B, s0  }
0xbd: {  	[sflag:s0] =	ssyncadd.remote.s32 $0x1  }
0xbe: {  	_ =	sfence.sel $0xFFFF  }
0xbf: {  	[dreg:$0x0] =	wrdreg $0xFFFFFFFF;
	(pc) =	sbr.abs _section_cstart, $3  }
0xc0: {  	[dreg:$0x1] =	wrdreg $0xFFFFFFFF  }
0xc1: {  	_ =	task.clear_ibuf [dreg:s7], $0x2FFFF;
	_ =	strace $0x9FFFFFFF  }
0xc2: {  	(tm) =	ssettm $0x7FFFFFFF  }
0xc3: {  	_ =	shalt  }
tec
execute0_lowered:
.L_overlay_start_1:
0x0: {  	(tag) =	ssettag $0x1  }
0x1: {  	s1 =	srdreg.scid;
	s2 =	stileid.u32  }
0x2: {  	s1 =	sand.u32 $0x1, s1;
	s2 =	sshll.u32 s2, $0x1  }
0x3: {  	s0 =	rddreg [dreg:$0x0];
	s3 =	simm.s32 $0x0;
	s2 =	sor.u32 s1, s2  }
0x4: {  	[smem:$0x7FF] =	sst s3;
	s25 =	smul.u32 $0xC80, s2  }
0x5: {  	s4 =	sadd.s32 $0xF43000, s0;
	_ =	strace $0x80000047;
	s31 =	smul.u32 $0x320000, s2  }
0x6: {  	s1 =	ssub.s32 $0x2, s1;
	[smem:$0x7F8] =	sst s4;
	s3 =	sadd.s32 s25, s0  }
.Ltmp0:
0x7: {  	s0 =	sadd.s32 $0x32C00, s0;
	[smem:$0x7FC] =	sst s31;
	(pc) =	sbr.rel .LBB2_1-.Ltmp0, $4  }
0x8: {  	s26 =	sshrl.u32 s1, $0x1;
	[smem:$0x7F9] =	sst s0;
	s29 =	sadd.s32 $0x19C00, s3  }
0x9: {  	s28 =	ssub.s32 s1, s26;
	s30 =	sadd.s32 $0xC00, s3;
	[smem:$0x7FA] =	sst s29  }
0xa: {  	s0 =	smax.u32 s28, $0x1;
	[smem:$0x7FB] =	sst s30  }
0xb: {  	s2 =	simm.s32 $0x0;
	[smem:$0x7FD] =	sst s0  }
.LBB2_8:
0xc: {  	s0 =	simm.s32 $0x3  }
0xd: {  	_ =	swait.ge [sflag:s0], $0x4000  }
0xe: {  	[sflag:s0] =	ssyncset.done $0x0  }
0xf: {  	s1 =	simm.s32 $0x4;
	[sflag:s0] =	ssyncadd.s32 $0xFFFFC000  }
0x10: {  	_ =	swait.ge [sflag:s1], $0x4000  }
0x11: {  	s2 =	sld [smem:$0x7F7]  }
0x12: {  	s31 =	sld [smem:$0x7FD];
	_ =	sdelay $0x1  }
0x13: {  	s2 =	sadd.s32 $0x1, s2  }
0x14: {  	p0 =	sne.s32 s2, s31  }
.Ltmp1:
0x15: {  	_ = 	snop;
	(pc) =	sbr.rel @!p0 .LBB2_9-.Ltmp1, $3  }
0x16: {  	_ =	sdelay $0x1  }
0x17: {  	[sflag:s1] =	ssyncset.done $0x0  }
0x18: {  	[sflag:s1] =	ssyncadd.s32 $0xFFFFC000  }
.LBB2_1:
0x19: {  	s1 =	sld [smem:$0x7FA];
	_ =	sdelay $0x1  }
0x1a: {  	[smem:$0x7F7] =	sst s2;
	s0 =	simm.s32 $0x0;
	s21 =	simm.s32 $0x5  }
0x1b: {  	[tilespmem:s0], [sflag:$0x5] =	stream.linear.gather [hbm4b:s1+s0], $0x6400, $0x38;
	[tilespmem:$0x1C900] =	vst v63  }
0x1c: {  	_ =	swait.ge [sflag:s21], $0x6400  }
0x1d: {  	s22 =	sld [smem:$0x7FB]  }
0x1e: {  	[sflag:s21] =	ssyncset.done $0x0  }
0x1f: {  	s3 =	simm.s32 $0x6400;
	[sflag:s21] =	ssyncadd.s32 $0xFFFF9C00  }
0x20: {  	[tilespmem:s3], [sflag:$0x5] =	stream.linear.gather [hbm4b:s22+s0], $0x6400, $0x38;
	[tilespmem:$0x1C900] =	vst v63  }
0x21: {  	_ =	swait.ge [sflag:s21], $0x6400  }
0x22: {  	s23 =	sld [smem:$0x7F8]  }
0x23: {  	[sflag:s21] =	ssyncset.done $0x0  }
0x24: {  	s24 =	simm.s32 $0x80;
	s4 =	simm.s32 $0xC800;
	[sflag:s21] =	ssyncadd.s32 $0xFFFF9C00  }
0x25: {  	[tilespmem:s4], [sflag:$0x1] =	stream.indirect.gather [hbm4b:s23+s24], $0x80, s0, s24, $0xb8;
	[tilespmem:$0x1C900] =	vst v63  }
0x26: {  	s26 =	simm.s32 $0x14800;
	s25 =	rddreg [dreg:$0x1]  }
0x27: {  	[tilespmem:s26], [sflag:$0x1] =	stream.indirect.gather [hbm4b:s25+s24], $0x1, s3, s24, $0xb8;
	[tilespmem:$0x1C900] =	vst v63  }
0x28: {  	s28 =	simm.s32 $0x10800  }
0x29: {  	[tilespmem:s28], [sflag:$0x2] =	stream.indirect.gather [hbm4b:s23+s24], $0x80, s24, s24, $0xb8;
	[tilespmem:$0x1C900] =	vst v63  }
0x2a: {  	s29 =	simm.s32 $0x6480;
	s30 =	simm.s32 $0x14880;
	s31 =	simm.s32 $0x0  }
0x2b: {  	[tilespmem:s30], [sflag:$0x2] =	stream.indirect.gather [hbm4b:s25+s24], $0x1, s29, s24, $0xb8;
	[tilespmem:$0x1C900] =	vst v63  }
.LBB2_2:
0x2c: {  	s1 =	simm.s32 $0x1  }
0x2d: {  	_ =	swait.ge [sflag:s1], $0x4000  }
0x2e: {  	s0 =	sshll.u32 s31, $0x8;
	[sflag:s1] =	ssyncset.done $0x0  }
0x2f: {  	[smem:$0x7F4] =	sst s0;
	s0 =	sand.u32 $0x3FFFFF00, s0;
	[sflag:s1] =	ssyncadd.s32 $0xFFFFC000  }
0x30: {  	s0 =	sadd.s32 $0x6400, s0;
	_ =	swait.ge [sflag:s1], $0x80  }
0x31: {  	p0 =	seq.s32 s31, $0x0;
	v6 =	vmov s0;
	[sflag:s1] =	ssyncset.done $0x0  }
0x32: {  	s0 =	simm.s32 @!p0 $0x3;
	[sflag:s1] =	ssyncadd.s32 $0xFFFFFF80  }
0x33: {  	_ =	swait.ge @!p0 [sflag:s0], $0x4000  }
0x34: {  	s13 =	simm.s32 $0x0;
	[sflag:s0] =	ssyncset.done @!p0 $0x0  }
0x35: {  	s21 =	sor.u32 $0x10, s13;
	[sflag:s0] =	ssyncadd.s32 @!p0 $0xFFFFC000  }
0x36: {  	v0 =	vld.idx.msk [tilespmem:v6+s21+$0x0 ss:$0x1], $0xffff;
	_ =	sdelay $0x4  }
0x37: {  	v0 =	vshll.u32 v0, $0x6  }
0x38: {  	v4 =	vand.u32 $0x40, v0  }
0x39: {  	(v2sf) =	vpush v4, $0x0;
	_ =	sdelay $0x7  }
0x3a: {  	v0 =	vld.idx.msk [tilespmem:v6+s13+$0x0 ss:$0x1], $0xffff;
	_ =	sdelay $0x4  }
0x3b: {  	v0 =	vshll.u32 v0, $0x6  }
0x3c: {  	v0 =	vand.u32 $0x40, v0  }
0x3d: {  	s15 =	sshll.u32 s21, $0x7;
	v1 =	vld [tilespmem:s13+$0x14810];
	(v2sf) =	vpush v0, $0xF;
	s22 =	spop (v2sf)  }
0x3e: {  	(v2sf) =	vpush v0, $0xE;
	s10 =	sor.u32 s22, s15  }
0x3f: {  	(v2sf) =	vpush v0, $0xD;
	v2 =	vld [tilespmem:s10+$0xC800]  }
0x40: {  	(v2sf) =	vpush v0, $0xC  }
0x41: {  	(v2sf) =	vpush v0, $0xB  }
0x42: {  	v3 =	vbroadcast v1, $0x0;
	(v2sf) =	vpush v0, $0xA  }
0x43: {  	(v2sf) =	vpush v0, $0x9  }
0x44: {  	(v2sf) =	vpush v0, $0x8;
	v2 =	vmul.f32 v3, v2  }
0x45: {  	(v2sf) =	vpush v0, $0x7  }
0x46: {  	(v2sf) =	vpush v0, $0x6;
	[tilespmem:s15+$0x14900] =	vst v2  }
0x47: {  	(v2sf) =	vpush v0, $0x5;
	v2 =	vld [tilespmem:s10+$0xC810]  }
0x48: {  	(v2sf) =	vpush v0, $0x4  }
0x49: {  	(v2sf) =	vpush v0, $0x3  }
0x4a: {  	(v2sf) =	vpush v0, $0x2  }
0x4b: {  	(v2sf) =	vpush v0, $0x1  }
0x4c: {  	s1 =	spop (v2sf);
	(v2sf) =	vpush v0, $0x0;
	v2 =	vmul.f32 v2, v3  }
0x4d: {  	s2 =	spop (v2sf);
	(v2sf) =	vpush v4, $0x1  }
0x4e: {  	s3 =	spop (v2sf);
	[tilespmem:s15+$0x14910] =	vst v2  }
0x4f: {  	s4 =	spop (v2sf);
	v0 =	vld [tilespmem:s10+$0xC820]  }
0x50: {  	s5 =	spop (v2sf)  }
0x51: {  	s6 =	spop (v2sf)  }
0x52: {  	s0 =	spop (v2sf)  }
0x53: {  	s7 =	spop (v2sf)  }
0x54: {  	s8 =	spop (v2sf);
	v0 =	vmul.f32 v0, v3  }
0x55: {  	s14 =	spop (v2sf)  }
0x56: {  	s9 =	spop (v2sf);
	[tilespmem:s15+$0x14920] =	vst v0  }
0x57: {  	s23 =	spop (v2sf);
	v2 =	vld [tilespmem:s10+$0xC830]  }
0x58: {  	s11 =	spop (v2sf)  }
0x59: {  	s12 =	spop (v2sf)  }
0x5a: {  	s16 =	spop (v2sf)  }
0x5b: {  	s17 =	spop (v2sf)  }
0x5c: {  	s28 =	simm.s32 $0x0;
	v0 =	vld [tilespmem:s13+$0x14800];
	s24 =	spop (v2sf);
	v2 =	vmul.f32 v2, v3  }
0x5d: {  	s17 =	sor.u32 s17, s28;
	s13 =	sor.u32 s24, s28  }
0x5e: {  	v3 =	vld [tilespmem:s17+$0xC800];
	s13 =	sor.u32 $0x880, s13;
	[tilespmem:s15+$0x14930] =	vst v2  }
0x5f: {  	v2 =	vld [tilespmem:s13+$0xC800];
	_ =	sdelay $0x1  }
0x60: {  	v5 =	vbroadcast v0, $0x0  }
0x61: {  	v7 =	vbroadcast v1, $0x1  }
0x62: {  	v3 =	vmul.f32 v5, v3  }
0x63: {  	v2 =	vmul.f32 v2, v7  }
0x64: {  	[tilespmem:s28+$0x14900] =	vst v3  }
0x65: {  	v3 =	vld [tilespmem:s17+$0xC810];
	[tilespmem:s28+$0x15180] =	vst v2  }
0x66: {  	v2 =	vld [tilespmem:s13+$0xC810];
	_ =	sdelay $0x3  }
0x67: {  	v3 =	vmul.f32 v3, v5  }
0x68: {  	v2 =	vmul.f32 v2, v7  }
0x69: {  	(v2sf) =	vpush v4, $0x2;
	[tilespmem:s28+$0x14910] =	vst v3  }
0x6a: {  	v3 =	vld [tilespmem:s17+$0xC820];
	[tilespmem:s28+$0x15190] =	vst v2  }
0x6b: {  	v2 =	vld [tilespmem:s13+$0xC820];
	_ =	sdelay $0x3  }
0x6c: {  	v3 =	vmul.f32 v3, v5  }
0x6d: {  	v2 =	vmul.f32 v2, v7  }
0x6e: {  	[tilespmem:s28+$0x14920] =	vst v3  }
0x6f: {  	v3 =	vld [tilespmem:s17+$0xC830];
	[tilespmem:s28+$0x151A0] =	vst v2  }
0x70: {  	v2 =	vld [tilespmem:s13+$0xC830];
	_ =	sdelay $0x3  }
0x71: {  	v3 =	vmul.f32 v3, v5  }
0x72: {  	s25 =	sor.u32 s16, s28;
	s26 =	spop (v2sf);
	v2 =	vmul.f32 v2, v7  }
0x73: {  	s15 =	sor.u32 s26, s28;
	s13 =	sor.u32 $0x80, s25;
	[tilespmem:s28+$0x14930] =	vst v3  }
0x74: {  	s15 =	sor.u32 $0x900, s15;
	v3 =	vld [tilespmem:s13+$0xC800];
	[tilespmem:s28+$0x151B0] =	vst v2  }
0x75: {  	v2 =	vld [tilespmem:s15+$0xC800];
	_ =	sdelay $0x1  }
0x76: {  	v5 =	vbroadcast v0, $0x1  }
0x77: {  	v7 =	vbroadcast v1, $0x2  }
0x78: {  	v3 =	vmul.f32 v3, v5  }
0x79: {  	v2 =	vmul.f32 v2, v7  }
0x7a: {  	[tilespmem:s28+$0x14980] =	vst v3  }
0x7b: {  	v3 =	vld [tilespmem:s13+$0xC810];
	[tilespmem:s28+$0x15200] =	vst v2  }
0x7c: {  	v2 =	vld [tilespmem:s15+$0xC810];
	_ =	sdelay $0x3  }
0x7d: {  	v3 =	vmul.f32 v3, v5  }
0x7e: {  	v2 =	vmul.f32 v2, v7  }
0x7f: {  	(v2sf) =	vpush v4, $0x3;
	[tilespmem:s28+$0x14990] =	vst v3  }
0x80: {  	v3 =	vld [tilespmem:s13+$0xC820];
	[tilespmem:s28+$0x15210] =	vst v2  }
0x81: {  	v2 =	vld [tilespmem:s15+$0xC820];
	_ =	sdelay $0x3  }
0x82: {  	v3 =	vmul.f32 v3, v5  }
0x83: {  	v2 =	vmul.f32 v2, v7  }
0x84: {  	[tilespmem:s28+$0x149A0] =	vst v3  }
0x85: {  	v3 =	vld [tilespmem:s13+$0xC830];
	[tilespmem:s28+$0x15220] =	vst v2  }
0x86: {  	v2 =	vld [tilespmem:s15+$0xC830];
	_ =	sdelay $0x3  }
0x87: {  	v3 =	vmul.f32 v3, v5  }
0x88: {  	s12 =	sor.u32 s12, s28;
	s30 =	spop (v2sf);
	v2 =	vmul.f32 v2, v7  }
0x89: {  	s12 =	sor.u32 $0x100, s12;
	s13 =	sor.u32 s30, s28;
	[tilespmem:s28+$0x149B0] =	vst v3  }
0x8a: {  	s13 =	sor.u32 $0x980, s13;
	v3 =	vld [tilespmem:s12+$0xC800];
	[tilespmem:s28+$0x15230] =	vst v2  }
0x8b: {  	v2 =	vld [tilespmem:s13+$0xC800];
	_ =	sdelay $0x1  }
0x8c: {  	v5 =	vbroadcast v0, $0x2  }
0x8d: {  	v7 =	vbroadcast v1, $0x3  }
0x8e: {  	v3 =	vmul.f32 v3, v5  }
0x8f: {  	v2 =	vmul.f32 v2, v7  }
0x90: {  	[tilespmem:s28+$0x14A00] =	vst v3  }
0x91: {  	v3 =	vld [tilespmem:s12+$0xC810];
	[tilespmem:s28+$0x15280] =	vst v2  }
0x92: {  	v2 =	vld [tilespmem:s13+$0xC810];
	_ =	sdelay $0x3  }
0x93: {  	v3 =	vmul.f32 v3, v5  }
0x94: {  	v2 =	vmul.f32 v2, v7  }
0x95: {  	(v2sf) =	vpush v4, $0x4;
	[tilespmem:s28+$0x14A10] =	vst v3  }
0x96: {  	v3 =	vld [tilespmem:s12+$0xC820];
	[tilespmem:s28+$0x15290] =	vst v2  }
0x97: {  	v2 =	vld [tilespmem:s13+$0xC820];
	_ =	sdelay $0x3  }
0x98: {  	v3 =	vmul.f32 v3, v5  }
0x99: {  	v2 =	vmul.f32 v2, v7  }
0x9a: {  	[tilespmem:s28+$0x14A20] =	vst v3  }
0x9b: {  	v3 =	vld [tilespmem:s12+$0xC830];
	[tilespmem:s28+$0x152A0] =	vst v2  }
0x9c: {  	v2 =	vld [tilespmem:s13+$0xC830];
	_ =	sdelay $0x3  }
0x9d: {  	v3 =	vmul.f32 v3, v5  }
0x9e: {  	s11 =	sor.u32 s11, s28;
	s15 =	spop (v2sf);
	v2 =	vmul.f32 v2, v7  }
0x9f: {  	s11 =	sor.u32 $0x180, s11;
	s12 =	sor.u32 s15, s28;
	[tilespmem:s28+$0x14A30] =	vst v3  }
0xa0: {  	s12 =	sor.u32 $0xA00, s12;
	v3 =	vld [tilespmem:s11+$0xC800];
	[tilespmem:s28+$0x152B0] =	vst v2  }
0xa1: {  	v2 =	vld [tilespmem:s12+$0xC800];
	_ =	sdelay $0x1  }
0xa2: {  	v5 =	vbroadcast v0, $0x3  }
0xa3: {  	v7 =	vbroadcast v1, $0x4  }
0xa4: {  	v3 =	vmul.f32 v3, v5  }
0xa5: {  	v2 =	vmul.f32 v2, v7  }
0xa6: {  	[tilespmem:s28+$0x14A80] =	vst v3  }
0xa7: {  	v3 =	vld [tilespmem:s11+$0xC810];
	[tilespmem:s28+$0x15300] =	vst v2  }
0xa8: {  	v2 =	vld [tilespmem:s12+$0xC810];
	_ =	sdelay $0x3  }
0xa9: {  	v3 =	vmul.f32 v3, v5  }
0xaa: {  	v2 =	vmul.f32 v2, v7  }
0xab: {  	(v2sf) =	vpush v4, $0x5;
	[tilespmem:s28+$0x14A90] =	vst v3  }
0xac: {  	v3 =	vld [tilespmem:s11+$0xC820];
	[tilespmem:s28+$0x15310] =	vst v2  }
0xad: {  	v2 =	vld [tilespmem:s12+$0xC820];
	_ =	sdelay $0x3  }
0xae: {  	v3 =	vmul.f32 v3, v5  }
0xaf: {  	v2 =	vmul.f32 v2, v7  }
0xb0: {  	[tilespmem:s28+$0x14AA0] =	vst v3  }
0xb1: {  	v3 =	vld [tilespmem:s11+$0xC830];
	[tilespmem:s28+$0x15320] =	vst v2  }
0xb2: {  	v2 =	vld [tilespmem:s12+$0xC830];
	_ =	sdelay $0x3  }
0xb3: {  	v3 =	vmul.f32 v3, v5  }
0xb4: {  	s10 =	sor.u32 s23, s28;
	s16 =	spop (v2sf);
	v2 =	vmul.f32 v2, v7  }
0xb5: {  	s10 =	sor.u32 $0x200, s10;
	s11 =	sor.u32 s16, s28;
	[tilespmem:s28+$0x14AB0] =	vst v3  }
0xb6: {  	s11 =	sor.u32 $0xA80, s11;
	v3 =	vld [tilespmem:s10+$0xC800];
	[tilespmem:s28+$0x15330] =	vst v2  }
0xb7: {  	v2 =	vld [tilespmem:s11+$0xC800];
	_ =	sdelay $0x1  }
0xb8: {  	v5 =	vbroadcast v0, $0x4  }
0xb9: {  	v7 =	vbroadcast v1, $0x5  }
0xba: {  	s24 =	simm.s32 $0x20;
	v3 =	vmul.f32 v3, v5  }
0xbb: {  	s17 =	sor.u32 $0x10, s24;
	v2 =	vmul.f32 v2, v7  }
0xbc: {  	v8 =	vld.idx.msk [tilespmem:v6+s17+$0x0 ss:$0x1], $0xffff;
	[tilespmem:s28+$0x14B00] =	vst v3  }
0xbd: {  	v9 =	vld [tilespmem:s10+$0xC810];
	[tilespmem:s28+$0x15380] =	vst v2  }
0xbe: {  	v2 =	vld [tilespmem:s11+$0xC810];
	_ =	sdelay $0x2  }
0xbf: {  	v3 =	vshll.u32 v8, $0x6  }
0xc0: {  	v3 =	vand.u32 $0x40, v3;
	v8 =	vmul.f32 v9, v5  }
0xc1: {  	(v2sf) =	vpush v3, $0x0;
	v2 =	vmul.f32 v2, v7  }
0xc2: {  	(v2sf) =	vpush v4, $0x6;
	[tilespmem:s28+$0x14B10] =	vst v8  }
0xc3: {  	v8 =	vld [tilespmem:s10+$0xC820];
	[tilespmem:s28+$0x15390] =	vst v2  }
0xc4: {  	v2 =	vld [tilespmem:s11+$0xC820];
	_ =	sdelay $0x3  }
0xc5: {  	v8 =	vmul.f32 v8, v5  }
0xc6: {  	v9 =	vld.idx.msk [tilespmem:v6+s24+$0x0 ss:$0x1], $0xffff;
	v2 =	vmul.f32 v2, v7  }
0xc7: {  	[tilespmem:s28+$0x14B20] =	vst v8  }
0xc8: {  	v8 =	vld [tilespmem:s10+$0xC830];
	[tilespmem:s28+$0x153A0] =	vst v2  }
0xc9: {  	v10 =	vld [tilespmem:s11+$0xC830];
	_ =	sdelay $0x1  }
0xca: {  	v2 =	vshll.u32 v9, $0x6  }
0xcb: {  	v9 =	vand.u32 $0x40, v2  }
0xcc: {  	s25 =	sshll.u32 s17, $0x7;
	s18 =	spop (v2sf);
	v2 =	vld [tilespmem:s24+$0x14810];
	(v2sf) =	vpush v9, $0xF;
	v5 =	vmul.f32 v8, v5  }
0xcd: {  	s9 =	sor.u32 s9, s28;
	s19 =	sor.u32 s18, s25;
	s26 =	spop (v2sf);
	(v2sf) =	vpush v9, $0xE;
	v7 =	vmul.f32 v10, v7  }
0xce: {  	s30 =	sor.u32 $0x280, s9;
	s23 =	sor.u32 s26, s28;
	v8 =	vld [tilespmem:s19+$0xC800];
	(v2sf) =	vpush v9, $0xD;
	[tilespmem:s28+$0x14B30] =	vst v5  }
0xcf: {  	s26 =	sor.u32 $0xB00, s23;
	(v2sf) =	vpush v9, $0xC;
	v5 =	vld [tilespmem:s30+$0xC800];
	[tilespmem:s28+$0x153B0] =	vst v7  }
0xd0: {  	(v2sf) =	vpush v9, $0xB;
	v7 =	vld [tilespmem:s26+$0xC800]  }
0xd1: {  	v10 =	vbroadcast v2, $0x0;
	(v2sf) =	vpush v9, $0xA  }
0xd2: {  	v11 =	vbroadcast v0, $0x5;
	(v2sf) =	vpush v9, $0x9  }
0xd3: {  	v12 =	vbroadcast v1, $0x6;
	v8 =	vmul.f32 v10, v8;
	(v2sf) =	vpush v9, $0x8  }
0xd4: {  	(v2sf) =	vpush v9, $0x7;
	v5 =	vmul.f32 v5, v11  }
0xd5: {  	[tilespmem:s25+$0x14900] =	vst v8;
	(v2sf) =	vpush v9, $0x6;
	v7 =	vmul.f32 v7, v12  }
0xd6: {  	v8 =	vld [tilespmem:s19+$0xC810];
	(v2sf) =	vpush v9, $0x5;
	[tilespmem:s28+$0x14B80] =	vst v5  }
0xd7: {  	(v2sf) =	vpush v9, $0x4;
	v5 =	vld [tilespmem:s30+$0xC810];
	[tilespmem:s28+$0x15400] =	vst v7  }
0xd8: {  	(v2sf) =	vpush v9, $0x3;
	v7 =	vld [tilespmem:s26+$0xC810]  }
0xd9: {  	(v2sf) =	vpush v9, $0x2  }
0xda: {  	(v2sf) =	vpush v9, $0x1  }
0xdb: {  	v8 =	vmul.f32 v8, v10;
	(v2sf) =	vpush v9, $0x0;
	s9 =	spop (v2sf)  }
0xdc: {  	s18 =	spop (v2sf);
	(v2sf) =	vpush v3, $0x1;
	v5 =	vmul.f32 v5, v11  }
0xdd: {  	[tilespmem:s25+$0x14910] =	vst v8;
	s11 =	spop (v2sf);
	v7 =	vmul.f32 v7, v12  }
0xde: {  	v8 =	vld [tilespmem:s19+$0xC820];
	(v2sf) =	vpush v4, $0x7;
	s13 =	spop (v2sf);
	[tilespmem:s28+$0x14B90] =	vst v5  }
0xdf: {  	s12 =	spop (v2sf);
	v5 =	vld [tilespmem:s30+$0xC820];
	[tilespmem:s28+$0x15410] =	vst v7  }
0xe0: {  	s10 =	spop (v2sf);
	v7 =	vld [tilespmem:s26+$0xC820]  }
0xe1: {  	s20 =	spop (v2sf)  }
0xe2: {  	s21 =	spop (v2sf)  }
0xe3: {  	v8 =	vmul.f32 v8, v10;
	s22 =	spop (v2sf)  }
0xe4: {  	s17 =	spop (v2sf);
	v5 =	vmul.f32 v5, v11  }
0xe5: {  	[tilespmem:s25+$0x14920] =	vst v8;
	s23 =	spop (v2sf);
	v7 =	vmul.f32 v7, v12  }
0xe6: {  	v8 =	vld [tilespmem:s19+$0xC830];
	s19 =	spop (v2sf);
	[tilespmem:s28+$0x14BA0] =	vst v5  }
0xe7: {  	s15 =	spop (v2sf);
	v9 =	vld [tilespmem:s30+$0xC830];
	[tilespmem:s28+$0x15420] =	vst v7  }
0xe8: {  	s16 =	spop (v2sf);
	v7 =	vld [tilespmem:s26+$0xC830]  }
0xe9: {  	s26 =	spop (v2sf)  }
0xea: {  	s30 =	spop (v2sf)  }
0xeb: {  	s29 =	simm.s32 $0x1000;
	v5 =	vld [tilespmem:s24+$0x14800];
	v8 =	vmul.f32 v8, v10;
	s24 =	spop (v2sf)  }
0xec: {  	s30 =	sor.u32 s30, s29;
	v9 =	vmul.f32 v9, v11;
	s24 =	sor.u32 s24, s29  }
0xed: {  	s14 =	sor.u32 s14, s28;
	[tilespmem:s25+$0x14930] =	vst v8;
	v8 =	vld [tilespmem:s30+$0xC800];
	s25 =	spop (v2sf);
	s24 =	sor.u32 $0x880, s24;
	v7 =	vmul.f32 v7, v12  }
0xee: {  	s14 =	sor.u32 $0x300, s14;
	[tilespmem:s28+$0x14BB0] =	vst v9;
	s25 =	sor.u32 s25, s28;
	v10 =	vld [tilespmem:s24+$0xC800]  }
0xef: {  	v9 =	vld [tilespmem:s14+$0xC800];
	s25 =	sor.u32 $0xB80, s25;
	[tilespmem:s28+$0x15430] =	vst v7  }
0xf0: {  	v7 =	vbroadcast v5, $0x0;
	v11 =	vld [tilespmem:s25+$0xC800]  }
0xf1: {  	v12 =	vbroadcast v2, $0x1  }
0xf2: {  	v13 =	vbroadcast v0, $0x6;
	v8 =	vmul.f32 v7, v8  }
0xf3: {  	v14 =	vbroadcast v1, $0x7;
	v10 =	vmul.f32 v10, v12  }
0xf4: {  	[tilespmem:s29+$0x14900] =	vst v8;
	v8 =	vmul.f32 v9, v13  }
0xf5: {  	v9 =	vld [tilespmem:s30+$0xC810];
	[tilespmem:s29+$0x15180] =	vst v10;
	v10 =	vmul.f32 v11, v14  }
0xf6: {  	v11 =	vld [tilespmem:s24+$0xC810];
	[tilespmem:s28+$0x14C00] =	vst v8  }
0xf7: {  	v8 =	vld [tilespmem:s14+$0xC810];
	[tilespmem:s28+$0x15480] =	vst v10  }
0xf8: {  	v10 =	vld [tilespmem:s25+$0xC810];
	_ =	sdelay $0x1  }
0xf9: {  	v9 =	vmul.f32 v9, v7  }
0xfa: {  	v11 =	vmul.f32 v11, v12  }
0xfb: {  	(v2sf) =	vpush v3, $0x2;
	[tilespmem:s29+$0x14910] =	vst v9;
	v8 =	vmul.f32 v8, v13  }
0xfc: {  	v9 =	vld [tilespmem:s30+$0xC820];
	[tilespmem:s29+$0x15190] =	vst v11;
	v10 =	vmul.f32 v10, v14  }
0xfd: {  	(v2sf) =	vpush v4, $0x8;
	v11 =	vld [tilespmem:s24+$0xC820];
	[tilespmem:s28+$0x14C10] =	vst v8  }
0xfe: {  	v8 =	vld [tilespmem:s14+$0xC820];
	[tilespmem:s28+$0x15490] =	vst v10  }
0xff: {  	v10 =	vld [tilespmem:s25+$0xC820];
	_ =	sdelay $0x1  }
0x100: {  	v9 =	vmul.f32 v9, v7  }
0x101: {  	v11 =	vmul.f32 v11, v12  }
0x102: {  	[tilespmem:s29+$0x14920] =	vst v9;
	v8 =	vmul.f32 v8, v13  }
0x103: {  	v9 =	vld [tilespmem:s30+$0xC830];
	[tilespmem:s29+$0x151A0] =	vst v11;
	v10 =	vmul.f32 v10, v14  }
0x104: {  	v11 =	vld [tilespmem:s24+$0xC830];
	[tilespmem:s28+$0x14C20] =	vst v8  }
0x105: {  	v8 =	vld [tilespmem:s14+$0xC830];
	[tilespmem:s28+$0x154A0] =	vst v10  }
0x106: {  	v10 =	vld [tilespmem:s25+$0xC830];
	_ =	sdelay $0x1  }
0x107: {  	v7 =	vmul.f32 v9, v7  }
0x108: {  	s25 =	sor.u32 s26, s29;
	s26 =	spop (v2sf);
	v9 =	vmul.f32 v11, v12  }
0x109: {  	s14 =	sor.u32 $0x80, s25;
	s24 =	sor.u32 s26, s29;
	[tilespmem:s29+$0x14930] =	vst v7;
	v7 =	vmul.f32 v8, v13  }
0x10a: {  	s8 =	sor.u32 s8, s28;
	s30 =	spop (v2sf);
	s24 =	sor.u32 $0x900, s24;
	v8 =	vld [tilespmem:s14+$0xC800];
	[tilespmem:s29+$0x151B0] =	vst v9;
	v9 =	vmul.f32 v10, v14  }
0x10b: {  	s8 =	sor.u32 $0x380, s8;
	s25 =	sor.u32 s30, s28;
	v10 =	vld [tilespmem:s24+$0xC800];
	[tilespmem:s28+$0x14C30] =	vst v7  }
0x10c: {  	s25 =	sor.u32 $0xC00, s25;
	v7 =	vld [tilespmem:s8+$0xC800];
	[tilespmem:s28+$0x154B0] =	vst v9  }
0x10d: {  	v9 =	vbroadcast v5, $0x1;
	v11 =	vld [tilespmem:s25+$0xC800]  }
0x10e: {  	v12 =	vbroadcast v2, $0x2  }
0x10f: {  	v13 =	vbroadcast v0, $0x7;
	v8 =	vmul.f32 v8, v9  }
0x110: {  	v14 =	vbroadcast v1, $0x8;
	v10 =	vmul.f32 v10, v12  }
0x111: {  	[tilespmem:s29+$0x14980] =	vst v8;
	v7 =	vmul.f32 v7, v13  }
0x112: {  	v8 =	vld [tilespmem:s14+$0xC810];
	[tilespmem:s29+$0x15200] =	vst v10;
	v10 =	vmul.f32 v11, v14  }
0x113: {  	v11 =	vld [tilespmem:s24+$0xC810];
	[tilespmem:s28+$0x14C80] =	vst v7  }
0x114: {  	v7 =	vld [tilespmem:s8+$0xC810];
	[tilespmem:s28+$0x15500] =	vst v10  }
0x115: {  	v10 =	vld [tilespmem:s25+$0xC810];
	_ =	sdelay $0x1  }
0x116: {  	v8 =	vmul.f32 v8, v9  }
0x117: {  	v11 =	vmul.f32 v11, v12  }
0x118: {  	(v2sf) =	vpush v3, $0x3;
	[tilespmem:s29+$0x14990] =	vst v8;
	v7 =	vmul.f32 v7, v13  }
0x119: {  	v8 =	vld [tilespmem:s14+$0xC820];
	[tilespmem:s29+$0x15210] =	vst v11;
	v10 =	vmul.f32 v10, v14  }
0x11a: {  	(v2sf) =	vpush v4, $0x9;
	v11 =	vld [tilespmem:s24+$0xC820];
	[tilespmem:s28+$0x14C90] =	vst v7  }
0x11b: {  	v7 =	vld [tilespmem:s8+$0xC820];
	[tilespmem:s28+$0x15510] =	vst v10  }
0x11c: {  	v10 =	vld [tilespmem:s25+$0xC820];
	_ =	sdelay $0x1  }
0x11d: {  	v8 =	vmul.f32 v8, v9  }
0x11e: {  	v11 =	vmul.f32 v11, v12  }
0x11f: {  	[tilespmem:s29+$0x149A0] =	vst v8;
	v7 =	vmul.f32 v7, v13  }
0x120: {  	v8 =	vld [tilespmem:s14+$0xC830];
	[tilespmem:s29+$0x15220] =	vst v11;
	v10 =	vmul.f32 v10, v14  }
0x121: {  	v11 =	vld [tilespmem:s24+$0xC830];
	[tilespmem:s28+$0x14CA0] =	vst v7  }
0x122: {  	v7 =	vld [tilespmem:s8+$0xC830];
	[tilespmem:s28+$0x15520] =	vst v10  }
0x123: {  	v10 =	vld [tilespmem:s25+$0xC830];
	_ =	sdelay $0x1  }
0x124: {  	v8 =	vmul.f32 v8, v9  }
0x125: {  	s26 =	spop (v2sf);
	s25 =	sor.u32 s16, s29;
	v9 =	vmul.f32 v11, v12  }
0x126: {  	s14 =	sor.u32 s26, s29;
	s8 =	sor.u32 $0x100, s25;
	[tilespmem:s29+$0x149B0] =	vst v8;
	v7 =	vmul.f32 v7, v13  }
0x127: {  	s7 =	sor.u32 s7, s28;
	s30 =	spop (v2sf);
	s14 =	sor.u32 $0x980, s14;
	v8 =	vld [tilespmem:s8+$0xC800];
	[tilespmem:s29+$0x15230] =	vst v9;
	v9 =	vmul.f32 v10, v14  }
0x128: {  	s7 =	sor.u32 $0x400, s7;
	s16 =	sor.u32 s30, s28;
	v10 =	vld [tilespmem:s14+$0xC800];
	[tilespmem:s28+$0x14CB0] =	vst v7  }
0x129: {  	s16 =	sor.u32 $0xC80, s16;
	v7 =	vld [tilespmem:s7+$0xC800];
	[tilespmem:s28+$0x15530] =	vst v9  }
0x12a: {  	v9 =	vbroadcast v5, $0x2;
	v11 =	vld [tilespmem:s16+$0xC800]  }
0x12b: {  	v12 =	vbroadcast v2, $0x3  }
0x12c: {  	v13 =	vbroadcast v0, $0x8;
	v8 =	vmul.f32 v8, v9  }
0x12d: {  	v14 =	vbroadcast v1, $0x9;
	v10 =	vmul.f32 v10, v12  }
0x12e: {  	[tilespmem:s29+$0x14A00] =	vst v8;
	v7 =	vmul.f32 v7, v13  }
0x12f: {  	v8 =	vld [tilespmem:s8+$0xC810];
	[tilespmem:s29+$0x15280] =	vst v10;
	v10 =	vmul.f32 v11, v14  }
0x130: {  	v11 =	vld [tilespmem:s14+$0xC810];
	[tilespmem:s28+$0x14D00] =	vst v7  }
0x131: {  	v7 =	vld [tilespmem:s7+$0xC810];
	[tilespmem:s28+$0x15580] =	vst v10  }
0x132: {  	v10 =	vld [tilespmem:s16+$0xC810];
	_ =	sdelay $0x1  }
0x133: {  	v8 =	vmul.f32 v8, v9  }
0x134: {  	v11 =	vmul.f32 v11, v12  }
0x135: {  	(v2sf) =	vpush v3, $0x4;
	[tilespmem:s29+$0x14A10] =	vst v8;
	v7 =	vmul.f32 v7, v13  }
0x136: {  	v8 =	vld [tilespmem:s8+$0xC820];
	[tilespmem:s29+$0x15290] =	vst v11;
	v10 =	vmul.f32 v10, v14  }
0x137: {  	(v2sf) =	vpush v4, $0xA;
	v11 =	vld [tilespmem:s14+$0xC820];
	[tilespmem:s28+$0x14D10] =	vst v7  }
0x138: {  	v7 =	vld [tilespmem:s7+$0xC820];
	[tilespmem:s28+$0x15590] =	vst v10  }
0x139: {  	v10 =	vld [tilespmem:s16+$0xC820];
	_ =	sdelay $0x1  }
0x13a: {  	v8 =	vmul.f32 v8, v9  }
0x13b: {  	v11 =	vmul.f32 v11, v12  }
0x13c: {  	[tilespmem:s29+$0x14A20] =	vst v8;
	v7 =	vmul.f32 v7, v13  }
0x13d: {  	v8 =	vld [tilespmem:s8+$0xC830];
	[tilespmem:s29+$0x152A0] =	vst v11;
	v10 =	vmul.f32 v10, v14  }
0x13e: {  	v11 =	vld [tilespmem:s14+$0xC830];
	[tilespmem:s28+$0x14D20] =	vst v7  }
0x13f: {  	v7 =	vld [tilespmem:s7+$0xC830];
	[tilespmem:s28+$0x155A0] =	vst v10  }
0x140: {  	v10 =	vld [tilespmem:s16+$0xC830];
	_ =	sdelay $0x1  }
0x141: {  	v8 =	vmul.f32 v8, v9  }
0x142: {  	s24 =	spop (v2sf);
	s16 =	sor.u32 s15, s29;
	v9 =	vmul.f32 v11, v12  }
0x143: {  	s26 =	sor.u32 s24, s29;
	s25 =	sor.u32 $0x180, s16;
	[tilespmem:s29+$0x14A30] =	vst v8;
	v7 =	vmul.f32 v7, v13  }
0x144: {  	s0 =	sor.u32 s0, s28;
	s30 =	spop (v2sf);
	s8 =	sor.u32 $0xA00, s26;
	v8 =	vld [tilespmem:s25+$0xC800];
	[tilespmem:s29+$0x152B0] =	vst v9;
	v9 =	vmul.f32 v10, v14  }
0x145: {  	s0 =	sor.u32 $0x480, s0;
	s7 =	sor.u32 s30, s28;
	v10 =	vld [tilespmem:s8+$0xC800];
	[tilespmem:s28+$0x14D30] =	vst v7  }
0x146: {  	s7 =	sor.u32 $0xD00, s7;
	v7 =	vld [tilespmem:s0+$0xC800];
	[tilespmem:s28+$0x155B0] =	vst v9  }
0x147: {  	v9 =	vbroadcast v5, $0x3;
	v11 =	vld [tilespmem:s7+$0xC800]  }
0x148: {  	v12 =	vbroadcast v2, $0x4  }
0x149: {  	v13 =	vbroadcast v0, $0x9;
	v8 =	vmul.f32 v8, v9  }
0x14a: {  	v14 =	vbroadcast v1, $0xA;
	v10 =	vmul.f32 v10, v12  }
0x14b: {  	[tilespmem:s29+$0x14A80] =	vst v8;
	v7 =	vmul.f32 v7, v13  }
0x14c: {  	v8 =	vld [tilespmem:s25+$0xC810];
	[tilespmem:s29+$0x15300] =	vst v10;
	v10 =	vmul.f32 v11, v14  }
0x14d: {  	v11 =	vld [tilespmem:s8+$0xC810];
	[tilespmem:s28+$0x14D80] =	vst v7  }
0x14e: {  	v7 =	vld [tilespmem:s0+$0xC810];
	[tilespmem:s28+$0x15600] =	vst v10  }
0x14f: {  	v10 =	vld [tilespmem:s7+$0xC810];
	_ =	sdelay $0x1  }
0x150: {  	v8 =	vmul.f32 v8, v9  }
0x151: {  	v11 =	vmul.f32 v11, v12  }
0x152: {  	[tilespmem:s29+$0x14A90] =	vst v8;
	v7 =	vmul.f32 v7, v13  }
0x153: {  	(v2sf) =	vpush v3, $0x5;
	v8 =	vld [tilespmem:s25+$0xC820];
	[tilespmem:s29+$0x15310] =	vst v11;
	v10 =	vmul.f32 v10, v14  }
0x154: {  	v11 =	vld [tilespmem:s8+$0xC820];
	[tilespmem:s28+$0x14D90] =	vst v7  }
0x155: {  	(v2sf) =	vpush v4, $0xB;
	v7 =	vld [tilespmem:s0+$0xC820];
	[tilespmem:s28+$0x15610] =	vst v10  }
0x156: {  	s4 =	sor.u32 s4, s28;
	v10 =	vld [tilespmem:s7+$0xC820]  }
0x157: {  	s4 =	sor.u32 $0x600, s4;
	[smem:$0x7F5] =	sst s31  }
0x158: {  	s31 =	sshll.u32 s31, $0x1;
	[dreg:$0x8] =	wrdreg s4;
	v8 =	vmul.f32 v8, v9  }
0x159: {  	[smem:$0x7F6] =	sst s31;
	v11 =	vmul.f32 v11, v12  }
0x15a: {  	s1 =	sor.u32 s1, s28;
	s2 =	sor.u32 s2, s28;
	s3 =	sor.u32 s3, s28;
	[tilespmem:s29+$0x14AA0] =	vst v8;
	v7 =	vmul.f32 v7, v13  }
0x15b: {  	s3 =	sor.u32 $0x680, s3;
	s5 =	sor.u32 s5, s28;
	s6 =	sor.u32 s6, s28;
	[tilespmem:s29+$0x15320] =	vst v11;
	v10 =	vmul.f32 v10, v14  }
0x15c: {  	s24 =	sor.u32 $0x780, s1;
	s15 =	sor.u32 s23, s29;
	s23 =	sor.u32 s17, s29;
	v8 =	vld [tilespmem:s25+$0xC830];
	[tilespmem:s28+$0x14DA0] =	vst v7  }
0x15d: {  	s26 =	sor.u32 $0x500, s6;
	s6 =	sor.u32 s10, s29;
	s31 =	sor.u32 $0x300, s23;
	v11 =	vld [tilespmem:s8+$0xC830];
	[tilespmem:s28+$0x15620] =	vst v10  }
0x15e: {  	s10 =	sor.u32 s13, s29;
	s13 =	sor.u32 s11, s29;
	v7 =	vld [tilespmem:s0+$0xC830];
	[dreg:$0x9] =	wrdreg s31  }
0x15f: {  	s14 =	sor.u32 s19, s29;
	s11 =	sor.u32 $0x600, s10;
	s10 =	sor.u32 $0x680, s13;
	v10 =	vld [tilespmem:s7+$0xC830]  }
0x160: {  	s19 =	sor.u32 $0x200, s14;
	s30 =	sor.u32 s22, s29;
	s16 =	sor.u32 $0x580, s5  }
0x161: {  	s17 =	sor.u32 $0x280, s15;
	s5 =	sor.u32 $0x380, s30;
	s4 =	sor.u32 s20, s29;
	v8 =	vmul.f32 v8, v9  }
0x162: {  	s30 =	sor.u32 s18, s29;
	s14 =	sor.u32 $0x480, s4;
	s8 =	spop (v2sf);
	v9 =	vmul.f32 v11, v12  }
0x163: {  	s25 =	sor.u32 $0x700, s2;
	s7 =	sor.u32 s12, s29;
	s12 =	sor.u32 s8, s29;
	[tilespmem:s29+$0x14AB0] =	vst v8;
	v8 =	vmul.f32 v7, v13  }
0x164: {  	s2 =	sor.u32 s21, s29;
	s15 =	spop (v2sf);
	s0 =	sor.u32 $0xA80, s12;
	v7 =	vld [tilespmem:s19+$0xC800];
	[tilespmem:s29+$0x15330] =	vst v9;
	v10 =	vmul.f32 v10, v14  }
0x165: {  	s23 =	sor.u32 $0x500, s6;
	s22 =	sor.u32 $0x400, s2;
	s21 =	sor.u32 s15, s28;
	v9 =	vld [tilespmem:s0+$0xC800];
	[tilespmem:s28+$0x14DB0] =	vst v8  }
0x166: {  	s15 =	simm.s32 $0x40;
	s31 =	sor.u32 s9, s29;
	s21 =	sor.u32 $0xD80, s21;
	v12 =	vld [tilespmem:s26+$0xC800];
	[tilespmem:s28+$0x15630] =	vst v10  }
0x167: {  	s8 =	sor.u32 $0x700, s30;
	s2 =	sor.u32 $0x780, s31;
	s20 =	sor.u32 $0x580, s7;
	v8 =	vbroadcast v2, $0x5;
	v10 =	vbroadcast v5, $0x4;
	v11 =	vld [tilespmem:s21+$0xC800]  }
.LBB2_3:
0x168: {  	_ = 	snop  }
0x169: {  	v13 =	vbroadcast v0, $0xA;
	v7 =	vmul.f32 v7, v10  }
0x16a: {  	s1 =	sor.u32 $0x10, s15;
	v15 =	vbroadcast v1, $0xB;
	v9 =	vmul.f32 v9, v8  }
0x16b: {  	v14 =	vld.idx.msk [tilespmem:v6+s1+$0x0 ss:$0x1], $0xffff;
	[tilespmem:s29+$0x14B00] =	vst v7;
	v7 =	vmul.f32 v12, v13  }
0x16c: {  	[tilespmem:s29+$0x15380] =	vst v9;
	v9 =	vmul.f32 v11, v15;
	v12 =	vld [tilespmem:s19+$0xC810]  }
0x16d: {  	v11 =	vld [tilespmem:s0+$0xC810];
	[tilespmem:s28+$0x14E00] =	vst v7  }
0x16e: {  	[tilespmem:s28+$0x15680] =	vst v9;
	v7 =	vld [tilespmem:s26+$0xC810]  }
0x16f: {  	v16 =	vld [tilespmem:s21+$0xC810]  }
0x170: {  	v9 =	vshll.u32 v14, $0x6  }
0x171: {  	v9 =	vand.u32 $0x40, v9;
	v12 =	vmul.f32 v12, v10  }
0x172: {  	(v2sf) =	vpush v9, $0x0;
	v11 =	vmul.f32 v11, v8  }
0x173: {  	(v2sf) =	vpush v3, $0x6;
	[tilespmem:s29+$0x14B10] =	vst v12;
	v7 =	vmul.f32 v7, v13  }
0x174: {  	[tilespmem:s29+$0x15390] =	vst v11;
	v11 =	vmul.f32 v16, v15;
	v12 =	vld [tilespmem:s19+$0xC820]  }
0x175: {  	(v2sf) =	vpush v4, $0xC;
	v14 =	vld [tilespmem:s0+$0xC820];
	[tilespmem:s28+$0x14E10] =	vst v7  }
0x176: {  	[tilespmem:s28+$0x15690] =	vst v11;
	v7 =	vld [tilespmem:s26+$0xC820]  }
0x177: {  	v11 =	vld [tilespmem:s21+$0xC820];
	_ =	sdelay $0x1  }
0x178: {  	v60 =	vld.idx.msk [tilespmem:v6+s15+$0x0 ss:$0x1], $0xffff;
	v12 =	vmul.f32 v12, v10  }
0x179: {  	v14 =	vmul.f32 v14, v8  }
0x17a: {  	[tilespmem:s29+$0x14B20] =	vst v12;
	v7 =	vmul.f32 v7, v13  }
0x17b: {  	[tilespmem:s29+$0x153A0] =	vst v14;
	v11 =	vmul.f32 v11, v15;
	v12 =	vld [tilespmem:s19+$0xC830]  }
0x17c: {  	v14 =	vld [tilespmem:s0+$0xC830];
	[tilespmem:s28+$0x14E20] =	vst v7  }
0x17d: {  	[tilespmem:s28+$0x156A0] =	vst v11;
	v7 =	vshll.u32 v60, $0x6;
	v17 =	vld [tilespmem:s26+$0xC830]  }
0x17e: {  	v11 =	vld [tilespmem:s21+$0xC830];
	v16 =	vand.u32 $0x40, v7  }
0x17f: {  	(v2sf) =	vpush v16, $0xF  }
0x180: {  	s0 =	sshll.u32 s1, $0x7;
	v7 =	vld [tilespmem:s15+$0x14810];
	s12 =	spop (v2sf);
	(v2sf) =	vpush v16, $0xE;
	v10 =	vmul.f32 v12, v10  }
0x181: {  	s9 =	sor.u32 s12, s0;
	s13 =	spop (v2sf);
	v8 =	vmul.f32 v14, v8;
	(v2sf) =	vpush v16, $0xD  }
0x182: {  	s1 =	sor.u32 s13, s29;
	v12 =	vld [tilespmem:s9+$0xC800];
	(v2sf) =	vpush v16, $0xC;
	[tilespmem:s29+$0x14B30] =	vst v10;
	v10 =	vmul.f32 v17, v13  }
0x183: {  	[dreg:$0x1a] =	wrdreg s14;
	s14 =	spop (v2sf);
	s12 =	sor.u32 $0xB00, s1;
	[tilespmem:s29+$0x153B0] =	vst v8;
	v8 =	vmul.f32 v11, v15;
	v13 =	vld [tilespmem:s17+$0xC800]  }
0x184: {  	s1 =	sor.u32 s14, s28;
	(v2sf) =	vpush v16, $0xB;
	v11 =	vld [tilespmem:s12+$0xC800];
	[tilespmem:s28+$0x14E30] =	vst v10  }
0x185: {  	s13 =	sor.u32 $0xE00, s1;
	(v2sf) =	vpush v16, $0xA;
	v10 =	vbroadcast v7, $0x0;
	[tilespmem:s28+$0x156B0] =	vst v8;
	v14 =	vld [tilespmem:s16+$0xC800]  }
0x186: {  	v15 =	vbroadcast v5, $0x5;
	(v2sf) =	vpush v16, $0x9;
	v8 =	vld [tilespmem:s13+$0xC800]  }
0x187: {  	v61 =	vbroadcast v2, $0x6;
	(v2sf) =	vpush v16, $0x8;
	v12 =	vmul.f32 v10, v12  }
0x188: {  	v18 =	vbroadcast v0, $0xB;
	(v2sf) =	vpush v16, $0x7;
	v13 =	vmul.f32 v13, v15  }
0x189: {  	(v2sf) =	vpush v16, $0x6;
	[tilespmem:s0+$0x14900] =	vst v12;
	v11 =	vmul.f32 v11, v61;
	v12 =	vbroadcast v1, $0xC  }
0x18a: {  	(v2sf) =	vpush v16, $0x5;
	v19 =	vld [tilespmem:s9+$0xC810];
	[tilespmem:s29+$0x14B80] =	vst v13;
	v13 =	vmul.f32 v14, v18  }
0x18b: {  	(v2sf) =	vpush v16, $0x4;
	[tilespmem:s29+$0x15400] =	vst v11;
	v8 =	vmul.f32 v8, v12;
	v14 =	vld [tilespmem:s17+$0xC810]  }
0x18c: {  	(v2sf) =	vpush v16, $0x3;
	v11 =	vld [tilespmem:s12+$0xC810];
	[tilespmem:s28+$0x14E80] =	vst v13  }
0x18d: {  	(v2sf) =	vpush v16, $0x2;
	[tilespmem:s28+$0x15700] =	vst v8;
	v13 =	vld [tilespmem:s16+$0xC810]  }
0x18e: {  	[smem:$0x7F2] =	sst s11;
	s11 =	smov.u32 s23;
	(v2sf) =	vpush v16, $0x1;
	v8 =	vld [tilespmem:s13+$0xC810];
	s23 =	spop (v2sf)  }
0x18f: {  	(v2sf) =	vpush v16, $0x0;
	v19 =	vmul.f32 v19, v10;
	s26 =	spop (v2sf)  }
0x190: {  	(v2sf) =	vpush v9, $0x1;
	s6 =	spop (v2sf);
	v14 =	vmul.f32 v14, v15  }
0x191: {  	[dreg:$0x13] =	wrdreg s11;
	[tilespmem:s0+$0x14910] =	vst v19;
	v11 =	vmul.f32 v11, v61;
	s11 =	spop (v2sf);
	(v2sf) =	vpush v3, $0x7  }
0x192: {  	v62 =	vld [tilespmem:s9+$0xC820];
	[tilespmem:s29+$0x14B90] =	vst v14;
	v13 =	vmul.f32 v13, v18  }
0x193: {  	[dreg:$0x1b] =	wrdreg s8;
	s8 =	spop (v2sf);
	[tilespmem:s29+$0x15410] =	vst v11;
	v8 =	vmul.f32 v8, v12;
	v14 =	vld [tilespmem:s17+$0xC820]  }
0x194: {  	s1 =	spop (v2sf);
	(v2sf) =	vpush v4, $0xD;
	v11 =	vld [tilespmem:s12+$0xC820];
	[tilespmem:s28+$0x14E90] =	vst v13  }
0x195: {  	s7 =	spop (v2sf);
	[tilespmem:s28+$0x15710] =	vst v8;
	v13 =	vld [tilespmem:s16+$0xC820]  }
0x196: {  	s14 =	smov.u32 s25;
	s25 =	spop (v2sf);
	v8 =	vld [tilespmem:s13+$0xC820]  }
0x197: {  	[smem:$0x7F3] =	sst s10;
	s10 =	spop (v2sf);
	v16 =	vmul.f32 v62, v10  }
0x198: {  	s31 =	spop (v2sf);
	v14 =	vmul.f32 v14, v15  }
0x199: {  	s4 =	smov.u32 s22;
	s22 =	spop (v2sf);
	[tilespmem:s0+$0x14920] =	vst v16;
	v11 =	vmul.f32 v11, v61  }
0x19a: {  	s19 =	spop (v2sf);
	v16 =	vld [tilespmem:s9+$0xC830];
	[tilespmem:s29+$0x14BA0] =	vst v14;
	v13 =	vmul.f32 v13, v18  }
0x19b: {  	s21 =	spop (v2sf);
	[tilespmem:s29+$0x15420] =	vst v11;
	v8 =	vmul.f32 v8, v12;
	v14 =	vld [tilespmem:s17+$0xC830]  }
0x19c: {  	s17 =	spop (v2sf);
	v11 =	vld [tilespmem:s12+$0xC830];
	[tilespmem:s28+$0x14EA0] =	vst v13  }
0x19d: {  	[dreg:$0x18] =	wrdreg s2;
	s12 =	spop (v2sf);
	[tilespmem:s28+$0x15720] =	vst v8;
	v13 =	vld [tilespmem:s16+$0xC830]  }
0x19e: {  	s18 =	smov.u32 s20;
	s20 =	sshll.u32 s15, $0x7;
	s30 =	spop (v2sf);
	v19 =	vld [tilespmem:s13+$0xC830]  }
0x19f: {  	[dreg:$0x17] =	wrdreg s18;
	s18 =	sor.u32 s17, s20;
	v8 =	vld [tilespmem:s15+$0x14800];
	v10 =	vmul.f32 v16, v10;
	s2 =	spop (v2sf)  }
0x1a0: {  	s9 =	sor.u32 s30, s20;
	s13 =	sor.u32 s2, s20;
	s16 =	spop (v2sf);
	v14 =	vmul.f32 v14, v15  }
0x1a1: {  	s12 =	sor.u32 s12, s20;
	v15 =	vld [tilespmem:s9+$0xC800];
	[tilespmem:s0+$0x14930] =	vst v10;
	s13 =	sor.u32 $0x880, s13;
	v10 =	vmul.f32 v11, v61;
	s0 =	sor.u32 s16, s29  }
0x1a2: {  	s16 =	smov.u32 s24;
	s24 =	sor.u32 $0x100, s18;
	s18 =	rddreg [dreg:$0x9];
	v11 =	vld [tilespmem:s13+$0xC800];
	[tilespmem:s29+$0x14BB0] =	vst v14;
	v13 =	vmul.f32 v13, v18  }
0x1a3: {  	s30 =	sor.u32 $0x80, s12;
	s12 =	sor.u32 $0xB80, s0;
	s2 =	spop (v2sf);
	[tilespmem:s29+$0x15430] =	vst v10;
	v14 =	vld [tilespmem:s18+$0xC800]  }
0x1a4: {  	v10 =	vmul.f32 v19, v12;
	v12 =	vbroadcast v8, $0x0;
	s0 =	sor.u32 s2, s28;
	s2 =	rddreg [dreg:$0x8];
	v63 =	vld [tilespmem:s12+$0xC800];
	[tilespmem:s28+$0x14EB0] =	vst v13  }
0x1a5: {  	v13 =	vbroadcast v7, $0x1;
	v24 =	vld [tilespmem:s2+$0xC800]  }
0x1a6: {  	s17 =	sor.u32 s22, s20;
	s22 =	sor.u32 $0xE80, s0;
	[tilespmem:s28+$0x15730] =	vst v10;
	v10 =	vmul.f32 v12, v15;
	v15 =	vbroadcast v5, $0x6  }
0x1a7: {  	v26 =	vbroadcast v2, $0x7;
	v25 =	vld [tilespmem:s22+$0xC800];
	v11 =	vmul.f32 v11, v13  }
0x1a8: {  	[tilespmem:s20+$0x14900] =	vst v10;
	v10 =	vmul.f32 v14, v15;
	v14 =	vbroadcast v0, $0xC  }
0x1a9: {  	v20 =	vld [tilespmem:s9+$0xC810];
	[tilespmem:s20+$0x15180] =	vst v11;
	v11 =	vmul.f32 v63, v26  }
0x1aa: {  	v27 =	vbroadcast v1, $0xD;
	v21 =	vld [tilespmem:s13+$0xC810];
	[tilespmem:s29+$0x14C00] =	vst v10;
	v10 =	vmul.f32 v24, v14  }
0x1ab: {  	[tilespmem:s29+$0x15480] =	vst v11;
	v28 =	vld [tilespmem:s18+$0xC810]  }
0x1ac: {  	v11 =	vmul.f32 v25, v27;
	v29 =	vld [tilespmem:s12+$0xC810];
	[tilespmem:s28+$0x14F00] =	vst v10  }
0x1ad: {  	v10 =	vld [tilespmem:s2+$0xC810]  }
0x1ae: {  	[tilespmem:s28+$0x15780] =	vst v11;
	v11 =	vmul.f32 v20, v12  }
0x1af: {  	v30 =	vld [tilespmem:s22+$0xC810];
	v21 =	vmul.f32 v21, v13  }
0x1b0: {  	(v2sf) =	vpush v9, $0x2;
	[tilespmem:s20+$0x14910] =	vst v11;
	v11 =	vmul.f32 v28, v15  }
0x1b1: {  	v31 =	vld [tilespmem:s9+$0xC820];
	[tilespmem:s20+$0x15190] =	vst v21;
	v18 =	vmul.f32 v29, v26  }
0x1b2: {  	(v2sf) =	vpush v3, $0x8;
	v21 =	vld [tilespmem:s13+$0xC820];
	[tilespmem:s29+$0x14C10] =	vst v11;
	v10 =	vmul.f32 v10, v14  }
0x1b3: {  	[tilespmem:s29+$0x15490] =	vst v18;
	v11 =	vld [tilespmem:s18+$0xC820]  }
0x1b4: {  	v32 =	vmul.f32 v30, v27;
	v33 =	vld [tilespmem:s12+$0xC820];
	[tilespmem:s28+$0x14F10] =	vst v10  }
0x1b5: {  	(v2sf) =	vpush v4, $0xE;
	v10 =	vld [tilespmem:s2+$0xC820]  }
0x1b6: {  	[tilespmem:s28+$0x15790] =	vst v32;
	v17 =	vmul.f32 v31, v12  }
0x1b7: {  	v18 =	vld [tilespmem:s22+$0xC820];
	v21 =	vmul.f32 v21, v13  }
0x1b8: {  	[tilespmem:s20+$0x14920] =	vst v17;
	v11 =	vmul.f32 v11, v15  }
0x1b9: {  	v17 =	vld [tilespmem:s9+$0xC830];
	[tilespmem:s20+$0x151A0] =	vst v21;
	v20 =	vmul.f32 v33, v26  }
0x1ba: {  	v21 =	vld [tilespmem:s13+$0xC830];
	[tilespmem:s29+$0x14C20] =	vst v11;
	v10 =	vmul.f32 v10, v14  }
0x1bb: {  	s1 =	sor.u32 s1, s20;
	s7 =	sor.u32 s7, s20;
	s0 =	sor.u32 s31, s20;
	[tilespmem:s29+$0x154A0] =	vst v20;
	v11 =	vld [tilespmem:s18+$0xC830]  }
0x1bc: {  	s31 =	sor.u32 s10, s20;
	s10 =	sor.u32 $0x300, s0;
	s0 =	sor.u32 $0x480, s7;
	v18 =	vmul.f32 v18, v27;
	v20 =	vld [tilespmem:s12+$0xC830];
	[tilespmem:s28+$0x14F20] =	vst v10  }
0x1bd: {  	s7 =	sor.u32 $0x500, s1;
	s1 =	sor.u32 s11, s20;
	s11 =	sld [smem:$0x7F2];
	v10 =	vld [tilespmem:s2+$0xC830]  }
0x1be: {  	s6 =	sor.u32 s6, s20;
	s8 =	sor.u32 s8, s20;
	[tilespmem:s28+$0x157A0] =	vst v18;
	v12 =	vmul.f32 v17, v12  }
0x1bf: {  	[dreg:$0x1f] =	wrdreg s0;
	s1 =	sor.u32 $0x600, s1;
	s13 =	spop (v2sf);
	v34 =	vld [tilespmem:s22+$0xC830];
	v13 =	vmul.f32 v21, v13  }
0x1c0: {  	s12 =	smov.u32 s11;
	s11 =	smov.u32 s1;
	s1 =	sor.u32 s13, s20;
	[tilespmem:s20+$0x14930] =	vst v12;
	v11 =	vmul.f32 v11, v15  }
0x1c1: {  	s0 =	sor.u32 $0x580, s8;
	s18 =	spop (v2sf);
	s1 =	sor.u32 $0x900, s1;
	v12 =	vld [tilespmem:s30+$0xC800];
	[tilespmem:s20+$0x151B0] =	vst v13;
	v13 =	vmul.f32 v20, v26  }
0x1c2: {  	[dreg:$0x19] =	wrdreg s0;
	s0 =	sor.u32 $0x680, s6;
	s6 =	sor.u32 s18, s29;
	v15 =	vld [tilespmem:s1+$0xC800];
	[tilespmem:s29+$0x14C30] =	vst v11;
	v10 =	vmul.f32 v10, v14  }
0x1c3: {  	s6 =	sor.u32 $0xC00, s6;
	[tilespmem:s29+$0x154B0] =	vst v13;
	v11 =	vld [tilespmem:s5+$0xC800]  }
0x1c4: {  	[dreg:$0x1c] =	wrdreg s7;
	s7 =	sor.u32 s26, s20;
	s22 =	spop (v2sf);
	v13 =	vmul.f32 v34, v27;
	v14 =	vbroadcast v8, $0x1;
	v35 =	vld [tilespmem:s6+$0xC800];
	[tilespmem:s28+$0x14F30] =	vst v10  }
0x1c5: {  	s26 =	sor.u32 $0x700, s7;
	s7 =	sor.u32 s22, s28;
	v10 =	vbroadcast v7, $0x2;
	v36 =	vld [tilespmem:s3+$0xC800]  }
0x1c6: {  	s7 =	sor.u32 $0xF00, s7;
	[tilespmem:s28+$0x157B0] =	vst v13;
	v13 =	vbroadcast v5, $0x7;
	v12 =	vmul.f32 v12, v14  }
0x1c7: {  	v37 =	vbroadcast v2, $0x8;
	v18 =	vld [tilespmem:s7+$0xC800];
	v15 =	vmul.f32 v15, v10  }
0x1c8: {  	[tilespmem:s20+$0x14980] =	vst v12;
	v12 =	vbroadcast v0, $0xD;
	v11 =	vmul.f32 v11, v13  }
0x1c9: {  	v38 =	vld [tilespmem:s30+$0xC810];
	[tilespmem:s20+$0x15200] =	vst v15;
	v15 =	vmul.f32 v35, v37  }
0x1ca: {  	v39 =	vbroadcast v1, $0xE;
	v40 =	vld [tilespmem:s1+$0xC810];
	[tilespmem:s29+$0x14C80] =	vst v11;
	v11 =	vmul.f32 v36, v12  }
0x1cb: {  	[tilespmem:s29+$0x15500] =	vst v15;
	v41 =	vld [tilespmem:s5+$0xC810]  }
0x1cc: {  	v15 =	vmul.f32 v18, v39;
	v42 =	vld [tilespmem:s6+$0xC810];
	[tilespmem:s28+$0x14F80] =	vst v11  }
0x1cd: {  	v11 =	vld [tilespmem:s3+$0xC810]  }
0x1ce: {  	[tilespmem:s28+$0x15800] =	vst v15;
	v15 =	vmul.f32 v38, v14  }
0x1cf: {  	v43 =	vld [tilespmem:s7+$0xC810];
	v21 =	vmul.f32 v40, v10  }
0x1d0: {  	(v2sf) =	vpush v9, $0x3;
	[tilespmem:s20+$0x14990] =	vst v15;
	v15 =	vmul.f32 v41, v13  }
0x1d1: {  	v44 =	vld [tilespmem:s30+$0xC820];
	[tilespmem:s20+$0x15210] =	vst v21;
	v18 =	vmul.f32 v42, v37  }
0x1d2: {  	(v2sf) =	vpush v3, $0x9;
	v21 =	vld [tilespmem:s1+$0xC820];
	[tilespmem:s29+$0x14C90] =	vst v15;
	v11 =	vmul.f32 v11, v12  }
0x1d3: {  	[tilespmem:s29+$0x15510] =	vst v18;
	v15 =	vld [tilespmem:s5+$0xC820]  }
0x1d4: {  	v45 =	vmul.f32 v43, v39;
	v46 =	vld [tilespmem:s6+$0xC820];
	[tilespmem:s28+$0x14F90] =	vst v11  }
0x1d5: {  	(v2sf) =	vpush v4, $0xF;
	v4 =	vmov v3;
	v3 =	vmov v9;
	v9 =	vld [tilespmem:s3+$0xC820]  }
0x1d6: {  	[tilespmem:s28+$0x15810] =	vst v45;
	v11 =	vmul.f32 v44, v14  }
0x1d7: {  	v47 =	vld [tilespmem:s7+$0xC820];
	v48 =	vmul.f32 v21, v10  }
0x1d8: {  	[tilespmem:s20+$0x149A0] =	vst v11;
	v11 =	vmul.f32 v15, v13  }
0x1d9: {  	v15 =	vld [tilespmem:s30+$0xC830];
	[tilespmem:s20+$0x15220] =	vst v48;
	v49 =	vmul.f32 v46, v37  }
0x1da: {  	v50 =	vld [tilespmem:s1+$0xC830];
	[tilespmem:s29+$0x14CA0] =	vst v11;
	v9 =	vmul.f32 v9, v12  }
0x1db: {  	[tilespmem:s29+$0x15520] =	vst v49;
	v11 =	vld [tilespmem:s5+$0xC830]  }
0x1dc: {  	v17 =	vmul.f32 v47, v39;
	v18 =	vld [tilespmem:s6+$0xC830];
	[tilespmem:s28+$0x14FA0] =	vst v9  }
0x1dd: {  	v9 =	vld [tilespmem:s3+$0xC830]  }
0x1de: {  	[tilespmem:s28+$0x15820] =	vst v17;
	v14 =	vmul.f32 v15, v14  }
0x1df: {  	s6 =	spop (v2sf);
	v15 =	vld [tilespmem:s7+$0xC830];
	v10 =	vmul.f32 v50, v10  }
0x1e0: {  	s9 =	smov.u32 s10;
	s10 =	smov.u32 s0;
	s0 =	sor.u32 s6, s20;
	[tilespmem:s20+$0x149B0] =	vst v14;
	v11 =	vmul.f32 v11, v13  }
0x1e1: {  	s0 =	sor.u32 $0x980, s0;
	s7 =	spop (v2sf);
	v13 =	vld [tilespmem:s24+$0xC800];
	[tilespmem:s20+$0x15230] =	vst v10;
	v10 =	vmul.f32 v18, v37  }
0x1e2: {  	s1 =	sor.u32 s7, s29;
	v14 =	vld [tilespmem:s0+$0xC800];
	[tilespmem:s29+$0x14CB0] =	vst v11;
	v9 =	vmul.f32 v9, v12  }
0x1e3: {  	s8 =	sor.u32 s23, s20;
	s1 =	sor.u32 $0xC80, s1;
	[tilespmem:s29+$0x15530] =	vst v10;
	v11 =	vld [tilespmem:s4+$0xC800]  }
0x1e4: {  	s23 =	sor.u32 $0x780, s8;
	s8 =	spop (v2sf);
	v10 =	vmul.f32 v15, v39;
	v12 =	vbroadcast v8, $0x2;
	v15 =	vld [tilespmem:s1+$0xC800];
	[tilespmem:s28+$0x14FB0] =	vst v9  }
0x1e5: {  	s6 =	sor.u32 s8, s28;
	v9 =	vbroadcast v7, $0x3;
	v51 =	vld [tilespmem:s14+$0xC800]  }
0x1e6: {  	s6 =	sor.u32 $0xF80, s6;
	[tilespmem:s28+$0x15830] =	vst v10;
	v10 =	vmul.f32 v13, v12;
	v13 =	vbroadcast v5, $0x8  }
0x1e7: {  	v52 =	vbroadcast v2, $0x9;
	v17 =	vld [tilespmem:s6+$0xC800];
	v14 =	vmul.f32 v14, v9  }
0x1e8: {  	[tilespmem:s20+$0x14A00] =	vst v10;
	v10 =	vmul.f32 v11, v13;
	v11 =	vbroadcast v0, $0xE  }
0x1e9: {  	v53 =	vld [tilespmem:s24+$0xC810];
	[tilespmem:s20+$0x15280] =	vst v14;
	v14 =	vmul.f32 v15, v52  }
0x1ea: {  	v15 =	vbroadcast v1, $0xF;
	v1 =	vmovc v2;
	v2 =	vmov v7;
	v7 =	vld [tilespmem:s0+$0xC810];
	[tilespmem:s29+$0x14D00] =	vst v10;
	v10 =	vmul.f32 v51, v11  }
0x1eb: {  	[tilespmem:s29+$0x15580] =	vst v14;
	v54 =	vld [tilespmem:s4+$0xC810]  }
0x1ec: {  	v14 =	vmul.f32 v17, v15;
	v55 =	vld [tilespmem:s1+$0xC810];
	[tilespmem:s28+$0x15000] =	vst v10  }
0x1ed: {  	v10 =	vld [tilespmem:s14+$0xC810]  }
0x1ee: {  	[tilespmem:s28+$0x15880] =	vst v14;
	v14 =	vmul.f32 v53, v12  }
0x1ef: {  	v56 =	vld [tilespmem:s6+$0xC810];
	v7 =	vmul.f32 v7, v9  }
0x1f0: {  	(v2sf) =	vpush v3, $0x4;
	[tilespmem:s20+$0x14A10] =	vst v14;
	v14 =	vmul.f32 v54, v13  }
0x1f1: {  	v57 =	vld [tilespmem:s24+$0xC820];
	[tilespmem:s20+$0x15290] =	vst v7;
	v7 =	vmul.f32 v55, v52  }
0x1f2: {  	(v2sf) =	vpush v4, $0xA;
	v58 =	vld [tilespmem:s0+$0xC820];
	[tilespmem:s29+$0x14D10] =	vst v14;
	v10 =	vmul.f32 v10, v11  }
0x1f3: {  	[tilespmem:s29+$0x15590] =	vst v7;
	v14 =	vld [tilespmem:s4+$0xC820]  }
0x1f4: {  	v7 =	vmul.f32 v56, v15;
	v59 =	vld [tilespmem:s1+$0xC820];
	[tilespmem:s28+$0x15010] =	vst v10  }
0x1f5: {  	v10 =	vld [tilespmem:s14+$0xC820]  }
0x1f6: {  	[tilespmem:s28+$0x15890] =	vst v7;
	v7 =	vmul.f32 v57, v12  }
0x1f7: {  	v60 =	vld [tilespmem:s6+$0xC820];
	v17 =	vmul.f32 v58, v9  }
0x1f8: {  	[tilespmem:s20+$0x14A20] =	vst v7;
	v7 =	vmul.f32 v14, v13  }
0x1f9: {  	v14 =	vld [tilespmem:s24+$0xC830];
	[tilespmem:s20+$0x152A0] =	vst v17;
	v61 =	vmul.f32 v59, v52  }
0x1fa: {  	v62 =	vld [tilespmem:s0+$0xC830];
	[tilespmem:s29+$0x14D20] =	vst v7;
	v7 =	vmul.f32 v10, v11  }
0x1fb: {  	[tilespmem:s29+$0x155A0] =	vst v61;
	v10 =	vld [tilespmem:s4+$0xC830]  }
0x1fc: {  	v16 =	vmul.f32 v60, v15;
	v17 =	vld [tilespmem:s1+$0xC830];
	[tilespmem:s28+$0x15020] =	vst v7  }
0x1fd: {  	v7 =	vld [tilespmem:s14+$0xC830]  }
0x1fe: {  	[tilespmem:s28+$0x158A0] =	vst v16;
	v12 =	vmul.f32 v14, v12  }
0x1ff: {  	s21 =	sor.u32 s21, s20;
	[dreg:$0x8] =	wrdreg s12;
	s12 =	spop (v2sf);
	v14 =	vld [tilespmem:s6+$0xC830];
	v9 =	vmul.f32 v62, v9  }
0x200: {  	s21 =	sor.u32 $0x180, s21;
	s0 =	sor.u32 s12, s20;
	[tilespmem:s20+$0x14A30] =	vst v12;
	v10 =	vmul.f32 v10, v13  }
0x201: {  	s13 =	spop (v2sf);
	s0 =	sor.u32 $0xA00, s0;
	v12 =	vld [tilespmem:s21+$0xC800];
	[tilespmem:s20+$0x152B0] =	vst v9;
	v9 =	vmul.f32 v17, v52  }
0x202: {  	s1 =	sor.u32 s13, s29;
	s14 =	rddreg [dreg:$0x1a];
	v13 =	vld [tilespmem:s0+$0xC800];
	[tilespmem:s29+$0x14D30] =	vst v10;
	v7 =	vmul.f32 v7, v11  }
0x203: {  	s1 =	sor.u32 $0xD00, s1;
	[tilespmem:s29+$0x155B0] =	vst v9;
	v10 =	vld [tilespmem:s14+$0xC800]  }
0x204: {  	v9 =	vmul.f32 v14, v15;
	v11 =	vbroadcast v8, $0x3;
	v14 =	vld [tilespmem:s1+$0xC800];
	[tilespmem:s28+$0x15030] =	vst v7  }
0x205: {  	v7 =	vbroadcast v2, $0x4;
	v15 =	vld [tilespmem:s16+$0xC800]  }
0x206: {  	[tilespmem:s28+$0x158B0] =	vst v9;
	v9 =	vmul.f32 v12, v11;
	v12 =	vbroadcast v5, $0x9  }
0x207: {  	v63 =	vbroadcast v1, $0xA;
	v13 =	vmul.f32 v13, v7  }
0x208: {  	[tilespmem:s20+$0x14A80] =	vst v9;
	v9 =	vmul.f32 v10, v12;
	v10 =	vbroadcast v0, $0xF  }
0x209: {  	v0 =	vmov v5;
	v5 =	vmov v8;
	v8 =	vld [tilespmem:s21+$0xC810];
	[tilespmem:s20+$0x15300] =	vst v13;
	v13 =	vmul.f32 v14, v63  }
0x20a: {  	v14 =	vld [tilespmem:s0+$0xC810];
	[tilespmem:s29+$0x14D80] =	vst v9;
	v9 =	vmul.f32 v15, v10  }
0x20b: {  	[tilespmem:s29+$0x15600] =	vst v13;
	v15 =	vld [tilespmem:s14+$0xC810]  }
0x20c: {  	v13 =	vld [tilespmem:s1+$0xC810];
	[tilespmem:s28+$0x15080] =	vst v9  }
0x20d: {  	v9 =	vld [tilespmem:s16+$0xC810]  }
0x20e: {  	v8 =	vmul.f32 v8, v11  }
0x20f: {  	v14 =	vmul.f32 v14, v7  }
0x210: {  	(v2sf) =	vpush v3, $0x5;
	[tilespmem:s20+$0x14A90] =	vst v8;
	v8 =	vmul.f32 v15, v12  }
0x211: {  	v15 =	vld [tilespmem:s21+$0xC820];
	[tilespmem:s20+$0x15310] =	vst v14;
	v13 =	vmul.f32 v13, v63  }
0x212: {  	(v2sf) =	vpush v4, $0xB;
	v14 =	vld [tilespmem:s0+$0xC820];
	[tilespmem:s29+$0x14D90] =	vst v8;
	v8 =	vmul.f32 v9, v10  }
0x213: {  	[tilespmem:s29+$0x15610] =	vst v13;
	v9 =	vld [tilespmem:s14+$0xC820]  }
0x214: {  	v13 =	vld [tilespmem:s1+$0xC820];
	[tilespmem:s28+$0x15090] =	vst v8  }
0x215: {  	v8 =	vld [tilespmem:s16+$0xC820]  }
0x216: {  	v15 =	vmul.f32 v15, v11  }
0x217: {  	v14 =	vmul.f32 v14, v7  }
0x218: {  	[tilespmem:s20+$0x14AA0] =	vst v15;
	v9 =	vmul.f32 v9, v12  }
0x219: {  	p1 =	slt.u32 s15, $0x60;
	v15 =	vld [tilespmem:s21+$0xC830];
	[tilespmem:s20+$0x15320] =	vst v14;
	v13 =	vmul.f32 v13, v63  }
0x21a: {  	s25 =	sor.u32 s25, s20;
	s19 =	sor.u32 s19, s20;
	[dreg:$0x9] =	wrdreg s9;
	v14 =	vld [tilespmem:s0+$0xC830];
	[tilespmem:s29+$0x14DA0] =	vst v9;
	v8 =	vmul.f32 v8, v10  }
0x21b: {  	s25 =	sor.u32 $0x400, s25;
	s19 =	sor.u32 $0x200, s19;
	s2 =	sld [smem:$0x7F3];
	[tilespmem:s29+$0x15620] =	vst v13;
	v9 =	vld [tilespmem:s14+$0xC830]  }
0x21c: {  	s17 =	sor.u32 $0x280, s17;
	s15 =	sadd.s32 $0x20, s15;
	s9 =	rddreg [dreg:$0x1b];
	v13 =	vld [tilespmem:s1+$0xC830];
	[tilespmem:s28+$0x150A0] =	vst v8  }
0x21d: {  	s31 =	sor.u32 $0x380, s31;
	s18 =	rddreg [dreg:$0x1f];
	s22 =	smov.u32 s25;
	v8 =	vld [tilespmem:s16+$0xC830]  }
0x21e: {  	s25 =	smov.u32 s9;
	s5 =	smov.u32 s31;
	s3 =	smov.u32 s2;
	v11 =	vmul.f32 v15, v11  }
0x21f: {  	s2 =	smov.u32 s23;
	s23 =	rddreg [dreg:$0x1c];
	s30 =	spop (v2sf);
	v14 =	vmul.f32 v14, v7  }
.Ltmp2:
0x220: {  	s8 =	smov.u32 s26;
	s0 =	sor.u32 s30, s20;
	[tilespmem:s20+$0x14AB0] =	vst v11;
	v11 =	vmul.f32 v9, v12;
	(pc) =	sbr.rel @p1 .LBB2_3-.Ltmp2, $4  }
0x221: {  	s31 =	spop (v2sf);
	s21 =	rddreg [dreg:$0x18];
	s0 =	sor.u32 $0xA80, s0;
	v7 =	vld [tilespmem:s19+$0xC800];
	[tilespmem:s20+$0x15330] =	vst v14;
	v13 =	vmul.f32 v13, v63  }
0x222: {  	s26 =	rddreg [dreg:$0x13];
	s24 =	smov.u32 s21;
	s1 =	sor.u32 s31, s29;
	v9 =	vld [tilespmem:s0+$0xC800];
	[tilespmem:s29+$0x14DB0] =	vst v11;
	v8 =	vmul.f32 v8, v10  }
0x223: {  	s14 =	smov.u32 s18;
	s21 =	sor.u32 $0xD80, s1;
	s16 =	rddreg [dreg:$0x17];
	[tilespmem:s29+$0x15630] =	vst v13;
	v12 =	vld [tilespmem:s26+$0xC800]  }
0x224: {  	v10 =	vbroadcast v5, $0x4;
	v11 =	vld [tilespmem:s21+$0xC800];
	[tilespmem:s28+$0x150B0] =	vst v8;
	s28 =	smov.u32 s29;
	s29 =	smov.u32 s20;
	s20 =	rddreg [dreg:$0x19];
	v8 =	vbroadcast v2, $0x5  }
0x225: {  	_ = 	snop  }
0x226: {  	v6 =	vmul.f32 v7, v10;
	_ =	sdelay $0x1  }
0x227: {  	[tilespmem:s29+$0x14B00] =	vst v6  }
0x228: {  	v6 =	vld [tilespmem:s19+$0xC810];
	_ =	sdelay $0x1  }
0x229: {  	v7 =	vbroadcast v0, $0xA  }
0x22a: {  	v9 =	vmul.f32 v9, v8  }
0x22b: {  	v12 =	vmul.f32 v12, v7  }
0x22c: {  	[tilespmem:s29+$0x15380] =	vst v9;
	v6 =	vmul.f32 v6, v10  }
0x22d: {  	v9 =	vld [tilespmem:s0+$0xC810];
	[tilespmem:s28+$0x14E00] =	vst v12  }
0x22e: {  	v13 =	vld [tilespmem:s26+$0xC810];
	[tilespmem:s29+$0x14B10] =	vst v6  }
0x22f: {  	v12 =	vbroadcast v1, $0xB;
	v6 =	vld [tilespmem:s19+$0xC820];
	_ =	sdelay $0x1  }
0x230: {  	v11 =	vmul.f32 v11, v12  }
0x231: {  	v9 =	vmul.f32 v9, v8  }
0x232: {  	(v2sf) =	vpush v3, $0x6;
	[tilespmem:s28+$0x15680] =	vst v11;
	v13 =	vmul.f32 v13, v7  }
0x233: {  	v11 =	vld [tilespmem:s21+$0xC810];
	[tilespmem:s29+$0x15390] =	vst v9;
	v6 =	vmul.f32 v6, v10  }
0x234: {  	v9 =	vld [tilespmem:s0+$0xC820];
	[tilespmem:s28+$0x14E10] =	vst v13  }
0x235: {  	v13 =	vld [tilespmem:s26+$0xC820];
	[tilespmem:s29+$0x14B20] =	vst v6  }
0x236: {  	v6 =	vld [tilespmem:s19+$0xC830];
	_ =	sdelay $0x1  }
0x237: {  	v11 =	vmul.f32 v11, v12  }
0x238: {  	(v2sf) =	vpush v4, $0xC;
	v9 =	vmul.f32 v9, v8  }
0x239: {  	[tilespmem:s28+$0x15690] =	vst v11;
	v13 =	vmul.f32 v13, v7  }
0x23a: {  	v11 =	vld [tilespmem:s21+$0xC820];
	[tilespmem:s29+$0x153A0] =	vst v9;
	v6 =	vmul.f32 v6, v10  }
0x23b: {  	v9 =	vld [tilespmem:s0+$0xC830];
	[tilespmem:s28+$0x14E20] =	vst v13  }
0x23c: {  	v10 =	vld [tilespmem:s26+$0xC830];
	[tilespmem:s29+$0x14B30] =	vst v6  }
0x23d: {  	v6 =	vld [tilespmem:s17+$0xC800];
	_ =	sdelay $0x1  }
0x23e: {  	v11 =	vmul.f32 v11, v12  }
0x23f: {  	s13 =	spop (v2sf);
	v8 =	vmul.f32 v9, v8;
	v9 =	vbroadcast v5, $0x5  }
0x240: {  	s0 =	sor.u32 s13, s29;
	[tilespmem:s28+$0x156A0] =	vst v11;
	v7 =	vmul.f32 v10, v7  }
0x241: {  	s0 =	sor.u32 $0xB00, s0;
	v11 =	vld [tilespmem:s21+$0xC830];
	[tilespmem:s29+$0x153B0] =	vst v8;
	v6 =	vmul.f32 v6, v9  }
0x242: {  	v8 =	vld [tilespmem:s0+$0xC800];
	[tilespmem:s28+$0x14E30] =	vst v7  }
0x243: {  	v7 =	vld [tilespmem:s16+$0xC800];
	[tilespmem:s29+$0x14B80] =	vst v6  }
0x244: {  	v10 =	vld [tilespmem:s17+$0xC810]  }
0x245: {  	v6 =	vbroadcast v2, $0x6  }
0x246: {  	s1 =	spop (v2sf);
	v11 =	vmul.f32 v11, v12;
	v12 =	vbroadcast v0, $0xB  }
0x247: {  	s1 =	sor.u32 s1, s28;
	v8 =	vmul.f32 v8, v6  }
0x248: {  	s1 =	sor.u32 $0xE00, s1;
	[tilespmem:s28+$0x156B0] =	vst v11;
	v7 =	vmul.f32 v7, v12  }
0x249: {  	v11 =	vld [tilespmem:s1+$0xC800];
	[tilespmem:s29+$0x15400] =	vst v8;
	v10 =	vmul.f32 v10, v9  }
0x24a: {  	v8 =	vld [tilespmem:s0+$0xC810];
	[tilespmem:s28+$0x14E80] =	vst v7  }
0x24b: {  	v13 =	vld [tilespmem:s16+$0xC810];
	[tilespmem:s29+$0x14B90] =	vst v10  }
0x24c: {  	v7 =	vbroadcast v1, $0xC;
	v10 =	vld [tilespmem:s17+$0xC820];
	_ =	sdelay $0x1  }
0x24d: {  	v11 =	vmul.f32 v11, v7  }
0x24e: {  	v8 =	vmul.f32 v8, v6  }
0x24f: {  	[tilespmem:s28+$0x15700] =	vst v11;
	v13 =	vmul.f32 v13, v12  }
0x250: {  	(v2sf) =	vpush v3, $0x7;
	v11 =	vld [tilespmem:s1+$0xC810];
	[tilespmem:s29+$0x15410] =	vst v8;
	v10 =	vmul.f32 v10, v9  }
0x251: {  	v8 =	vld [tilespmem:s0+$0xC820];
	[tilespmem:s28+$0x14E90] =	vst v13  }
0x252: {  	v13 =	vld [tilespmem:s16+$0xC820];
	[tilespmem:s29+$0x14BA0] =	vst v10  }
0x253: {  	v10 =	vld [tilespmem:s17+$0xC830];
	_ =	sdelay $0x1  }
0x254: {  	v11 =	vmul.f32 v11, v7  }
0x255: {  	(v2sf) =	vpush v4, $0xD;
	v8 =	vmul.f32 v8, v6  }
0x256: {  	[tilespmem:s28+$0x15710] =	vst v11;
	v13 =	vmul.f32 v13, v12  }
0x257: {  	v11 =	vld [tilespmem:s1+$0xC820];
	[tilespmem:s29+$0x15420] =	vst v8;
	v9 =	vmul.f32 v10, v9  }
0x258: {  	v8 =	vld [tilespmem:s0+$0xC830];
	[tilespmem:s28+$0x14EA0] =	vst v13  }
0x259: {  	v10 =	vld [tilespmem:s16+$0xC830];
	[tilespmem:s29+$0x14BB0] =	vst v9  }
0x25a: {  	s6 =	rddreg [dreg:$0x9]  }
0x25b: {  	v9 =	vld [tilespmem:s6+$0xC800]  }
0x25c: {  	v11 =	vmul.f32 v11, v7  }
0x25d: {  	v6 =	vmul.f32 v8, v6  }
0x25e: {  	s15 =	spop (v2sf);
	[tilespmem:s28+$0x15720] =	vst v11;
	v8 =	vbroadcast v5, $0x6;
	v10 =	vmul.f32 v10, v12  }
0x25f: {  	s0 =	sor.u32 s15, s29;
	v11 =	vld [tilespmem:s1+$0xC830];
	[tilespmem:s29+$0x15430] =	vst v6  }
0x260: {  	s0 =	sor.u32 $0xB80, s0;
	[tilespmem:s28+$0x14EB0] =	vst v10;
	v9 =	vmul.f32 v9, v8  }
0x261: {  	v6 =	vld [tilespmem:s0+$0xC800];
	s4 =	rddreg [dreg:$0x8]  }
0x262: {  	v10 =	vld [tilespmem:s4+$0xC800];
	[tilespmem:s29+$0x14C00] =	vst v9  }
0x263: {  	v12 =	vld [tilespmem:s6+$0xC810]  }
0x264: {  	s16 =	spop (v2sf);
	v7 =	vmul.f32 v11, v7;
	v9 =	vbroadcast v2, $0x7  }
0x265: {  	s1 =	sor.u32 s16, s28;
	v11 =	vbroadcast v0, $0xC  }
0x266: {  	s1 =	sor.u32 $0xE80, s1;
	[tilespmem:s28+$0x15730] =	vst v7;
	v6 =	vmul.f32 v6, v9  }
0x267: {  	v7 =	vld [tilespmem:s1+$0xC800];
	v10 =	vmul.f32 v10, v11  }
0x268: {  	[tilespmem:s29+$0x15480] =	vst v6;
	v12 =	vmul.f32 v12, v8  }
0x269: {  	v6 =	vld [tilespmem:s0+$0xC810];
	[tilespmem:s28+$0x14F00] =	vst v10  }
0x26a: {  	v10 =	vbroadcast v1, $0xD;
	[tilespmem:s29+$0x14C10] =	vst v12  }
0x26b: {  	v12 =	vld [tilespmem:s6+$0xC820]  }
0x26c: {  	v13 =	vld [tilespmem:s4+$0xC810];
	v7 =	vmul.f32 v7, v10;
	_ =	sdelay $0x1  }
0x26d: {  	[tilespmem:s28+$0x15780] =	vst v7;
	v6 =	vmul.f32 v6, v9  }
0x26e: {  	(v2sf) =	vpush v3, $0x8;
	v7 =	vld [tilespmem:s1+$0xC810]  }
0x26f: {  	[tilespmem:s29+$0x15490] =	vst v6;
	v12 =	vmul.f32 v12, v8  }
0x270: {  	v13 =	vmul.f32 v13, v11;
	v6 =	vld [tilespmem:s0+$0xC820]  }
0x271: {  	[tilespmem:s29+$0x14C20] =	vst v12  }
0x272: {  	[tilespmem:s28+$0x14F10] =	vst v13;
	v12 =	vld [tilespmem:s6+$0xC830]  }
0x273: {  	v13 =	vld [tilespmem:s4+$0xC820];
	v7 =	vmul.f32 v7, v10;
	_ =	sdelay $0x1  }
0x274: {  	[tilespmem:s28+$0x15790] =	vst v7;
	v6 =	vmul.f32 v6, v9  }
0x275: {  	v7 =	vld [tilespmem:s1+$0xC820]  }
0x276: {  	(v2sf) =	vpush v4, $0xE;
	[tilespmem:s29+$0x154A0] =	vst v6;
	v8 =	vmul.f32 v12, v8  }
0x277: {  	v13 =	vmul.f32 v13, v11;
	v6 =	vld [tilespmem:s0+$0xC830]  }
0x278: {  	[tilespmem:s29+$0x14C30] =	vst v8  }
0x279: {  	[tilespmem:s28+$0x14F20] =	vst v13;
	v8 =	vld [tilespmem:s5+$0xC800]  }
0x27a: {  	v12 =	vld [tilespmem:s4+$0xC830];
	v7 =	vmul.f32 v7, v10;
	_ =	sdelay $0x1  }
0x27b: {  	s17 =	spop (v2sf);
	[tilespmem:s28+$0x157A0] =	vst v7;
	v7 =	vbroadcast v5, $0x7;
	v6 =	vmul.f32 v6, v9  }
0x27c: {  	s0 =	sor.u32 s17, s29  }
0x27d: {  	s0 =	sor.u32 $0xC00, s0;
	[tilespmem:s29+$0x154B0] =	vst v6;
	v8 =	vmul.f32 v8, v7  }
0x27e: {  	v11 =	vmul.f32 v12, v11;
	v6 =	vld [tilespmem:s0+$0xC800]  }
0x27f: {  	v9 =	vld [tilespmem:s1+$0xC830];
	[tilespmem:s29+$0x14C80] =	vst v8  }
0x280: {  	[tilespmem:s28+$0x14F30] =	vst v11;
	v12 =	vld [tilespmem:s5+$0xC810]  }
0x281: {  	v11 =	vld [tilespmem:s3+$0xC800];
	v8 =	vbroadcast v2, $0x8;
	_ =	sdelay $0x1  }
0x282: {  	v6 =	vmul.f32 v6, v8  }
0x283: {  	s18 =	spop (v2sf);
	v9 =	vmul.f32 v9, v10;
	v10 =	vbroadcast v0, $0xD  }
0x284: {  	s1 =	sor.u32 s18, s28;
	[tilespmem:s29+$0x15500] =	vst v6;
	v12 =	vmul.f32 v12, v7  }
0x285: {  	s1 =	sor.u32 $0xF00, s1;
	[tilespmem:s28+$0x157B0] =	vst v9;
	v11 =	vmul.f32 v11, v10;
	v6 =	vld [tilespmem:s0+$0xC810]  }
0x286: {  	v9 =	vld [tilespmem:s1+$0xC800];
	[tilespmem:s29+$0x14C90] =	vst v12  }
0x287: {  	[tilespmem:s28+$0x14F80] =	vst v11;
	v12 =	vld [tilespmem:s5+$0xC820]  }
0x288: {  	v13 =	vld [tilespmem:s3+$0xC810]  }
0x289: {  	v11 =	vbroadcast v1, $0xE  }
0x28a: {  	v6 =	vmul.f32 v6, v8  }
0x28b: {  	v9 =	vmul.f32 v9, v11  }
0x28c: {  	[tilespmem:s29+$0x15510] =	vst v6;
	v12 =	vmul.f32 v12, v7  }
0x28d: {  	[tilespmem:s28+$0x15800] =	vst v9;
	v13 =	vmul.f32 v13, v10;
	v6 =	vld [tilespmem:s0+$0xC820]  }
0x28e: {  	v9 =	vld [tilespmem:s1+$0xC810];
	[tilespmem:s29+$0x14CA0] =	vst v12  }
0x28f: {  	[tilespmem:s28+$0x14F90] =	vst v13;
	v12 =	vld [tilespmem:s5+$0xC830]  }
0x290: {  	v13 =	vld [tilespmem:s3+$0xC820]  }
0x291: {  	(v2sf) =	vpush v3, $0x9  }
0x292: {  	(v2sf) =	vpush v4, $0xF;
	v4 =	vmul.f32 v6, v8  }
0x293: {  	v9 =	vmul.f32 v9, v11  }
0x294: {  	[tilespmem:s29+$0x15520] =	vst v4;
	v7 =	vmul.f32 v12, v7  }
0x295: {  	[tilespmem:s28+$0x15810] =	vst v9;
	v9 =	vmul.f32 v13, v10;
	v4 =	vld [tilespmem:s0+$0xC830]  }
0x296: {  	v6 =	vld [tilespmem:s1+$0xC820];
	[tilespmem:s29+$0x14CB0] =	vst v7  }
0x297: {  	[tilespmem:s28+$0x14FA0] =	vst v9;
	v7 =	vld [tilespmem:s22+$0xC800]  }
0x298: {  	v9 =	vld [tilespmem:s3+$0xC830];
	_ =	sdelay $0x1  }
0x299: {  	v4 =	vmul.f32 v4, v8;
	v8 =	vbroadcast v5, $0x8  }
0x29a: {  	v6 =	vmul.f32 v6, v11  }
0x29b: {  	v7 =	vmul.f32 v7, v8  }
0x29c: {  	[tilespmem:s28+$0x15820] =	vst v6;
	v9 =	vmul.f32 v9, v10  }
0x29d: {  	v6 =	vld [tilespmem:s1+$0xC830];
	[tilespmem:s29+$0x14D00] =	vst v7  }
0x29e: {  	[tilespmem:s28+$0x14FB0] =	vst v9;
	v10 =	vld [tilespmem:s22+$0xC810]  }
0x29f: {  	v9 =	vld [tilespmem:s25+$0xC800];
	_ =	sdelay $0x2  }
0x2a0: {  	v11 =	vmul.f32 v6, v11;
	v6 =	vbroadcast v0, $0xE  }
0x2a1: {  	v10 =	vmul.f32 v10, v8  }
0x2a2: {  	v9 =	vmul.f32 v9, v6  }
0x2a3: {  	[tilespmem:s29+$0x14D10] =	vst v10  }
0x2a4: {  	[tilespmem:s28+$0x15000] =	vst v9;
	v10 =	vld [tilespmem:s22+$0xC820]  }
0x2a5: {  	v9 =	vld [tilespmem:s25+$0xC810];
	_ =	sdelay $0x3  }
0x2a6: {  	v10 =	vmul.f32 v10, v8  }
0x2a7: {  	v9 =	vmul.f32 v9, v6  }
0x2a8: {  	[tilespmem:s29+$0x14D20] =	vst v10  }
0x2a9: {  	[tilespmem:s28+$0x15010] =	vst v9;
	v9 =	vld [tilespmem:s22+$0xC830];
	_ =	sdelay $0x3  }
0x2aa: {  	s19 =	spop (v2sf)  }
0x2ab: {  	s0 =	sor.u32 s19, s29;
	v8 =	vmul.f32 v9, v8  }
0x2ac: {  	s0 =	sor.u32 $0xC80, s0;
	[tilespmem:s29+$0x15530] =	vst v4  }
0x2ad: {  	v4 =	vld [tilespmem:s0+$0xC800];
	[tilespmem:s29+$0x14D30] =	vst v8  }
0x2ae: {  	v8 =	vld [tilespmem:s14+$0xC800];
	_ =	sdelay $0x1  }
0x2af: {  	v7 =	vbroadcast v2, $0x9  }
0x2b0: {  	s21 =	spop (v2sf);
	v9 =	vbroadcast v5, $0x9  }
0x2b1: {  	s1 =	sor.u32 s21, s28;
	v4 =	vmul.f32 v4, v7  }
0x2b2: {  	s26 =	sor.u32 $0xF80, s1;
	[tilespmem:s28+$0x15830] =	vst v11;
	v8 =	vmul.f32 v8, v9  }
0x2b3: {  	v11 =	vld [tilespmem:s26+$0xC800];
	[tilespmem:s29+$0x15580] =	vst v4  }
0x2b4: {  	v4 =	vld [tilespmem:s0+$0xC810];
	[tilespmem:s29+$0x14D80] =	vst v8  }
0x2b5: {  	v8 =	vld [tilespmem:s14+$0xC810]  }
0x2b6: {  	v1 =	vbroadcast v1, $0xF;
	_ =	sdelay $0x1  }
0x2b7: {  	v11 =	vmul.f32 v11, v1  }
0x2b8: {  	v12 =	vmul.f32 v4, v7  }
0x2b9: {  	(v2sf) =	vpush v3, $0xA;
	[tilespmem:s28+$0x15880] =	vst v11;
	v8 =	vmul.f32 v8, v9  }
0x2ba: {  	[tilespmem:s29+$0x15590] =	vst v12  }
0x2bb: {  	v11 =	vld [tilespmem:s0+$0xC820];
	[tilespmem:s29+$0x14D90] =	vst v8  }
0x2bc: {  	v8 =	vld [tilespmem:s14+$0xC820];
	_ =	sdelay $0x3  }
0x2bd: {  	v10 =	vmul.f32 v11, v7  }
0x2be: {  	v8 =	vmul.f32 v8, v9  }
0x2bf: {  	[tilespmem:s29+$0x155A0] =	vst v10  }
0x2c0: {  	v10 =	vld [tilespmem:s0+$0xC830];
	[tilespmem:s29+$0x14DA0] =	vst v8  }
0x2c1: {  	v8 =	vld [tilespmem:s14+$0xC830];
	_ =	sdelay $0x3  }
0x2c2: {  	s1 =	spop (v2sf);
	v7 =	vmul.f32 v10, v7  }
0x2c3: {  	s0 =	sor.u32 s1, s29;
	v8 =	vmul.f32 v8, v9  }
0x2c4: {  	s0 =	sor.u32 $0xD00, s0;
	[tilespmem:s29+$0x155B0] =	vst v7  }
0x2c5: {  	v7 =	vld [tilespmem:s0+$0xC800];
	[tilespmem:s29+$0x14DB0] =	vst v8  }
0x2c6: {  	v8 =	vld [tilespmem:s23+$0xC800];
	_ =	sdelay $0x1  }
0x2c7: {  	v9 =	vbroadcast v2, $0xA  }
0x2c8: {  	v10 =	vbroadcast v5, $0xA  }
0x2c9: {  	v7 =	vmul.f32 v7, v9  }
0x2ca: {  	v8 =	vmul.f32 v8, v10  }
0x2cb: {  	v4 =	vld [tilespmem:s26+$0xC810];
	[tilespmem:s29+$0x15600] =	vst v7  }
0x2cc: {  	v7 =	vld [tilespmem:s0+$0xC810];
	[tilespmem:s29+$0x14E00] =	vst v8  }
0x2cd: {  	v8 =	vld [tilespmem:s23+$0xC810];
	_ =	sdelay $0x3  }
0x2ce: {  	v7 =	vmul.f32 v7, v9  }
0x2cf: {  	(v2sf) =	vpush v3, $0xB;
	v8 =	vmul.f32 v8, v10  }
0x2d0: {  	[tilespmem:s29+$0x15610] =	vst v7  }
0x2d1: {  	v7 =	vld [tilespmem:s0+$0xC820];
	[tilespmem:s29+$0x14E10] =	vst v8  }
0x2d2: {  	v8 =	vld [tilespmem:s23+$0xC820];
	_ =	sdelay $0x3  }
0x2d3: {  	v7 =	vmul.f32 v7, v9  }
0x2d4: {  	v8 =	vmul.f32 v8, v10  }
0x2d5: {  	[tilespmem:s29+$0x15620] =	vst v7  }
0x2d6: {  	v7 =	vld [tilespmem:s0+$0xC830];
	[tilespmem:s29+$0x14E20] =	vst v8  }
0x2d7: {  	v8 =	vld [tilespmem:s23+$0xC830];
	_ =	sdelay $0x3  }
0x2d8: {  	s4 =	spop (v2sf);
	v7 =	vmul.f32 v7, v9  }
0x2d9: {  	s0 =	sor.u32 s4, s29;
	v8 =	vmul.f32 v8, v10  }
0x2da: {  	s0 =	sor.u32 $0xD80, s0;
	[tilespmem:s29+$0x15630] =	vst v7  }
0x2db: {  	v7 =	vld [tilespmem:s0+$0xC800];
	[tilespmem:s29+$0x14E30] =	vst v8  }
0x2dc: {  	v8 =	vld [tilespmem:s20+$0xC800];
	_ =	sdelay $0x1  }
0x2dd: {  	v9 =	vbroadcast v2, $0xB  }
0x2de: {  	v10 =	vbroadcast v5, $0xB  }
0x2df: {  	v7 =	vmul.f32 v7, v9  }
0x2e0: {  	v8 =	vmul.f32 v8, v10  }
0x2e1: {  	[tilespmem:s29+$0x15680] =	vst v7  }
0x2e2: {  	v7 =	vld [tilespmem:s0+$0xC810];
	[tilespmem:s29+$0x14E80] =	vst v8  }
0x2e3: {  	v8 =	vld [tilespmem:s20+$0xC810];
	_ =	sdelay $0x3  }
0x2e4: {  	v7 =	vmul.f32 v7, v9  }
0x2e5: {  	(v2sf) =	vpush v3, $0xC;
	v8 =	vmul.f32 v8, v10  }
0x2e6: {  	[tilespmem:s29+$0x15690] =	vst v7  }
0x2e7: {  	v7 =	vld [tilespmem:s0+$0xC820];
	[tilespmem:s29+$0x14E90] =	vst v8  }
0x2e8: {  	v8 =	vld [tilespmem:s20+$0xC820];
	_ =	sdelay $0x3  }
0x2e9: {  	v7 =	vmul.f32 v7, v9  }
0x2ea: {  	v8 =	vmul.f32 v8, v10  }
0x2eb: {  	[tilespmem:s29+$0x156A0] =	vst v7  }
0x2ec: {  	v7 =	vld [tilespmem:s0+$0xC830];
	[tilespmem:s29+$0x14EA0] =	vst v8  }
0x2ed: {  	v8 =	vld [tilespmem:s20+$0xC830];
	_ =	sdelay $0x3  }
0x2ee: {  	s5 =	spop (v2sf);
	v7 =	vmul.f32 v7, v9  }
0x2ef: {  	s0 =	sor.u32 s5, s29;
	v8 =	vmul.f32 v8, v10  }
0x2f0: {  	s0 =	sor.u32 $0xE00, s0;
	[tilespmem:s29+$0x156B0] =	vst v7  }
0x2f1: {  	v7 =	vld [tilespmem:s0+$0xC800];
	[tilespmem:s29+$0x14EB0] =	vst v8  }
0x2f2: {  	v8 =	vld [tilespmem:s11+$0xC800];
	_ =	sdelay $0x1  }
0x2f3: {  	v9 =	vbroadcast v2, $0xC  }
0x2f4: {  	v10 =	vbroadcast v5, $0xC  }
0x2f5: {  	v7 =	vmul.f32 v7, v9  }
0x2f6: {  	v8 =	vmul.f32 v8, v10  }
0x2f7: {  	[tilespmem:s29+$0x15700] =	vst v7  }
0x2f8: {  	v7 =	vld [tilespmem:s0+$0xC810];
	[tilespmem:s29+$0x14F00] =	vst v8  }
0x2f9: {  	v8 =	vld [tilespmem:s11+$0xC810];
	_ =	sdelay $0x3  }
0x2fa: {  	v7 =	vmul.f32 v7, v9  }
0x2fb: {  	(v2sf) =	vpush v3, $0xD;
	v8 =	vmul.f32 v8, v10  }
0x2fc: {  	[tilespmem:s29+$0x15710] =	vst v7  }
0x2fd: {  	v7 =	vld [tilespmem:s0+$0xC820];
	[tilespmem:s29+$0x14F10] =	vst v8  }
0x2fe: {  	v8 =	vld [tilespmem:s11+$0xC820];
	_ =	sdelay $0x3  }
0x2ff: {  	v7 =	vmul.f32 v7, v9  }
0x300: {  	v8 =	vmul.f32 v8, v10  }
0x301: {  	[tilespmem:s29+$0x15720] =	vst v7  }
0x302: {  	v7 =	vld [tilespmem:s0+$0xC830];
	[tilespmem:s29+$0x14F20] =	vst v8  }
0x303: {  	v8 =	vld [tilespmem:s11+$0xC830];
	_ =	sdelay $0x3  }
0x304: {  	s6 =	spop (v2sf);
	v7 =	vmul.f32 v7, v9  }
0x305: {  	s0 =	sor.u32 s6, s29;
	v8 =	vmul.f32 v8, v10  }
0x306: {  	s0 =	sor.u32 $0xE80, s0;
	[tilespmem:s29+$0x15730] =	vst v7  }
0x307: {  	v7 =	vld [tilespmem:s0+$0xC800];
	[tilespmem:s29+$0x14F30] =	vst v8  }
0x308: {  	v8 =	vld [tilespmem:s10+$0xC800];
	_ =	sdelay $0x1  }
0x309: {  	v9 =	vbroadcast v2, $0xD  }
0x30a: {  	v10 =	vbroadcast v5, $0xD  }
0x30b: {  	v7 =	vmul.f32 v7, v9  }
0x30c: {  	v8 =	vmul.f32 v8, v10  }
0x30d: {  	[tilespmem:s29+$0x15780] =	vst v7  }
0x30e: {  	v7 =	vld [tilespmem:s0+$0xC810];
	[tilespmem:s29+$0x14F80] =	vst v8  }
0x30f: {  	v8 =	vld [tilespmem:s10+$0xC810];
	_ =	sdelay $0x3  }
0x310: {  	v7 =	vmul.f32 v7, v9  }
0x311: {  	(v2sf) =	vpush v3, $0xE;
	v8 =	vmul.f32 v8, v10  }
0x312: {  	[tilespmem:s29+$0x15790] =	vst v7  }
0x313: {  	v7 =	vld [tilespmem:s0+$0xC820];
	[tilespmem:s29+$0x14F90] =	vst v8  }
0x314: {  	v8 =	vld [tilespmem:s10+$0xC820];
	_ =	sdelay $0x3  }
0x315: {  	v7 =	vmul.f32 v7, v9  }
0x316: {  	v8 =	vmul.f32 v8, v10  }
0x317: {  	[tilespmem:s29+$0x157A0] =	vst v7  }
0x318: {  	v7 =	vld [tilespmem:s0+$0xC830];
	[tilespmem:s29+$0x14FA0] =	vst v8  }
0x319: {  	v8 =	vld [tilespmem:s10+$0xC830];
	_ =	sdelay $0x3  }
0x31a: {  	s7 =	spop (v2sf);
	v7 =	vmul.f32 v7, v9  }
0x31b: {  	s0 =	sor.u32 s7, s29;
	v8 =	vmul.f32 v8, v10  }
0x31c: {  	s0 =	sor.u32 $0xF00, s0;
	[tilespmem:s29+$0x157B0] =	vst v7  }
0x31d: {  	v7 =	vld [tilespmem:s0+$0xC800];
	[tilespmem:s29+$0x14FB0] =	vst v8  }
0x31e: {  	v8 =	vld [tilespmem:s8+$0xC800];
	_ =	sdelay $0x1  }
0x31f: {  	v9 =	vbroadcast v2, $0xE  }
0x320: {  	v10 =	vbroadcast v5, $0xE  }
0x321: {  	v7 =	vmul.f32 v7, v9  }
0x322: {  	v8 =	vmul.f32 v8, v10  }
0x323: {  	[tilespmem:s29+$0x15800] =	vst v7  }
0x324: {  	v7 =	vld [tilespmem:s0+$0xC810];
	[tilespmem:s29+$0x15000] =	vst v8  }
0x325: {  	v8 =	vld [tilespmem:s8+$0xC810];
	_ =	sdelay $0x3  }
0x326: {  	v7 =	vmul.f32 v7, v9  }
0x327: {  	(v2sf) =	vpush v3, $0xF;
	v3 =	vmul.f32 v8, v10  }
0x328: {  	[tilespmem:s29+$0x15810] =	vst v7;
	v8 =	vld [tilespmem:s25+$0xC820]  }
0x329: {  	v7 =	vld [tilespmem:s0+$0xC820];
	[tilespmem:s29+$0x15010] =	vst v3  }
0x32a: {  	v3 =	vld [tilespmem:s8+$0xC820];
	_ =	sdelay $0x2  }
0x32b: {  	v8 =	vmul.f32 v8, v6  }
0x32c: {  	v7 =	vmul.f32 v7, v9  }
0x32d: {  	[tilespmem:s28+$0x15020] =	vst v8;
	v3 =	vmul.f32 v3, v10  }
0x32e: {  	[tilespmem:s29+$0x15820] =	vst v7;
	v8 =	vld [tilespmem:s25+$0xC830]  }
0x32f: {  	v7 =	vld [tilespmem:s0+$0xC830];
	[tilespmem:s29+$0x15020] =	vst v3  }
0x330: {  	v3 =	vld [tilespmem:s8+$0xC830];
	_ =	sdelay $0x2  }
0x331: {  	v6 =	vmul.f32 v8, v6  }
0x332: {  	v7 =	vmul.f32 v7, v9;
	s8 =	spop (v2sf)  }
0x333: {  	s0 =	sor.u32 s8, s29;
	[tilespmem:s28+$0x15030] =	vst v6;
	v3 =	vmul.f32 v3, v10  }
0x334: {  	[tilespmem:s29+$0x15830] =	vst v7;
	s0 =	sor.u32 $0xF80, s0;
	v6 =	vld [tilespmem:s24+$0xC800]  }
0x335: {  	v7 =	vld [tilespmem:s0+$0xC800];
	[tilespmem:s29+$0x15030] =	vst v3  }
0x336: {  	v3 =	vld [tilespmem:s2+$0xC800]  }
0x337: {  	v0 =	vbroadcast v0, $0xF  }
0x338: {  	v2 =	vbroadcast v2, $0xF  }
0x339: {  	v5 =	vbroadcast v5, $0xF;
	v6 =	vmul.f32 v6, v0  }
0x33a: {  	v7 =	vmul.f32 v7, v2  }
0x33b: {  	[tilespmem:s28+$0x15080] =	vst v6;
	v3 =	vmul.f32 v3, v5  }
0x33c: {  	[tilespmem:s29+$0x15880] =	vst v7;
	v6 =	vld [tilespmem:s24+$0xC810]  }
0x33d: {  	v7 =	vld [tilespmem:s0+$0xC810];
	[tilespmem:s29+$0x15080] =	vst v3  }
0x33e: {  	v3 =	vld [tilespmem:s2+$0xC810];
	_ =	sdelay $0x1  }
0x33f: {  	v4 =	vmul.f32 v4, v1  }
0x340: {  	v6 =	vmul.f32 v6, v0  }
0x341: {  	[tilespmem:s28+$0x15890] =	vst v4;
	v4 =	vmul.f32 v7, v2  }
0x342: {  	v7 =	vld [tilespmem:s26+$0xC820];
	[tilespmem:s28+$0x15090] =	vst v6;
	v3 =	vmul.f32 v3, v5  }
0x343: {  	[tilespmem:s29+$0x15890] =	vst v4;
	v6 =	vld [tilespmem:s24+$0xC820]  }
0x344: {  	v4 =	vld [tilespmem:s0+$0xC820];
	[tilespmem:s29+$0x15090] =	vst v3  }
0x345: {  	v3 =	vld [tilespmem:s2+$0xC820];
	_ =	sdelay $0x1  }
0x346: {  	v7 =	vmul.f32 v7, v1  }
0x347: {  	v6 =	vmul.f32 v6, v0  }
0x348: {  	[tilespmem:s28+$0x158A0] =	vst v7;
	v4 =	vmul.f32 v4, v2  }
0x349: {  	v7 =	vld [tilespmem:s26+$0xC830];
	[tilespmem:s28+$0x150A0] =	vst v6;
	v3 =	vmul.f32 v3, v5  }
0x34a: {  	[tilespmem:s29+$0x158A0] =	vst v4;
	v6 =	vld [tilespmem:s24+$0xC830]  }
0x34b: {  	v4 =	vld [tilespmem:s0+$0xC830];
	[tilespmem:s29+$0x150A0] =	vst v3  }
0x34c: {  	v3 =	vld [tilespmem:s2+$0xC830];
	_ =	sdelay $0x1  }
0x34d: {  	v1 =	vmul.f32 v7, v1  }
0x34e: {  	v0 =	vmul.f32 v6, v0  }
0x34f: {  	[tilespmem:s28+$0x158B0] =	vst v1;
	v1 =	vmul.f32 v4, v2  }
0x350: {  	s3 =	sld [smem:$0x7F5];
	[tilespmem:s28+$0x150B0] =	vst v0;
	v0 =	vmul.f32 v3, v5  }
0x351: {  	s10 =	sld [smem:$0x7FC];
	[tilespmem:s29+$0x158B0] =	vst v1  }
0x352: {  	[tilespmem:s29+$0x150B0] =	vst v0  }
0x353: {  	s9 =	sshll.u32 s3, $0xF;
	s11 =	sld [smem:$0x7F9]  }
0x354: {  	s0 =	sadd.s32 s10, s9  }
0x355: {  	s12 =	simm.s32 $0x0;
	s13 =	simm.s32 $0x14900;
	s0 =	sshrl.u32 s0, $0x3  }
0x356: {  	p1 =	seq.s32 s3, $0x63;
	s4 =	sld [smem:$0x7F8];
	s0 =	sadd.s32 s11, s0  }
0x357: {  	[hbm4b:s0+s12] =	stream.linear.scatter [tilespmem:s13], [sflag:$0x3], $0x4000, $0x38;
	[tilespmem:$0x1C900] =	vst v63  }
0x358: {  	s15 =	simm.s32 $0x2;
	s2 =	simm.s32 @!p1 $0x80;
	s0 =	sshll.u32 @!p1 s3, $0x8  }
0x359: {  	s14 =	sld [smem:$0x7F6];
	s3 =	simm.s32 @!p1 $0xC800;
	s1 =	sadd.s32 @!p1 $0x100, s0  }
0x35a: {  	[tilespmem:s3], [sflag:$0x1] =	stream.indirect.gather @!p1 [hbm4b:s4+s2], $0x80, s1, s2, $0xb8;
	[tilespmem:$0x1C900] =	vst v63  }
0x35b: {  	s0 =	sadd.s32 @!p1 $0x6500, s0;
	s1 =	simm.s32 @!p1 $0x14800;
	s3 =	rddreg [dreg:$0x1]  }
0x35c: {  	[tilespmem:s1], [sflag:$0x1] =	stream.indirect.gather @!p1 [hbm4b:s3+s2], $0x1, s0, s2, $0xb8;
	[tilespmem:$0x1C900] =	vst v63  }
0x35d: {  	s0 =	sor.u32 $0x1, s14;
	_ =	swait.ge [sflag:s15], $0x4000  }
0x35e: {  	[sflag:s15] =	ssyncset.done $0x0;
	[smem:$0x7F1] =	sst s0;
	s0 =	sshll.u32 s0, $0x7  }
0x35f: {  	[sflag:s15] =	ssyncadd.s32 $0xFFFFC000;
	s0 =	sand.u32 $0x3FFFFF80, s0  }
0x360: {  	_ =	swait.ge [sflag:s15], $0x80;
	s0 =	sadd.s32 $0x6400, s0  }
0x361: {  	[sflag:s15] =	ssyncset.done $0x0;
	v6 =	vmov s0  }
0x362: {  	s0 =	simm.s32 @!p0 $0x4;
	[sflag:s15] =	ssyncadd.s32 $0xFFFFFF80  }
0x363: {  	_ =	swait.ge @!p0 [sflag:s0], $0x4000  }
0x364: {  	s16 =	simm.s32 $0x0;
	[sflag:s0] =	ssyncset.done @!p0 $0x0  }
0x365: {  	s17 =	sor.u32 $0x10, s16;
	[sflag:s0] =	ssyncadd.s32 @!p0 $0xFFFFC000  }
0x366: {  	v0 =	vld.idx.msk [tilespmem:v6+s17+$0x0 ss:$0x1], $0xffff;
	_ =	sdelay $0x4  }
0x367: {  	v0 =	vshll.u32 v0, $0x6  }
0x368: {  	v2 =	vand.u32 $0x40, v0  }
0x369: {  	(v2sf) =	vpush v2, $0x0;
	_ =	sdelay $0xe  }
0x36a: {  	s0 =	sshll.u32 s17, $0x7;
	v0 =	vld [tilespmem:s16+$0x14890];
	s18 =	spop (v2sf)  }
0x36b: {  	s2 =	sor.u32 s18, s0  }
0x36c: {  	v1 =	vld [tilespmem:s2+$0x10800];
	_ =	sdelay $0x2  }
0x36d: {  	v3 =	vbroadcast v0, $0x0;
	_ =	sdelay $0x1  }
0x36e: {  	v4 =	vld.idx.msk [tilespmem:v6+s16+$0x0 ss:$0x1], $0xffff;
	v1 =	vmul.f32 v3, v1;
	_ =	sdelay $0x1  }
0x36f: {  	s2 =	sadd.s32 $0x10800, s2;
	[tilespmem:s0+$0x18900] =	vst v1  }
0x370: {  	v1 =	vld [tilespmem:s2+$0x10];
	_ =	sdelay $0x1  }
0x371: {  	v4 =	vshll.u32 v4, $0x6  }
0x372: {  	v4 =	vand.u32 $0x40, v4  }
0x373: {  	(v2sf) =	vpush v4, $0x1  }
0x374: {  	(v2sf) =	vpush v4, $0x0;
	v1 =	vmul.f32 v1, v3;
	_ =	sdelay $0x1  }
0x375: {  	(v2sf) =	vpush v2, $0x1;
	[tilespmem:s0+$0x18910] =	vst v1  }
0x376: {  	v1 =	vld [tilespmem:s2+$0x20];
	_ =	sdelay $0x4  }
0x377: {  	v1 =	vmul.f32 v1, v3;
	_ =	sdelay $0x1  }
0x378: {  	[tilespmem:s0+$0x18920] =	vst v1  }
0x379: {  	v5 =	vld [tilespmem:s2+$0x30];
	_ =	sdelay $0x2  }
0x37a: {  	s19 =	spop (v2sf)  }
0x37b: {  	s29 =	simm.s32 $0x0;
	s20 =	spop (v2sf);
	v1 =	vld [tilespmem:s16+$0x14880]  }
0x37c: {  	s21 =	sor.u32 s20, s29;
	v3 =	vmul.f32 v5, v3  }
0x37d: {  	s22 =	spop (v2sf);
	v5 =	vld [tilespmem:s21+$0x10800]  }
0x37e: {  	s23 =	sor.u32 s22, s29;
	[tilespmem:s0+$0x18930] =	vst v3  }
0x37f: {  	v3 =	vld [tilespmem:s23+$0x11080]  }
0x380: {  	v4 =	vor.u32 s29, v4;
	v7 =	vbroadcast v1, $0x0  }
0x381: {  	(v2sf) =	vpush v4, $0x2  }
0x382: {  	v8 =	vbroadcast v0, $0x1;
	(v2sf) =	vpush v4, $0x3;
	v5 =	vmul.f32 v7, v5  }
0x383: {  	(v2sf) =	vpush v4, $0x4  }
0x384: {  	s1 =	sadd.s32 $0x10800, s21;
	(v2sf) =	vpush v4, $0x5;
	[tilespmem:s29+$0x18900] =	vst v5;
	v3 =	vmul.f32 v3, v8  }
0x385: {  	(v2sf) =	vpush v4, $0x6;
	v5 =	vld [tilespmem:s1+$0x10]  }
0x386: {  	s9 =	sadd.s32 $0x11080, s23;
	(v2sf) =	vpush v4, $0x7;
	[tilespmem:s29+$0x19180] =	vst v3  }
0x387: {  	(v2sf) =	vpush v4, $0x8;
	v3 =	vld [tilespmem:s9+$0x10]  }
0x388: {  	(v2sf) =	vpush v4, $0x9  }
0x389: {  	(v2sf) =	vpush v4, $0xA  }
0x38a: {  	(v2sf) =	vpush v4, $0xB;
	v5 =	vmul.f32 v5, v7  }
0x38b: {  	(v2sf) =	vpush v4, $0xC  }
0x38c: {  	(v2sf) =	vpush v4, $0xD;
	[tilespmem:s29+$0x18910] =	vst v5;
	v3 =	vmul.f32 v3, v8  }
0x38d: {  	(v2sf) =	vpush v4, $0xE;
	v5 =	vld [tilespmem:s1+$0x20]  }
0x38e: {  	(v2sf) =	vpush v4, $0xF;
	v4 =	vor.u32 s29, v2;
	[tilespmem:s29+$0x19190] =	vst v3  }
0x38f: {  	(v2sf) =	vpush v4, $0x2;
	v2 =	vld [tilespmem:s9+$0x20]  }
0x390: {  	s24 =	spop (v2sf)  }
0x391: {  	s7 =	spop (v2sf)  }
0x392: {  	s25 =	spop (v2sf);
	v3 =	vmul.f32 v5, v7  }
0x393: {  	s26 =	spop (v2sf)  }
0x394: {  	s4 =	spop (v2sf);
	[tilespmem:s29+$0x18920] =	vst v3;
	v2 =	vmul.f32 v2, v8  }
0x395: {  	s5 =	spop (v2sf);
	v3 =	vld [tilespmem:s1+$0x30]  }
0x396: {  	s3 =	spop (v2sf);
	[tilespmem:s29+$0x191A0] =	vst v2  }
0x397: {  	s2 =	spop (v2sf);
	v2 =	vld [tilespmem:s9+$0x30]  }
0x398: {  	s1 =	spop (v2sf)  }
0x399: {  	s13 =	spop (v2sf)  }
0x39a: {  	s15 =	spop (v2sf);
	v3 =	vmul.f32 v3, v7  }
0x39b: {  	s14 =	spop (v2sf)  }
0x39c: {  	s8 =	sor.u32 s19, s29;
	s17 =	spop (v2sf);
	[tilespmem:s29+$0x18930] =	vst v3;
	v2 =	vmul.f32 v2, v8  }
0x39d: {  	s31 =	spop (v2sf);
	v3 =	vld [tilespmem:s8+$0x10880]  }
0x39e: {  	s11 =	spop (v2sf);
	[tilespmem:s29+$0x191B0] =	vst v2  }
0x39f: {  	v2 =	vld [tilespmem:s11+$0x11100]  }
0x3a0: {  	v5 =	vbroadcast v1, $0x1;
	_ =	sdelay $0x1  }
0x3a1: {  	v7 =	vbroadcast v0, $0x2;
	v3 =	vmul.f32 v3, v5;
	_ =	sdelay $0x1  }
0x3a2: {  	s8 =	sadd.s32 $0x10880, s8;
	[tilespmem:s29+$0x18980] =	vst v3;
	v2 =	vmul.f32 v2, v7  }
0x3a3: {  	v3 =	vld [tilespmem:s8+$0x10]  }
0x3a4: {  	s9 =	sadd.s32 $0x11100, s11;
	[tilespmem:s29+$0x19200] =	vst v2  }
0x3a5: {  	v2 =	vld [tilespmem:s9+$0x10];
	_ =	sdelay $0x2  }
0x3a6: {  	v3 =	vmul.f32 v3, v5;
	_ =	sdelay $0x1  }
0x3a7: {  	[tilespmem:s29+$0x18990] =	vst v3;
	v2 =	vmul.f32 v2, v7  }
0x3a8: {  	v3 =	vld [tilespmem:s8+$0x20]  }
0x3a9: {  	[tilespmem:s29+$0x19210] =	vst v2  }
0x3aa: {  	(v2sf) =	vpush v4, $0x3;
	v2 =	vld [tilespmem:s9+$0x20];
	_ =	sdelay $0x2  }
0x3ab: {  	v3 =	vmul.f32 v3, v5;
	_ =	sdelay $0x1  }
0x3ac: {  	[tilespmem:s29+$0x189A0] =	vst v3;
	v2 =	vmul.f32 v2, v7  }
0x3ad: {  	v3 =	vld [tilespmem:s8+$0x30]  }
0x3ae: {  	[tilespmem:s29+$0x19220] =	vst v2  }
0x3af: {  	v2 =	vld [tilespmem:s9+$0x30];
	_ =	sdelay $0x2  }
0x3b0: {  	v3 =	vmul.f32 v3, v5;
	_ =	sdelay $0x1  }
0x3b1: {  	[tilespmem:s29+$0x189B0] =	vst v3;
	v2 =	vmul.f32 v2, v7  }
0x3b2: {  	v3 =	vld [tilespmem:s24+$0x10900]  }
0x3b3: {  	s12 =	spop (v2sf);
	[tilespmem:s29+$0x19230] =	vst v2  }
0x3b4: {  	v2 =	vld [tilespmem:s12+$0x11180]  }
0x3b5: {  	v5 =	vbroadcast v1, $0x2;
	_ =	sdelay $0x1  }
0x3b6: {  	v7 =	vbroadcast v0, $0x3;
	v3 =	vmul.f32 v3, v5;
	_ =	sdelay $0x1  }
0x3b7: {  	s16 =	sadd.s32 $0x10900, s24;
	[tilespmem:s29+$0x18A00] =	vst v3;
	v2 =	vmul.f32 v2, v7  }
0x3b8: {  	v3 =	vld [tilespmem:s16+$0x10]  }
0x3b9: {  	s8 =	sadd.s32 $0x11180, s12;
	[tilespmem:s29+$0x19280] =	vst v2  }
0x3ba: {  	v2 =	vld [tilespmem:s8+$0x10];
	_ =	sdelay $0x2  }
0x3bb: {  	v3 =	vmul.f32 v3, v5;
	_ =	sdelay $0x1  }
0x3bc: {  	[tilespmem:s29+$0x18A10] =	vst v3;
	v2 =	vmul.f32 v2, v7  }
0x3bd: {  	v3 =	vld [tilespmem:s16+$0x20]  }
0x3be: {  	[tilespmem:s29+$0x19290] =	vst v2  }
0x3bf: {  	(v2sf) =	vpush v4, $0x4;
	v2 =	vld [tilespmem:s8+$0x20];
	_ =	sdelay $0x2  }
0x3c0: {  	v3 =	vmul.f32 v3, v5;
	_ =	sdelay $0x1  }
0x3c1: {  	[tilespmem:s29+$0x18A20] =	vst v3;
	v2 =	vmul.f32 v2, v7  }
0x3c2: {  	v3 =	vld [tilespmem:s16+$0x30]  }
0x3c3: {  	[tilespmem:s29+$0x192A0] =	vst v2  }
0x3c4: {  	v2 =	vld [tilespmem:s8+$0x30];
	_ =	sdelay $0x2  }
0x3c5: {  	v3 =	vmul.f32 v3, v5;
	_ =	sdelay $0x1  }
0x3c6: {  	[tilespmem:s29+$0x18A30] =	vst v3;
	v2 =	vmul.f32 v2, v7  }
0x3c7: {  	v3 =	vld [tilespmem:s7+$0x10980]  }
0x3c8: {  	s18 =	spop (v2sf);
	[tilespmem:s29+$0x192B0] =	vst v2  }
0x3c9: {  	v2 =	vld [tilespmem:s18+$0x11200]  }
0x3ca: {  	v5 =	vbroadcast v1, $0x3;
	_ =	sdelay $0x1  }
0x3cb: {  	v7 =	vbroadcast v0, $0x4;
	v3 =	vmul.f32 v3, v5;
	_ =	sdelay $0x1  }
0x3cc: {  	s7 =	sadd.s32 $0x10980, s7;
	[tilespmem:s29+$0x18A80] =	vst v3;
	v2 =	vmul.f32 v2, v7  }
0x3cd: {  	v3 =	vld [tilespmem:s7+$0x10]  }
0x3ce: {  	s8 =	sadd.s32 $0x11200, s18;
	[tilespmem:s29+$0x19300] =	vst v2  }
0x3cf: {  	v2 =	vld [tilespmem:s8+$0x10];
	_ =	sdelay $0x2  }
0x3d0: {  	v3 =	vmul.f32 v3, v5;
	_ =	sdelay $0x1  }
0x3d1: {  	[tilespmem:s29+$0x18A90] =	vst v3;
	v2 =	vmul.f32 v2, v7  }
0x3d2: {  	v3 =	vld [tilespmem:s7+$0x20]  }
0x3d3: {  	[tilespmem:s29+$0x19310] =	vst v2  }
0x3d4: {  	(v2sf) =	vpush v4, $0x5;
	v2 =	vld [tilespmem:s8+$0x20];
	_ =	sdelay $0x2  }
0x3d5: {  	v3 =	vmul.f32 v3, v5;
	_ =	sdelay $0x1  }
0x3d6: {  	[tilespmem:s29+$0x18AA0] =	vst v3;
	v2 =	vmul.f32 v2, v7  }
0x3d7: {  	v3 =	vld [tilespmem:s7+$0x30]  }
0x3d8: {  	[tilespmem:s29+$0x19320] =	vst v2  }
0x3d9: {  	v2 =	vld [tilespmem:s8+$0x30];
	_ =	sdelay $0x2  }
0x3da: {  	v3 =	vmul.f32 v3, v5;
	_ =	sdelay $0x1  }
0x3db: {  	[tilespmem:s29+$0x18AB0] =	vst v3;
	v2 =	vmul.f32 v2, v7  }
0x3dc: {  	v3 =	vld [tilespmem:s25+$0x10A00]  }
0x3dd: {  	s19 =	spop (v2sf);
	[tilespmem:s29+$0x19330] =	vst v2  }
0x3de: {  	v2 =	vld [tilespmem:s19+$0x11280]  }
0x3df: {  	v5 =	vbroadcast v1, $0x4;
	_ =	sdelay $0x1  }
0x3e0: {  	v7 =	vbroadcast v0, $0x5;
	v3 =	vmul.f32 v3, v5;
	_ =	sdelay $0x1  }
0x3e1: {  	s20 =	sadd.s32 $0x10A00, s25;
	s21 =	simm.s32 $0x20;
	[tilespmem:s29+$0x18B00] =	vst v3;
	v2 =	vmul.f32 v2, v7  }
0x3e2: {  	s22 =	sor.u32 $0x10, s21;
	v3 =	vld [tilespmem:s20+$0x10]  }
0x3e3: {  	v8 =	vld.idx.msk [tilespmem:v6+s22+$0x0 ss:$0x1], $0xffff;
	s7 =	sadd.s32 $0x11280, s19;
	[tilespmem:s29+$0x19380] =	vst v2  }
0x3e4: {  	v2 =	vld [tilespmem:s7+$0x10];
	_ =	sdelay $0x2  }
0x3e5: {  	v3 =	vmul.f32 v3, v5  }
0x3e6: {  	v8 =	vshll.u32 v8, $0x6  }
0x3e7: {  	v8 =	vand.u32 $0x40, v8;
	[tilespmem:s29+$0x18B10] =	vst v3;
	v2 =	vmul.f32 v2, v7  }
0x3e8: {  	(v2sf) =	vpush v8, $0x0;
	v3 =	vld [tilespmem:s20+$0x20]  }
0x3e9: {  	[tilespmem:s29+$0x19390] =	vst v2  }
0x3ea: {  	(v2sf) =	vpush v4, $0x6;
	v2 =	vld [tilespmem:s7+$0x20];
	_ =	sdelay $0x2  }
0x3eb: {  	v3 =	vmul.f32 v3, v5;
	_ =	sdelay $0x1  }
0x3ec: {  	[tilespmem:s29+$0x18B20] =	vst v3;
	v2 =	vmul.f32 v2, v7  }
0x3ed: {  	v3 =	vld [tilespmem:s20+$0x30]  }
0x3ee: {  	[tilespmem:s29+$0x193A0] =	vst v2  }
0x3ef: {  	v9 =	vld [tilespmem:s7+$0x30];
	_ =	sdelay $0x2  }
0x3f0: {  	v3 =	vmul.f32 v3, v5;
	_ =	sdelay $0x1  }
0x3f1: {  	s23 =	sshll.u32 s22, $0x7;
	s24 =	spop (v2sf);
	v2 =	vld [tilespmem:s21+$0x14890];
	[tilespmem:s29+$0x18B30] =	vst v3;
	v5 =	vmul.f32 v9, v7  }
0x3f2: {  	s8 =	sor.u32 s24, s23;
	v3 =	vld [tilespmem:s26+$0x10A80]  }
0x3f3: {  	s25 =	spop (v2sf);
	v7 =	vld [tilespmem:s8+$0x10800];
	[tilespmem:s29+$0x193B0] =	vst v5  }
0x3f4: {  	v5 =	vld [tilespmem:s25+$0x11300]  }
0x3f5: {  	v9 =	vbroadcast v1, $0x5  }
0x3f6: {  	v10 =	vbroadcast v2, $0x0  }
0x3f7: {  	v11 =	vbroadcast v0, $0x6;
	v3 =	vmul.f32 v3, v9  }
0x3f8: {  	v12 =	vld.idx.msk [tilespmem:v6+s21+$0x0 ss:$0x1], $0xffff;
	v7 =	vmul.f32 v10, v7  }
0x3f9: {  	s0 =	sadd.s32 $0x10A80, s26;
	[tilespmem:s29+$0x18B80] =	vst v3;
	v5 =	vmul.f32 v5, v11  }
0x3fa: {  	s8 =	sadd.s32 $0x10800, s8;
	[tilespmem:s23+$0x18900] =	vst v7;
	v3 =	vld [tilespmem:s0+$0x10]  }
0x3fb: {  	s9 =	sadd.s32 $0x11300, s25;
	v7 =	vld [tilespmem:s8+$0x10];
	[tilespmem:s29+$0x19400] =	vst v5  }
0x3fc: {  	v5 =	vld [tilespmem:s9+$0x10]  }
0x3fd: {  	v12 =	vshll.u32 v12, $0x6  }
0x3fe: {  	v12 =	vand.u32 $0x40, v12  }
0x3ff: {  	(v2sf) =	vpush v12, $0x1;
	v3 =	vmul.f32 v3, v9  }
0x400: {  	(v2sf) =	vpush v12, $0x0;
	v7 =	vmul.f32 v7, v10  }
0x401: {  	[tilespmem:s29+$0x18B90] =	vst v3;
	v5 =	vmul.f32 v5, v11  }
0x402: {  	(v2sf) =	vpush v8, $0x1;
	[tilespmem:s23+$0x18910] =	vst v7;
	v3 =	vld [tilespmem:s0+$0x20]  }
0x403: {  	v7 =	vld [tilespmem:s8+$0x20];
	[tilespmem:s29+$0x19410] =	vst v5  }
0x404: {  	(v2sf) =	vpush v4, $0x7;
	v5 =	vld [tilespmem:s9+$0x20];
	_ =	sdelay $0x2  }
0x405: {  	v3 =	vmul.f32 v3, v9  }
0x406: {  	v7 =	vmul.f32 v7, v10  }
0x407: {  	[tilespmem:s29+$0x18BA0] =	vst v3;
	v5 =	vmul.f32 v5, v11  }
0x408: {  	[tilespmem:s23+$0x18920] =	vst v7;
	v7 =	vld [tilespmem:s0+$0x30]  }
0x409: {  	v13 =	vld [tilespmem:s8+$0x30];
	[tilespmem:s29+$0x19420] =	vst v5  }
0x40a: {  	v5 =	vld [tilespmem:s9+$0x30];
	_ =	sdelay $0x1  }
0x40b: {  	s26 =	spop (v2sf)  }
0x40c: {  	s12 =	spop (v2sf);
	v3 =	vld [tilespmem:s21+$0x14880];
	s0 =	simm.s32 $0x1000;
	v7 =	vmul.f32 v7, v9  }
0x40d: {  	s16 =	sor.u32 s12, s0;
	v9 =	vmul.f32 v13, v10  }
0x40e: {  	s18 =	spop (v2sf);
	v10 =	vld [tilespmem:s16+$0x10800];
	[tilespmem:s29+$0x18BB0] =	vst v7;
	v5 =	vmul.f32 v5, v11  }
0x40f: {  	s19 =	sor.u32 s18, s0;
	[tilespmem:s23+$0x18930] =	vst v9;
	v7 =	vld [tilespmem:s4+$0x10B00]  }
0x410: {  	s20 =	spop (v2sf);
	v9 =	vld [tilespmem:s19+$0x11080];
	[tilespmem:s29+$0x19430] =	vst v5  }
0x411: {  	v5 =	vor.u32 s0, v12;
	v12 =	vbroadcast v3, $0x0;
	v11 =	vld [tilespmem:s20+$0x11380]  }
0x412: {  	v13 =	vbroadcast v1, $0x6;
	(v2sf) =	vpush v5, $0x2  }
0x413: {  	v14 =	vbroadcast v2, $0x1;
	(v2sf) =	vpush v5, $0x3;
	v10 =	vmul.f32 v12, v10  }
0x414: {  	v15 =	vbroadcast v0, $0x7;
	(v2sf) =	vpush v5, $0x4;
	v7 =	vmul.f32 v7, v13  }
0x415: {  	s21 =	sadd.s32 $0x10800, s16;
	v9 =	vmul.f32 v9, v14;
	(v2sf) =	vpush v5, $0x5;
	[tilespmem:s0+$0x18900] =	vst v10  }
0x416: {  	s22 =	sadd.s32 $0x10B00, s4;
	(v2sf) =	vpush v5, $0x6;
	[tilespmem:s29+$0x18C00] =	vst v7;
	v10 =	vmul.f32 v11, v15;
	v11 =	vld [tilespmem:s21+$0x10]  }
0x417: {  	s12 =	sadd.s32 $0x11080, s19;
	[tilespmem:s0+$0x19180] =	vst v9;
	(v2sf) =	vpush v5, $0x7;
	v7 =	vld [tilespmem:s22+$0x10]  }
0x418: {  	s9 =	sadd.s32 $0x11380, s20;
	v9 =	vld [tilespmem:s12+$0x10];
	(v2sf) =	vpush v5, $0x8;
	[tilespmem:s29+$0x19480] =	vst v10  }
0x419: {  	(v2sf) =	vpush v5, $0x9;
	v10 =	vld [tilespmem:s9+$0x10]  }
0x41a: {  	(v2sf) =	vpush v5, $0xA  }
0x41b: {  	(v2sf) =	vpush v5, $0xB;
	v11 =	vmul.f32 v11, v12  }
0x41c: {  	(v2sf) =	vpush v5, $0xC;
	v7 =	vmul.f32 v7, v13  }
0x41d: {  	v9 =	vmul.f32 v9, v14;
	(v2sf) =	vpush v5, $0xD;
	[tilespmem:s0+$0x18910] =	vst v11  }
0x41e: {  	(v2sf) =	vpush v5, $0xE;
	[tilespmem:s29+$0x18C10] =	vst v7;
	v10 =	vmul.f32 v10, v15;
	v11 =	vld [tilespmem:s21+$0x20]  }
0x41f: {  	[tilespmem:s0+$0x19190] =	vst v9;
	(v2sf) =	vpush v5, $0xF;
	v5 =	vor.u32 s0, v8;
	v7 =	vld [tilespmem:s22+$0x20]  }
0x420: {  	v8 =	vld [tilespmem:s12+$0x20];
	(v2sf) =	vpush v5, $0x2;
	[tilespmem:s29+$0x19490] =	vst v10  }
0x421: {  	s7 =	spop (v2sf);
	(v2sf) =	vpush v4, $0x8;
	v9 =	vld [tilespmem:s9+$0x20]  }
0x422: {  	s4 =	spop (v2sf)  }
0x423: {  	s6 =	spop (v2sf);
	v10 =	vmul.f32 v11, v12  }
0x424: {  	s18 =	spop (v2sf);
	v7 =	vmul.f32 v7, v13  }
0x425: {  	v8 =	vmul.f32 v8, v14;
	s28 =	spop (v2sf);
	[tilespmem:s0+$0x18920] =	vst v10  }
0x426: {  	s24 =	spop (v2sf);
	[tilespmem:s29+$0x18C20] =	vst v7;
	v9 =	vmul.f32 v9, v15;
	v10 =	vld [tilespmem:s21+$0x30]  }
0x427: {  	[tilespmem:s0+$0x191A0] =	vst v8;
	s19 =	spop (v2sf);
	v7 =	vld [tilespmem:s22+$0x30]  }
0x428: {  	v8 =	vld [tilespmem:s12+$0x30];
	s20 =	spop (v2sf);
	[tilespmem:s29+$0x194A0] =	vst v9  }
0x429: {  	s16 =	spop (v2sf);
	v9 =	vld [tilespmem:s9+$0x30]  }
0x42a: {  	s25 =	spop (v2sf)  }
0x42b: {  	s12 =	spop (v2sf);
	v10 =	vmul.f32 v10, v12  }
0x42c: {  	s11 =	spop (v2sf);
	v7 =	vmul.f32 v7, v13  }
0x42d: {  	s8 =	sor.u32 s26, s0;
	v8 =	vmul.f32 v8, v14;
	s22 =	spop (v2sf);
	[tilespmem:s0+$0x18930] =	vst v10  }
0x42e: {  	[tilespmem:s29+$0x18C30] =	vst v7;
	s21 =	spop (v2sf);
	v9 =	vmul.f32 v9, v15;
	v10 =	vld [tilespmem:s8+$0x10880]  }
0x42f: {  	[tilespmem:s0+$0x191B0] =	vst v8;
	v7 =	vld [tilespmem:s5+$0x10B80];
	s23 =	spop (v2sf)  }
0x430: {  	v8 =	vld [tilespmem:s23+$0x11100];
	s26 =	spop (v2sf);
	[tilespmem:s29+$0x194B0] =	vst v9  }
0x431: {  	v11 =	vbroadcast v3, $0x1;
	v9 =	vld [tilespmem:s26+$0x11400]  }
0x432: {  	v12 =	vbroadcast v1, $0x7  }
0x433: {  	v13 =	vbroadcast v2, $0x2;
	v10 =	vmul.f32 v10, v11  }
0x434: {  	v14 =	vbroadcast v0, $0x8;
	v7 =	vmul.f32 v7, v12  }
0x435: {  	s8 =	sadd.s32 $0x10880, s8;
	v8 =	vmul.f32 v8, v13;
	[tilespmem:s0+$0x18980] =	vst v10  }
0x436: {  	s5 =	sadd.s32 $0x10B80, s5;
	[tilespmem:s29+$0x18C80] =	vst v7;
	v9 =	vmul.f32 v9, v14;
	v10 =	vld [tilespmem:s8+$0x10]  }
0x437: {  	s9 =	sadd.s32 $0x11100, s23;
	[tilespmem:s0+$0x19200] =	vst v8;
	v7 =	vld [tilespmem:s5+$0x10]  }
0x438: {  	s10 =	sadd.s32 $0x11400, s26;
	v8 =	vld [tilespmem:s9+$0x10];
	[tilespmem:s29+$0x19500] =	vst v9  }
0x439: {  	v9 =	vld [tilespmem:s10+$0x10];
	_ =	sdelay $0x1  }
0x43a: {  	v10 =	vmul.f32 v10, v11  }
0x43b: {  	v7 =	vmul.f32 v7, v12  }
0x43c: {  	v8 =	vmul.f32 v8, v13;
	[tilespmem:s0+$0x18990] =	vst v10  }
0x43d: {  	[tilespmem:s29+$0x18C90] =	vst v7;
	v9 =	vmul.f32 v9, v14;
	v10 =	vld [tilespmem:s8+$0x20]  }
0x43e: {  	[tilespmem:s0+$0x19210] =	vst v8;
	v7 =	vld [tilespmem:s5+$0x20]  }
0x43f: {  	(v2sf) =	vpush v5, $0x3;
	v8 =	vld [tilespmem:s9+$0x20];
	[tilespmem:s29+$0x19510] =	vst v9  }
0x440: {  	(v2sf) =	vpush v4, $0x9;
	v9 =	vld [tilespmem:s10+$0x20];
	_ =	sdelay $0x1  }
0x441: {  	v10 =	vmul.f32 v10, v11  }
0x442: {  	v7 =	vmul.f32 v7, v12  }
0x443: {  	v8 =	vmul.f32 v8, v13;
	[tilespmem:s0+$0x189A0] =	vst v10  }
0x444: {  	[tilespmem:s29+$0x18CA0] =	vst v7;
	v10 =	vld [tilespmem:s8+$0x30];
	v9 =	vmul.f32 v9, v14  }
0x445: {  	v7 =	vld [tilespmem:s5+$0x30];
	[tilespmem:s0+$0x19220] =	vst v8  }
0x446: {  	v8 =	vld [tilespmem:s9+$0x30];
	[tilespmem:s29+$0x19520] =	vst v9  }
0x447: {  	v9 =	vld [tilespmem:s10+$0x30];
	_ =	sdelay $0x1  }
0x448: {  	v10 =	vmul.f32 v10, v11  }
0x449: {  	v7 =	vmul.f32 v7, v12  }
0x44a: {  	v8 =	vmul.f32 v8, v13;
	[tilespmem:s0+$0x189B0] =	vst v10  }
0x44b: {  	[tilespmem:s29+$0x18CB0] =	vst v7;
	v9 =	vmul.f32 v9, v14;
	v10 =	vld [tilespmem:s7+$0x10900]  }
0x44c: {  	s23 =	spop (v2sf);
	[tilespmem:s0+$0x19230] =	vst v8;
	v7 =	vld [tilespmem:s3+$0x10C00]  }
0x44d: {  	s26 =	spop (v2sf);
	v8 =	vld [tilespmem:s23+$0x11180];
	[tilespmem:s29+$0x19530] =	vst v9  }
0x44e: {  	v11 =	vbroadcast v3, $0x2;
	v9 =	vld [tilespmem:s26+$0x11480]  }
0x44f: {  	v12 =	vbroadcast v1, $0x8  }
0x450: {  	v13 =	vbroadcast v2, $0x3;
	v10 =	vmul.f32 v10, v11  }
0x451: {  	v14 =	vbroadcast v0, $0x9;
	v7 =	vmul.f32 v7, v12  }
0x452: {  	s7 =	sadd.s32 $0x10900, s7;
	v8 =	vmul.f32 v8, v13;
	[tilespmem:s0+$0x18A00] =	vst v10  }
0x453: {  	s3 =	sadd.s32 $0x10C00, s3;
	[tilespmem:s29+$0x18D00] =	vst v7;
	v9 =	vmul.f32 v9, v14;
	v10 =	vld [tilespmem:s7+$0x10]  }
0x454: {  	s5 =	sadd.s32 $0x11180, s23;
	[tilespmem:s0+$0x19280] =	vst v8;
	v7 =	vld [tilespmem:s3+$0x10]  }
0x455: {  	s8 =	sadd.s32 $0x11480, s26;
	v8 =	vld [tilespmem:s5+$0x10];
	[tilespmem:s29+$0x19580] =	vst v9  }
0x456: {  	v9 =	vld [tilespmem:s8+$0x10];
	_ =	sdelay $0x1  }
0x457: {  	v10 =	vmul.f32 v10, v11  }
0x458: {  	v7 =	vmul.f32 v7, v12  }
0x459: {  	v8 =	vmul.f32 v8, v13;
	[tilespmem:s0+$0x18A10] =	vst v10  }
0x45a: {  	[tilespmem:s29+$0x18D10] =	vst v7;
	v9 =	vmul.f32 v9, v14;
	v10 =	vld [tilespmem:s7+$0x20]  }
0x45b: {  	[tilespmem:s0+$0x19290] =	vst v8;
	v7 =	vld [tilespmem:s3+$0x20]  }
0x45c: {  	(v2sf) =	vpush v5, $0x4;
	v8 =	vld [tilespmem:s5+$0x20];
	[tilespmem:s29+$0x19590] =	vst v9  }
0x45d: {  	(v2sf) =	vpush v4, $0xA;
	v9 =	vld [tilespmem:s8+$0x20];
	_ =	sdelay $0x1  }
0x45e: {  	v10 =	vmul.f32 v10, v11  }
0x45f: {  	v7 =	vmul.f32 v7, v12  }
0x460: {  	v8 =	vmul.f32 v8, v13;
	[tilespmem:s0+$0x18A20] =	vst v10  }
0x461: {  	[tilespmem:s29+$0x18D20] =	vst v7;
	v10 =	vld [tilespmem:s7+$0x30];
	v9 =	vmul.f32 v9, v14  }
0x462: {  	[tilespmem:s0+$0x192A0] =	vst v8;
	v7 =	vld [tilespmem:s3+$0x30]  }
0x463: {  	v8 =	vld [tilespmem:s5+$0x30];
	[tilespmem:s29+$0x195A0] =	vst v9  }
0x464: {  	v9 =	vld [tilespmem:s8+$0x30];
	_ =	sdelay $0x1  }
0x465: {  	v10 =	vmul.f32 v10, v11  }
0x466: {  	v7 =	vmul.f32 v7, v12  }
0x467: {  	v8 =	vmul.f32 v8, v13;
	[tilespmem:s0+$0x18A30] =	vst v10  }
0x468: {  	[tilespmem:s29+$0x18D30] =	vst v7;
	v9 =	vmul.f32 v9, v14;
	v10 =	vld [tilespmem:s4+$0x10980]  }
0x469: {  	s9 =	spop (v2sf);
	[tilespmem:s0+$0x192B0] =	vst v8;
	v7 =	vld [tilespmem:s2+$0x10C80]  }
0x46a: {  	s10 =	spop (v2sf);
	v8 =	vld [tilespmem:s9+$0x11200];
	[tilespmem:s29+$0x195B0] =	vst v9  }
0x46b: {  	v11 =	vbroadcast v3, $0x3;
	v9 =	vld [tilespmem:s10+$0x11500]  }
0x46c: {  	v12 =	vbroadcast v1, $0x9  }
0x46d: {  	v13 =	vbroadcast v2, $0x4;
	v10 =	vmul.f32 v10, v11  }
0x46e: {  	v14 =	vbroadcast v0, $0xA;
	v7 =	vmul.f32 v7, v12  }
0x46f: {  	s4 =	sadd.s32 $0x10980, s4;
	v8 =	vmul.f32 v8, v13;
	[tilespmem:s0+$0x18A80] =	vst v10  }
0x470: {  	s2 =	sadd.s32 $0x10C80, s2;
	[tilespmem:s29+$0x18D80] =	vst v7;
	v9 =	vmul.f32 v9, v14;
	v10 =	vld [tilespmem:s4+$0x10]  }
0x471: {  	s3 =	sadd.s32 $0x11200, s9;
	[tilespmem:s0+$0x19300] =	vst v8;
	v7 =	vld [tilespmem:s2+$0x10]  }
0x472: {  	s5 =	sadd.s32 $0x11500, s10;
	v8 =	vld [tilespmem:s3+$0x10];
	[tilespmem:s29+$0x19600] =	vst v9  }
0x473: {  	v9 =	vld [tilespmem:s5+$0x10];
	_ =	sdelay $0x1  }
0x474: {  	v10 =	vmul.f32 v10, v11  }
0x475: {  	v7 =	vmul.f32 v7, v12  }
0x476: {  	v8 =	vmul.f32 v8, v13;
	[tilespmem:s0+$0x18A90] =	vst v10  }
0x477: {  	[tilespmem:s29+$0x18D90] =	vst v7;
	v9 =	vmul.f32 v9, v14;
	v10 =	vld [tilespmem:s4+$0x20]  }
0x478: {  	[tilespmem:s0+$0x19310] =	vst v8;
	v7 =	vld [tilespmem:s2+$0x20]  }
0x479: {  	v8 =	vld [tilespmem:s3+$0x20];
	[tilespmem:s29+$0x19610] =	vst v9  }
0x47a: {  	v9 =	vld [tilespmem:s5+$0x20];
	_ =	sdelay $0x1  }
0x47b: {  	v10 =	vmul.f32 v10, v11  }
0x47c: {  	v7 =	vmul.f32 v7, v12  }
0x47d: {  	v8 =	vmul.f32 v8, v13;
	[tilespmem:s0+$0x18AA0] =	vst v10  }
0x47e: {  	[tilespmem:s29+$0x18DA0] =	vst v7;
	v9 =	vmul.f32 v9, v14;
	v10 =	vld [tilespmem:s4+$0x30]  }
0x47f: {  	(v2sf) =	vpush v5, $0x5;
	[tilespmem:s0+$0x19320] =	vst v8;
	v7 =	vld [tilespmem:s2+$0x30]  }
0x480: {  	v8 =	vld [tilespmem:s3+$0x30];
	[tilespmem:s29+$0x19620] =	vst v9  }
0x481: {  	(v2sf) =	vpush v4, $0xB;
	v9 =	vld [tilespmem:s5+$0x30];
	[dreg:$0x3] =	wrdreg s14  }
0x482: {  	s5 =	smov.u32 s16;
	s16 =	sadd.s32 $0x10E00, s15;
	[dreg:$0xe] =	wrdreg s17  }
0x483: {  	s10 =	sadd.s32 $0x10F00, s17;
	s17 =	sadd.s32 $0x10F80, s31;
	[dreg:$0x5] =	wrdreg s16;
	v10 =	vmul.f32 v10, v11  }
0x484: {  	[dreg:$0xd] =	wrdreg s17  }
0x485: {  	s3 =	sadd.s32 $0x10A80, s18;
	[tilespmem:s0+$0x18AB0] =	vst v10  }
0x486: {  	s4 =	sadd.s32 $0x10B00, s28;
	v7 =	vmul.f32 v7, v12;
	[dreg:$0x11] =	wrdreg s3  }
0x487: {  	[dreg:$0xc] =	wrdreg s4  }
0x488: {  	[tilespmem:s29+$0x18DB0] =	vst v7  }
0x489: {  	s7 =	sadd.s32 $0x10B80, s24;
	v8 =	vmul.f32 v8, v13;
	v12 =	vld [tilespmem:s6+$0x10A00];
	[dreg:$0x7] =	wrdreg s24  }
0x48a: {  	[dreg:$0xb] =	wrdreg s7  }
0x48b: {  	s26 =	sadd.s32 $0x10E80, s14;
	s14 =	smov.u32 s19;
	s8 =	sadd.s32 $0x10D00, s5;
	[tilespmem:s0+$0x19330] =	vst v8  }
0x48c: {  	v10 =	vmul.f32 v9, v14;
	s4 =	sadd.s32 $0x10C00, s19;
	s19 =	sadd.s32 $0x10D80, s25;
	v9 =	vld [tilespmem:s1+$0x10D00];
	[dreg:$0x10] =	wrdreg s8  }
0x48d: {  	[dreg:$0xa] =	wrdreg s19  }
0x48e: {  	s7 =	spop (v2sf);
	s24 =	sadd.s32 $0x10E00, s12;
	[tilespmem:s29+$0x19630] =	vst v10  }
0x48f: {  	v11 =	vld [tilespmem:s7+$0x11280];
	[dreg:$0x6] =	wrdreg s24  }
0x490: {  	s2 =	spop (v2sf);
	[dreg:$0x4] =	wrdreg s11  }
0x491: {  	s30 =	smov.u32 s21;
	s23 =	sadd.s32 $0x10D00, s1;
	s9 =	sadd.s32 $0x10D80, s13;
	v8 =	vld [tilespmem:s2+$0x11580]  }
0x492: {  	s16 =	sadd.s32 $0x10A00, s6;
	s17 =	sadd.s32 $0x10C80, s20;
	s1 =	simm.s32 $0x40  }
0x493: {  	v7 =	vbroadcast v0, $0xB;
	s19 =	sadd.s32 $0x10F00, s22;
	s8 =	sadd.s32 $0x10F80, s21;
	v10 =	vbroadcast v2, $0x5;
	s24 =	sadd.s32 $0x10E80, s11  }
.LBB2_5:
0x494: {  	_ = 	snop  }
0x495: {  	v11 =	vmul.f32 v11, v10  }
0x496: {  	[smem:$0x7E5] =	sst s24;
	s24 =	sor.u32 $0x10, s1;
	v14 =	vbroadcast v3, $0x4;
	v8 =	vmul.f32 v8, v7  }
0x497: {  	s6 =	sadd.s32 $0x11280, s7;
	v13 =	vld.idx.msk [tilespmem:v6+s24+$0x0 ss:$0x1], $0xffff;
	[tilespmem:s0+$0x19380] =	vst v11;
	v11 =	vbroadcast v1, $0xA  }
0x498: {  	s2 =	sadd.s32 $0x11580, s2;
	v12 =	vmul.f32 v12, v14;
	v15 =	vld [tilespmem:s6+$0x10];
	[tilespmem:s29+$0x19680] =	vst v8  }
0x499: {  	v8 =	vmul.f32 v9, v11;
	v16 =	vld [tilespmem:s2+$0x10]  }
0x49a: {  	[tilespmem:s0+$0x18B00] =	vst v12  }
0x49b: {  	v12 =	vld [tilespmem:s16+$0x10];
	[tilespmem:s29+$0x18E00] =	vst v8  }
0x49c: {  	v8 =	vshll.u32 v13, $0x6;
	v13 =	vld [tilespmem:s23+$0x10]  }
0x49d: {  	v9 =	vand.u32 $0x40, v8;
	v8 =	vmul.f32 v15, v10  }
0x49e: {  	(v2sf) =	vpush v9, $0x0;
	v15 =	vmul.f32 v16, v7  }
0x49f: {  	[tilespmem:s0+$0x19390] =	vst v8  }
0x4a0: {  	(v2sf) =	vpush v5, $0x6;
	v8 =	vmul.f32 v12, v14;
	v12 =	vld [tilespmem:s6+$0x20];
	[tilespmem:s29+$0x19690] =	vst v15  }
0x4a1: {  	(v2sf) =	vpush v4, $0xC;
	v13 =	vmul.f32 v13, v11;
	v15 =	vld [tilespmem:s2+$0x20]  }
0x4a2: {  	[tilespmem:s0+$0x18B10] =	vst v8  }
0x4a3: {  	v8 =	vld [tilespmem:s16+$0x20];
	[tilespmem:s29+$0x18E10] =	vst v13  }
0x4a4: {  	v13 =	vld [tilespmem:s23+$0x20]  }
0x4a5: {  	v12 =	vmul.f32 v12, v10  }
0x4a6: {  	v15 =	vmul.f32 v15, v7  }
0x4a7: {  	[tilespmem:s0+$0x193A0] =	vst v12  }
0x4a8: {  	v8 =	vmul.f32 v8, v14;
	v12 =	vld [tilespmem:s6+$0x30];
	[tilespmem:s29+$0x196A0] =	vst v15  }
0x4a9: {  	v13 =	vmul.f32 v13, v11;
	v15 =	vld [tilespmem:s2+$0x30]  }
0x4aa: {  	[tilespmem:s0+$0x18B20] =	vst v8  }
0x4ab: {  	v60 =	vld [tilespmem:s16+$0x30];
	[tilespmem:s29+$0x18E20] =	vst v13  }
0x4ac: {  	v13 =	vld [tilespmem:s23+$0x30]  }
0x4ad: {  	v8 =	vld [tilespmem:s1+$0x14890];
	s2 =	sshll.u32 s24, $0x7;
	s11 =	spop (v2sf);
	v10 =	vmul.f32 v12, v10  }
0x4ae: {  	[dreg:$0x12] =	wrdreg s4;
	s4 =	sor.u32 s11, s2;
	v7 =	vmul.f32 v15, v7  }
0x4af: {  	s16 =	spop (v2sf);
	v12 =	vld [tilespmem:s4+$0x10800];
	[tilespmem:s0+$0x193B0] =	vst v10  }
0x4b0: {  	[smem:$0x7E9] =	sst s19;
	s19 =	spop (v2sf);
	v10 =	vmul.f32 v60, v14;
	v14 =	vld [tilespmem:s16+$0x11300];
	[tilespmem:s29+$0x196B0] =	vst v7  }
0x4b1: {  	v7 =	vmul.f32 v13, v11;
	v11 =	vld [tilespmem:s19+$0x11600]  }
0x4b2: {  	v15 =	vbroadcast v8, $0x0;
	v13 =	vld.idx.msk [tilespmem:v6+s1+$0x0 ss:$0x1], $0xffff;
	[tilespmem:s0+$0x18B30] =	vst v10  }
0x4b3: {  	v61 =	vbroadcast v2, $0x6;
	v10 =	vld [tilespmem:s18+$0x10A80];
	[tilespmem:s29+$0x18E30] =	vst v7  }
0x4b4: {  	v17 =	vbroadcast v0, $0xC;
	v7 =	vmul.f32 v15, v12;
	v12 =	vld [tilespmem:s13+$0x10D80]  }
0x4b5: {  	v14 =	vmul.f32 v14, v61  }
0x4b6: {  	v18 =	vbroadcast v3, $0x5;
	s4 =	sadd.s32 $0x10800, s4;
	[tilespmem:s2+$0x18900] =	vst v7;
	v7 =	vmul.f32 v11, v17  }
0x4b7: {  	s7 =	rddreg [dreg:$0x10];
	s6 =	sadd.s32 $0x11300, s16;
	v11 =	vld [tilespmem:s4+$0x10];
	[tilespmem:s0+$0x19400] =	vst v14;
	v14 =	vbroadcast v1, $0xB  }
0x4b8: {  	[dreg:$0x15] =	wrdreg s8;
	s8 =	smov.u32 s7;
	s7 =	sadd.s32 $0x11600, s19;
	v10 =	vmul.f32 v10, v18;
	v19 =	vld [tilespmem:s6+$0x10];
	[tilespmem:s29+$0x19700] =	vst v7  }
0x4b9: {  	v7 =	vmul.f32 v12, v14;
	v12 =	vld [tilespmem:s7+$0x10]  }
0x4ba: {  	s21 =	rddreg [dreg:$0x11];
	v13 =	vshll.u32 v13, $0x6;
	[tilespmem:s0+$0x18B80] =	vst v10  }
0x4bb: {  	v10 =	vand.u32 $0x40, v13;
	v13 =	vld [tilespmem:s21+$0x10];
	[tilespmem:s29+$0x18E80] =	vst v7  }
0x4bc: {  	(v2sf) =	vpush v10, $0x1;
	v7 =	vmul.f32 v11, v15;
	v11 =	vld [tilespmem:s9+$0x10]  }
0x4bd: {  	(v2sf) =	vpush v10, $0x0;
	v19 =	vmul.f32 v19, v61  }
0x4be: {  	(v2sf) =	vpush v9, $0x1;
	[tilespmem:s2+$0x18910] =	vst v7;
	v7 =	vmul.f32 v12, v17  }
0x4bf: {  	(v2sf) =	vpush v5, $0x7;
	v12 =	vld [tilespmem:s4+$0x20];
	[tilespmem:s0+$0x19410] =	vst v19  }
0x4c0: {  	(v2sf) =	vpush v4, $0xD;
	v13 =	vmul.f32 v13, v18;
	v19 =	vld [tilespmem:s6+$0x20];
	[tilespmem:s29+$0x19710] =	vst v7  }
0x4c1: {  	v7 =	vmul.f32 v11, v14;
	v11 =	vld [tilespmem:s7+$0x20]  }
0x4c2: {  	[tilespmem:s0+$0x18B90] =	vst v13  }
0x4c3: {  	v13 =	vld [tilespmem:s21+$0x20];
	[tilespmem:s29+$0x18E90] =	vst v7  }
0x4c4: {  	v7 =	vmul.f32 v12, v15;
	v12 =	vld [tilespmem:s9+$0x20]  }
0x4c5: {  	v19 =	vmul.f32 v19, v61  }
0x4c6: {  	[tilespmem:s2+$0x18920] =	vst v7;
	v7 =	vmul.f32 v11, v17  }
0x4c7: {  	v11 =	vld [tilespmem:s4+$0x30];
	[tilespmem:s0+$0x19420] =	vst v19  }
0x4c8: {  	v13 =	vmul.f32 v13, v18;
	v19 =	vld [tilespmem:s6+$0x30];
	[tilespmem:s29+$0x19720] =	vst v7  }
0x4c9: {  	v7 =	vmul.f32 v12, v14;
	v12 =	vld [tilespmem:s7+$0x30]  }
0x4ca: {  	[tilespmem:s0+$0x18BA0] =	vst v13  }
0x4cb: {  	[smem:$0x7E6] =	sst s22;
	s11 =	sshll.u32 s1, $0x7;
	s22 =	spop (v2sf);
	v13 =	vld [tilespmem:s21+$0x30];
	[tilespmem:s29+$0x18EA0] =	vst v7  }
0x4cc: {  	s3 =	smov.u32 s5;
	v62 =	vor.u32 s11, v10;
	s23 =	spop (v2sf);
	v11 =	vmul.f32 v11, v15;
	v15 =	vld [tilespmem:s9+$0x30]  }
0x4cd: {  	[dreg:$0xf] =	wrdreg s3;
	s3 =	spop (v2sf);
	(v2sf) =	vpush v62, $0x2;
	v16 =	vmul.f32 v19, v61  }
0x4ce: {  	v7 =	vld [tilespmem:s1+$0x14880];
	s5 =	sor.u32 s3, s11;
	s9 =	spop (v2sf);
	(v2sf) =	vpush v62, $0x3;
	[tilespmem:s2+$0x18930] =	vst v11;
	v10 =	vmul.f32 v12, v17  }
0x4cf: {  	s13 =	spop (v2sf);
	(v2sf) =	vpush v62, $0x4;
	v12 =	vld [tilespmem:s5+$0x11080];
	[tilespmem:s0+$0x19430] =	vst v16  }
0x4d0: {  	(v2sf) =	vpush v62, $0x5;
	v11 =	vmul.f32 v13, v18;
	v16 =	vld [tilespmem:s9+$0x11380];
	[tilespmem:s29+$0x19730] =	vst v10  }
0x4d1: {  	s6 =	sor.u32 s23, s11;
	(v2sf) =	vpush v62, $0x6;
	v13 =	vmul.f32 v15, v14;
	v15 =	vld [tilespmem:s13+$0x11680]  }
0x4d2: {  	v63 =	vld [tilespmem:s6+$0x10800];
	v10 =	vbroadcast v8, $0x1;
	(v2sf) =	vpush v62, $0x7;
	[tilespmem:s0+$0x18BB0] =	vst v11  }
0x4d3: {  	v11 =	vbroadcast v2, $0x7;
	(v2sf) =	vpush v62, $0x8;
	v24 =	vld [tilespmem:s28+$0x10B00];
	[tilespmem:s29+$0x18EB0] =	vst v13  }
0x4d4: {  	(v2sf) =	vpush v62, $0x9;
	v14 =	vmul.f32 v12, v10;
	v12 =	vbroadcast v0, $0xD;
	v20 =	vld [tilespmem:s15+$0x10E00]  }
0x4d5: {  	[smem:$0x7EB] =	sst s20;
	s20 =	smov.u32 s25;
	v13 =	vbroadcast v7, $0x0;
	v16 =	vmul.f32 v16, v11  }
0x4d6: {  	[dreg:$0x14] =	wrdreg s20;
	s20 =	smov.u32 s10;
	s10 =	sadd.s32 $0x11080, s5;
	(v2sf) =	vpush v62, $0xA;
	[tilespmem:s11+$0x19180] =	vst v14;
	v14 =	vbroadcast v3, $0x6;
	v21 =	vmul.f32 v15, v12  }
0x4d7: {  	s15 =	smov.u32 s12;
	s12 =	sadd.s32 $0x11380, s9;
	v17 =	vmul.f32 v13, v63;
	v22 =	vld [tilespmem:s10+$0x10];
	v15 =	vbroadcast v1, $0xC;
	[tilespmem:s0+$0x19480] =	vst v16  }
0x4d8: {  	(v2sf) =	vpush v62, $0xB;
	[smem:$0x7E7] =	sst s15;
	s15 =	sadd.s32 $0x11680, s13;
	v25 =	vmul.f32 v24, v14;
	v26 =	vld [tilespmem:s12+$0x10];
	[tilespmem:s29+$0x19780] =	vst v21  }
0x4d9: {  	s7 =	sadd.s32 $0x10800, s6;
	(v2sf) =	vpush v62, $0xC;
	[tilespmem:s11+$0x18900] =	vst v17;
	v27 =	vmul.f32 v20, v15;
	v28 =	vld [tilespmem:s15+$0x10]  }
0x4da: {  	s5 =	rddreg [dreg:$0xc];
	(v2sf) =	vpush v62, $0xD;
	v29 =	vld [tilespmem:s7+$0x10];
	[tilespmem:s0+$0x18C00] =	vst v25  }
0x4db: {  	s6 =	rddreg [dreg:$0x5];
	(v2sf) =	vpush v62, $0xE;
	v16 =	vld [tilespmem:s5+$0x10];
	[tilespmem:s29+$0x18F00] =	vst v27  }
0x4dc: {  	[dreg:$0x1e] =	wrdreg s8;
	s8 =	sor.u32 s22, s11;
	(v2sf) =	vpush v62, $0xF;
	s22 =	spop (v2sf);
	v30 =	vmul.f32 v22, v10;
	v31 =	vld [tilespmem:s6+$0x10]  }
0x4dd: {  	s16 =	spop (v2sf);
	v18 =	vmul.f32 v26, v11  }
0x4de: {  	s24 =	rddreg [dreg:$0xa];
	v9 =	vor.u32 s11, v9;
	s18 =	spop (v2sf);
	[tilespmem:s11+$0x19190] =	vst v30;
	v32 =	vmul.f32 v28, v12  }
0x4df: {  	[smem:$0x7EC] =	sst s31;
	s25 =	smov.u32 s24;
	(v2sf) =	vpush v9, $0x2;
	v33 =	vmul.f32 v29, v13;
	s9 =	spop (v2sf);
	v34 =	vld [tilespmem:s10+$0x20];
	[tilespmem:s0+$0x19490] =	vst v18  }
0x4e0: {  	[dreg:$0x16] =	wrdreg s25;
	(v2sf) =	vpush v5, $0x8;
	s19 =	sadd.s32 $0x10A80, s9;
	s23 =	spop (v2sf);
	v16 =	vmul.f32 v16, v14;
	v18 =	vld [tilespmem:s12+$0x20];
	[tilespmem:s29+$0x19790] =	vst v32  }
0x4e1: {  	(v2sf) =	vpush v4, $0xE;
	[tilespmem:s11+$0x18910] =	vst v33;
	[dreg:$0x11] =	wrdreg s19;
	s19 =	spop (v2sf);
	v35 =	vmul.f32 v31, v15;
	v36 =	vld [tilespmem:s15+$0x20]  }
0x4e2: {  	[smem:$0x7EE] =	sst s23;
	s13 =	sadd.s32 $0x10B00, s23;
	v20 =	vld [tilespmem:s7+$0x20];
	s23 =	spop (v2sf);
	[tilespmem:s0+$0x18C10] =	vst v16  }
0x4e3: {  	[smem:$0x7EA] =	sst s16;
	s21 =	sadd.s32 $0x10980, s16;
	s31 =	spop (v2sf);
	v16 =	vld [tilespmem:s5+$0x20];
	[tilespmem:s29+$0x18F10] =	vst v35  }
0x4e4: {  	[dreg:$0x1d] =	wrdreg s18;
	s16 =	sadd.s32 $0x10A00, s18;
	s18 =	sadd.s32 $0x10C80, s31;
	v37 =	vmul.f32 v34, v10;
	v38 =	vld [tilespmem:s6+$0x20]  }
0x4e5: {  	s25 =	sadd.s32 $0x10C00, s23;
	[smem:$0x7EF] =	sst s18;
	s18 =	spop (v2sf);
	v18 =	vmul.f32 v18, v11  }
0x4e6: {  	[smem:$0x7E8] =	sst s25;
	s25 =	sadd.s32 $0x10D00, s18;
	[tilespmem:s11+$0x191A0] =	vst v37;
	v39 =	vmul.f32 v36, v12  }
0x4e7: {  	v40 =	vmul.f32 v20, v13;
	[dreg:$0x10] =	wrdreg s25;
	s25 =	spop (v2sf);
	v41 =	vld [tilespmem:s10+$0x30];
	[tilespmem:s0+$0x194A0] =	vst v18  }
0x4e8: {  	s28 =	spop (v2sf);
	v16 =	vmul.f32 v16, v14;
	v18 =	vld [tilespmem:s12+$0x30];
	[tilespmem:s29+$0x197A0] =	vst v39  }
0x4e9: {  	[smem:$0x7ED] =	sst s30;
	[tilespmem:s11+$0x18920] =	vst v40;
	s30 =	spop (v2sf);
	v42 =	vmul.f32 v38, v15;
	v43 =	vld [tilespmem:s15+$0x30]  }
0x4ea: {  	v44 =	vld [tilespmem:s7+$0x30];
	s15 =	spop (v2sf);
	[tilespmem:s0+$0x18C20] =	vst v16  }
0x4eb: {  	s12 =	spop (v2sf);
	v16 =	vld [tilespmem:s5+$0x30];
	s5 =	smov.u32 s13;
	[tilespmem:s29+$0x18F20] =	vst v42  }
0x4ec: {  	[dreg:$0xc] =	wrdreg s5;
	s13 =	sadd.s32 $0x10F80, s12;
	v10 =	vmul.f32 v41, v10;
	v17 =	vld [tilespmem:s6+$0x30]  }
0x4ed: {  	s3 =	sadd.s32 $0x10E00, s28;
	[smem:$0x7F0] =	sst s13;
	v11 =	vmul.f32 v18, v11  }
0x4ee: {  	s6 =	rddreg [dreg:$0x6];
	s13 =	smov.u32 s3;
	s3 =	spop (v2sf);
	[tilespmem:s11+$0x191B0] =	vst v10;
	v10 =	vmul.f32 v43, v12  }
0x4ef: {  	s5 =	smov.u32 s6;
	[dreg:$0x6] =	wrdreg s13;
	s13 =	spop (v2sf);
	v12 =	vmul.f32 v44, v13;
	v13 =	vld [tilespmem:s3+$0x11100];
	[tilespmem:s0+$0x194B0] =	vst v11  }
0x4f0: {  	[dreg:$0x5] =	wrdreg s5;
	s5 =	spop (v2sf);
	v11 =	vmul.f32 v16, v14;
	v14 =	vld [tilespmem:s13+$0x11400];
	[tilespmem:s29+$0x197B0] =	vst v10  }
0x4f1: {  	[tilespmem:s11+$0x18930] =	vst v12;
	v10 =	vmul.f32 v17, v15;
	v12 =	vld [tilespmem:s5+$0x11700]  }
0x4f2: {  	s24 =	smov.u32 s26;
	v45 =	vbroadcast v8, $0x2;
	s26 =	sadd.s32 $0x10880, s8;
	v15 =	vld [tilespmem:s8+$0x10880];
	[tilespmem:s0+$0x18C30] =	vst v11;
	s8 =	rddreg [dreg:$0x7]  }
0x4f3: {  	v46 =	vbroadcast v2, $0x8;
	s4 =	sadd.s32 $0x10B80, s19;
	v11 =	vld [tilespmem:s8+$0x10B80];
	s8 =	smov.u32 s19;
	s19 =	rddreg [dreg:$0x3];
	[tilespmem:s29+$0x18F30] =	vst v10  }
0x4f4: {  	v47 =	vbroadcast v0, $0xE;
	v10 =	vmul.f32 v13, v45;
	v13 =	vld [tilespmem:s19+$0x10E80];
	s19 =	rddreg [dreg:$0x4]  }
0x4f5: {  	v48 =	vbroadcast v7, $0x1;
	[dreg:$0x7] =	wrdreg s8;
	s8 =	smov.u32 s19;
	s19 =	smov.u32 s30;
	v14 =	vmul.f32 v14, v46  }
0x4f6: {  	[tilespmem:s11+$0x19200] =	vst v10;
	v10 =	vbroadcast v3, $0x7;
	[dreg:$0x4] =	wrdreg s19;
	s19 =	sadd.s32 $0x11100, s3;
	v12 =	vmul.f32 v12, v47  }
0x4f7: {  	v15 =	vmul.f32 v15, v48;
	s3 =	sadd.s32 $0x11400, s13;
	v49 =	vld [tilespmem:s19+$0x10];
	[tilespmem:s0+$0x19500] =	vst v14;
	v14 =	vbroadcast v1, $0xD  }
0x4f8: {  	s5 =	sadd.s32 $0x11700, s5;
	v11 =	vmul.f32 v11, v10;
	v50 =	vld [tilespmem:s3+$0x10];
	[tilespmem:s29+$0x19800] =	vst v12  }
0x4f9: {  	[tilespmem:s11+$0x18980] =	vst v15;
	v12 =	vmul.f32 v13, v14;
	v13 =	vld [tilespmem:s5+$0x10]  }
0x4fa: {  	s13 =	rddreg [dreg:$0xb];
	v15 =	vld [tilespmem:s26+$0x10];
	[tilespmem:s0+$0x18C80] =	vst v11  }
0x4fb: {  	v11 =	vld [tilespmem:s13+$0x10];
	[tilespmem:s29+$0x18F80] =	vst v12  }
0x4fc: {  	v12 =	vmul.f32 v49, v45;
	v51 =	vld [tilespmem:s24+$0x10]  }
0x4fd: {  	v21 =	vmul.f32 v50, v46  }
0x4fe: {  	[tilespmem:s11+$0x19210] =	vst v12;
	v12 =	vmul.f32 v13, v47  }
0x4ff: {  	(v2sf) =	vpush v9, $0x3;
	v13 =	vmul.f32 v15, v48;
	v15 =	vld [tilespmem:s19+$0x20];
	[tilespmem:s0+$0x19510] =	vst v21  }
0x500: {  	(v2sf) =	vpush v5, $0x9;
	v11 =	vmul.f32 v11, v10;
	v21 =	vld [tilespmem:s3+$0x20];
	[tilespmem:s29+$0x19810] =	vst v12  }
0x501: {  	(v2sf) =	vpush v4, $0xF;
	[tilespmem:s11+$0x18990] =	vst v13;
	v12 =	vmul.f32 v51, v14;
	v13 =	vld [tilespmem:s5+$0x20]  }
0x502: {  	v4 =	vmov v5;
	v5 =	vmov v9;
	v9 =	vld [tilespmem:s26+$0x20];
	[tilespmem:s0+$0x18C90] =	vst v11  }
0x503: {  	v11 =	vld [tilespmem:s13+$0x20];
	[tilespmem:s29+$0x18F90] =	vst v12  }
0x504: {  	v12 =	vmul.f32 v15, v45;
	v15 =	vld [tilespmem:s24+$0x20]  }
0x505: {  	v52 =	vmul.f32 v21, v46  }
0x506: {  	[tilespmem:s11+$0x19220] =	vst v12;
	v12 =	vmul.f32 v13, v47  }
0x507: {  	v9 =	vmul.f32 v9, v48;
	v13 =	vld [tilespmem:s19+$0x30];
	[tilespmem:s0+$0x19520] =	vst v52  }
0x508: {  	v11 =	vmul.f32 v11, v10;
	v20 =	vld [tilespmem:s3+$0x30];
	[tilespmem:s29+$0x19820] =	vst v12  }
0x509: {  	[tilespmem:s11+$0x189A0] =	vst v9;
	v9 =	vmul.f32 v15, v14;
	v12 =	vld [tilespmem:s5+$0x30]  }
0x50a: {  	v15 =	vld [tilespmem:s26+$0x30];
	[tilespmem:s0+$0x18CA0] =	vst v11  }
0x50b: {  	v11 =	vld [tilespmem:s13+$0x30];
	[tilespmem:s29+$0x18FA0] =	vst v9  }
0x50c: {  	[dreg:$0x3] =	wrdreg s8;
	v9 =	vmul.f32 v13, v45;
	v13 =	vld [tilespmem:s24+$0x30]  }
0x50d: {  	s8 =	sld [smem:$0x7E5];
	v53 =	vmul.f32 v20, v46  }
0x50e: {  	s3 =	spop (v2sf);
	s5 =	smov.u32 s4;
	[tilespmem:s11+$0x19230] =	vst v9;
	v9 =	vmul.f32 v12, v47  }
0x50f: {  	[dreg:$0xb] =	wrdreg s5;
	s5 =	spop (v2sf);
	v12 =	vmul.f32 v15, v48;
	v15 =	vld [tilespmem:s3+$0x11180];
	[tilespmem:s0+$0x19530] =	vst v53  }
0x510: {  	s26 =	smov.u32 s8;
	s8 =	spop (v2sf);
	v10 =	vmul.f32 v11, v10;
	v11 =	vld [tilespmem:s5+$0x11480];
	[tilespmem:s29+$0x19830] =	vst v9  }
0x511: {  	[tilespmem:s11+$0x189B0] =	vst v12;
	v9 =	vmul.f32 v13, v14;
	v12 =	vld [tilespmem:s8+$0x11780]  }
0x512: {  	v13 =	vld [tilespmem:s22+$0x10900];
	v14 =	vbroadcast v8, $0x3;
	[tilespmem:s0+$0x18CB0] =	vst v10  }
0x513: {  	v54 =	vbroadcast v2, $0x9;
	s13 =	rddreg [dreg:$0xe];
	v10 =	vld [tilespmem:s14+$0x10C00];
	[tilespmem:s29+$0x18FB0] =	vst v9  }
0x514: {  	v55 =	vbroadcast v0, $0xF;
	v9 =	vmul.f32 v15, v14;
	v15 =	vld [tilespmem:s13+$0x10F00]  }
0x515: {  	v0 =	vmovc v2;
	v2 =	vmov v8;
	s10 =	sadd.s32 $0x10D80, s25;
	v8 =	vbroadcast v7, $0x2;
	v11 =	vmul.f32 v11, v54  }
0x516: {  	[dreg:$0xa] =	wrdreg s10;
	s10 =	sadd.s32 $0x10E80, s30;
	s3 =	sadd.s32 $0x11180, s3;
	[tilespmem:s11+$0x19280] =	vst v9;
	v9 =	vbroadcast v3, $0x8;
	v12 =	vmul.f32 v12, v55  }
0x517: {  	s19 =	sld [smem:$0x7E6];
	s24 =	smov.u32 s10;
	s10 =	sadd.s32 $0x11480, s5;
	v13 =	vmul.f32 v13, v8;
	v56 =	vld [tilespmem:s3+$0x10];
	[tilespmem:s0+$0x19580] =	vst v11;
	v11 =	vbroadcast v1, $0xE  }
0x518: {  	s13 =	sadd.s32 $0x11780, s8;
	v10 =	vmul.f32 v10, v9;
	v57 =	vld [tilespmem:s10+$0x10];
	[tilespmem:s29+$0x19880] =	vst v12  }
0x519: {  	s2 =	sadd.s32 $0x10900, s22;
	[tilespmem:s11+$0x18A00] =	vst v13;
	v12 =	vmul.f32 v15, v11;
	v13 =	vld [tilespmem:s13+$0x10]  }
0x51a: {  	s22 =	smov.u32 s19;
	s19 =	rddreg [dreg:$0x12];
	v15 =	vld [tilespmem:s2+$0x10];
	[tilespmem:s0+$0x18D00] =	vst v10  }
0x51b: {  	v10 =	vld [tilespmem:s19+$0x10];
	[tilespmem:s29+$0x19000] =	vst v12  }
0x51c: {  	v12 =	vmul.f32 v56, v14;
	v58 =	vld [tilespmem:s20+$0x10]  }
0x51d: {  	v19 =	vmul.f32 v57, v54  }
0x51e: {  	[tilespmem:s11+$0x19290] =	vst v12;
	v12 =	vmul.f32 v13, v55  }
0x51f: {  	(v2sf) =	vpush v5, $0x4;
	v13 =	vmul.f32 v15, v8;
	v15 =	vld [tilespmem:s3+$0x20];
	[tilespmem:s0+$0x19590] =	vst v19  }
0x520: {  	(v2sf) =	vpush v4, $0xA;
	v10 =	vmul.f32 v10, v9;
	v19 =	vld [tilespmem:s10+$0x20];
	[tilespmem:s29+$0x19890] =	vst v12  }
0x521: {  	[tilespmem:s11+$0x18A10] =	vst v13;
	v12 =	vmul.f32 v58, v11;
	v13 =	vld [tilespmem:s13+$0x20]  }
0x522: {  	v59 =	vld [tilespmem:s2+$0x20];
	[tilespmem:s0+$0x18D10] =	vst v10  }
0x523: {  	v10 =	vld [tilespmem:s19+$0x20];
	[tilespmem:s29+$0x19010] =	vst v12  }
0x524: {  	v12 =	vmul.f32 v15, v14;
	v15 =	vld [tilespmem:s20+$0x20]  }
0x525: {  	v19 =	vmul.f32 v19, v54  }
0x526: {  	[tilespmem:s11+$0x192A0] =	vst v12;
	v12 =	vmul.f32 v13, v55  }
0x527: {  	v13 =	vmul.f32 v59, v8;
	v60 =	vld [tilespmem:s3+$0x30];
	[tilespmem:s0+$0x195A0] =	vst v19  }
0x528: {  	v10 =	vmul.f32 v10, v9;
	v19 =	vld [tilespmem:s10+$0x30];
	[tilespmem:s29+$0x198A0] =	vst v12  }
0x529: {  	[tilespmem:s11+$0x18A20] =	vst v13;
	v12 =	vmul.f32 v15, v11;
	v13 =	vld [tilespmem:s13+$0x30]  }
0x52a: {  	v15 =	vld [tilespmem:s2+$0x30];
	[tilespmem:s0+$0x18D20] =	vst v10  }
0x52b: {  	v10 =	vld [tilespmem:s19+$0x30];
	[tilespmem:s29+$0x19020] =	vst v12  }
0x52c: {  	v12 =	vmul.f32 v60, v14;
	v14 =	vld [tilespmem:s20+$0x30]  }
0x52d: {  	v16 =	vmul.f32 v19, v54  }
0x52e: {  	s8 =	sld [smem:$0x7E8];
	s2 =	spop (v2sf);
	[tilespmem:s11+$0x192B0] =	vst v12;
	v12 =	vmul.f32 v13, v55  }
0x52f: {  	s13 =	sld [smem:$0x7EA];
	s3 =	spop (v2sf);
	v8 =	vmul.f32 v15, v8;
	v13 =	vld [tilespmem:s2+$0x11200];
	[tilespmem:s0+$0x195B0] =	vst v16  }
0x530: {  	s20 =	sld [smem:$0x7EB];
	v9 =	vmul.f32 v10, v9;
	v10 =	vld [tilespmem:s3+$0x11500];
	[tilespmem:s29+$0x198B0] =	vst v12  }
0x531: {  	s4 =	smov.u32 s8;
	s8 =	sld [smem:$0x7EC];
	[tilespmem:s11+$0x18A30] =	vst v8;
	v8 =	vmul.f32 v14, v11  }
0x532: {  	v12 =	vbroadcast v2, $0x4;
	v11 =	vld [tilespmem:s13+$0x10980];
	[tilespmem:s0+$0x18D30] =	vst v9  }
0x533: {  	v14 =	vbroadcast v0, $0xA;
	v9 =	vld [tilespmem:s20+$0x10C80];
	[tilespmem:s29+$0x19030] =	vst v8  }
0x534: {  	v8 =	vmul.f32 v13, v12;
	v13 =	vld [tilespmem:s8+$0x10F80]  }
0x535: {  	v15 =	vbroadcast v7, $0x3;
	v10 =	vmul.f32 v10, v14  }
0x536: {  	s2 =	sadd.s32 $0x11200, s2;
	[tilespmem:s11+$0x19300] =	vst v8;
	v8 =	vbroadcast v3, $0x9  }
0x537: {  	v11 =	vmul.f32 v11, v15;
	v16 =	vld [tilespmem:s2+$0x10];
	[tilespmem:s0+$0x19600] =	vst v10;
	v10 =	vbroadcast v1, $0xF  }
0x538: {  	s3 =	sadd.s32 $0x11500, s3;
	v1 =	vmov v3;
	v3 =	vmov v7;
	v7 =	vmul.f32 v9, v8  }
0x539: {  	v9 =	vld [tilespmem:s3+$0x10];
	[tilespmem:s11+$0x18A80] =	vst v11;
	v11 =	vmul.f32 v13, v10  }
0x53a: {  	v13 =	vld [tilespmem:s21+$0x10];
	[tilespmem:s0+$0x18D80] =	vst v7  }
0x53b: {  	s6 =	rddreg [dreg:$0xd];
	v7 =	vld [tilespmem:s17+$0x10];
	[tilespmem:s29+$0x19080] =	vst v11  }
0x53c: {  	v11 =	vmul.f32 v16, v12;
	v61 =	vld [tilespmem:s6+$0x10];
	_ =	sdelay $0x1  }
0x53d: {  	v9 =	vmul.f32 v9, v14;
	[tilespmem:s11+$0x19310] =	vst v11  }
0x53e: {  	v11 =	vmul.f32 v13, v15;
	v13 =	vld [tilespmem:s2+$0x20]  }
0x53f: {  	(v2sf) =	vpush v5, $0x5;
	[tilespmem:s0+$0x19610] =	vst v9;
	v7 =	vmul.f32 v7, v8  }
0x540: {  	(v2sf) =	vpush v4, $0xB;
	v9 =	vld [tilespmem:s3+$0x20];
	[tilespmem:s11+$0x18A90] =	vst v11;
	v11 =	vmul.f32 v61, v10  }
0x541: {  	v62 =	vld [tilespmem:s21+$0x20];
	[tilespmem:s0+$0x18D90] =	vst v7  }
0x542: {  	v7 =	vld [tilespmem:s17+$0x20];
	[tilespmem:s29+$0x19090] =	vst v11  }
0x543: {  	s30 =	smov.u32 s12;
	s12 =	smov.u32 s28;
	s28 =	sld [smem:$0x7EE];
	v11 =	vmul.f32 v13, v12;
	v13 =	vld [tilespmem:s6+$0x20]  }
0x544: {  	s5 =	smov.u32 s18;
	s18 =	smov.u32 s9;
	s9 =	sld [smem:$0x7E9]  }
0x545: {  	s14 =	smov.u32 s23;
	s23 =	rddreg [dreg:$0x1e];
	v9 =	vmul.f32 v9, v14;
	[tilespmem:s11+$0x19320] =	vst v11  }
0x546: {  	[dreg:$0xe] =	wrdreg s22;
	v11 =	vmul.f32 v62, v15;
	v63 =	vld [tilespmem:s2+$0x30]  }
0x547: {  	s7 =	sadd.s32 $0x10F00, s15;
	s22 =	smov.u32 s15;
	s15 =	sld [smem:$0x7E7];
	[tilespmem:s0+$0x19620] =	vst v9;
	v7 =	vmul.f32 v7, v8  }
0x548: {  	s10 =	smov.u32 s9;
	s9 =	sld [smem:$0x7ED];
	v9 =	vld [tilespmem:s3+$0x30];
	[tilespmem:s11+$0x18AA0] =	vst v11;
	v11 =	vmul.f32 v13, v10  }
0x549: {  	s19 =	smov.u32 s7;
	s7 =	sld [smem:$0x7EF];
	v13 =	vld [tilespmem:s21+$0x30];
	[tilespmem:s0+$0x18DA0] =	vst v7  }
0x54a: {  	s13 =	rddreg [dreg:$0x14];
	v7 =	vld [tilespmem:s17+$0x30];
	[tilespmem:s29+$0x190A0] =	vst v11  }
0x54b: {  	s20 =	smov.u32 s31;
	s31 =	smov.u32 s9;
	s9 =	rddreg [dreg:$0x16];
	v11 =	vmul.f32 v63, v12;
	v12 =	vld [tilespmem:s6+$0x30]  }
0x54c: {  	s8 =	rddreg [dreg:$0x15]  }
0x54d: {  	p0 =	slt.u32 s1, $0x60;
	s3 =	sld [smem:$0x7F0];
	s21 =	smov.u32 s8;
	v9 =	vmul.f32 v9, v14  }
.Ltmp3:
0x54e: {  	s17 =	smov.u32 s7;
	s7 =	spop (v2sf);
	[tilespmem:s11+$0x19330] =	vst v11;
	v13 =	vmul.f32 v13, v15;
	(pc) =	sbr.rel @p0 .LBB2_5-.Ltmp3, $4  }
0x54f: {  	[dreg:$0xd] =	wrdreg s21;
	s2 =	spop (v2sf);
	v11 =	vld [tilespmem:s7+$0x11280];
	[tilespmem:s0+$0x19630] =	vst v9;
	v7 =	vmul.f32 v7, v8  }
0x550: {  	s6 =	rddreg [dreg:$0x1d];
	v8 =	vld [tilespmem:s2+$0x11580];
	[tilespmem:s11+$0x18AB0] =	vst v13;
	v13 =	vmul.f32 v12, v10  }
0x551: {  	s1 =	sadd.s32 $0x20, s1;
	s21 =	rddreg [dreg:$0xf];
	v12 =	vld [tilespmem:s6+$0x10A00];
	[tilespmem:s0+$0x18DB0] =	vst v7  }
0x552: {  	s8 =	smov.u32 s3;
	v10 =	vbroadcast v2, $0x5;
	v7 =	vbroadcast v0, $0xB;
	v9 =	vld [tilespmem:s21+$0x10D00];
	[tilespmem:s29+$0x190B0] =	vst v13;
	s29 =	smov.u32 s0;
	s0 =	smov.u32 s11  }
0x553: {  	_ = 	snop  }
0x554: {  	v6 =	vbroadcast v3, $0x4;
	_ =	sdelay $0x1  }
0x555: {  	v12 =	vmul.f32 v12, v6;
	_ =	sdelay $0x1  }
0x556: {  	[tilespmem:s0+$0x18B00] =	vst v12  }
0x557: {  	v12 =	vld [tilespmem:s16+$0x10];
	_ =	sdelay $0x4  }
0x558: {  	v12 =	vmul.f32 v12, v6;
	_ =	sdelay $0x1  }
0x559: {  	[tilespmem:s0+$0x18B10] =	vst v12  }
0x55a: {  	v12 =	vld [tilespmem:s16+$0x20];
	_ =	sdelay $0x4  }
0x55b: {  	v12 =	vmul.f32 v12, v6;
	_ =	sdelay $0x1  }
0x55c: {  	[tilespmem:s0+$0x18B20] =	vst v12  }
0x55d: {  	v12 =	vld [tilespmem:s16+$0x30];
	_ =	sdelay $0x4  }
0x55e: {  	v6 =	vmul.f32 v12, v6;
	_ =	sdelay $0x1  }
0x55f: {  	[tilespmem:s0+$0x18B30] =	vst v6  }
0x560: {  	v6 =	vld [tilespmem:s18+$0x10A80];
	_ =	sdelay $0x2  }
0x561: {  	v24 =	vbroadcast v3, $0x5  }
0x562: {  	v11 =	vmul.f32 v11, v10  }
0x563: {  	v6 =	vmul.f32 v6, v24  }
0x564: {  	[tilespmem:s0+$0x19380] =	vst v11  }
0x565: {  	s1 =	sadd.s32 $0x11280, s7;
	[tilespmem:s0+$0x18B80] =	vst v6  }
0x566: {  	v11 =	vld [tilespmem:s1+$0x10];
	s3 =	rddreg [dreg:$0x11]  }
0x567: {  	v6 =	vld [tilespmem:s3+$0x10];
	_ =	sdelay $0x3  }
0x568: {  	v11 =	vmul.f32 v11, v10  }
0x569: {  	v6 =	vmul.f32 v6, v24  }
0x56a: {  	[tilespmem:s0+$0x19390] =	vst v11  }
0x56b: {  	(v2sf) =	vpush v5, $0x6;
	v11 =	vld [tilespmem:s1+$0x20];
	[tilespmem:s0+$0x18B90] =	vst v6  }
0x56c: {  	v6 =	vld [tilespmem:s3+$0x20];
	_ =	sdelay $0x3  }
0x56d: {  	v11 =	vmul.f32 v11, v10  }
0x56e: {  	v6 =	vmul.f32 v6, v24  }
0x56f: {  	[tilespmem:s0+$0x193A0] =	vst v11  }
0x570: {  	v11 =	vld [tilespmem:s1+$0x30];
	[tilespmem:s0+$0x18BA0] =	vst v6  }
0x571: {  	v6 =	vld [tilespmem:s3+$0x30];
	_ =	sdelay $0x3  }
0x572: {  	v25 =	vmul.f32 v11, v10  }
0x573: {  	v6 =	vmul.f32 v6, v24  }
0x574: {  	s18 =	spop (v2sf);
	[tilespmem:s0+$0x193B0] =	vst v25  }
0x575: {  	v10 =	vld [tilespmem:s18+$0x11300];
	[tilespmem:s0+$0x18BB0] =	vst v6  }
0x576: {  	v6 =	vld [tilespmem:s28+$0x10B00];
	_ =	sdelay $0x1  }
0x577: {  	v26 =	vbroadcast v2, $0x6  }
0x578: {  	v27 =	vbroadcast v3, $0x6  }
0x579: {  	v10 =	vmul.f32 v10, v26  }
0x57a: {  	v6 =	vmul.f32 v6, v27  }
0x57b: {  	[tilespmem:s0+$0x19400] =	vst v10  }
0x57c: {  	s1 =	sadd.s32 $0x11300, s18;
	[tilespmem:s0+$0x18C00] =	vst v6  }
0x57d: {  	v10 =	vld [tilespmem:s1+$0x10];
	s21 =	rddreg [dreg:$0xc]  }
0x57e: {  	v6 =	vld [tilespmem:s21+$0x10];
	_ =	sdelay $0x3  }
0x57f: {  	v10 =	vmul.f32 v10, v26  }
0x580: {  	v6 =	vmul.f32 v6, v27  }
0x581: {  	[tilespmem:s0+$0x19410] =	vst v10  }
0x582: {  	(v2sf) =	vpush v4, $0xC;
	v10 =	vld [tilespmem:s1+$0x20];
	[tilespmem:s0+$0x18C10] =	vst v6  }
0x583: {  	(v2sf) =	vpush v5, $0x7;
	v6 =	vld [tilespmem:s21+$0x20];
	_ =	sdelay $0x3  }
0x584: {  	v10 =	vmul.f32 v10, v26  }
0x585: {  	v6 =	vmul.f32 v6, v27  }
0x586: {  	[tilespmem:s0+$0x19420] =	vst v10  }
0x587: {  	v10 =	vld [tilespmem:s1+$0x30];
	[tilespmem:s0+$0x18C20] =	vst v6  }
0x588: {  	v6 =	vld [tilespmem:s21+$0x30];
	_ =	sdelay $0x3  }
0x589: {  	v10 =	vmul.f32 v10, v26  }
0x58a: {  	v6 =	vmul.f32 v6, v27  }
0x58b: {  	s7 =	spop (v2sf);
	[tilespmem:s0+$0x19430] =	vst v10  }
0x58c: {  	s28 =	spop (v2sf);
	[tilespmem:s0+$0x18C30] =	vst v6  }
0x58d: {  	v10 =	vld [tilespmem:s28+$0x11380];
	s6 =	rddreg [dreg:$0x7]  }
0x58e: {  	v6 =	vld [tilespmem:s6+$0x10B80];
	_ =	sdelay $0x1  }
0x58f: {  	v28 =	vbroadcast v2, $0x7  }
0x590: {  	v29 =	vbroadcast v3, $0x7  }
0x591: {  	v10 =	vmul.f32 v10, v28  }
0x592: {  	v6 =	vmul.f32 v6, v29  }
0x593: {  	[tilespmem:s0+$0x19480] =	vst v10  }
0x594: {  	s1 =	sadd.s32 $0x11380, s28;
	[tilespmem:s0+$0x18C80] =	vst v6  }
0x595: {  	v10 =	vld [tilespmem:s1+$0x10];
	s11 =	rddreg [dreg:$0xb]  }
0x596: {  	v6 =	vld [tilespmem:s11+$0x10];
	_ =	sdelay $0x3  }
0x597: {  	v10 =	vmul.f32 v10, v28  }
0x598: {  	v6 =	vmul.f32 v6, v29  }
0x599: {  	(v2sf) =	vpush v4, $0xD;
	[tilespmem:s0+$0x19490] =	vst v10  }
0x59a: {  	(v2sf) =	vpush v5, $0x8;
	v10 =	vld [tilespmem:s1+$0x20];
	[tilespmem:s0+$0x18C90] =	vst v6  }
0x59b: {  	v6 =	vld [tilespmem:s11+$0x20];
	_ =	sdelay $0x3  }
0x59c: {  	v10 =	vmul.f32 v10, v28  }
0x59d: {  	v6 =	vmul.f32 v6, v29  }
0x59e: {  	[tilespmem:s0+$0x194A0] =	vst v10  }
0x59f: {  	v10 =	vld [tilespmem:s1+$0x30];
	[tilespmem:s0+$0x18CA0] =	vst v6  }
0x5a0: {  	v6 =	vld [tilespmem:s11+$0x30];
	_ =	sdelay $0x3  }
0x5a1: {  	v10 =	vmul.f32 v10, v28  }
0x5a2: {  	s6 =	spop (v2sf);
	v6 =	vmul.f32 v6, v29  }
0x5a3: {  	s16 =	spop (v2sf);
	[tilespmem:s0+$0x194B0] =	vst v10  }
0x5a4: {  	v10 =	vld [tilespmem:s16+$0x11400];
	[tilespmem:s0+$0x18CB0] =	vst v6  }
0x5a5: {  	v6 =	vld [tilespmem:s14+$0x10C00];
	_ =	sdelay $0x1  }
0x5a6: {  	v30 =	vbroadcast v2, $0x8  }
0x5a7: {  	v31 =	vbroadcast v3, $0x8  }
0x5a8: {  	v10 =	vmul.f32 v10, v30  }
0x5a9: {  	v6 =	vmul.f32 v6, v31  }
0x5aa: {  	s1 =	sadd.s32 $0x11400, s16;
	[tilespmem:s0+$0x19500] =	vst v10  }
0x5ab: {  	v10 =	vld [tilespmem:s1+$0x10];
	[tilespmem:s0+$0x18D00] =	vst v6  }
0x5ac: {  	v6 =	vld [tilespmem:s4+$0x10];
	_ =	sdelay $0x3  }
0x5ad: {  	v10 =	vmul.f32 v10, v30  }
0x5ae: {  	v6 =	vmul.f32 v6, v31  }
0x5af: {  	(v2sf) =	vpush v4, $0xE;
	[tilespmem:s0+$0x19510] =	vst v10  }
0x5b0: {  	(v2sf) =	vpush v5, $0x9;
	v10 =	vld [tilespmem:s1+$0x20];
	[tilespmem:s0+$0x18D10] =	vst v6  }
0x5b1: {  	v6 =	vld [tilespmem:s4+$0x20];
	_ =	sdelay $0x3  }
0x5b2: {  	v10 =	vmul.f32 v10, v30  }
0x5b3: {  	v6 =	vmul.f32 v6, v31  }
0x5b4: {  	[tilespmem:s0+$0x19520] =	vst v10  }
0x5b5: {  	v10 =	vld [tilespmem:s1+$0x30];
	[tilespmem:s0+$0x18D20] =	vst v6  }
0x5b6: {  	v6 =	vld [tilespmem:s4+$0x30];
	_ =	sdelay $0x3  }
0x5b7: {  	v10 =	vmul.f32 v10, v30  }
0x5b8: {  	s4 =	spop (v2sf);
	v6 =	vmul.f32 v6, v31  }
0x5b9: {  	[tilespmem:s0+$0x19530] =	vst v10;
	s18 =	spop (v2sf)  }
0x5ba: {  	v10 =	vld [tilespmem:s18+$0x11480];
	[tilespmem:s0+$0x18D30] =	vst v6  }
0x5bb: {  	v6 =	vld [tilespmem:s20+$0x10C80];
	_ =	sdelay $0x1  }
0x5bc: {  	v32 =	vbroadcast v2, $0x9  }
0x5bd: {  	v33 =	vbroadcast v3, $0x9  }
0x5be: {  	v10 =	vmul.f32 v10, v32  }
0x5bf: {  	v6 =	vmul.f32 v6, v33  }
0x5c0: {  	s1 =	sadd.s32 $0x11480, s18;
	[tilespmem:s0+$0x19580] =	vst v10  }
0x5c1: {  	v10 =	vld [tilespmem:s1+$0x10];
	[tilespmem:s0+$0x18D80] =	vst v6  }
0x5c2: {  	v6 =	vld [tilespmem:s17+$0x10];
	_ =	sdelay $0x3  }
0x5c3: {  	v10 =	vmul.f32 v10, v32  }
0x5c4: {  	v6 =	vmul.f32 v6, v33  }
0x5c5: {  	(v2sf) =	vpush v4, $0xF;
	[tilespmem:s0+$0x19590] =	vst v10  }
0x5c6: {  	(v2sf) =	vpush v5, $0xA;
	v34 =	vld [tilespmem:s1+$0x20];
	[tilespmem:s0+$0x18D90] =	vst v6  }
0x5c7: {  	v6 =	vld [tilespmem:s17+$0x20];
	_ =	sdelay $0x3  }
0x5c8: {  	v4 =	vmul.f32 v34, v32  }
0x5c9: {  	v6 =	vmul.f32 v6, v33  }
0x5ca: {  	[tilespmem:s0+$0x195A0] =	vst v4  }
0x5cb: {  	v4 =	vld [tilespmem:s1+$0x30];
	[tilespmem:s0+$0x18DA0] =	vst v6  }
0x5cc: {  	v6 =	vld [tilespmem:s17+$0x30];
	_ =	sdelay $0x3  }
0x5cd: {  	v4 =	vmul.f32 v4, v32  }
0x5ce: {  	s1 =	spop (v2sf);
	v6 =	vmul.f32 v6, v33  }
0x5cf: {  	s21 =	spop (v2sf);
	[tilespmem:s0+$0x195B0] =	vst v4  }
0x5d0: {  	v4 =	vld [tilespmem:s21+$0x11500];
	[tilespmem:s0+$0x18DB0] =	vst v6  }
0x5d1: {  	v6 =	vld [tilespmem:s5+$0x10D00]  }
0x5d2: {  	v35 =	vbroadcast v1, $0xA  }
0x5d3: {  	v36 =	vbroadcast v2, $0xA  }
0x5d4: {  	v37 =	vbroadcast v3, $0xA;
	v9 =	vmul.f32 v9, v35  }
0x5d5: {  	v4 =	vmul.f32 v4, v36  }
0x5d6: {  	[tilespmem:s29+$0x18E00] =	vst v9;
	v6 =	vmul.f32 v6, v37  }
0x5d7: {  	v9 =	vld [tilespmem:s23+$0x10];
	[tilespmem:s0+$0x19600] =	vst v4  }
0x5d8: {  	s3 =	sadd.s32 $0x11500, s21;
	[tilespmem:s0+$0x18E00] =	vst v6  }
0x5d9: {  	v4 =	vld [tilespmem:s3+$0x10];
	s28 =	rddreg [dreg:$0x10]  }
0x5da: {  	v6 =	vld [tilespmem:s28+$0x10];
	_ =	sdelay $0x1  }
0x5db: {  	v9 =	vmul.f32 v9, v35;
	_ =	sdelay $0x1  }
0x5dc: {  	v4 =	vmul.f32 v4, v36;
	[tilespmem:s29+$0x18E10] =	vst v9  }
0x5dd: {  	v9 =	vld [tilespmem:s23+$0x20];
	v6 =	vmul.f32 v6, v37  }
0x5de: {  	[tilespmem:s0+$0x19610] =	vst v4  }
0x5df: {  	(v2sf) =	vpush v5, $0xB;
	v4 =	vld [tilespmem:s3+$0x20];
	[tilespmem:s0+$0x18E10] =	vst v6  }
0x5e0: {  	v6 =	vld [tilespmem:s28+$0x20];
	_ =	sdelay $0x1  }
0x5e1: {  	v9 =	vmul.f32 v9, v35;
	_ =	sdelay $0x1  }
0x5e2: {  	v4 =	vmul.f32 v4, v36;
	[tilespmem:s29+$0x18E20] =	vst v9  }
0x5e3: {  	v9 =	vld [tilespmem:s23+$0x30];
	v6 =	vmul.f32 v6, v37  }
0x5e4: {  	[tilespmem:s0+$0x19620] =	vst v4  }
0x5e5: {  	v4 =	vld [tilespmem:s3+$0x30];
	[tilespmem:s0+$0x18E20] =	vst v6  }
0x5e6: {  	v6 =	vld [tilespmem:s28+$0x30];
	_ =	sdelay $0x1  }
0x5e7: {  	v9 =	vmul.f32 v9, v35;
	_ =	sdelay $0x1  }
0x5e8: {  	v4 =	vmul.f32 v4, v36;
	[tilespmem:s29+$0x18E30] =	vst v9  }
0x5e9: {  	v9 =	vld [tilespmem:s13+$0x10D80];
	v6 =	vmul.f32 v6, v37  }
0x5ea: {  	s5 =	spop (v2sf);
	[tilespmem:s0+$0x19630] =	vst v4  }
0x5eb: {  	v4 =	vld [tilespmem:s5+$0x11580];
	[tilespmem:s0+$0x18E30] =	vst v6  }
0x5ec: {  	v38 =	vbroadcast v1, $0xB;
	v6 =	vld [tilespmem:s25+$0x10D80]  }
0x5ed: {  	v8 =	vmul.f32 v8, v7  }
0x5ee: {  	v39 =	vbroadcast v2, $0xB;
	v9 =	vmul.f32 v9, v38  }
0x5ef: {  	v40 =	vbroadcast v3, $0xB;
	s2 =	sadd.s32 $0x11580, s2;
	[tilespmem:s29+$0x19680] =	vst v8  }
0x5f0: {  	v8 =	vld [tilespmem:s2+$0x10];
	v4 =	vmul.f32 v4, v39;
	[tilespmem:s29+$0x18E80] =	vst v9  }
0x5f1: {  	v9 =	vld [tilespmem:s9+$0x10];
	v6 =	vmul.f32 v6, v40  }
0x5f2: {  	[tilespmem:s0+$0x19680] =	vst v4  }
0x5f3: {  	s3 =	sadd.s32 $0x11580, s5;
	[tilespmem:s0+$0x18E80] =	vst v6  }
0x5f4: {  	v4 =	vld [tilespmem:s3+$0x10];
	s11 =	rddreg [dreg:$0xa]  }
0x5f5: {  	v8 =	vmul.f32 v8, v7;
	v6 =	vld [tilespmem:s11+$0x10]  }
0x5f6: {  	v9 =	vmul.f32 v9, v38  }
0x5f7: {  	[tilespmem:s29+$0x19690] =	vst v8  }
0x5f8: {  	[tilespmem:s29+$0x18E90] =	vst v9;
	v8 =	vld [tilespmem:s2+$0x20]  }
0x5f9: {  	v4 =	vmul.f32 v4, v39;
	v9 =	vld [tilespmem:s9+$0x20]  }
0x5fa: {  	v6 =	vmul.f32 v6, v40  }
0x5fb: {  	[tilespmem:s0+$0x19690] =	vst v4  }
0x5fc: {  	(v2sf) =	vpush v5, $0xC;
	v4 =	vld [tilespmem:s3+$0x20];
	[tilespmem:s0+$0x18E90] =	vst v6  }
0x5fd: {  	v8 =	vmul.f32 v8, v7;
	v6 =	vld [tilespmem:s11+$0x20]  }
0x5fe: {  	v9 =	vmul.f32 v9, v38  }
0x5ff: {  	[tilespmem:s29+$0x196A0] =	vst v8  }
0x600: {  	[tilespmem:s29+$0x18EA0] =	vst v9;
	v8 =	vld [tilespmem:s2+$0x30]  }
0x601: {  	v4 =	vmul.f32 v4, v39;
	v9 =	vld [tilespmem:s9+$0x30]  }
0x602: {  	v6 =	vmul.f32 v6, v40  }
0x603: {  	[tilespmem:s0+$0x196A0] =	vst v4  }
0x604: {  	v4 =	vld [tilespmem:s3+$0x30];
	[tilespmem:s0+$0x18EA0] =	vst v6  }
0x605: {  	v41 =	vmul.f32 v8, v7;
	v6 =	vld [tilespmem:s11+$0x30]  }
0x606: {  	v42 =	vmul.f32 v9, v38  }
0x607: {  	[tilespmem:s29+$0x196B0] =	vst v41  }
0x608: {  	[tilespmem:s29+$0x18EB0] =	vst v42;
	v7 =	vld [tilespmem:s7+$0x11600]  }
0x609: {  	v4 =	vmul.f32 v4, v39;
	v8 =	vld [tilespmem:s15+$0x10E00]  }
0x60a: {  	v6 =	vmul.f32 v6, v40  }
0x60b: {  	v43 =	vbroadcast v0, $0xC;
	[tilespmem:s0+$0x196B0] =	vst v4;
	s11 =	spop (v2sf)  }
0x60c: {  	v44 =	vbroadcast v1, $0xC;
	v4 =	vld [tilespmem:s11+$0x11600];
	[tilespmem:s0+$0x18EB0] =	vst v6  }
0x60d: {  	v7 =	vmul.f32 v7, v43;
	v6 =	vld [tilespmem:s12+$0x10E00]  }
0x60e: {  	v8 =	vmul.f32 v8, v44  }
0x60f: {  	v45 =	vbroadcast v2, $0xC;
	[tilespmem:s29+$0x19700] =	vst v7  }
0x610: {  	v46 =	vbroadcast v3, $0xC;
	s13 =	sadd.s32 $0x11600, s7;
	[tilespmem:s29+$0x18F00] =	vst v8  }
0x611: {  	v4 =	vmul.f32 v4, v45;
	v7 =	vld [tilespmem:s13+$0x10];
	s14 =	rddreg [dreg:$0x5]  }
0x612: {  	v8 =	vld [tilespmem:s14+$0x10];
	v6 =	vmul.f32 v6, v46  }
0x613: {  	[tilespmem:s0+$0x19700] =	vst v4  }
0x614: {  	s2 =	sadd.s32 $0x11600, s11;
	[tilespmem:s0+$0x18F00] =	vst v6  }
0x615: {  	v4 =	vld [tilespmem:s2+$0x10];
	s15 =	rddreg [dreg:$0x6]  }
0x616: {  	v7 =	vmul.f32 v7, v43;
	v6 =	vld [tilespmem:s15+$0x10]  }
0x617: {  	v8 =	vmul.f32 v8, v44  }
0x618: {  	[tilespmem:s29+$0x19710] =	vst v7  }
0x619: {  	[tilespmem:s29+$0x18F10] =	vst v8;
	v7 =	vld [tilespmem:s13+$0x20]  }
0x61a: {  	v4 =	vmul.f32 v4, v45;
	v8 =	vld [tilespmem:s14+$0x20]  }
0x61b: {  	v6 =	vmul.f32 v6, v46  }
0x61c: {  	[tilespmem:s0+$0x19710] =	vst v4  }
0x61d: {  	v4 =	vld [tilespmem:s2+$0x20];
	[tilespmem:s0+$0x18F10] =	vst v6  }
0x61e: {  	(v2sf) =	vpush v5, $0xD;
	v7 =	vmul.f32 v7, v43;
	v6 =	vld [tilespmem:s15+$0x20]  }
0x61f: {  	v8 =	vmul.f32 v8, v44  }
0x620: {  	[tilespmem:s29+$0x19720] =	vst v7  }
0x621: {  	[tilespmem:s29+$0x18F20] =	vst v8;
	v7 =	vld [tilespmem:s13+$0x30]  }
0x622: {  	v4 =	vmul.f32 v4, v45;
	v8 =	vld [tilespmem:s14+$0x30]  }
0x623: {  	v6 =	vmul.f32 v6, v46  }
0x624: {  	[tilespmem:s0+$0x19720] =	vst v4  }
0x625: {  	v4 =	vld [tilespmem:s2+$0x30];
	[tilespmem:s0+$0x18F20] =	vst v6  }
0x626: {  	v7 =	vmul.f32 v7, v43;
	v6 =	vld [tilespmem:s15+$0x30]  }
0x627: {  	v8 =	vmul.f32 v8, v44  }
0x628: {  	[tilespmem:s29+$0x19730] =	vst v7  }
0x629: {  	[tilespmem:s29+$0x18F30] =	vst v8  }
0x62a: {  	v4 =	vmul.f32 v4, v45;
	v7 =	vld [tilespmem:s6+$0x11680];
	s16 =	rddreg [dreg:$0x3]  }
0x62b: {  	v8 =	vld [tilespmem:s16+$0x10E80];
	v6 =	vmul.f32 v6, v46  }
0x62c: {  	[tilespmem:s0+$0x19730] =	vst v4  }
0x62d: {  	v47 =	vbroadcast v0, $0xD;
	s17 =	spop (v2sf);
	[tilespmem:s0+$0x18F30] =	vst v6  }
0x62e: {  	v48 =	vbroadcast v1, $0xD;
	v4 =	vld [tilespmem:s17+$0x11680];
	s18 =	rddreg [dreg:$0x4]  }
0x62f: {  	v7 =	vmul.f32 v7, v47;
	v6 =	vld [tilespmem:s18+$0x10E80]  }
0x630: {  	v8 =	vmul.f32 v8, v48  }
0x631: {  	v49 =	vbroadcast v2, $0xD;
	s20 =	sadd.s32 $0x11680, s6;
	[tilespmem:s29+$0x19780] =	vst v7  }
0x632: {  	v50 =	vbroadcast v3, $0xD;
	[tilespmem:s29+$0x18F80] =	vst v8;
	v7 =	vld [tilespmem:s20+$0x10]  }
0x633: {  	v4 =	vmul.f32 v4, v49;
	v8 =	vld [tilespmem:s26+$0x10]  }
0x634: {  	v6 =	vmul.f32 v6, v50  }
0x635: {  	s2 =	sadd.s32 $0x11680, s17;
	[tilespmem:s0+$0x19780] =	vst v4  }
0x636: {  	v4 =	vld [tilespmem:s2+$0x10];
	[tilespmem:s0+$0x18F80] =	vst v6  }
0x637: {  	v7 =	vmul.f32 v7, v47;
	v6 =	vld [tilespmem:s24+$0x10]  }
0x638: {  	v8 =	vmul.f32 v8, v48  }
0x639: {  	[tilespmem:s29+$0x19790] =	vst v7  }
0x63a: {  	[tilespmem:s29+$0x18F90] =	vst v8;
	v7 =	vld [tilespmem:s20+$0x20]  }
0x63b: {  	v4 =	vmul.f32 v4, v49;
	v8 =	vld [tilespmem:s26+$0x20]  }
0x63c: {  	v6 =	vmul.f32 v6, v50  }
0x63d: {  	[tilespmem:s0+$0x19790] =	vst v4  }
0x63e: {  	(v2sf) =	vpush v5, $0xE;
	v4 =	vld [tilespmem:s2+$0x20];
	[tilespmem:s0+$0x18F90] =	vst v6  }
0x63f: {  	v7 =	vmul.f32 v7, v47;
	v6 =	vld [tilespmem:s24+$0x20]  }
0x640: {  	v8 =	vmul.f32 v8, v48  }
0x641: {  	[tilespmem:s29+$0x197A0] =	vst v7  }
0x642: {  	[tilespmem:s29+$0x18FA0] =	vst v8;
	v7 =	vld [tilespmem:s20+$0x30]  }
0x643: {  	v4 =	vmul.f32 v4, v49;
	v8 =	vld [tilespmem:s26+$0x30]  }
0x644: {  	v6 =	vmul.f32 v6, v50  }
0x645: {  	[tilespmem:s0+$0x197A0] =	vst v4  }
0x646: {  	v4 =	vld [tilespmem:s2+$0x30];
	[tilespmem:s0+$0x18FA0] =	vst v6  }
0x647: {  	v7 =	vmul.f32 v7, v47;
	v6 =	vld [tilespmem:s24+$0x30]  }
0x648: {  	v8 =	vmul.f32 v8, v48  }
0x649: {  	[tilespmem:s29+$0x197B0] =	vst v7  }
0x64a: {  	[tilespmem:s29+$0x18FB0] =	vst v8  }
0x64b: {  	v4 =	vmul.f32 v4, v49;
	v7 =	vld [tilespmem:s4+$0x11700];
	s21 =	rddreg [dreg:$0xe]  }
0x64c: {  	v8 =	vld [tilespmem:s21+$0x10F00];
	v6 =	vmul.f32 v6, v50  }
0x64d: {  	s23 =	spop (v2sf);
	[tilespmem:s0+$0x197B0] =	vst v4  }
0x64e: {  	v51 =	vbroadcast v0, $0xE;
	v4 =	vld [tilespmem:s23+$0x11700];
	[tilespmem:s0+$0x18FB0] =	vst v6  }
0x64f: {  	v52 =	vbroadcast v1, $0xE;
	v6 =	vld [tilespmem:s22+$0x10F00]  }
0x650: {  	v7 =	vmul.f32 v7, v51  }
0x651: {  	v53 =	vbroadcast v2, $0xE;
	v8 =	vmul.f32 v8, v52  }
0x652: {  	v54 =	vbroadcast v3, $0xE;
	s24 =	sadd.s32 $0x11700, s4;
	[tilespmem:s29+$0x19800] =	vst v7  }
0x653: {  	v4 =	vmul.f32 v4, v53;
	v7 =	vld [tilespmem:s24+$0x10];
	[tilespmem:s29+$0x19000] =	vst v8  }
0x654: {  	v8 =	vld [tilespmem:s10+$0x10];
	v6 =	vmul.f32 v6, v54  }
0x655: {  	s2 =	sadd.s32 $0x11700, s23;
	[tilespmem:s0+$0x19800] =	vst v4  }
0x656: {  	v4 =	vld [tilespmem:s2+$0x10];
	[tilespmem:s0+$0x19000] =	vst v6  }
0x657: {  	v6 =	vld [tilespmem:s19+$0x10]  }
0x658: {  	v7 =	vmul.f32 v7, v51  }
0x659: {  	v8 =	vmul.f32 v8, v52  }
0x65a: {  	[tilespmem:s29+$0x19810] =	vst v7  }
0x65b: {  	v4 =	vmul.f32 v4, v53;
	v7 =	vld [tilespmem:s24+$0x20];
	[tilespmem:s29+$0x19010] =	vst v8  }
0x65c: {  	v8 =	vld [tilespmem:s10+$0x20];
	v6 =	vmul.f32 v6, v54  }
0x65d: {  	[tilespmem:s0+$0x19810] =	vst v4  }
0x65e: {  	(v2sf) =	vpush v5, $0xF;
	v4 =	vld [tilespmem:s2+$0x20];
	[tilespmem:s0+$0x19010] =	vst v6  }
0x65f: {  	v55 =	vld [tilespmem:s19+$0x20]  }
0x660: {  	v56 =	vmul.f32 v7, v51  }
0x661: {  	v57 =	vmul.f32 v8, v52  }
0x662: {  	[tilespmem:s29+$0x19820] =	vst v56  }
0x663: {  	v4 =	vmul.f32 v4, v53;
	v6 =	vld [tilespmem:s24+$0x30];
	[tilespmem:s29+$0x19020] =	vst v57  }
0x664: {  	v7 =	vld [tilespmem:s10+$0x30];
	v5 =	vmul.f32 v55, v54  }
0x665: {  	[tilespmem:s0+$0x19820] =	vst v4  }
0x666: {  	v4 =	vld [tilespmem:s2+$0x30];
	[tilespmem:s0+$0x19020] =	vst v5  }
0x667: {  	v5 =	vld [tilespmem:s19+$0x30]  }
0x668: {  	v6 =	vmul.f32 v6, v51  }
0x669: {  	v7 =	vmul.f32 v7, v52  }
0x66a: {  	[tilespmem:s29+$0x19830] =	vst v6  }
0x66b: {  	v4 =	vmul.f32 v4, v53;
	v6 =	vld [tilespmem:s1+$0x11780];
	[tilespmem:s29+$0x19030] =	vst v7  }
0x66c: {  	v7 =	vld [tilespmem:s31+$0x10F80];
	v5 =	vmul.f32 v5, v54  }
0x66d: {  	s25 =	spop (v2sf);
	[tilespmem:s0+$0x19830] =	vst v4  }
0x66e: {  	v58 =	vbroadcast v0, $0xF;
	v4 =	vld [tilespmem:s25+$0x11780];
	[tilespmem:s0+$0x19030] =	vst v5  }
0x66f: {  	v59 =	vbroadcast v1, $0xF;
	v5 =	vld [tilespmem:s30+$0x10F80]  }
0x670: {  	v6 =	vmul.f32 v6, v58  }
0x671: {  	v60 =	vbroadcast v2, $0xF;
	v7 =	vmul.f32 v7, v59  }
0x672: {  	v61 =	vbroadcast v3, $0xF;
	[tilespmem:s29+$0x19880] =	vst v6  }
0x673: {  	s1 =	sadd.s32 $0x11780, s1;
	v4 =	vmul.f32 v4, v60;
	[tilespmem:s29+$0x19080] =	vst v7  }
0x674: {  	v6 =	vld [tilespmem:s1+$0x10];
	s26 =	rddreg [dreg:$0xd];
	v5 =	vmul.f32 v5, v61  }
0x675: {  	s2 =	sadd.s32 $0x11780, s25;
	[tilespmem:s0+$0x19880] =	vst v4;
	v7 =	vld [tilespmem:s26+$0x10]  }
0x676: {  	v4 =	vld [tilespmem:s2+$0x10];
	[tilespmem:s0+$0x19080] =	vst v5  }
0x677: {  	v5 =	vld [tilespmem:s8+$0x10];
	_ =	sdelay $0x1  }
0x678: {  	v6 =	vmul.f32 v6, v58  }
0x679: {  	v7 =	vmul.f32 v7, v59  }
0x67a: {  	[tilespmem:s29+$0x19890] =	vst v6;
	v4 =	vmul.f32 v4, v60  }
0x67b: {  	v6 =	vld [tilespmem:s1+$0x20];
	[tilespmem:s29+$0x19090] =	vst v7;
	v5 =	vmul.f32 v5, v61  }
0x67c: {  	[tilespmem:s0+$0x19890] =	vst v4;
	v7 =	vld [tilespmem:s26+$0x20]  }
0x67d: {  	v4 =	vld [tilespmem:s2+$0x20];
	[tilespmem:s0+$0x19090] =	vst v5  }
0x67e: {  	v5 =	vld [tilespmem:s8+$0x20];
	_ =	sdelay $0x1  }
0x67f: {  	v6 =	vmul.f32 v6, v58  }
0x680: {  	v7 =	vmul.f32 v7, v59  }
0x681: {  	[tilespmem:s29+$0x198A0] =	vst v6;
	v4 =	vmul.f32 v4, v60  }
0x682: {  	v6 =	vld [tilespmem:s1+$0x30];
	[tilespmem:s29+$0x190A0] =	vst v7;
	v5 =	vmul.f32 v5, v61  }
0x683: {  	[tilespmem:s0+$0x198A0] =	vst v4;
	v7 =	vld [tilespmem:s26+$0x30]  }
0x684: {  	v4 =	vld [tilespmem:s2+$0x30];
	[tilespmem:s0+$0x190A0] =	vst v5  }
0x685: {  	v5 =	vld [tilespmem:s8+$0x30];
	_ =	sdelay $0x1  }
0x686: {  	v0 =	vmul.f32 v6, v58  }
0x687: {  	v1 =	vmul.f32 v7, v59  }
0x688: {  	[tilespmem:s29+$0x198B0] =	vst v0;
	v62 =	vmul.f32 v4, v60  }
0x689: {  	s28 =	sld [smem:$0x7F1];
	[tilespmem:s29+$0x190B0] =	vst v1;
	v63 =	vmul.f32 v5, v61  }
0x68a: {  	s29 =	sld [smem:$0x7FC];
	[tilespmem:s0+$0x198B0] =	vst v62  }
0x68b: {  	[tilespmem:s0+$0x190B0] =	vst v63  }
.Ltmp4:
0x68c: {  	s1 =	sshll.u32 s28, $0xE;
	s0 =	sld [smem:$0x7F9];
	(pc) =	sbr.rel @p1 .LBB2_8-.Ltmp4, $4  }
0x68d: {  	s1 =	sadd.s32 s29, s1  }
0x68e: {  	s1 =	sshrl.u32 s1, $0x3  }
0x68f: {  	s31 =	simm.s32 $0x18900;
	s30 =	simm.s32 $0x0;
	s0 =	sadd.s32 s0, s1  }
0x690: {  	[hbm4b:s0+s30] =	stream.linear.scatter [tilespmem:s31], [sflag:$0x4], $0x4000, $0x38;
	[tilespmem:$0x1C900] =	vst v63  }
0x691: {  	s4 =	sld [smem:$0x7F4]  }
0x692: {  	s1 =	sld [smem:$0x7F8]  }
.Ltmp5:
0x693: {  	s2 =	simm.s32 $0x80;
	s31 =	sld [smem:$0x7F5];
	(pc) =	sbr.rel .LBB2_2-.Ltmp5, $4  }
0x694: {  	s3 =	simm.s32 $0x10800;
	s29 =	rddreg [dreg:$0x1];
	s0 =	sadd.s32 $0x180, s4  }
0x695: {  	[tilespmem:s3], [sflag:$0x2] =	stream.indirect.gather [hbm4b:s1+s2], $0x80, s0, s2, $0xb8;
	[tilespmem:$0x1C900] =	vst v63  }
0x696: {  	s30 =	simm.s32 $0x14880;
	s28 =	sadd.s32 $0x6580, s4;
	s31 =	sadd.s32 $0x1, s31  }
0x697: {  	[tilespmem:s30], [sflag:$0x2] =	stream.indirect.gather [hbm4b:s29+s2], $0x1, s28, s2, $0xb8;
	[tilespmem:$0x1C900] =	vst v63  }
.LBB2_9:
0x698: {  	_ =	sfence.sel $0x180000  }
0x699: {  	[bflag:$0x0] =	sbarrier.arrive $0xFFFF  }
0x69a: {  	_ =	strace $0x90000047  }
0x69b: {  	s0 =	stileid.u32;
	[bflag:$0x2] =	sbarrier.arrive $0xFFFF  }
0x69c: {  	p0 =	sne.s32 s0, $0x0;
	s0 =	rddreg [dreg:$0x2]  }
0x69d: {  	s0 =	sadd.s32 @!p0 $0x100000, s0  }
0x69e: {  	[sflag:s0] =	ssyncadd.tile.s32 @!p0 $0x1;
	_ =	shalt  }
.Lfunc_end2:
_tile_overlayer_lowered:
.L_overlay_start_2:
0x69f: {  	(tag) =	ssettag $0x2  }
0x6a0: {  	s0 =	rddreg [dreg:$0x0];
	s2 =	stileid.u32  }
0x6a1: {  	s1 =	rddreg [dreg:$0x1];
	p0 =	sne.s32 s2, $0x0  }
0x6a2: {  	s3 =	rddreg [dreg:$0x2];
	[bflag:$0x3] =	sbarrier.arrive $0xFFFF;
	s2 =	simm.s32 @!p0 $0x1C05  }
0x6a3: {  	[timem:s3], [sflag:s2] =	dma.local @!p0 [hbm:s0], s1  }
0x6a4: {  	s0 =	simm.s32 @!p0 $0x5  }
0x6a5: {  	_ =	swait.ge @!p0 [sflag:s0], s1  }
0x6a6: {  	s1 =	ssub.s32 @!p0 $0x0, s1;
	[sflag:s0] =	ssyncset.done @!p0 $0x0  }
0x6a7: {  	[sflag:s0] =	ssyncadd.s32 @!p0 s1  }
0x6a8: {  	[bflag:$0x3] =	sbarrier.arrive $0xFFFF  }
0x6a9: {  	_ =	shalt  }

// kernel: sparse-core-data-format-call.cloned.1.call-start
scs
called_computation_lowered:
.L_overlay_start_0:
0x0: {  	s2 =	sld [smem:$0x3FD9]  }
0x1: {  	s3 =	sld [smem:$0x3FFE];
	_ =	sdelay $0x1  }
0x2: {  	s1 =	srdreg.scid  }
0x3: {  	s0 =	sand.u32 $0x1, s1  }
0x4: {  	s18 =	sshll.u32 s0, $0xA;
	s2 =	sadd.s32 s3, s2  }
0x5: {  	s2 =	sadd.s32 s2, s18  }
0x6: {  	[smem:$0x3FC6] =	sst s2  }
0x7: {  	_ = 	snop  }
0x8: {  	s2 =	sld [smem:$0x3FD0];
	(tm) =	ssettm $0x1  }
0x9: {  	s19 =	sld [smem:$0x3FFB];
	_ =	sdelay $0x3  }
0xa: {  	_ =	strace s19  }
0xb: {  	s3 =	sld [smem:$0x3FFC];
	_ =	sdelay $0x3  }
0xc: {  	_ =	strace s3  }
0xd: {  	s3 =	sld [smem:$0x3FFD];
	_ =	sdelay $0x3  }
0xe: {  	_ =	strace s3  }
0xf: {  	_ =	strace $0x8FFFFFFF  }
0x10: {  	s20 =	sld [smem:$0x3FDB];
	_ =	sdelay $0x1  }
0x11: {  	s4 =	simm.s32 $_scs_section_size  }
0x12: {  	s5 =	simm.s32 $_size__tile_overlayer_lowered;
	s6 =	simm.s32 $_tile_overlayer_lowered  }
0x13: {  	s23 =	simm.s32 $0x1BFF;
	s22 =	sshll.u32 s6, $0x1;
	s3 =	sadd.s32 s4, s20  }
0x14: {  	s7 =	simm.s32 $0x0;
	s21 =	sshll.u32 s5, $0x1;
	s5 =	sadd.s32 s22, s3  }
0x15: {  	[timem:s7], [sflag:s23] =	dma.local [hbm:s5], s21  }
0x16: {  	_ =	swait.ge [sflag:s23], s21  }
0x17: {  	s4 =	ssub.s32 $0x0, s21;
	[sflag:s23] =	ssyncset.done $0x0  }
0x18: {  	[sflag:s23] =	ssyncadd.s32 s4;
	_ =	sdelay $0x1  }
0x19: {  	s24 =	simm.s32 $0x1B8B  }
0x1a: {  	_ =	swait.ge [sflag:s24], $0x1  }
0x1b: {  	[sflag:s24] =	ssyncset.done $0x0  }
0x1c: {  	s26 =	simm.s32 $0x1B8E;
	s25 =	sld [smem:$0x3FFE];
	[sflag:s24] =	ssyncadd.s32 $0xFFFFFFFF  }
0x1d: {  	s27 =	simm.s32 $execute0_lowered;
	[smem:$0x3FD2] =	sst s26  }
0x1e: {  	s5 =	sshll.u32 s27, $0x1;
	_ =	strace $0x80000049;
	[dreg:$0x1] =	wrdreg $0xFFFFFFFF  }
0x1f: {  	s28 =	simm.s32 $_size_execute0_lowered;
	s3 =	sadd.s32 s3, s5;
	[dreg:$0x0] =	wrdreg $0x0  }
0x20: {  	s5 =	sshll.u32 s28, $0x1;
	[dreg:$0x2] =	wrdreg s3  }
0x21: {  	[dreg:$0x3] =	wrdreg s5  }
0x22: {  	[dreg:$0x4] =	wrdreg $0xC0  }
0x23: {  	_ =	task [dreg:s7], $0x5FFFF  }
0x24: {  	[dreg:$0x1] =	wrdreg $0xFFFFFFFF  }
0x25: {  	[dreg:$0x0] =	wrdreg $0x60  }
0x26: {  	[dreg:$0x2] =	wrdreg s25  }
0x27: {  	[dreg:$0x3] =	wrdreg s2  }
0x28: {  	[dreg:$0x4] =	wrdreg $0x9  }
0x29: {  	_ =	task.clear_ibuf [dreg:s7], $0x5FFFF;
	_ =	strace $0x90000049  }
0x2a: {  	s29 =	simm.s32 $0x9;
	_ =	strace $0x8000004B  }
0x2b: {  	_ =	swait.ge [sflag:s29], $0x1  }
0x2c: {  	[sflag:s29] =	ssyncadd.s32 $0xFFFFFFFF  }
0x2d: {  	_ =	strace $0x9000004B  }
0x2e: {  	_ =	sfence  }
0x2f: {  	s30 =	sld [smem:$0x0];
	_ =	sdelay $0x2  }
0x30: {  	s31 =	sshll.u32 s1, $0xD;
	s1 =	sshrl.u32 s1, $0x2  }
0x31: {  	s3 =	sand.u32 $0x4000, s31;
	s1 =	sadd.s32 s1, s30  }
0x32: {  	s0 =	sor.u32 s3, s0;
	s1 =	sshll.u32 s1, $0x11  }
0x33: {  	s0 =	sor.u32 s1, s0  }
0x34: {  	s0 =	sadd.s32 $0x8F2B, s0  }
0x35: {  	[sflag:s0] =	ssyncadd.remote.s32 $0x1  }
0x36: {  	_ =	sfence.sel $0xFFFF  }
0x37: {  	[dreg:$0x0] =	wrdreg $0xFFFFFFFF;
	(pc) =	sbr.abs _section_cstart, $3  }
0x38: {  	[dreg:$0x1] =	wrdreg $0xFFFFFFFF  }
0x39: {  	_ =	task.clear_ibuf [dreg:s7], $0x2FFFF;
	_ =	strace $0x9FFFFFFF  }
0x3a: {  	(tm) =	ssettm $0x7FFFFFFF  }
0x3b: {  	_ =	shalt  }
tec
execute0_lowered:
.L_overlay_start_1:
0x0: {  	(tag) =	ssettag $0x1  }
0x1: {  	s0 =	srdreg.scid  }
0x2: {  	s1 =	sshll.u32 s0, $0x4  }
0x3: {  	s0 =	stileid.u32;
	s1 =	sand.u32 $0x10, s1  }
0x4: {  	s1 =	sor.u32 s0, s1  }
0x5: {  	s6 =	rddreg [dreg:$0x0];
	s4 =	simm.s32 $0x1;
	s2 =	sshll.u32 s1, $0x7  }
0x6: {  	s7 =	simm.s32 $0x2;
	s12 =	simm.s32 $0x0;
	s1 =	ssub.s32 $0x1000, s2  }
0x7: {  	s8 =	simm.s32 $0x8000;
	s13 =	simm.s32 $0x0;
	s3 =	sand.u32 $0xF80, s1  }
0x8: {  	s9 =	simm.s32 $0x0;
	s5 =	sshrl.u32 s1, $0xC;
	p0 =	sne.s32 s3, $0x0  }
.Ltmp0:
0x9: {  	s1 =	rddreg [dreg:$0x2];
	s4 =	simm.s32 @!p0 $0x0;
	(pc) =	sbr.rel .LBB1_1-.Ltmp0, $4  }
0xa: {  	s11 =	simm.s32 $0x0;
	s3 =	rddreg [dreg:$0x1];
	s5 =	sadd.s32 s4, s5  }
0xb: {  	_ =	strace $0x8000004A;
	s4 =	simm.s32 $0x1;
	s5 =	smul.u32 $0xC8, s5  }
0xc: {  	s6 =	sadd.s32 $0x32C00, s6;
	s10 =	smov.u32 s2;
	[sflag:s4] =	ssyncpa.u1 $0x0  }
0xd: {  	p0 =	por $0x0, $0x0;
	[sflag:s7] =	ssyncpa.u1 $0x0;
	s7 =	sor.u32 $0x1, s5  }
.LBB1_4:
0xe: {  	s16 =	sshll.u32 s13, $0x3;
	s17 =	sand.u32 $0x78, s13  }
0xf: {  	s30 =	sand.u32 $0x7E00, s13;
	s12 =	sshll.u32 s12, $0xF;
	s16 =	sand.u32 $0xC00, s16  }
0x10: {  	[tilespmem:s15+$0x810 ss:$0x81] =	vst.msk $0xffff, v2;
	s31 =	sand.u32 $0x7, s13;
	s16 =	sor.u32 s17, s16;
	s17 =	sadd.s32 s3, s30  }
0x11: {  	[tilespmem:s15+$0x1020 ss:$0x81] =	vst.msk $0xffff, v0;
	s13 =	sshll.u32 s31, $0x12;
	s12 =	sadd.s32 s12, s17;
	s16 =	sshrl.u32 s16, $0x3  }
0x12: {  	[tilespmem:s15+$0x0 ss:$0x81] =	vst.msk $0xffff, v1;
	s13 =	sor.u32 $0x400, s13;
	s12 =	sadd.s32 s16, s12  }
0x13: {  	[hbm4b:s12+s13] =	stream.strided.scatter [tilespmem:s14], [sflag:$0x2], $0x2000, s8, s13, $0x20;
	[tilespmem:$0x8080] =	vst v63  }
.LBB1_5:
0x14: {  	s14 =	sadd.s32 $0x1, s9  }
0x15: {  	s12 =	sadd.s32 $0x1000, s10;
	s16 =	smov.u32 s10;
	p2 =	sgt.s32 s14, $0xC7  }
0x16: {  	s16 =	smov.u32 @p2 s12  }
0x17: {  	s14 =	simm.s32 @p2 $0x0;
	p2 =	sgt.s32 s16, $0xFFF  }
0x18: {  	s16 =	smov.u32 @p2 s2;
	p2 =	sne.s32 s11, s7  }
.Ltmp1:
0x19: {  	p1 =	slt.u32 s11, $0x2;
	(pc) =	sbr.rel @!p2 .LBB1_6-.Ltmp1, $4  }
0x1a: {  	s15 =	simm.s32 @!p1 $0x2  }
0x1b: {  	s13 =	smov.u32 s10;
	p0 =	por !p0, !p0;
	_ =	swait.ge @!p1 [sflag:s15], $0x2000  }
0x1c: {  	s12 =	smov.u32 s9;
	[sflag:s15] =	ssyncset.done @!p1 $0x0;
	s9 =	smov.u32 s14  }
0x1d: {  	s11 =	sadd.s32 $0x1, s11;
	[sflag:s15] =	ssyncadd.s32 @!p1 $0xFFFFE000;
	s10 =	smov.u32 s16  }
.LBB1_1:
0x1e: {  	p1 =	sge.u32 s11, s5  }
0x1f: {  	s14 =	sand.u32 @!p1 $0x1FFFFFF, s9  }
0x20: {  	s15 =	smulhi.u32 @!p1 $0x147AE15, s14;
	_ =	sdelay $0x1  }
0x21: {  	s15 =	smul.u32 @!p1 $0xC8, s15  }
0x22: {  	s16 =	sxor.u32 @!p1 $0xFFFFFFFF, s11;
	s17 =	smul.u32 @!p1 $0xC80, s10  }
0x23: {  	s31 =	sadd.s32 $0xFFFFFFFF, s11;
	s16 =	sshll.u32 @!p1 s16, $0xD;
	s14 =	ssub.s32 @!p1 s14, s15  }
0x24: {  	s15 =	sand.u32 @!p1 $0x2000, s16;
	s16 =	sadd.s32 @!p1 s6, s17;
	s14 =	sshll.u32 @!p1 s14, $0x4  }
0x25: {  	s17 =	simm.s32 @!p1 $0x6400;
	s14 =	sadd.s32 @!p1 s14, s16;
	s16 =	simm.s32 @!p1 $0x40  }
0x26: {  	[tilespmem:s15], [sflag:$0x1] =	stream.strided.gather @!p1 [hbm4b:s14+s16], $0x2000, s17, s16, $0x38;
	[tilespmem:$0x8080] =	vst v63  }
0x27: {  	p1 =	sge.u32 s31, s5  }
.Ltmp2:
0x28: {  	_ = 	snop;
	(pc) =	sbr.rel @p1 .LBB1_5-.Ltmp2, $1  }
0x29: {  	_ =	sdelay $0x3  }
0x2a: {  	s14 =	simm.s32 $0x1  }
0x2b: {  	_ =	swait.ge [sflag:s4], $0x2000;
	s14 =	simm.s32 @!p0 $0x0  }
0x2c: {  	[sflag:s4] =	ssyncset.done $0x0;
	s15 =	sshll.u32 s14, $0xD  }
0x2d: {  	[sflag:s4] =	ssyncadd.s32 $0xFFFFE000;
	s18 =	sor.u32 $0x20, s15  }
0x2e: {  	s14 =	smul.u32 $0x8100, s14;
	v3 =	vld [tilespmem:s18+$0x10]  }
0x2f: {  	s30 =	sand.u32 $0x1, s11;
	v2 =	vld [tilespmem:s18+$0xFFFFFFF0]  }
0x30: {  	s15 =	smul.u32 $0x8100, s30;
	s14 =	sshrl.u32 s14, $0x2;
	v0 =	vld [tilespmem:s18+$0x0]  }
0x31: {  	v1 =	vld [tilespmem:s18+$0xFFFFFFE0];
	s16 =	sor.u32 $0x4000, s14  }
0x32: {  	s31 =	sshrl.u32 s15, $0x2;
	s15 =	sadd.s32 $0x0, s16  }
0x33: {  	s17 =	simm.s32 $0x4;
	s18 =	sadd.s32 $0x40, s18;
	s14 =	sor.u32 $0x4000, s31;
	[tilespmem:s15+$0x1830 ss:$0x81] =	vst.msk $0xffff, v3  }
.LBB1_3:
0x34: {  	v3 =	vld [tilespmem:s18+$0x10];
	p1 =	sne.s32 s17, $0x1FC;
	[tilespmem:s15+$0x810 ss:$0x81] =	vst.msk $0xffff, v2;
	s19 =	smov.u32 s17;
	s17 =	sadd.s32 $0x4, s17  }
.Ltmp3:
0x35: {  	v2 =	vld [tilespmem:s18+$0xFFFFFFF0];
	[tilespmem:s15+$0x1020 ss:$0x81] =	vst.msk $0xffff, v0;
	(pc) =	sbr.rel @p1 .LBB1_3-.Ltmp3, $4  }
0x36: {  	v0 =	vld [tilespmem:s18+$0x0];
	[tilespmem:s15+$0x0 ss:$0x81] =	vst.msk $0xffff, v1  }
0x37: {  	s15 =	sshra.s32 s19, $0x2;
	v1 =	vld [tilespmem:s18+$0xFFFFFFE0]  }
0x38: {  	s15 =	sadd.s32 s15, s16  }
0x39: {  	s18 =	sadd.s32 $0x40, s18;
	[tilespmem:s15+$0x1830 ss:$0x81] =	vst.msk $0xffff, v3  }
.Ltmp4:
0x3a: {  	_ = 	snop;
	(pc) =	sbr.rel .LBB1_4-.Ltmp4, $1  }
0x3b: {  	_ =	sdelay $0x3  }
.LBB1_6:
0x3c: {  	_ =	sfence.sel $0x180000  }
0x3d: {  	s2 =	simm.s32 $0x1;
	[bflag:$0x0] =	sbarrier.arrive $0xFFFF  }
0x3e: {  	s31 =	simm.s32 $0x2;
	[sflag:s2] =	ssyncpa.u1 $0x1  }
0x3f: {  	[sflag:s31] =	ssyncpa.u1 $0x1  }
0x40: {  	p0 =	sne.s32 s0, $0x0;
	_ =	strace $0x9000004A  }
0x41: {  	s0 =	sadd.s32 @!p0 $0x100000, s1;
	[bflag:$0x2] =	sbarrier.arrive $0xFFFF  }
0x42: {  	[sflag:s0] =	ssyncadd.tile.s32 @!p0 $0x1;
	_ =	shalt  }
.Lfunc_end1:
_tile_overlayer_lowered:
.L_overlay_start_2:
0x43: {  	(tag) =	ssettag $0x2  }
0x44: {  	s0 =	rddreg [dreg:$0x0];
	s2 =	stileid.u32  }
0x45: {  	s1 =	rddreg [dreg:$0x1];
	p0 =	sne.s32 s2, $0x0  }
0x46: {  	s3 =	rddreg [dreg:$0x2];
	[bflag:$0x3] =	sbarrier.arrive $0xFFFF;
	s2 =	simm.s32 @!p0 $0x1C01  }
0x47: {  	[timem:s3], [sflag:s2] =	dma.local @!p0 [hbm:s0], s1  }
0x48: {  	s0 =	simm.s32 @!p0 $0x1  }
0x49: {  	_ =	swait.ge @!p0 [sflag:s0], s1  }
0x4a: {  	s1 =	ssub.s32 @!p0 $0x0, s1;
	[sflag:s0] =	ssyncset.done @!p0 $0x0  }
0x4b: {  	[sflag:s0] =	ssyncadd.s32 @!p0 s1  }
0x4c: {  	[bflag:$0x3] =	sbarrier.arrive $0xFFFF  }
0x4d: {  	_ =	shalt  }

</sc_bundles>
